<compile_context>
chip_gen: v7x
topology: tpu7x:2x2x1
jax: 0.10.2.dev20260603
libtpu: 0.0.44.dev20260713+nightly
codegen_flags: <defaults>
</compile_context>

<pallas_src>
import functools

import jax
import jax.numpy as jnp
from jax import lax
from jax.experimental import pallas as pl
from jax.experimental.pallas import tpu as pltpu
from jax.experimental.pallas import tpu_sc as plsc

_B = 64
_D = 32
_T = 1024
_K = 1024
_N = _B * _T
_COMMIT = 10.0
_BB = 8

_NC = 2
_NS = 16
_L = 16
_NW = _NC * _NS
_BPW = _B // _NW
_HCHUNK = _N // _NS
_DP = _D + 1


def _tc_body(x_ref, e_ref, idx_ref, loss_ref, loss_acc):
    b = pl.program_id(0)

    E = e_ref[...]
    e2 = jnp.sum(E * E, axis=1, keepdims=True)

    part = 0.0
    for i in range(_BB):
        X = x_ref[i]
        S = jax.lax.dot_general(E, X, (((1,), (0,)), ((), ())),
                                preferred_element_type=jnp.float32)
        S = S - 0.5 * e2

        m = jnp.max(S, axis=0)
        idx = jnp.argmax(S, axis=0)
        idx_ref[i, 0] = idx

        part = part + (jnp.sum(X * X) - 2.0 * jnp.sum(m))

    @pl.when(b == 0)
    def _init():
        loss_acc[0, 0] = 0.0

    loss_acc[0, 0] += part

    @pl.when(b == pl.num_programs(0) - 1)
    def _fini():
        loss_ref[0, 0] = loss_acc[0, 0] * ((1.0 + _COMMIT) / float(_N * _D))


def _sc_body(e_hbm, idx_hbm, out_hbm, usage_hbm,
             e_v, idx_v, hidx_v, ones_v, zeros_v, stage_v, hcnt_v, u_v,
             hist_sh):
    c = lax.axis_index("c")
    s = lax.axis_index("s")
    wid = c * _NS + s

    pltpu.sync_copy(e_hbm, e_v)
    pltpu.sync_copy(idx_hbm.at[pl.ds(wid * (_BPW * _T), _BPW * _T)], idx_v)
    pltpu.sync_copy(idx_hbm.at[pl.ds(s * _HCHUNK, _HCHUNK)], hidx_v)

    @pl.when(s == 0)
    def _zero_hist():
        @plsc.parallel_loop(0, _K // _L, unroll=4)
        def zb(j):
            zeros_v[pl.ds(pl.multiple_of(j * _L, _L), _L)] = (
                jnp.zeros((_L,), jnp.float32))
        pltpu.sync_copy(zeros_v, hist_sh)

    @plsc.parallel_loop(0, _HCHUNK // _L, unroll=4)
    def ob(j):
        ones_v[pl.ds(pl.multiple_of(j * _L, _L), _L)] = (
            jnp.ones((_L,), jnp.float32))

    plsc.subcore_barrier()

    pltpu.sync_copy(ones_v, hist_sh.at[hidx_v], add=True)

    for bi in range(_BPW):
        @plsc.parallel_loop(0, _T // _L, unroll=4)
        def gb(g):
            t0 = pl.multiple_of(bi * _T + g * _L, _L)
            base = idx_v[pl.ds(t0, _L)] * _DP
            for d in range(_D):
                vals = plsc.load_gather(e_v, [base + d])
                stage_v[d, pl.ds(pl.multiple_of(g * _L, _L), _L)] = vals
        pltpu.sync_copy(stage_v, out_hbm.at[wid * _BPW + bi])

    plsc.subcore_barrier()

    @pl.when(jnp.logical_and(s == 0, c == 0))
    def _usage():
        pltpu.sync_copy(hist_sh, hcnt_v)

        def ub(j, acc):
            v = hcnt_v[pl.ds(pl.multiple_of(j * _L, _L), _L)]
            return acc + jnp.where(v > 0.0, 1.0, 0.0)
        acc = lax.fori_loop(0, _K // _L, ub, jnp.zeros((_L,), jnp.float32))
        total = jnp.sum(acc).astype(jnp.int32)
        u_v[...] = jax.lax.broadcast_in_dim(total, (_L,), ())
        pltpu.sync_copy(u_v, usage_hbm)


_sc_call = functools.partial(
    pl.kernel,
    out_type=[
        jax.ShapeDtypeStruct((_B, _D, _T), jnp.float32),
        jax.ShapeDtypeStruct((_L,), jnp.int32),
    ],
    mesh=plsc.VectorSubcoreMesh(core_axis_name="c", subcore_axis_name="s",
                                num_cores=_NC, num_subcores=_NS),
    compiler_params=pltpu.CompilerParams(needs_layout_passes=False),
    scratch_types=[
        pltpu.VMEM((_K * _DP,), jnp.float32),
        pltpu.VMEM((_BPW * _T,), jnp.int32),
        pltpu.VMEM((_HCHUNK,), jnp.int32),
        pltpu.VMEM((_HCHUNK,), jnp.float32),
        pltpu.VMEM((_K,), jnp.float32),
        pltpu.VMEM((_D, _T), jnp.float32),
        pltpu.VMEM((_K,), jnp.float32),
        pltpu.VMEM((_L,), jnp.int32),
        pltpu.VMEM_SHARED((_K,), jnp.float32),
    ],
)(_sc_body)


def kernel(inputs, embedding_weight):
    idx3, loss = pl.pallas_call(
        _tc_body,
        grid=(_B // _BB,),
        in_specs=[
            pl.BlockSpec((_BB, _D, _T), lambda b: (b, 0, 0)),
            pl.BlockSpec((_K, _D), lambda b: (0, 0)),
        ],
        out_specs=[
            pl.BlockSpec((_BB, 1, _T), lambda b: (b, 0, 0)),
            pl.BlockSpec(memory_space=pltpu.SMEM),
        ],
        out_shape=[
            jax.ShapeDtypeStruct((_B, 1, _T), jnp.int32),
            jax.ShapeDtypeStruct((1, 1), jnp.float32),
        ],
        scratch_shapes=[
            pltpu.SMEM((1, 1), jnp.float32),
        ],
    )(inputs, embedding_weight)

    e_pad = jnp.concatenate(
        [embedding_weight, jnp.zeros((_K, 1), jnp.float32)], axis=1)
    out, usage = _sc_call(e_pad.reshape(_K * _DP), idx3.reshape(_N))
    return (out, loss[0, 0], usage[0], idx3.reshape(_N, 1))

# --- scband reference (transcript-rebuilt; emitter-appended) ---
"""Pipeline reference for scband-vector-quantizer-81501299409479 (READ-ONLY COPY).

The authoritative reference and input builder live on the scoring server;
editing this copy changes nothing except your own understanding.
"""

import jax, jax.numpy as jnp
import numpy as np

NUM_EMBEDDINGS = 1024
EMBEDDING_DIM = 32
COMMITMENT_COST = 10.0


def setup_inputs(seed: int = 0) -> dict:
    key = jax.random.key(seed)
    k1, k2 = jax.random.split(key)
    inputs = jax.random.normal(k1, (64, 32, 1024), dtype=jnp.float32)
    embedding_weight = jax.random.normal(k2, (NUM_EMBEDDINGS, EMBEDDING_DIM), dtype=jnp.float32)
    return {"inputs": inputs, "embedding_weight": embedding_weight}


def reference(inputs, embedding_weight):
    # inputs: [B, D, T] -> permute to [B, T, D]
    inp = jnp.transpose(inputs, (0, 2, 1))
    input_shape = inp.shape
    flat_input = inp.reshape(-1, EMBEDDING_DIM)

    # squared L2 distances to every codebook entry
    distances = (
        jnp.sum(flat_input ** 2, axis=1, keepdims=True)
        + jnp.sum(embedding_weight ** 2, axis=1)
        - 2.0 * jnp.matmul(flat_input, embedding_weight.T)
    )
    embedding_indices = jnp.argmin(distances, axis=1)[:, None]  # [N, 1]

    # one-hot encodings (equivalent to scatter_ of ones)
    encodings = jax.nn.one_hot(embedding_indices[:, 0], NUM_EMBEDDINGS, dtype=inp.dtype)
    quantized = jnp.matmul(encodings, embedding_weight).reshape(input_shape)

    e_latent_loss = jnp.mean((jax.lax.stop_gradient(quantized) - inp) ** 2)
    q_latent_loss = jnp.mean((quantized - jax.lax.stop_gradient(inp)) ** 2)
    loss = q_latent_loss + COMMITMENT_COST * e_latent_loss

    # straight-through estimator
    quantized_st = inp + jax.lax.stop_gradient(quantized - inp)

    # embedding usage = number of unique codes used
    counts = jnp.bincount(embedding_indices[:, 0], length=NUM_EMBEDDINGS)
    embedding_usage = jnp.sum(counts > 0)

    out = jnp.transpose(quantized_st, (0, 2, 1))
    return (out, loss, embedding_usage, embedding_indices)

if __name__ == "__main__":
    import jax
    _d = setup_inputs()
    print(jax.jit(kernel)(*tuple(_d.values())))

</pallas_src>

<mosaic_0001>
#map = affine_map<(d0, d1) -> (0)>
#map1 = affine_map<(d0, d1) -> (0, 0, 0)>
module attributes {stable_mosaic.version = 14 : i64} {
  func.func @_sc_body(%arg0: i32, %arg1: i32, %arg2: memref<33792xf32, #tpu.memory_space<hbm>>, %arg3: memref<65536xi32, #tpu.memory_space<hbm>>, %arg4: memref<64x32x1024xf32, #tpu.memory_space<hbm>>, %arg5: memref<16xi32, #tpu.memory_space<hbm>>, %arg6: memref<33792xf32, #tpu.memory_space<vmem>>, %arg7: memref<2048xi32, #tpu.memory_space<vmem>>, %arg8: memref<4096xi32, #tpu.memory_space<vmem>>, %arg9: memref<4096xf32, #tpu.memory_space<vmem>>, %arg10: memref<1024xf32, #tpu.memory_space<vmem>>, %arg11: memref<32x1024xf32, #tpu.memory_space<vmem>>, %arg12: memref<1024xf32, #tpu.memory_space<vmem>>, %arg13: memref<16xi32, #tpu.memory_space<vmem>>, %arg14: memref<1024xf32, #tpu.memory_space<vmem_shared>>) attributes {dimension_semantics = [#tpu.dimension_semantics<core_parallel>, #tpu.dimension_semantics<subcore_parallel>], iteration_bounds = array<i64: 2, 16>, scalar_prefetch = 0 : i64, scratch_operands = 9 : i64, tpu.core_type = #tpu.core_type<sc_vector_subcore>, window_params = [{transform_indices = #map}, {transform_indices = #map}, {transform_indices = #map1}, {transform_indices = #map}]} {
    %mul3A = arith.constant 16 : i32
    %mul3A_0 = arith.muli %arg0, %mul3A : i32
    %add3A = arith.addi %mul3A_0, %arg1 : i32
    "tpu.region"() ({
      %run_scoped3A = tpu.sem_alloc : memref<!tpu.dma_semaphore, #tpu.memory_space<semaphore_mem>>
      tpu.enqueue_dma source(%arg2 : memref<33792xf32, #tpu.memory_space<hbm>>) target(%arg6 : memref<33792xf32, #tpu.memory_space<vmem>>) target_semaphore(%run_scoped3A : memref<!tpu.dma_semaphore, #tpu.memory_space<semaphore_mem>>)
      tpu.wait_dma2 semaphore(%run_scoped3A : memref<!tpu.dma_semaphore, #tpu.memory_space<semaphore_mem>>) src(%arg2 : memref<33792xf32, #tpu.memory_space<hbm>>) dst(%arg6 : memref<33792xf32, #tpu.memory_space<vmem>>)
      tpu.yield
    }) : () -> ()
    %mul3A_1 = arith.constant 2048 : i32
    %mul3A_2 = arith.muli %add3A, %mul3A_1 : i32
    "tpu.region"() ({
      %run_scoped3A = tpu.sem_alloc : memref<!tpu.dma_semaphore, #tpu.memory_space<semaphore_mem>>
      %dma_start3A = tpu.memref_slice %arg3[%mul3A_2] : memref<65536xi32, #tpu.memory_space<hbm>> -> memref<2048xi32, #tpu.memory_space<hbm>>
      %dma_start3A_31 = tpu.memref_slice %arg3[%mul3A_2] : memref<65536xi32, #tpu.memory_space<hbm>> -> memref<2048xi32, #tpu.memory_space<hbm>>
      tpu.enqueue_dma source(%dma_start3A_31 : memref<2048xi32, #tpu.memory_space<hbm>>) target(%arg7 : memref<2048xi32, #tpu.memory_space<vmem>>) target_semaphore(%run_scoped3A : memref<!tpu.dma_semaphore, #tpu.memory_space<semaphore_mem>>)
      %dma_wait3A = tpu.memref_slice %arg3[%mul3A_2] : memref<65536xi32, #tpu.memory_space<hbm>> -> memref<2048xi32, #tpu.memory_space<hbm>>
      %dma_wait3A_32 = tpu.memref_slice %arg3[%mul3A_2] : memref<65536xi32, #tpu.memory_space<hbm>> -> memref<2048xi32, #tpu.memory_space<hbm>>
      tpu.wait_dma2 semaphore(%run_scoped3A : memref<!tpu.dma_semaphore, #tpu.memory_space<semaphore_mem>>) src(%dma_wait3A_32 : memref<2048xi32, #tpu.memory_space<hbm>>) dst(%arg7 : memref<2048xi32, #tpu.memory_space<vmem>>)
      tpu.yield
    }) : () -> ()
    %mul3A_3 = arith.constant 4096 : i32
    %mul3A_4 = arith.muli %arg1, %mul3A_3 : i32
    "tpu.region"() ({
      %run_scoped3A = tpu.sem_alloc : memref<!tpu.dma_semaphore, #tpu.memory_space<semaphore_mem>>
      %dma_start3A = tpu.memref_slice %arg3[%mul3A_4] : memref<65536xi32, #tpu.memory_space<hbm>> -> memref<4096xi32, #tpu.memory_space<hbm>>
      %dma_start3A_31 = tpu.memref_slice %arg3[%mul3A_4] : memref<65536xi32, #tpu.memory_space<hbm>> -> memref<4096xi32, #tpu.memory_space<hbm>>
      tpu.enqueue_dma source(%dma_start3A_31 : memref<4096xi32, #tpu.memory_space<hbm>>) target(%arg8 : memref<4096xi32, #tpu.memory_space<vmem>>) target_semaphore(%run_scoped3A : memref<!tpu.dma_semaphore, #tpu.memory_space<semaphore_mem>>)
      %dma_wait3A = tpu.memref_slice %arg3[%mul3A_4] : memref<65536xi32, #tpu.memory_space<hbm>> -> memref<4096xi32, #tpu.memory_space<hbm>>
      %dma_wait3A_32 = tpu.memref_slice %arg3[%mul3A_4] : memref<65536xi32, #tpu.memory_space<hbm>> -> memref<4096xi32, #tpu.memory_space<hbm>>
      tpu.wait_dma2 semaphore(%run_scoped3A : memref<!tpu.dma_semaphore, #tpu.memory_space<semaphore_mem>>) src(%dma_wait3A_32 : memref<4096xi32, #tpu.memory_space<hbm>>) dst(%arg8 : memref<4096xi32, #tpu.memory_space<vmem>>)
      tpu.yield
    }) : () -> ()
    %eq3A = arith.constant 0 : i32
    %eq3A_5 = arith.cmpi eq, %arg1, %eq3A : i32
    %convert_element_type3A = arith.extui %eq3A_5 : i1 to i32
    %cond3A = arith.constant 0 : i32
    %cond3A_6 = arith.cmpi ne, %convert_element_type3A, %cond3A : i32
    scf.if %cond3A_6 {
      %parallel_loop3A_31 = arith.constant 0 : i32
      %parallel_loop3A_32 = arith.constant 64 : i32
      %parallel_loop3A_33 = arith.constant 1 : i32
      scf.for %parallel_loop3A_34 = %parallel_loop3A_31 to %parallel_loop3A_32 step %parallel_loop3A_33  : i32 {
        %parallel_loop3A_35 = arith.constant 0.000000e+00 : f32
        %parallel_loop3A_36 = vector.broadcast %parallel_loop3A_35 : f32 to vector<16xf32>
        %parallel_loop3A_37 = arith.constant 16 : i32
        %parallel_loop3A_38 = arith.muli %parallel_loop3A_34, %parallel_loop3A_37 : i32
        %parallel_loop3A_39 = tpu.assume_multiple %parallel_loop3A_38, 16 : i32
        %parallel_loop3A_40 = arith.index_cast %parallel_loop3A_39 : i32 to index
        %parallel_loop3A_41 = tpu.vector_load %arg10[%parallel_loop3A_40] {strides = array<i32>} : memref<1024xf32, #tpu.memory_space<vmem>>, vector<16xf32>,
        tpu.vector_store %arg10[%parallel_loop3A_40], %parallel_loop3A_36 {strides = array<i32>} : memref<1024xf32, #tpu.memory_space<vmem>>, vector<16xf32>,
      } {sc.loop_unroll_factor = 4 : i64, sc.parallel_access}
      "tpu.region"() ({
        %run_scoped3A = tpu.sem_alloc : memref<!tpu.dma_semaphore, #tpu.memory_space<semaphore_mem>>
        tpu.enqueue_dma source(%arg10 : memref<1024xf32, #tpu.memory_space<vmem>>) target(%arg14 : memref<1024xf32, #tpu.memory_space<vmem_shared>>) target_semaphore(%run_scoped3A : memref<!tpu.dma_semaphore, #tpu.memory_space<semaphore_mem>>)
        tpu.wait_dma2 semaphore(%run_scoped3A : memref<!tpu.dma_semaphore, #tpu.memory_space<semaphore_mem>>) src(%arg10 : memref<1024xf32, #tpu.memory_space<vmem>>) dst(%arg14 : memref<1024xf32, #tpu.memory_space<vmem_shared>>)
        tpu.yield
      }) : () -> ()
    } else {
    }
    %parallel_loop3A = arith.constant 0 : i32
    %parallel_loop3A_7 = arith.constant 256 : i32
    %parallel_loop3A_8 = arith.constant 1 : i32
    scf.for %parallel_loop3A_31 = %parallel_loop3A to %parallel_loop3A_7 step %parallel_loop3A_8  : i32 {
      %parallel_loop3A_32 = arith.constant 1.000000e+00 : f32
      %parallel_loop3A_33 = vector.broadcast %parallel_loop3A_32 : f32 to vector<16xf32>
      %parallel_loop3A_34 = arith.constant 16 : i32
      %parallel_loop3A_35 = arith.muli %parallel_loop3A_31, %parallel_loop3A_34 : i32
      %parallel_loop3A_36 = tpu.assume_multiple %parallel_loop3A_35, 16 : i32
      %parallel_loop3A_37 = arith.index_cast %parallel_loop3A_36 : i32 to index
      %parallel_loop3A_38 = tpu.vector_load %arg9[%parallel_loop3A_37] {strides = array<i32>} : memref<4096xf32, #tpu.memory_space<vmem>>, vector<16xf32>,
      tpu.vector_store %arg9[%parallel_loop3A_37], %parallel_loop3A_33 {strides = array<i32>} : memref<4096xf32, #tpu.memory_space<vmem>>, vector<16xf32>,
    } {sc.loop_unroll_factor = 4 : i64, sc.parallel_access}
    %barrier3A = arith.constant 0 : index
    tpu.barrier barrier_id(%barrier3A)
    "tpu.region"() ({
      %run_scoped3A = tpu.sem_alloc : memref<!tpu.dma_semaphore, #tpu.memory_space<semaphore_mem>>
      %dma_start3A = arith.constant 0 : i32
      %dma_start3A_31 = tpu.memref_slice %arg14[%dma_start3A] : memref<1024xf32, #tpu.memory_space<vmem_shared>> -> memref<1024xf32, #tpu.memory_space<vmem_shared>>
      tpu.enqueue_indirect_dma source(%arg9 : memref<4096xf32, #tpu.memory_space<vmem>>) target(%dma_start3A_31 : memref<1024xf32, #tpu.memory_space<vmem_shared>>) offsets(%arg8 : memref<4096xi32, #tpu.memory_space<vmem>>) semaphore(%run_scoped3A : memref<!tpu.dma_semaphore, #tpu.memory_space<semaphore_mem>>) {add = true}
      %dma_wait3A = arith.constant 0 : i32
      %dma_wait3A_32 = tpu.memref_slice %arg14[%dma_wait3A] : memref<1024xf32, #tpu.memory_space<vmem_shared>> -> memref<1024xf32, #tpu.memory_space<vmem_shared>>
      tpu.wait_indirect_dma semaphore(%run_scoped3A : memref<!tpu.dma_semaphore, #tpu.memory_space<semaphore_mem>>) src(%arg9 : memref<4096xf32, #tpu.memory_space<vmem>>) dst(%dma_wait3A_32 : memref<1024xf32, #tpu.memory_space<vmem_shared>>)
      tpu.yield
    }) : () -> ()
    %parallel_loop3A_9 = arith.constant 0 : i32
    %parallel_loop3A_10 = arith.constant 64 : i32
    %parallel_loop3A_11 = arith.constant 1 : i32
    scf.for %parallel_loop3A_31 = %parallel_loop3A_9 to %parallel_loop3A_10 step %parallel_loop3A_11  : i32 {
      %parallel_loop3A_32 = arith.constant 16 : i32
      %parallel_loop3A_33 = arith.muli %parallel_loop3A_31, %parallel_loop3A_32 : i32
      %parallel_loop3A_34 = arith.constant 0 : i32
      %parallel_loop3A_35 = arith.addi %parallel_loop3A_34, %parallel_loop3A_33 : i32
      %parallel_loop3A_36 = tpu.assume_multiple %parallel_loop3A_35, 16 : i32
      %parallel_loop3A_37 = arith.index_cast %parallel_loop3A_36 : i32 to index
      %parallel_loop3A_38 = tpu.vector_load %arg7[%parallel_loop3A_37] {strides = array<i32>} : memref<2048xi32, #tpu.memory_space<vmem>>, vector<16xi32>,
      %parallel_loop3A_39 = arith.constant 33 : i32
      %parallel_loop3A_40 = vector.broadcast %parallel_loop3A_39 : i32 to vector<16xi32>
      %parallel_loop3A_41 = arith.muli %parallel_loop3A_38, %parallel_loop3A_40 : vector<16xi32>
      %parallel_loop3A_42 = arith.constant 0 : i32
      %parallel_loop3A_43 = vector.broadcast %parallel_loop3A_42 : i32 to vector<16xi32>
      %parallel_loop3A_44 = arith.addi %parallel_loop3A_41, %parallel_loop3A_43 : vector<16xi32>
      %parallel_loop3A_45 = tpu.vector_load_idx %arg6[%parallel_loop3A_44] : memref<33792xf32, #tpu.memory_space<vmem>>[vector<16xi32>], vector<16xf32>,
      %parallel_loop3A_46 = arith.constant 16 : i32
      %parallel_loop3A_47 = arith.muli %parallel_loop3A_31, %parallel_loop3A_46 : i32
      %parallel_loop3A_48 = tpu.assume_multiple %parallel_loop3A_47, 16 : i32
      %parallel_loop3A_49 = arith.constant 0 : i32
      %parallel_loop3A_50 = arith.index_cast %parallel_loop3A_49 : i32 to index
      %parallel_loop3A_51 = arith.index_cast %parallel_loop3A_48 : i32 to index
      %parallel_loop3A_52 = tpu.vector_load %arg11[%parallel_loop3A_50, %parallel_loop3A_51] {strides = array<i32>} : memref<32x1024xf32, #tpu.memory_space<vmem>>, vector<16xf32>,
      tpu.vector_store %arg11[%parallel_loop3A_50, %parallel_loop3A_51], %parallel_loop3A_45 {strides = array<i32>} : memref<32x1024xf32, #tpu.memory_space<vmem>>, vector<16xf32>,
      %parallel_loop3A_53 = arith.constant 1 : i32
      %parallel_loop3A_54 = vector.broadcast %parallel_loop3A_53 : i32 to vector<16xi32>
      %parallel_loop3A_55 = arith.addi %parallel_loop3A_41, %parallel_loop3A_54 : vector<16xi32>
      %parallel_loop3A_56 = tpu.vector_load_idx %arg6[%parallel_loop3A_55] : memref<33792xf32, #tpu.memory_space<vmem>>[vector<16xi32>], vector<16xf32>,
      %parallel_loop3A_57 = arith.constant 16 : i32
      %parallel_loop3A_58 = arith.muli %parallel_loop3A_31, %parallel_loop3A_57 : i32
      %parallel_loop3A_59 = tpu.assume_multiple %parallel_loop3A_58, 16 : i32
      %parallel_loop3A_60 = arith.constant 1 : i32
      %parallel_loop3A_61 = arith.index_cast %parallel_loop3A_60 : i32 to index
      %parallel_loop3A_62 = arith.index_cast %parallel_loop3A_59 : i32 to index
      %parallel_loop3A_63 = tpu.vector_load %arg11[%parallel_loop3A_61, %parallel_loop3A_62] {strides = array<i32>} : memref<32x1024xf32, #tpu.memory_space<vmem>>, vector<16xf32>,
      tpu.vector_store %arg11[%parallel_loop3A_61, %parallel_loop3A_62], %parallel_loop3A_56 {strides = array<i32>} : memref<32x1024xf32, #tpu.memory_space<vmem>>, vector<16xf32>,
      %parallel_loop3A_64 = arith.constant 2 : i32
      %parallel_loop3A_65 = vector.broadcast %parallel_loop3A_64 : i32 to vector<16xi32>
      %parallel_loop3A_66 = arith.addi %parallel_loop3A_41, %parallel_loop3A_65 : vector<16xi32>
      %parallel_loop3A_67 = tpu.vector_load_idx %arg6[%parallel_loop3A_66] : memref<33792xf32, #tpu.memory_space<vmem>>[vector<16xi32>], vector<16xf32>,
      %parallel_loop3A_68 = arith.constant 16 : i32
      %parallel_loop3A_69 = arith.muli %parallel_loop3A_31, %parallel_loop3A_68 : i32
      %parallel_loop3A_70 = tpu.assume_multiple %parallel_loop3A_69, 16 : i32
      %parallel_loop3A_71 = arith.constant 2 : i32
      %parallel_loop3A_72 = arith.index_cast %parallel_loop3A_71 : i32 to index
      %parallel_loop3A_73 = arith.index_cast %parallel_loop3A_70 : i32 to index
      %parallel_loop3A_74 = tpu.vector_load %arg11[%parallel_loop3A_72, %parallel_loop3A_73] {strides = array<i32>} : memref<32x1024xf32, #tpu.memory_space<vmem>>, vector<16xf32>,
      tpu.vector_store %arg11[%parallel_loop3A_72, %parallel_loop3A_73], %parallel_loop3A_67 {strides = array<i32>} : memref<32x1024xf32, #tpu.memory_space<vmem>>, vector<16xf32>,
      %parallel_loop3A_75 = arith.constant 3 : i32
      %parallel_loop3A_76 = vector.broadcast %parallel_loop3A_75 : i32 to vector<16xi32>
      %parallel_loop3A_77 = arith.addi %parallel_loop3A_41, %parallel_loop3A_76 : vector<16xi32>
      %parallel_loop3A_78 = tpu.vector_load_idx %arg6[%parallel_loop3A_77] : memref<33792xf32, #tpu.memory_space<vmem>>[vector<16xi32>], vector<16xf32>,
      %parallel_loop3A_79 = arith.constant 16 : i32
      %parallel_loop3A_80 = arith.muli %parallel_loop3A_31, %parallel_loop3A_79 : i32
      %parallel_loop3A_81 = tpu.assume_multiple %parallel_loop3A_80, 16 : i32
      %parallel_loop3A_82 = arith.constant 3 : i32
      %parallel_loop3A_83 = arith.index_cast %parallel_loop3A_82 : i32 to index
      %parallel_loop3A_84 = arith.index_cast %parallel_loop3A_81 : i32 to index
      %parallel_loop3A_85 = tpu.vector_load %arg11[%parallel_loop3A_83, %parallel_loop3A_84] {strides = array<i32>} : memref<32x1024xf32, #tpu.memory_space<vmem>>, vector<16xf32>,
      tpu.vector_store %arg11[%parallel_loop3A_83, %parallel_loop3A_84], %parallel_loop3A_78 {strides = array<i32>} : memref<32x1024xf32, #tpu.memory_space<vmem>>, vector<16xf32>,
      %parallel_loop3A_86 = arith.constant 4 : i32
      %parallel_loop3A_87 = vector.broadcast %parallel_loop3A_86 : i32 to vector<16xi32>
      %parallel_loop3A_88 = arith.addi %parallel_loop3A_41, %parallel_loop3A_87 : vector<16xi32>
      %parallel_loop3A_89 = tpu.vector_load_idx %arg6[%parallel_loop3A_88] : memref<33792xf32, #tpu.memory_space<vmem>>[vector<16xi32>], vector<16xf32>,
      %parallel_loop3A_90 = arith.constant 16 : i32
      %parallel_loop3A_91 = arith.muli %parallel_loop3A_31, %parallel_loop3A_90 : i32
      %parallel_loop3A_92 = tpu.assume_multiple %parallel_loop3A_91, 16 : i32
      %parallel_loop3A_93 = arith.constant 4 : i32
      %parallel_loop3A_94 = arith.index_cast %parallel_loop3A_93 : i32 to index
      %parallel_loop3A_95 = arith.index_cast %parallel_loop3A_92 : i32 to index
      %parallel_loop3A_96 = tpu.vector_load %arg11[%parallel_loop3A_94, %parallel_loop3A_95] {strides = array<i32>} : memref<32x1024xf32, #tpu.memory_space<vmem>>, vector<16xf32>,
      tpu.vector_store %arg11[%parallel_loop3A_94, %parallel_loop3A_95], %parallel_loop3A_89 {strides = array<i32>} : memref<32x1024xf32, #tpu.memory_space<vmem>>, vector<16xf32>,
      %parallel_loop3A_97 = arith.constant 5 : i32
      %parallel_loop3A_98 = vector.broadcast %parallel_loop3A_97 : i32 to vector<16xi32>
      %parallel_loop3A_99 = arith.addi %parallel_loop3A_41, %parallel_loop3A_98 : vector<16xi32>
      %parallel_loop3A_100 = tpu.vector_load_idx %arg6[%parallel_loop3A_99] : memref<33792xf32, #tpu.memory_space<vmem>>[vector<16xi32>], vector<16xf32>,
      %parallel_loop3A_101 = arith.constant 16 : i32
      %parallel_loop3A_102 = arith.muli %parallel_loop3A_31, %parallel_loop3A_101 : i32
      %parallel_loop3A_103 = tpu.assume_multiple %parallel_loop3A_102, 16 : i32
      %parallel_loop3A_104 = arith.constant 5 : i32
      %parallel_loop3A_105 = arith.index_cast %parallel_loop3A_104 : i32 to index
      %parallel_loop3A_106 = arith.index_cast %parallel_loop3A_103 : i32 to index
      %parallel_loop3A_107 = tpu.vector_load %arg11[%parallel_loop3A_105, %parallel_loop3A_106] {strides = array<i32>} : memref<32x1024xf32, #tpu.memory_space<vmem>>, vector<16xf32>,
      tpu.vector_store %arg11[%parallel_loop3A_105, %parallel_loop3A_106], %parallel_loop3A_100 {strides = array<i32>} : memref<32x1024xf32, #tpu.memory_space<vmem>>, vector<16xf32>,
      %parallel_loop3A_108 = arith.constant 6 : i32
      %parallel_loop3A_109 = vector.broadcast %parallel_loop3A_108 : i32 to vector<16xi32>
      %parallel_loop3A_110 = arith.addi %parallel_loop3A_41, %parallel_loop3A_109 : vector<16xi32>
      %parallel_loop3A_111 = tpu.vector_load_idx %arg6[%parallel_loop3A_110] : memref<33792xf32, #tpu.memory_space<vmem>>[vector<16xi32>], vector<16xf32>,
      %parallel_loop3A_112 = arith.constant 16 : i32
      %parallel_loop3A_113 = arith.muli %parallel_loop3A_31, %parallel_loop3A_112 : i32
      %parallel_loop3A_114 = tpu.assume_multiple %parallel_loop3A_113, 16 : i32
      %parallel_loop3A_115 = arith.constant 6 : i32
      %parallel_loop3A_116 = arith.index_cast %parallel_loop3A_115 : i32 to index
      %parallel_loop3A_117 = arith.index_cast %parallel_loop3A_114 : i32 to index
      %parallel_loop3A_118 = tpu.vector_load %arg11[%parallel_loop3A_116, %parallel_loop3A_117] {strides = array<i32>} : memref<32x1024xf32, #tpu.memory_space<vmem>>, vector<16xf32>,
      tpu.vector_store %arg11[%parallel_loop3A_116, %parallel_loop3A_117], %parallel_loop3A_111 {strides = array<i32>} : memref<32x1024xf32, #tpu.memory_space<vmem>>, vector<16xf32>,
      %parallel_loop3A_119 = arith.constant 7 : i32
      %parallel_loop3A_120 = vector.broadcast %parallel_loop3A_119 : i32 to vector<16xi32>
      %parallel_loop3A_121 = arith.addi %parallel_loop3A_41, %parallel_loop3A_120 : vector<16xi32>
      %parallel_loop3A_122 = tpu.vector_load_idx %arg6[%parallel_loop3A_121] : memref<33792xf32, #tpu.memory_space<vmem>>[vector<16xi32>], vector<16xf32>,
      %parallel_loop3A_123 = arith.constant 16 : i32
      %parallel_loop3A_124 = arith.muli %parallel_loop3A_31, %parallel_loop3A_123 : i32
      %parallel_loop3A_125 = tpu.assume_multiple %parallel_loop3A_124, 16 : i32
      %parallel_loop3A_126 = arith.constant 7 : i32
      %parallel_loop3A_127 = arith.index_cast %parallel_loop3A_126 : i32 to index
      %parallel_loop3A_128 = arith.index_cast %parallel_loop3A_125 : i32 to index
      %parallel_loop3A_129 = tpu.vector_load %arg11[%parallel_loop3A_127, %parallel_loop3A_128] {strides = array<i32>} : memref<32x1024xf32, #tpu.memory_space<vmem>>, vector<16xf32>,
      tpu.vector_store %arg11[%parallel_loop3A_127, %parallel_loop3A_128], %parallel_loop3A_122 {strides = array<i32>} : memref<32x1024xf32, #tpu.memory_space<vmem>>, vector<16xf32>,
      %parallel_loop3A_130 = arith.constant 8 : i32
      %parallel_loop3A_131 = vector.broadcast %parallel_loop3A_130 : i32 to vector<16xi32>
      %parallel_loop3A_132 = arith.addi %parallel_loop3A_41, %parallel_loop3A_131 : vector<16xi32>
      %parallel_loop3A_133 = tpu.vector_load_idx %arg6[%parallel_loop3A_132] : memref<33792xf32, #tpu.memory_space<vmem>>[vector<16xi32>], vector<16xf32>,
      %parallel_loop3A_134 = arith.constant 16 : i32
      %parallel_loop3A_135 = arith.muli %parallel_loop3A_31, %parallel_loop3A_134 : i32
      %parallel_loop3A_136 = tpu.assume_multiple %parallel_loop3A_135, 16 : i32
      %parallel_loop3A_137 = arith.constant 8 : i32
      %parallel_loop3A_138 = arith.index_cast %parallel_loop3A_137 : i32 to index
      %parallel_loop3A_139 = arith.index_cast %parallel_loop3A_136 : i32 to index
      %parallel_loop3A_140 = tpu.vector_load %arg11[%parallel_loop3A_138, %parallel_loop3A_139] {strides = array<i32>} : memref<32x1024xf32, #tpu.memory_space<vmem>>, vector<16xf32>,
      tpu.vector_store %arg11[%parallel_loop3A_138, %parallel_loop3A_139], %parallel_loop3A_133 {strides = array<i32>} : memref<32x1024xf32, #tpu.memory_space<vmem>>, vector<16xf32>,
      %parallel_loop3A_141 = arith.constant 9 : i32
      %parallel_loop3A_142 = vector.broadcast %parallel_loop3A_141 : i32 to vector<16xi32>
      %parallel_loop3A_143 = arith.addi %parallel_loop3A_41, %parallel_loop3A_142 : vector<16xi32>
      %parallel_loop3A_144 = tpu.vector_load_idx %arg6[%parallel_loop3A_143] : memref<33792xf32, #tpu.memory_space<vmem>>[vector<16xi32>], vector<16xf32>,
      %parallel_loop3A_145 = arith.constant 16 : i32
      %parallel_loop3A_146 = arith.muli %parallel_loop3A_31, %parallel_loop3A_145 : i32
      %parallel_loop3A_147 = tpu.assume_multiple %parallel_loop3A_146, 16 : i32
      %parallel_loop3A_148 = arith.constant 9 : i32
      %parallel_loop3A_149 = arith.index_cast %parallel_loop3A_148 : i32 to index
      %parallel_loop3A_150 = arith.index_cast %parallel_loop3A_147 : i32 to index
      %parallel_loop3A_151 = tpu.vector_load %arg11[%parallel_loop3A_149, %parallel_loop3A_150] {strides = array<i32>} : memref<32x1024xf32, #tpu.memory_space<vmem>>, vector<16xf32>,
      tpu.vector_store %arg11[%parallel_loop3A_149, %parallel_loop3A_150], %parallel_loop3A_144 {strides = array<i32>} : memref<32x1024xf32, #tpu.memory_space<vmem>>, vector<16xf32>,
      %parallel_loop3A_152 = arith.constant 10 : i32
      %parallel_loop3A_153 = vector.broadcast %parallel_loop3A_152 : i32 to vector<16xi32>
      %parallel_loop3A_154 = arith.addi %parallel_loop3A_41, %parallel_loop3A_153 : vector<16xi32>
      %parallel_loop3A_155 = tpu.vector_load_idx %arg6[%parallel_loop3A_154] : memref<33792xf32, #tpu.memory_space<vmem>>[vector<16xi32>], vector<16xf32>,
      %parallel_loop3A_156 = arith.constant 16 : i32
      %parallel_loop3A_157 = arith.muli %parallel_loop3A_31, %parallel_loop3A_156 : i32
      %parallel_loop3A_158 = tpu.assume_multiple %parallel_loop3A_157, 16 : i32
      %parallel_loop3A_159 = arith.constant 10 : i32
      %parallel_loop3A_160 = arith.index_cast %parallel_loop3A_159 : i32 to index
      %parallel_loop3A_161 = arith.index_cast %parallel_loop3A_158 : i32 to index
      %parallel_loop3A_162 = tpu.vector_load %arg11[%parallel_loop3A_160, %parallel_loop3A_161] {strides = array<i32>} : memref<32x1024xf32, #tpu.memory_space<vmem>>, vector<16xf32>,
      tpu.vector_store %arg11[%parallel_loop3A_160, %parallel_loop3A_161], %parallel_loop3A_155 {strides = array<i32>} : memref<32x1024xf32, #tpu.memory_space<vmem>>, vector<16xf32>,
      %parallel_loop3A_163 = arith.constant 11 : i32
      %parallel_loop3A_164 = vector.broadcast %parallel_loop3A_163 : i32 to vector<16xi32>
      %parallel_loop3A_165 = arith.addi %parallel_loop3A_41, %parallel_loop3A_164 : vector<16xi32>
      %parallel_loop3A_166 = tpu.vector_load_idx %arg6[%parallel_loop3A_165] : memref<33792xf32, #tpu.memory_space<vmem>>[vector<16xi32>], vector<16xf32>,
      %parallel_loop3A_167 = arith.constant 16 : i32
      %parallel_loop3A_168 = arith.muli %parallel_loop3A_31, %parallel_loop3A_167 : i32
      %parallel_loop3A_169 = tpu.assume_multiple %parallel_loop3A_168, 16 : i32
      %parallel_loop3A_170 = arith.constant 11 : i32
      %parallel_loop3A_171 = arith.index_cast %parallel_loop3A_170 : i32 to index
      %parallel_loop3A_172 = arith.index_cast %parallel_loop3A_169 : i32 to index
      %parallel_loop3A_173 = tpu.vector_load %arg11[%parallel_loop3A_171, %parallel_loop3A_172] {strides = array<i32>} : memref<32x1024xf32, #tpu.memory_space<vmem>>, vector<16xf32>,
      tpu.vector_store %arg11[%parallel_loop3A_171, %parallel_loop3A_172], %parallel_loop3A_166 {strides = array<i32>} : memref<32x1024xf32, #tpu.memory_space<vmem>>, vector<16xf32>,
      %parallel_loop3A_174 = arith.constant 12 : i32
      %parallel_loop3A_175 = vector.broadcast %parallel_loop3A_174 : i32 to vector<16xi32>
      %parallel_loop3A_176 = arith.addi %parallel_loop3A_41, %parallel_loop3A_175 : vector<16xi32>
      %parallel_loop3A_177 = tpu.vector_load_idx %arg6[%parallel_loop3A_176] : memref<33792xf32, #tpu.memory_space<vmem>>[vector<16xi32>], vector<16xf32>,
      %parallel_loop3A_178 = arith.constant 16 : i32
      %parallel_loop3A_179 = arith.muli %parallel_loop3A_31, %parallel_loop3A_178 : i32
      %parallel_loop3A_180 = tpu.assume_multiple %parallel_loop3A_179, 16 : i32
      %parallel_loop3A_181 = arith.constant 12 : i32
      %parallel_loop3A_182 = arith.index_cast %parallel_loop3A_181 : i32 to index
      %parallel_loop3A_183 = arith.index_cast %parallel_loop3A_180 : i32 to index
      %parallel_loop3A_184 = tpu.vector_load %arg11[%parallel_loop3A_182, %parallel_loop3A_183] {strides = array<i32>} : memref<32x1024xf32, #tpu.memory_space<vmem>>, vector<16xf32>,
      tpu.vector_store %arg11[%parallel_loop3A_182, %parallel_loop3A_183], %parallel_loop3A_177 {strides = array<i32>} : memref<32x1024xf32, #tpu.memory_space<vmem>>, vector<16xf32>,
      %parallel_loop3A_185 = arith.constant 13 : i32
      %parallel_loop3A_186 = vector.broadcast %parallel_loop3A_185 : i32 to vector<16xi32>
      %parallel_loop3A_187 = arith.addi %parallel_loop3A_41, %parallel_loop3A_186 : vector<16xi32>
      %parallel_loop3A_188 = tpu.vector_load_idx %arg6[%parallel_loop3A_187] : memref<33792xf32, #tpu.memory_space<vmem>>[vector<16xi32>], vector<16xf32>,
      %parallel_loop3A_189 = arith.constant 16 : i32
      %parallel_loop3A_190 = arith.muli %parallel_loop3A_31, %parallel_loop3A_189 : i32
      %parallel_loop3A_191 = tpu.assume_multiple %parallel_loop3A_190, 16 : i32
      %parallel_loop3A_192 = arith.constant 13 : i32
      %parallel_loop3A_193 = arith.index_cast %parallel_loop3A_192 : i32 to index
      %parallel_loop3A_194 = arith.index_cast %parallel_loop3A_191 : i32 to index
      %parallel_loop3A_195 = tpu.vector_load %arg11[%parallel_loop3A_193, %parallel_loop3A_194] {strides = array<i32>} : memref<32x1024xf32, #tpu.memory_space<vmem>>, vector<16xf32>,
      tpu.vector_store %arg11[%parallel_loop3A_193, %parallel_loop3A_194], %parallel_loop3A_188 {strides = array<i32>} : memref<32x1024xf32, #tpu.memory_space<vmem>>, vector<16xf32>,
      %parallel_loop3A_196 = arith.constant 14 : i32
      %parallel_loop3A_197 = vector.broadcast %parallel_loop3A_196 : i32 to vector<16xi32>
      %parallel_loop3A_198 = arith.addi %parallel_loop3A_41, %parallel_loop3A_197 : vector<16xi32>
      %parallel_loop3A_199 = tpu.vector_load_idx %arg6[%parallel_loop3A_198] : memref<33792xf32, #tpu.memory_space<vmem>>[vector<16xi32>], vector<16xf32>,
      %parallel_loop3A_200 = arith.constant 16 : i32
      %parallel_loop3A_201 = arith.muli %parallel_loop3A_31, %parallel_loop3A_200 : i32
      %parallel_loop3A_202 = tpu.assume_multiple %parallel_loop3A_201, 16 : i32
      %parallel_loop3A_203 = arith.constant 14 : i32
      %parallel_loop3A_204 = arith.index_cast %parallel_loop3A_203 : i32 to index
      %parallel_loop3A_205 = arith.index_cast %parallel_loop3A_202 : i32 to index
      %parallel_loop3A_206 = tpu.vector_load %arg11[%parallel_loop3A_204, %parallel_loop3A_205] {strides = array<i32>} : memref<32x1024xf32, #tpu.memory_space<vmem>>, vector<16xf32>,
      tpu.vector_store %arg11[%parallel_loop3A_204, %parallel_loop3A_205], %parallel_loop3A_199 {strides = array<i32>} : memref<32x1024xf32, #tpu.memory_space<vmem>>, vector<16xf32>,
      %parallel_loop3A_207 = arith.constant 15 : i32
      %parallel_loop3A_208 = vector.broadcast %parallel_loop3A_207 : i32 to vector<16xi32>
      %parallel_loop3A_209 = arith.addi %parallel_loop3A_41, %parallel_loop3A_208 : vector<16xi32>
      %parallel_loop3A_210 = tpu.vector_load_idx %arg6[%parallel_loop3A_209] : memref<33792xf32, #tpu.memory_space<vmem>>[vector<16xi32>], vector<16xf32>,
      %parallel_loop3A_211 = arith.constant 16 : i32
      %parallel_loop3A_212 = arith.muli %parallel_loop3A_31, %parallel_loop3A_211 : i32
      %parallel_loop3A_213 = tpu.assume_multiple %parallel_loop3A_212, 16 : i32
      %parallel_loop3A_214 = arith.constant 15 : i32
      %parallel_loop3A_215 = arith.index_cast %parallel_loop3A_214 : i32 to index
      %parallel_loop3A_216 = arith.index_cast %parallel_loop3A_213 : i32 to index
      %parallel_loop3A_217 = tpu.vector_load %arg11[%parallel_loop3A_215, %parallel_loop3A_216] {strides = array<i32>} : memref<32x1024xf32, #tpu.memory_space<vmem>>, vector<16xf32>,
      tpu.vector_store %arg11[%parallel_loop3A_215, %parallel_loop3A_216], %parallel_loop3A_210 {strides = array<i32>} : memref<32x1024xf32, #tpu.memory_space<vmem>>, vector<16xf32>,
      %parallel_loop3A_218 = arith.constant 16 : i32
      %parallel_loop3A_219 = vector.broadcast %parallel_loop3A_218 : i32 to vector<16xi32>
      %parallel_loop3A_220 = arith.addi %parallel_loop3A_41, %parallel_loop3A_219 : vector<16xi32>
      %parallel_loop3A_221 = tpu.vector_load_idx %arg6[%parallel_loop3A_220] : memref<33792xf32, #tpu.memory_space<vmem>>[vector<16xi32>], vector<16xf32>,
      %parallel_loop3A_222 = arith.constant 16 : i32
      %parallel_loop3A_223 = arith.muli %parallel_loop3A_31, %parallel_loop3A_222 : i32
      %parallel_loop3A_224 = tpu.assume_multiple %parallel_loop3A_223, 16 : i32
      %parallel_loop3A_225 = arith.constant 16 : i32
      %parallel_loop3A_226 = arith.index_cast %parallel_loop3A_225 : i32 to index
      %parallel_loop3A_227 = arith.index_cast %parallel_loop3A_224 : i32 to index
      %parallel_loop3A_228 = tpu.vector_load %arg11[%parallel_loop3A_226, %parallel_loop3A_227] {strides = array<i32>} : memref<32x1024xf32, #tpu.memory_space<vmem>>, vector<16xf32>,
      tpu.vector_store %arg11[%parallel_loop3A_226, %parallel_loop3A_227], %parallel_loop3A_221 {strides = array<i32>} : memref<32x1024xf32, #tpu.memory_space<vmem>>, vector<16xf32>,
      %parallel_loop3A_229 = arith.constant 17 : i32
      %parallel_loop3A_230 = vector.broadcast %parallel_loop3A_229 : i32 to vector<16xi32>
      %parallel_loop3A_231 = arith.addi %parallel_loop3A_41, %parallel_loop3A_230 : vector<16xi32>
      %parallel_loop3A_232 = tpu.vector_load_idx %arg6[%parallel_loop3A_231] : memref<33792xf32, #tpu.memory_space<vmem>>[vector<16xi32>], vector<16xf32>,
      %parallel_loop3A_233 = arith.constant 16 : i32
      %parallel_loop3A_234 = arith.muli %parallel_loop3A_31, %parallel_loop3A_233 : i32
      %parallel_loop3A_235 = tpu.assume_multiple %parallel_loop3A_234, 16 : i32
      %parallel_loop3A_236 = arith.constant 17 : i32
      %parallel_loop3A_237 = arith.index_cast %parallel_loop3A_236 : i32 to index
      %parallel_loop3A_238 = arith.index_cast %parallel_loop3A_235 : i32 to index
      %parallel_loop3A_239 = tpu.vector_load %arg11[%parallel_loop3A_237, %parallel_loop3A_238] {strides = array<i32>} : memref<32x1024xf32, #tpu.memory_space<vmem>>, vector<16xf32>,
      tpu.vector_store %arg11[%parallel_loop3A_237, %parallel_loop3A_238], %parallel_loop3A_232 {strides = array<i32>} : memref<32x1024xf32, #tpu.memory_space<vmem>>, vector<16xf32>,
      %parallel_loop3A_240 = arith.constant 18 : i32
      %parallel_loop3A_241 = vector.broadcast %parallel_loop3A_240 : i32 to vector<16xi32>
      %parallel_loop3A_242 = arith.addi %parallel_loop3A_41, %parallel_loop3A_241 : vector<16xi32>
      %parallel_loop3A_243 = tpu.vector_load_idx %arg6[%parallel_loop3A_242] : memref<33792xf32, #tpu.memory_space<vmem>>[vector<16xi32>], vector<16xf32>,
      %parallel_loop3A_244 = arith.constant 16 : i32
      %parallel_loop3A_245 = arith.muli %parallel_loop3A_31, %parallel_loop3A_244 : i32
      %parallel_loop3A_246 = tpu.assume_multiple %parallel_loop3A_245, 16 : i32
      %parallel_loop3A_247 = arith.constant 18 : i32
      %parallel_loop3A_248 = arith.index_cast %parallel_loop3A_247 : i32 to index
      %parallel_loop3A_249 = arith.index_cast %parallel_loop3A_246 : i32 to index
      %parallel_loop3A_250 = tpu.vector_load %arg11[%parallel_loop3A_248, %parallel_loop3A_249] {strides = array<i32>} : memref<32x1024xf32, #tpu.memory_space<vmem>>, vector<16xf32>,
      tpu.vector_store %arg11[%parallel_loop3A_248, %parallel_loop3A_249], %parallel_loop3A_243 {strides = array<i32>} : memref<32x1024xf32, #tpu.memory_space<vmem>>, vector<16xf32>,
      %parallel_loop3A_251 = arith.constant 19 : i32
      %parallel_loop3A_252 = vector.broadcast %parallel_loop3A_251 : i32 to vector<16xi32>
      %parallel_loop3A_253 = arith.addi %parallel_loop3A_41, %parallel_loop3A_252 : vector<16xi32>
      %parallel_loop3A_254 = tpu.vector_load_idx %arg6[%parallel_loop3A_253] : memref<33792xf32, #tpu.memory_space<vmem>>[vector<16xi32>], vector<16xf32>,
      %parallel_loop3A_255 = arith.constant 16 : i32
      %parallel_loop3A_256 = arith.muli %parallel_loop3A_31, %parallel_loop3A_255 : i32
      %parallel_loop3A_257 = tpu.assume_multiple %parallel_loop3A_256, 16 : i32
      %parallel_loop3A_258 = arith.constant 19 : i32
      %parallel_loop3A_259 = arith.index_cast %parallel_loop3A_258 : i32 to index
      %parallel_loop3A_260 = arith.index_cast %parallel_loop3A_257 : i32 to index
      %parallel_loop3A_261 = tpu.vector_load %arg11[%parallel_loop3A_259, %parallel_loop3A_260] {strides = array<i32>} : memref<32x1024xf32, #tpu.memory_space<vmem>>, vector<16xf32>,
      tpu.vector_store %arg11[%parallel_loop3A_259, %parallel_loop3A_260], %parallel_loop3A_254 {strides = array<i32>} : memref<32x1024xf32, #tpu.memory_space<vmem>>, vector<16xf32>,
      %parallel_loop3A_262 = arith.constant 20 : i32
      %parallel_loop3A_263 = vector.broadcast %parallel_loop3A_262 : i32 to vector<16xi32>
      %parallel_loop3A_264 = arith.addi %parallel_loop3A_41, %parallel_loop3A_263 : vector<16xi32>
      %parallel_loop3A_265 = tpu.vector_load_idx %arg6[%parallel_loop3A_264] : memref<33792xf32, #tpu.memory_space<vmem>>[vector<16xi32>], vector<16xf32>,
      %parallel_loop3A_266 = arith.constant 16 : i32
      %parallel_loop3A_267 = arith.muli %parallel_loop3A_31, %parallel_loop3A_266 : i32
      %parallel_loop3A_268 = tpu.assume_multiple %parallel_loop3A_267, 16 : i32
      %parallel_loop3A_269 = arith.constant 20 : i32
      %parallel_loop3A_270 = arith.index_cast %parallel_loop3A_269 : i32 to index
      %parallel_loop3A_271 = arith.index_cast %parallel_loop3A_268 : i32 to index
      %parallel_loop3A_272 = tpu.vector_load %arg11[%parallel_loop3A_270, %parallel_loop3A_271] {strides = array<i32>} : memref<32x1024xf32, #tpu.memory_space<vmem>>, vector<16xf32>,
      tpu.vector_store %arg11[%parallel_loop3A_270, %parallel_loop3A_271], %parallel_loop3A_265 {strides = array<i32>} : memref<32x1024xf32, #tpu.memory_space<vmem>>, vector<16xf32>,
      %parallel_loop3A_273 = arith.constant 21 : i32
      %parallel_loop3A_274 = vector.broadcast %parallel_loop3A_273 : i32 to vector<16xi32>
      %parallel_loop3A_275 = arith.addi %parallel_loop3A_41, %parallel_loop3A_274 : vector<16xi32>
      %parallel_loop3A_276 = tpu.vector_load_idx %arg6[%parallel_loop3A_275] : memref<33792xf32, #tpu.memory_space<vmem>>[vector<16xi32>], vector<16xf32>,
      %parallel_loop3A_277 = arith.constant 16 : i32
      %parallel_loop3A_278 = arith.muli %parallel_loop3A_31, %parallel_loop3A_277 : i32
      %parallel_loop3A_279 = tpu.assume_multiple %parallel_loop3A_278, 16 : i32
      %parallel_loop3A_280 = arith.constant 21 : i32
      %parallel_loop3A_281 = arith.index_cast %parallel_loop3A_280 : i32 to index
      %parallel_loop3A_282 = arith.index_cast %parallel_loop3A_279 : i32 to index
      %parallel_loop3A_283 = tpu.vector_load %arg11[%parallel_loop3A_281, %parallel_loop3A_282] {strides = array<i32>} : memref<32x1024xf32, #tpu.memory_space<vmem>>, vector<16xf32>,
      tpu.vector_store %arg11[%parallel_loop3A_281, %parallel_loop3A_282], %parallel_loop3A_276 {strides = array<i32>} : memref<32x1024xf32, #tpu.memory_space<vmem>>, vector<16xf32>,
      %parallel_loop3A_284 = arith.constant 22 : i32
      %parallel_loop3A_285 = vector.broadcast %parallel_loop3A_284 : i32 to vector<16xi32>
      %parallel_loop3A_286 = arith.addi %parallel_loop3A_41, %parallel_loop3A_285 : vector<16xi32>
      %parallel_loop3A_287 = tpu.vector_load_idx %arg6[%parallel_loop3A_286] : memref<33792xf32, #tpu.memory_space<vmem>>[vector<16xi32>], vector<16xf32>,
      %parallel_loop3A_288 = arith.constant 16 : i32
      %parallel_loop3A_289 = arith.muli %parallel_loop3A_31, %parallel_loop3A_288 : i32
      %parallel_loop3A_290 = tpu.assume_multiple %parallel_loop3A_289, 16 : i32
      %parallel_loop3A_291 = arith.constant 22 : i32
      %parallel_loop3A_292 = arith.index_cast %parallel_loop3A_291 : i32 to index
      %parallel_loop3A_293 = arith.index_cast %parallel_loop3A_290 : i32 to index
      %parallel_loop3A_294 = tpu.vector_load %arg11[%parallel_loop3A_292, %parallel_loop3A_293] {strides = array<i32>} : memref<32x1024xf32, #tpu.memory_space<vmem>>, vector<16xf32>,
      tpu.vector_store %arg11[%parallel_loop3A_292, %parallel_loop3A_293], %parallel_loop3A_287 {strides = array<i32>} : memref<32x1024xf32, #tpu.memory_space<vmem>>, vector<16xf32>,
      %parallel_loop3A_295 = arith.constant 23 : i32
      %parallel_loop3A_296 = vector.broadcast %parallel_loop3A_295 : i32 to vector<16xi32>
      %parallel_loop3A_297 = arith.addi %parallel_loop3A_41, %parallel_loop3A_296 : vector<16xi32>
      %parallel_loop3A_298 = tpu.vector_load_idx %arg6[%parallel_loop3A_297] : memref<33792xf32, #tpu.memory_space<vmem>>[vector<16xi32>], vector<16xf32>,
      %parallel_loop3A_299 = arith.constant 16 : i32
      %parallel_loop3A_300 = arith.muli %parallel_loop3A_31, %parallel_loop3A_299 : i32
      %parallel_loop3A_301 = tpu.assume_multiple %parallel_loop3A_300, 16 : i32
      %parallel_loop3A_302 = arith.constant 23 : i32
      %parallel_loop3A_303 = arith.index_cast %parallel_loop3A_302 : i32 to index
      %parallel_loop3A_304 = arith.index_cast %parallel_loop3A_301 : i32 to index
      %parallel_loop3A_305 = tpu.vector_load %arg11[%parallel_loop3A_303, %parallel_loop3A_304] {strides = array<i32>} : memref<32x1024xf32, #tpu.memory_space<vmem>>, vector<16xf32>,
      tpu.vector_store %arg11[%parallel_loop3A_303, %parallel_loop3A_304], %parallel_loop3A_298 {strides = array<i32>} : memref<32x1024xf32, #tpu.memory_space<vmem>>, vector<16xf32>,
      %parallel_loop3A_306 = arith.constant 24 : i32
      %parallel_loop3A_307 = vector.broadcast %parallel_loop3A_306 : i32 to vector<16xi32>
      %parallel_loop3A_308 = arith.addi %parallel_loop3A_41, %parallel_loop3A_307 : vector<16xi32>
      %parallel_loop3A_309 = tpu.vector_load_idx %arg6[%parallel_loop3A_308] : memref<33792xf32, #tpu.memory_space<vmem>>[vector<16xi32>], vector<16xf32>,
      %parallel_loop3A_310 = arith.constant 16 : i32
      %parallel_loop3A_311 = arith.muli %parallel_loop3A_31, %parallel_loop3A_310 : i32
      %parallel_loop3A_312 = tpu.assume_multiple %parallel_loop3A_311, 16 : i32
      %parallel_loop3A_313 = arith.constant 24 : i32
      %parallel_loop3A_314 = arith.index_cast %parallel_loop3A_313 : i32 to index
      %parallel_loop3A_315 = arith.index_cast %parallel_loop3A_312 : i32 to index
      %parallel_loop3A_316 = tpu.vector_load %arg11[%parallel_loop3A_314, %parallel_loop3A_315] {strides = array<i32>} : memref<32x1024xf32, #tpu.memory_space<vmem>>, vector<16xf32>,
      tpu.vector_store %arg11[%parallel_loop3A_314, %parallel_loop3A_315], %parallel_loop3A_309 {strides = array<i32>} : memref<32x1024xf32, #tpu.memory_space<vmem>>, vector<16xf32>,
      %parallel_loop3A_317 = arith.constant 25 : i32
      %parallel_loop3A_318 = vector.broadcast %parallel_loop3A_317 : i32 to vector<16xi32>
      %parallel_loop3A_319 = arith.addi %parallel_loop3A_41, %parallel_loop3A_318 : vector<16xi32>
      %parallel_loop3A_320 = tpu.vector_load_idx %arg6[%parallel_loop3A_319] : memref<33792xf32, #tpu.memory_space<vmem>>[vector<16xi32>], vector<16xf32>,
      %parallel_loop3A_321 = arith.constant 16 : i32
      %parallel_loop3A_322 = arith.muli %parallel_loop3A_31, %parallel_loop3A_321 : i32
      %parallel_loop3A_323 = tpu.assume_multiple %parallel_loop3A_322, 16 : i32
      %parallel_loop3A_324 = arith.constant 25 : i32
      %parallel_loop3A_325 = arith.index_cast %parallel_loop3A_324 : i32 to index
      %parallel_loop3A_326 = arith.index_cast %parallel_loop3A_323 : i32 to index
      %parallel_loop3A_327 = tpu.vector_load %arg11[%parallel_loop3A_325, %parallel_loop3A_326] {strides = array<i32>} : memref<32x1024xf32, #tpu.memory_space<vmem>>, vector<16xf32>,
      tpu.vector_store %arg11[%parallel_loop3A_325, %parallel_loop3A_326], %parallel_loop3A_320 {strides = array<i32>} : memref<32x1024xf32, #tpu.memory_space<vmem>>, vector<16xf32>,
      %parallel_loop3A_328 = arith.constant 26 : i32
      %parallel_loop3A_329 = vector.broadcast %parallel_loop3A_328 : i32 to vector<16xi32>
      %parallel_loop3A_330 = arith.addi %parallel_loop3A_41, %parallel_loop3A_329 : vector<16xi32>
      %parallel_loop3A_331 = tpu.vector_load_idx %arg6[%parallel_loop3A_330] : memref<33792xf32, #tpu.memory_space<vmem>>[vector<16xi32>], vector<16xf32>,
      %parallel_loop3A_332 = arith.constant 16 : i32
      %parallel_loop3A_333 = arith.muli %parallel_loop3A_31, %parallel_loop3A_332 : i32
      %parallel_loop3A_334 = tpu.assume_multiple %parallel_loop3A_333, 16 : i32
      %parallel_loop3A_335 = arith.constant 26 : i32
      %parallel_loop3A_336 = arith.index_cast %parallel_loop3A_335 : i32 to index
      %parallel_loop3A_337 = arith.index_cast %parallel_loop3A_334 : i32 to index
      %parallel_loop3A_338 = tpu.vector_load %arg11[%parallel_loop3A_336, %parallel_loop3A_337] {strides = array<i32>} : memref<32x1024xf32, #tpu.memory_space<vmem>>, vector<16xf32>,
      tpu.vector_store %arg11[%parallel_loop3A_336, %parallel_loop3A_337], %parallel_loop3A_331 {strides = array<i32>} : memref<32x1024xf32, #tpu.memory_space<vmem>>, vector<16xf32>,
      %parallel_loop3A_339 = arith.constant 27 : i32
      %parallel_loop3A_340 = vector.broadcast %parallel_loop3A_339 : i32 to vector<16xi32>
      %parallel_loop3A_341 = arith.addi %parallel_loop3A_41, %parallel_loop3A_340 : vector<16xi32>
      %parallel_loop3A_342 = tpu.vector_load_idx %arg6[%parallel_loop3A_341] : memref<33792xf32, #tpu.memory_space<vmem>>[vector<16xi32>], vector<16xf32>,
      %parallel_loop3A_343 = arith.constant 16 : i32
      %parallel_loop3A_344 = arith.muli %parallel_loop3A_31, %parallel_loop3A_343 : i32
      %parallel_loop3A_345 = tpu.assume_multiple %parallel_loop3A_344, 16 : i32
      %parallel_loop3A_346 = arith.constant 27 : i32
      %parallel_loop3A_347 = arith.index_cast %parallel_loop3A_346 : i32 to index
      %parallel_loop3A_348 = arith.index_cast %parallel_loop3A_345 : i32 to index
      %parallel_loop3A_349 = tpu.vector_load %arg11[%parallel_loop3A_347, %parallel_loop3A_348] {strides = array<i32>} : memref<32x1024xf32, #tpu.memory_space<vmem>>, vector<16xf32>,
      tpu.vector_store %arg11[%parallel_loop3A_347, %parallel_loop3A_348], %parallel_loop3A_342 {strides = array<i32>} : memref<32x1024xf32, #tpu.memory_space<vmem>>, vector<16xf32>,
      %parallel_loop3A_350 = arith.constant 28 : i32
      %parallel_loop3A_351 = vector.broadcast %parallel_loop3A_350 : i32 to vector<16xi32>
      %parallel_loop3A_352 = arith.addi %parallel_loop3A_41, %parallel_loop3A_351 : vector<16xi32>
      %parallel_loop3A_353 = tpu.vector_load_idx %arg6[%parallel_loop3A_352] : memref<33792xf32, #tpu.memory_space<vmem>>[vector<16xi32>], vector<16xf32>,
      %parallel_loop3A_354 = arith.constant 16 : i32
      %parallel_loop3A_355 = arith.muli %parallel_loop3A_31, %parallel_loop3A_354 : i32
      %parallel_loop3A_356 = tpu.assume_multiple %parallel_loop3A_355, 16 : i32
      %parallel_loop3A_357 = arith.constant 28 : i32
      %parallel_loop3A_358 = arith.index_cast %parallel_loop3A_357 : i32 to index
      %parallel_loop3A_359 = arith.index_cast %parallel_loop3A_356 : i32 to index
      %parallel_loop3A_360 = tpu.vector_load %arg11[%parallel_loop3A_358, %parallel_loop3A_359] {strides = array<i32>} : memref<32x1024xf32, #tpu.memory_space<vmem>>, vector<16xf32>,
      tpu.vector_store %arg11[%parallel_loop3A_358, %parallel_loop3A_359], %parallel_loop3A_353 {strides = array<i32>} : memref<32x1024xf32, #tpu.memory_space<vmem>>, vector<16xf32>,
      %parallel_loop3A_361 = arith.constant 29 : i32
      %parallel_loop3A_362 = vector.broadcast %parallel_loop3A_361 : i32 to vector<16xi32>
      %parallel_loop3A_363 = arith.addi %parallel_loop3A_41, %parallel_loop3A_362 : vector<16xi32>
      %parallel_loop3A_364 = tpu.vector_load_idx %arg6[%parallel_loop3A_363] : memref<33792xf32, #tpu.memory_space<vmem>>[vector<16xi32>], vector<16xf32>,
      %parallel_loop3A_365 = arith.constant 16 : i32
      %parallel_loop3A_366 = arith.muli %parallel_loop3A_31, %parallel_loop3A_365 : i32
      %parallel_loop3A_367 = tpu.assume_multiple %parallel_loop3A_366, 16 : i32
      %parallel_loop3A_368 = arith.constant 29 : i32
      %parallel_loop3A_369 = arith.index_cast %parallel_loop3A_368 : i32 to index
      %parallel_loop3A_370 = arith.index_cast %parallel_loop3A_367 : i32 to index
      %parallel_loop3A_371 = tpu.vector_load %arg11[%parallel_loop3A_369, %parallel_loop3A_370] {strides = array<i32>} : memref<32x1024xf32, #tpu.memory_space<vmem>>, vector<16xf32>,
      tpu.vector_store %arg11[%parallel_loop3A_369, %parallel_loop3A_370], %parallel_loop3A_364 {strides = array<i32>} : memref<32x1024xf32, #tpu.memory_space<vmem>>, vector<16xf32>,
      %parallel_loop3A_372 = arith.constant 30 : i32
      %parallel_loop3A_373 = vector.broadcast %parallel_loop3A_372 : i32 to vector<16xi32>
      %parallel_loop3A_374 = arith.addi %parallel_loop3A_41, %parallel_loop3A_373 : vector<16xi32>
      %parallel_loop3A_375 = tpu.vector_load_idx %arg6[%parallel_loop3A_374] : memref<33792xf32, #tpu.memory_space<vmem>>[vector<16xi32>], vector<16xf32>,
      %parallel_loop3A_376 = arith.constant 16 : i32
      %parallel_loop3A_377 = arith.muli %parallel_loop3A_31, %parallel_loop3A_376 : i32
      %parallel_loop3A_378 = tpu.assume_multiple %parallel_loop3A_377, 16 : i32
      %parallel_loop3A_379 = arith.constant 30 : i32
      %parallel_loop3A_380 = arith.index_cast %parallel_loop3A_379 : i32 to index
      %parallel_loop3A_381 = arith.index_cast %parallel_loop3A_378 : i32 to index
      %parallel_loop3A_382 = tpu.vector_load %arg11[%parallel_loop3A_380, %parallel_loop3A_381] {strides = array<i32>} : memref<32x1024xf32, #tpu.memory_space<vmem>>, vector<16xf32>,
      tpu.vector_store %arg11[%parallel_loop3A_380, %parallel_loop3A_381], %parallel_loop3A_375 {strides = array<i32>} : memref<32x1024xf32, #tpu.memory_space<vmem>>, vector<16xf32>,
      %parallel_loop3A_383 = arith.constant 31 : i32
      %parallel_loop3A_384 = vector.broadcast %parallel_loop3A_383 : i32 to vector<16xi32>
      %parallel_loop3A_385 = arith.addi %parallel_loop3A_41, %parallel_loop3A_384 : vector<16xi32>
      %parallel_loop3A_386 = tpu.vector_load_idx %arg6[%parallel_loop3A_385] : memref<33792xf32, #tpu.memory_space<vmem>>[vector<16xi32>], vector<16xf32>,
      %parallel_loop3A_387 = arith.constant 16 : i32
      %parallel_loop3A_388 = arith.muli %parallel_loop3A_31, %parallel_loop3A_387 : i32
      %parallel_loop3A_389 = tpu.assume_multiple %parallel_loop3A_388, 16 : i32
      %parallel_loop3A_390 = arith.constant 31 : i32
      %parallel_loop3A_391 = arith.index_cast %parallel_loop3A_390 : i32 to index
      %parallel_loop3A_392 = arith.index_cast %parallel_loop3A_389 : i32 to index
      %parallel_loop3A_393 = tpu.vector_load %arg11[%parallel_loop3A_391, %parallel_loop3A_392] {strides = array<i32>} : memref<32x1024xf32, #tpu.memory_space<vmem>>, vector<16xf32>,
      tpu.vector_store %arg11[%parallel_loop3A_391, %parallel_loop3A_392], %parallel_loop3A_386 {strides = array<i32>} : memref<32x1024xf32, #tpu.memory_space<vmem>>, vector<16xf32>,
    } {sc.loop_unroll_factor = 4 : i64, sc.parallel_access}
    %mul3A_12 = arith.constant 2 : i32
    %mul3A_13 = arith.muli %add3A, %mul3A_12 : i32
    %add3A_14 = arith.constant 0 : i32
    %add3A_15 = arith.addi %mul3A_13, %add3A_14 : i32
    "tpu.region"() ({
      %run_scoped3A = tpu.sem_alloc : memref<!tpu.dma_semaphore, #tpu.memory_space<semaphore_mem>>
      %dma_start3A = arith.constant 0 : i32
      %dma_start3A_31 = arith.constant 0 : i32
      %dma_start3A_32 = tpu.memref_slice %arg4[%add3A_15, %dma_start3A, %dma_start3A_31] : memref<64x32x1024xf32, #tpu.memory_space<hbm>> -> memref<1x32x1024xf32, #tpu.memory_space<hbm>>
      %dma_start3A_33 = tpu.memref_squeeze %dma_start3A_32 : memref<1x32x1024xf32, #tpu.memory_space<hbm>> -> memref<32x1024xf32, #tpu.memory_space<hbm>>
      %dma_start3A_34 = arith.constant 0 : i32
      %dma_start3A_35 = arith.constant 0 : i32
      %dma_start3A_36 = tpu.memref_slice %arg4[%add3A_15, %dma_start3A_34, %dma_start3A_35] : memref<64x32x1024xf32, #tpu.memory_space<hbm>> -> memref<1x32x1024xf32, #tpu.memory_space<hbm>>
      %dma_start3A_37 = tpu.memref_squeeze %dma_start3A_36 : memref<1x32x1024xf32, #tpu.memory_space<hbm>> -> memref<32x1024xf32, #tpu.memory_space<hbm>>
      tpu.enqueue_dma source(%arg11 : memref<32x1024xf32, #tpu.memory_space<vmem>>) target(%dma_start3A_37 : memref<32x1024xf32, #tpu.memory_space<hbm>>) target_semaphore(%run_scoped3A : memref<!tpu.dma_semaphore, #tpu.memory_space<semaphore_mem>>)
      %dma_wait3A = arith.constant 0 : i32
      %dma_wait3A_38 = arith.constant 0 : i32
      %dma_wait3A_39 = tpu.memref_slice %arg4[%add3A_15, %dma_wait3A, %dma_wait3A_38] : memref<64x32x1024xf32, #tpu.memory_space<hbm>> -> memref<1x32x1024xf32, #tpu.memory_space<hbm>>
      %dma_wait3A_40 = tpu.memref_squeeze %dma_wait3A_39 : memref<1x32x1024xf32, #tpu.memory_space<hbm>> -> memref<32x1024xf32, #tpu.memory_space<hbm>>
      %dma_wait3A_41 = arith.constant 0 : i32
      %dma_wait3A_42 = arith.constant 0 : i32
      %dma_wait3A_43 = tpu.memref_slice %arg4[%add3A_15, %dma_wait3A_41, %dma_wait3A_42] : memref<64x32x1024xf32, #tpu.memory_space<hbm>> -> memref<1x32x1024xf32, #tpu.memory_space<hbm>>
      %dma_wait3A_44 = tpu.memref_squeeze %dma_wait3A_43 : memref<1x32x1024xf32, #tpu.memory_space<hbm>> -> memref<32x1024xf32, #tpu.memory_space<hbm>>
      tpu.wait_dma2 semaphore(%run_scoped3A : memref<!tpu.dma_semaphore, #tpu.memory_space<semaphore_mem>>) src(%arg11 : memref<32x1024xf32, #tpu.memory_space<vmem>>) dst(%dma_wait3A_44 : memref<32x1024xf32, #tpu.memory_space<hbm>>)
      tpu.yield
    }) : () -> ()
    %parallel_loop3A_16 = arith.constant 0 : i32
    %parallel_loop3A_17 = arith.constant 64 : i32
    %parallel_loop3A_18 = arith.constant 1 : i32
    scf.for %parallel_loop3A_31 = %parallel_loop3A_16 to %parallel_loop3A_17 step %parallel_loop3A_18  : i32 {
      %parallel_loop3A_32 = arith.constant 16 : i32
      %parallel_loop3A_33 = arith.muli %parallel_loop3A_31, %parallel_loop3A_32 : i32
      %parallel_loop3A_34 = arith.constant 1024 : i32
      %parallel_loop3A_35 = arith.addi %parallel_loop3A_34, %parallel_loop3A_33 : i32
      %parallel_loop3A_36 = tpu.assume_multiple %parallel_loop3A_35, 16 : i32
      %parallel_loop3A_37 = arith.index_cast %parallel_loop3A_36 : i32 to index
      %parallel_loop3A_38 = tpu.vector_load %arg7[%parallel_loop3A_37] {strides = array<i32>} : memref<2048xi32, #tpu.memory_space<vmem>>, vector<16xi32>,
      %parallel_loop3A_39 = arith.constant 33 : i32
      %parallel_loop3A_40 = vector.broadcast %parallel_loop3A_39 : i32 to vector<16xi32>
      %parallel_loop3A_41 = arith.muli %parallel_loop3A_38, %parallel_loop3A_40 : vector<16xi32>
      %parallel_loop3A_42 = arith.constant 0 : i32
      %parallel_loop3A_43 = vector.broadcast %parallel_loop3A_42 : i32 to vector<16xi32>
      %parallel_loop3A_44 = arith.addi %parallel_loop3A_41, %parallel_loop3A_43 : vector<16xi32>
      %parallel_loop3A_45 = tpu.vector_load_idx %arg6[%parallel_loop3A_44] : memref<33792xf32, #tpu.memory_space<vmem>>[vector<16xi32>], vector<16xf32>,
      %parallel_loop3A_46 = arith.constant 16 : i32
      %parallel_loop3A_47 = arith.muli %parallel_loop3A_31, %parallel_loop3A_46 : i32
      %parallel_loop3A_48 = tpu.assume_multiple %parallel_loop3A_47, 16 : i32
      %parallel_loop3A_49 = arith.constant 0 : i32
      %parallel_loop3A_50 = arith.index_cast %parallel_loop3A_49 : i32 to index
      %parallel_loop3A_51 = arith.index_cast %parallel_loop3A_48 : i32 to index
      %parallel_loop3A_52 = tpu.vector_load %arg11[%parallel_loop3A_50, %parallel_loop3A_51] {strides = array<i32>} : memref<32x1024xf32, #tpu.memory_space<vmem>>, vector<16xf32>,
      tpu.vector_store %arg11[%parallel_loop3A_50, %parallel_loop3A_51], %parallel_loop3A_45 {strides = array<i32>} : memref<32x1024xf32, #tpu.memory_space<vmem>>, vector<16xf32>,
      %parallel_loop3A_53 = arith.constant 1 : i32
      %parallel_loop3A_54 = vector.broadcast %parallel_loop3A_53 : i32 to vector<16xi32>
      %parallel_loop3A_55 = arith.addi %parallel_loop3A_41, %parallel_loop3A_54 : vector<16xi32>
      %parallel_loop3A_56 = tpu.vector_load_idx %arg6[%parallel_loop3A_55] : memref<33792xf32, #tpu.memory_space<vmem>>[vector<16xi32>], vector<16xf32>,
      %parallel_loop3A_57 = arith.constant 16 : i32
      %parallel_loop3A_58 = arith.muli %parallel_loop3A_31, %parallel_loop3A_57 : i32
      %parallel_loop3A_59 = tpu.assume_multiple %parallel_loop3A_58, 16 : i32
      %parallel_loop3A_60 = arith.constant 1 : i32
      %parallel_loop3A_61 = arith.index_cast %parallel_loop3A_60 : i32 to index
      %parallel_loop3A_62 = arith.index_cast %parallel_loop3A_59 : i32 to index
      %parallel_loop3A_63 = tpu.vector_load %arg11[%parallel_loop3A_61, %parallel_loop3A_62] {strides = array<i32>} : memref<32x1024xf32, #tpu.memory_space<vmem>>, vector<16xf32>,
      tpu.vector_store %arg11[%parallel_loop3A_61, %parallel_loop3A_62], %parallel_loop3A_56 {strides = array<i32>} : memref<32x1024xf32, #tpu.memory_space<vmem>>, vector<16xf32>,
      %parallel_loop3A_64 = arith.constant 2 : i32
      %parallel_loop3A_65 = vector.broadcast %parallel_loop3A_64 : i32 to vector<16xi32>
      %parallel_loop3A_66 = arith.addi %parallel_loop3A_41, %parallel_loop3A_65 : vector<16xi32>
      %parallel_loop3A_67 = tpu.vector_load_idx %arg6[%parallel_loop3A_66] : memref<33792xf32, #tpu.memory_space<vmem>>[vector<16xi32>], vector<16xf32>,
      %parallel_loop3A_68 = arith.constant 16 : i32
      %parallel_loop3A_69 = arith.muli %parallel_loop3A_31, %parallel_loop3A_68 : i32
      %parallel_loop3A_70 = tpu.assume_multiple %parallel_loop3A_69, 16 : i32
      %parallel_loop3A_71 = arith.constant 2 : i32
      %parallel_loop3A_72 = arith.index_cast %parallel_loop3A_71 : i32 to index
      %parallel_loop3A_73 = arith.index_cast %parallel_loop3A_70 : i32 to index
      %parallel_loop3A_74 = tpu.vector_load %arg11[%parallel_loop3A_72, %parallel_loop3A_73] {strides = array<i32>} : memref<32x1024xf32, #tpu.memory_space<vmem>>, vector<16xf32>,
      tpu.vector_store %arg11[%parallel_loop3A_72, %parallel_loop3A_73], %parallel_loop3A_67 {strides = array<i32>} : memref<32x1024xf32, #tpu.memory_space<vmem>>, vector<16xf32>,
      %parallel_loop3A_75 = arith.constant 3 : i32
      %parallel_loop3A_76 = vector.broadcast %parallel_loop3A_75 : i32 to vector<16xi32>
      %parallel_loop3A_77 = arith.addi %parallel_loop3A_41, %parallel_loop3A_76 : vector<16xi32>
      %parallel_loop3A_78 = tpu.vector_load_idx %arg6[%parallel_loop3A_77] : memref<33792xf32, #tpu.memory_space<vmem>>[vector<16xi32>], vector<16xf32>,
      %parallel_loop3A_79 = arith.constant 16 : i32
      %parallel_loop3A_80 = arith.muli %parallel_loop3A_31, %parallel_loop3A_79 : i32
      %parallel_loop3A_81 = tpu.assume_multiple %parallel_loop3A_80, 16 : i32
      %parallel_loop3A_82 = arith.constant 3 : i32
      %parallel_loop3A_83 = arith.index_cast %parallel_loop3A_82 : i32 to index
      %parallel_loop3A_84 = arith.index_cast %parallel_loop3A_81 : i32 to index
      %parallel_loop3A_85 = tpu.vector_load %arg11[%parallel_loop3A_83, %parallel_loop3A_84] {strides = array<i32>} : memref<32x1024xf32, #tpu.memory_space<vmem>>, vector<16xf32>,
      tpu.vector_store %arg11[%parallel_loop3A_83, %parallel_loop3A_84], %parallel_loop3A_78 {strides = array<i32>} : memref<32x1024xf32, #tpu.memory_space<vmem>>, vector<16xf32>,
      %parallel_loop3A_86 = arith.constant 4 : i32
      %parallel_loop3A_87 = vector.broadcast %parallel_loop3A_86 : i32 to vector<16xi32>
      %parallel_loop3A_88 = arith.addi %parallel_loop3A_41, %parallel_loop3A_87 : vector<16xi32>
      %parallel_loop3A_89 = tpu.vector_load_idx %arg6[%parallel_loop3A_88] : memref<33792xf32, #tpu.memory_space<vmem>>[vector<16xi32>], vector<16xf32>,
      %parallel_loop3A_90 = arith.constant 16 : i32
      %parallel_loop3A_91 = arith.muli %parallel_loop3A_31, %parallel_loop3A_90 : i32
      %parallel_loop3A_92 = tpu.assume_multiple %parallel_loop3A_91, 16 : i32
      %parallel_loop3A_93 = arith.constant 4 : i32
      %parallel_loop3A_94 = arith.index_cast %parallel_loop3A_93 : i32 to index
      %parallel_loop3A_95 = arith.index_cast %parallel_loop3A_92 : i32 to index
      %parallel_loop3A_96 = tpu.vector_load %arg11[%parallel_loop3A_94, %parallel_loop3A_95] {strides = array<i32>} : memref<32x1024xf32, #tpu.memory_space<vmem>>, vector<16xf32>,
      tpu.vector_store %arg11[%parallel_loop3A_94, %parallel_loop3A_95], %parallel_loop3A_89 {strides = array<i32>} : memref<32x1024xf32, #tpu.memory_space<vmem>>, vector<16xf32>,
      %parallel_loop3A_97 = arith.constant 5 : i32
      %parallel_loop3A_98 = vector.broadcast %parallel_loop3A_97 : i32 to vector<16xi32>
      %parallel_loop3A_99 = arith.addi %parallel_loop3A_41, %parallel_loop3A_98 : vector<16xi32>
      %parallel_loop3A_100 = tpu.vector_load_idx %arg6[%parallel_loop3A_99] : memref<33792xf32, #tpu.memory_space<vmem>>[vector<16xi32>], vector<16xf32>,
      %parallel_loop3A_101 = arith.constant 16 : i32
      %parallel_loop3A_102 = arith.muli %parallel_loop3A_31, %parallel_loop3A_101 : i32
      %parallel_loop3A_103 = tpu.assume_multiple %parallel_loop3A_102, 16 : i32
      %parallel_loop3A_104 = arith.constant 5 : i32
      %parallel_loop3A_105 = arith.index_cast %parallel_loop3A_104 : i32 to index
      %parallel_loop3A_106 = arith.index_cast %parallel_loop3A_103 : i32 to index
      %parallel_loop3A_107 = tpu.vector_load %arg11[%parallel_loop3A_105, %parallel_loop3A_106] {strides = array<i32>} : memref<32x1024xf32, #tpu.memory_space<vmem>>, vector<16xf32>,
      tpu.vector_store %arg11[%parallel_loop3A_105, %parallel_loop3A_106], %parallel_loop3A_100 {strides = array<i32>} : memref<32x1024xf32, #tpu.memory_space<vmem>>, vector<16xf32>,
      %parallel_loop3A_108 = arith.constant 6 : i32
      %parallel_loop3A_109 = vector.broadcast %parallel_loop3A_108 : i32 to vector<16xi32>
      %parallel_loop3A_110 = arith.addi %parallel_loop3A_41, %parallel_loop3A_109 : vector<16xi32>
      %parallel_loop3A_111 = tpu.vector_load_idx %arg6[%parallel_loop3A_110] : memref<33792xf32, #tpu.memory_space<vmem>>[vector<16xi32>], vector<16xf32>,
      %parallel_loop3A_112 = arith.constant 16 : i32
      %parallel_loop3A_113 = arith.muli %parallel_loop3A_31, %parallel_loop3A_112 : i32
      %parallel_loop3A_114 = tpu.assume_multiple %parallel_loop3A_113, 16 : i32
      %parallel_loop3A_115 = arith.constant 6 : i32
      %parallel_loop3A_116 = arith.index_cast %parallel_loop3A_115 : i32 to index
      %parallel_loop3A_117 = arith.index_cast %parallel_loop3A_114 : i32 to index
      %parallel_loop3A_118 = tpu.vector_load %arg11[%parallel_loop3A_116, %parallel_loop3A_117] {strides = array<i32>} : memref<32x1024xf32, #tpu.memory_space<vmem>>, vector<16xf32>,
      tpu.vector_store %arg11[%parallel_loop3A_116, %parallel_loop3A_117], %parallel_loop3A_111 {strides = array<i32>} : memref<32x1024xf32, #tpu.memory_space<vmem>>, vector<16xf32>,
      %parallel_loop3A_119 = arith.constant 7 : i32
      %parallel_loop3A_120 = vector.broadcast %parallel_loop3A_119 : i32 to vector<16xi32>
      %parallel_loop3A_121 = arith.addi %parallel_loop3A_41, %parallel_loop3A_120 : vector<16xi32>
      %parallel_loop3A_122 = tpu.vector_load_idx %arg6[%parallel_loop3A_121] : memref<33792xf32, #tpu.memory_space<vmem>>[vector<16xi32>], vector<16xf32>,
      %parallel_loop3A_123 = arith.constant 16 : i32
      %parallel_loop3A_124 = arith.muli %parallel_loop3A_31, %parallel_loop3A_123 : i32
      %parallel_loop3A_125 = tpu.assume_multiple %parallel_loop3A_124, 16 : i32
      %parallel_loop3A_126 = arith.constant 7 : i32
      %parallel_loop3A_127 = arith.index_cast %parallel_loop3A_126 : i32 to index
      %parallel_loop3A_128 = arith.index_cast %parallel_loop3A_125 : i32 to index
      %parallel_loop3A_129 = tpu.vector_load %arg11[%parallel_loop3A_127, %parallel_loop3A_128] {strides = array<i32>} : memref<32x1024xf32, #tpu.memory_space<vmem>>, vector<16xf32>,
      tpu.vector_store %arg11[%parallel_loop3A_127, %parallel_loop3A_128], %parallel_loop3A_122 {strides = array<i32>} : memref<32x1024xf32, #tpu.memory_space<vmem>>, vector<16xf32>,
      %parallel_loop3A_130 = arith.constant 8 : i32
      %parallel_loop3A_131 = vector.broadcast %parallel_loop3A_130 : i32 to vector<16xi32>
      %parallel_loop3A_132 = arith.addi %parallel_loop3A_41, %parallel_loop3A_131 : vector<16xi32>
      %parallel_loop3A_133 = tpu.vector_load_idx %arg6[%parallel_loop3A_132] : memref<33792xf32, #tpu.memory_space<vmem>>[vector<16xi32>], vector<16xf32>,
      %parallel_loop3A_134 = arith.constant 16 : i32
      %parallel_loop3A_135 = arith.muli %parallel_loop3A_31, %parallel_loop3A_134 : i32
      %parallel_loop3A_136 = tpu.assume_multiple %parallel_loop3A_135, 16 : i32
      %parallel_loop3A_137 = arith.constant 8 : i32
      %parallel_loop3A_138 = arith.index_cast %parallel_loop3A_137 : i32 to index
      %parallel_loop3A_139 = arith.index_cast %parallel_loop3A_136 : i32 to index
      %parallel_loop3A_140 = tpu.vector_load %arg11[%parallel_loop3A_138, %parallel_loop3A_139] {strides = array<i32>} : memref<32x1024xf32, #tpu.memory_space<vmem>>, vector<16xf32>,
      tpu.vector_store %arg11[%parallel_loop3A_138, %parallel_loop3A_139], %parallel_loop3A_133 {strides = array<i32>} : memref<32x1024xf32, #tpu.memory_space<vmem>>, vector<16xf32>,
      %parallel_loop3A_141 = arith.constant 9 : i32
      %parallel_loop3A_142 = vector.broadcast %parallel_loop3A_141 : i32 to vector<16xi32>
      %parallel_loop3A_143 = arith.addi %parallel_loop3A_41, %parallel_loop3A_142 : vector<16xi32>
      %parallel_loop3A_144 = tpu.vector_load_idx %arg6[%parallel_loop3A_143] : memref<33792xf32, #tpu.memory_space<vmem>>[vector<16xi32>], vector<16xf32>,
      %parallel_loop3A_145 = arith.constant 16 : i32
      %parallel_loop3A_146 = arith.muli %parallel_loop3A_31, %parallel_loop3A_145 : i32
      %parallel_loop3A_147 = tpu.assume_multiple %parallel_loop3A_146, 16 : i32
      %parallel_loop3A_148 = arith.constant 9 : i32
      %parallel_loop3A_149 = arith.index_cast %parallel_loop3A_148 : i32 to index
      %parallel_loop3A_150 = arith.index_cast %parallel_loop3A_147 : i32 to index
      %parallel_loop3A_151 = tpu.vector_load %arg11[%parallel_loop3A_149, %parallel_loop3A_150] {strides = array<i32>} : memref<32x1024xf32, #tpu.memory_space<vmem>>, vector<16xf32>,
      tpu.vector_store %arg11[%parallel_loop3A_149, %parallel_loop3A_150], %parallel_loop3A_144 {strides = array<i32>} : memref<32x1024xf32, #tpu.memory_space<vmem>>, vector<16xf32>,
      %parallel_loop3A_152 = arith.constant 10 : i32
      %parallel_loop3A_153 = vector.broadcast %parallel_loop3A_152 : i32 to vector<16xi32>
      %parallel_loop3A_154 = arith.addi %parallel_loop3A_41, %parallel_loop3A_153 : vector<16xi32>
      %parallel_loop3A_155 = tpu.vector_load_idx %arg6[%parallel_loop3A_154] : memref<33792xf32, #tpu.memory_space<vmem>>[vector<16xi32>], vector<16xf32>,
      %parallel_loop3A_156 = arith.constant 16 : i32
      %parallel_loop3A_157 = arith.muli %parallel_loop3A_31, %parallel_loop3A_156 : i32
      %parallel_loop3A_158 = tpu.assume_multiple %parallel_loop3A_157, 16 : i32
      %parallel_loop3A_159 = arith.constant 10 : i32
      %parallel_loop3A_160 = arith.index_cast %parallel_loop3A_159 : i32 to index
      %parallel_loop3A_161 = arith.index_cast %parallel_loop3A_158 : i32 to index
      %parallel_loop3A_162 = tpu.vector_load %arg11[%parallel_loop3A_160, %parallel_loop3A_161] {strides = array<i32>} : memref<32x1024xf32, #tpu.memory_space<vmem>>, vector<16xf32>,
      tpu.vector_store %arg11[%parallel_loop3A_160, %parallel_loop3A_161], %parallel_loop3A_155 {strides = array<i32>} : memref<32x1024xf32, #tpu.memory_space<vmem>>, vector<16xf32>,
      %parallel_loop3A_163 = arith.constant 11 : i32
      %parallel_loop3A_164 = vector.broadcast %parallel_loop3A_163 : i32 to vector<16xi32>
      %parallel_loop3A_165 = arith.addi %parallel_loop3A_41, %parallel_loop3A_164 : vector<16xi32>
      %parallel_loop3A_166 = tpu.vector_load_idx %arg6[%parallel_loop3A_165] : memref<33792xf32, #tpu.memory_space<vmem>>[vector<16xi32>], vector<16xf32>,
      %parallel_loop3A_167 = arith.constant 16 : i32
      %parallel_loop3A_168 = arith.muli %parallel_loop3A_31, %parallel_loop3A_167 : i32
      %parallel_loop3A_169 = tpu.assume_multiple %parallel_loop3A_168, 16 : i32
      %parallel_loop3A_170 = arith.constant 11 : i32
      %parallel_loop3A_171 = arith.index_cast %parallel_loop3A_170 : i32 to index
      %parallel_loop3A_172 = arith.index_cast %parallel_loop3A_169 : i32 to index
      %parallel_loop3A_173 = tpu.vector_load %arg11[%parallel_loop3A_171, %parallel_loop3A_172] {strides = array<i32>} : memref<32x1024xf32, #tpu.memory_space<vmem>>, vector<16xf32>,
      tpu.vector_store %arg11[%parallel_loop3A_171, %parallel_loop3A_172], %parallel_loop3A_166 {strides = array<i32>} : memref<32x1024xf32, #tpu.memory_space<vmem>>, vector<16xf32>,
      %parallel_loop3A_174 = arith.constant 12 : i32
      %parallel_loop3A_175 = vector.broadcast %parallel_loop3A_174 : i32 to vector<16xi32>
      %parallel_loop3A_176 = arith.addi %parallel_loop3A_41, %parallel_loop3A_175 : vector<16xi32>
      %parallel_loop3A_177 = tpu.vector_load_idx %arg6[%parallel_loop3A_176] : memref<33792xf32, #tpu.memory_space<vmem>>[vector<16xi32>], vector<16xf32>,
      %parallel_loop3A_178 = arith.constant 16 : i32
      %parallel_loop3A_179 = arith.muli %parallel_loop3A_31, %parallel_loop3A_178 : i32
      %parallel_loop3A_180 = tpu.assume_multiple %parallel_loop3A_179, 16 : i32
      %parallel_loop3A_181 = arith.constant 12 : i32
      %parallel_loop3A_182 = arith.index_cast %parallel_loop3A_181 : i32 to index
      %parallel_loop3A_183 = arith.index_cast %parallel_loop3A_180 : i32 to index
      %parallel_loop3A_184 = tpu.vector_load %arg11[%parallel_loop3A_182, %parallel_loop3A_183] {strides = array<i32>} : memref<32x1024xf32, #tpu.memory_space<vmem>>, vector<16xf32>,
      tpu.vector_store %arg11[%parallel_loop3A_182, %parallel_loop3A_183], %parallel_loop3A_177 {strides = array<i32>} : memref<32x1024xf32, #tpu.memory_space<vmem>>, vector<16xf32>,
      %parallel_loop3A_185 = arith.constant 13 : i32
      %parallel_loop3A_186 = vector.broadcast %parallel_loop3A_185 : i32 to vector<16xi32>
      %parallel_loop3A_187 = arith.addi %parallel_loop3A_41, %parallel_loop3A_186 : vector<16xi32>
      %parallel_loop3A_188 = tpu.vector_load_idx %arg6[%parallel_loop3A_187] : memref<33792xf32, #tpu.memory_space<vmem>>[vector<16xi32>], vector<16xf32>,
      %parallel_loop3A_189 = arith.constant 16 : i32
      %parallel_loop3A_190 = arith.muli %parallel_loop3A_31, %parallel_loop3A_189 : i32
      %parallel_loop3A_191 = tpu.assume_multiple %parallel_loop3A_190, 16 : i32
      %parallel_loop3A_192 = arith.constant 13 : i32
      %parallel_loop3A_193 = arith.index_cast %parallel_loop3A_192 : i32 to index
      %parallel_loop3A_194 = arith.index_cast %parallel_loop3A_191 : i32 to index
      %parallel_loop3A_195 = tpu.vector_load %arg11[%parallel_loop3A_193, %parallel_loop3A_194] {strides = array<i32>} : memref<32x1024xf32, #tpu.memory_space<vmem>>, vector<16xf32>,
      tpu.vector_store %arg11[%parallel_loop3A_193, %parallel_loop3A_194], %parallel_loop3A_188 {strides = array<i32>} : memref<32x1024xf32, #tpu.memory_space<vmem>>, vector<16xf32>,
      %parallel_loop3A_196 = arith.constant 14 : i32
      %parallel_loop3A_197 = vector.broadcast %parallel_loop3A_196 : i32 to vector<16xi32>
      %parallel_loop3A_198 = arith.addi %parallel_loop3A_41, %parallel_loop3A_197 : vector<16xi32>
      %parallel_loop3A_199 = tpu.vector_load_idx %arg6[%parallel_loop3A_198] : memref<33792xf32, #tpu.memory_space<vmem>>[vector<16xi32>], vector<16xf32>,
      %parallel_loop3A_200 = arith.constant 16 : i32
      %parallel_loop3A_201 = arith.muli %parallel_loop3A_31, %parallel_loop3A_200 : i32
      %parallel_loop3A_202 = tpu.assume_multiple %parallel_loop3A_201, 16 : i32
      %parallel_loop3A_203 = arith.constant 14 : i32
      %parallel_loop3A_204 = arith.index_cast %parallel_loop3A_203 : i32 to index
      %parallel_loop3A_205 = arith.index_cast %parallel_loop3A_202 : i32 to index
      %parallel_loop3A_206 = tpu.vector_load %arg11[%parallel_loop3A_204, %parallel_loop3A_205] {strides = array<i32>} : memref<32x1024xf32, #tpu.memory_space<vmem>>, vector<16xf32>,
      tpu.vector_store %arg11[%parallel_loop3A_204, %parallel_loop3A_205], %parallel_loop3A_199 {strides = array<i32>} : memref<32x1024xf32, #tpu.memory_space<vmem>>, vector<16xf32>,
      %parallel_loop3A_207 = arith.constant 15 : i32
      %parallel_loop3A_208 = vector.broadcast %parallel_loop3A_207 : i32 to vector<16xi32>
      %parallel_loop3A_209 = arith.addi %parallel_loop3A_41, %parallel_loop3A_208 : vector<16xi32>
      %parallel_loop3A_210 = tpu.vector_load_idx %arg6[%parallel_loop3A_209] : memref<33792xf32, #tpu.memory_space<vmem>>[vector<16xi32>], vector<16xf32>,
      %parallel_loop3A_211 = arith.constant 16 : i32
      %parallel_loop3A_212 = arith.muli %parallel_loop3A_31, %parallel_loop3A_211 : i32
      %parallel_loop3A_213 = tpu.assume_multiple %parallel_loop3A_212, 16 : i32
      %parallel_loop3A_214 = arith.constant 15 : i32
      %parallel_loop3A_215 = arith.index_cast %parallel_loop3A_214 : i32 to index
      %parallel_loop3A_216 = arith.index_cast %parallel_loop3A_213 : i32 to index
      %parallel_loop3A_217 = tpu.vector_load %arg11[%parallel_loop3A_215, %parallel_loop3A_216] {strides = array<i32>} : memref<32x1024xf32, #tpu.memory_space<vmem>>, vector<16xf32>,
      tpu.vector_store %arg11[%parallel_loop3A_215, %parallel_loop3A_216], %parallel_loop3A_210 {strides = array<i32>} : memref<32x1024xf32, #tpu.memory_space<vmem>>, vector<16xf32>,
      %parallel_loop3A_218 = arith.constant 16 : i32
      %parallel_loop3A_219 = vector.broadcast %parallel_loop3A_218 : i32 to vector<16xi32>
      %parallel_loop3A_220 = arith.addi %parallel_loop3A_41, %parallel_loop3A_219 : vector<16xi32>
      %parallel_loop3A_221 = tpu.vector_load_idx %arg6[%parallel_loop3A_220] : memref<33792xf32, #tpu.memory_space<vmem>>[vector<16xi32>], vector<16xf32>,
      %parallel_loop3A_222 = arith.constant 16 : i32
      %parallel_loop3A_223 = arith.muli %parallel_loop3A_31, %parallel_loop3A_222 : i32
      %parallel_loop3A_224 = tpu.assume_multiple %parallel_loop3A_223, 16 : i32
      %parallel_loop3A_225 = arith.constant 16 : i32
      %parallel_loop3A_226 = arith.index_cast %parallel_loop3A_225 : i32 to index
      %parallel_loop3A_227 = arith.index_cast %parallel_loop3A_224 : i32 to index
      %parallel_loop3A_228 = tpu.vector_load %arg11[%parallel_loop3A_226, %parallel_loop3A_227] {strides = array<i32>} : memref<32x1024xf32, #tpu.memory_space<vmem>>, vector<16xf32>,
      tpu.vector_store %arg11[%parallel_loop3A_226, %parallel_loop3A_227], %parallel_loop3A_221 {strides = array<i32>} : memref<32x1024xf32, #tpu.memory_space<vmem>>, vector<16xf32>,
      %parallel_loop3A_229 = arith.constant 17 : i32
      %parallel_loop3A_230 = vector.broadcast %parallel_loop3A_229 : i32 to vector<16xi32>
      %parallel_loop3A_231 = arith.addi %parallel_loop3A_41, %parallel_loop3A_230 : vector<16xi32>
      %parallel_loop3A_232 = tpu.vector_load_idx %arg6[%parallel_loop3A_231] : memref<33792xf32, #tpu.memory_space<vmem>>[vector<16xi32>], vector<16xf32>,
      %parallel_loop3A_233 = arith.constant 16 : i32
      %parallel_loop3A_234 = arith.muli %parallel_loop3A_31, %parallel_loop3A_233 : i32
      %parallel_loop3A_235 = tpu.assume_multiple %parallel_loop3A_234, 16 : i32
      %parallel_loop3A_236 = arith.constant 17 : i32
      %parallel_loop3A_237 = arith.index_cast %parallel_loop3A_236 : i32 to index
      %parallel_loop3A_238 = arith.index_cast %parallel_loop3A_235 : i32 to index
      %parallel_loop3A_239 = tpu.vector_load %arg11[%parallel_loop3A_237, %parallel_loop3A_238] {strides = array<i32>} : memref<32x1024xf32, #tpu.memory_space<vmem>>, vector<16xf32>,
      tpu.vector_store %arg11[%parallel_loop3A_237, %parallel_loop3A_238], %parallel_loop3A_232 {strides = array<i32>} : memref<32x1024xf32, #tpu.memory_space<vmem>>, vector<16xf32>,
      %parallel_loop3A_240 = arith.constant 18 : i32
      %parallel_loop3A_241 = vector.broadcast %parallel_loop3A_240 : i32 to vector<16xi32>
      %parallel_loop3A_242 = arith.addi %parallel_loop3A_41, %parallel_loop3A_241 : vector<16xi32>
      %parallel_loop3A_243 = tpu.vector_load_idx %arg6[%parallel_loop3A_242] : memref<33792xf32, #tpu.memory_space<vmem>>[vector<16xi32>], vector<16xf32>,
      %parallel_loop3A_244 = arith.constant 16 : i32
      %parallel_loop3A_245 = arith.muli %parallel_loop3A_31, %parallel_loop3A_244 : i32
      %parallel_loop3A_246 = tpu.assume_multiple %parallel_loop3A_245, 16 : i32
      %parallel_loop3A_247 = arith.constant 18 : i32
      %parallel_loop3A_248 = arith.index_cast %parallel_loop3A_247 : i32 to index
      %parallel_loop3A_249 = arith.index_cast %parallel_loop3A_246 : i32 to index
      %parallel_loop3A_250 = tpu.vector_load %arg11[%parallel_loop3A_248, %parallel_loop3A_249] {strides = array<i32>} : memref<32x1024xf32, #tpu.memory_space<vmem>>, vector<16xf32>,
      tpu.vector_store %arg11[%parallel_loop3A_248, %parallel_loop3A_249], %parallel_loop3A_243 {strides = array<i32>} : memref<32x1024xf32, #tpu.memory_space<vmem>>, vector<16xf32>,
      %parallel_loop3A_251 = arith.constant 19 : i32
      %parallel_loop3A_252 = vector.broadcast %parallel_loop3A_251 : i32 to vector<16xi32>
      %parallel_loop3A_253 = arith.addi %parallel_loop3A_41, %parallel_loop3A_252 : vector<16xi32>
      %parallel_loop3A_254 = tpu.vector_load_idx %arg6[%parallel_loop3A_253] : memref<33792xf32, #tpu.memory_space<vmem>>[vector<16xi32>], vector<16xf32>,
      %parallel_loop3A_255 = arith.constant 16 : i32
      %parallel_loop3A_256 = arith.muli %parallel_loop3A_31, %parallel_loop3A_255 : i32
      %parallel_loop3A_257 = tpu.assume_multiple %parallel_loop3A_256, 16 : i32
      %parallel_loop3A_258 = arith.constant 19 : i32
      %parallel_loop3A_259 = arith.index_cast %parallel_loop3A_258 : i32 to index
      %parallel_loop3A_260 = arith.index_cast %parallel_loop3A_257 : i32 to index
      %parallel_loop3A_261 = tpu.vector_load %arg11[%parallel_loop3A_259, %parallel_loop3A_260] {strides = array<i32>} : memref<32x1024xf32, #tpu.memory_space<vmem>>, vector<16xf32>,
      tpu.vector_store %arg11[%parallel_loop3A_259, %parallel_loop3A_260], %parallel_loop3A_254 {strides = array<i32>} : memref<32x1024xf32, #tpu.memory_space<vmem>>, vector<16xf32>,
      %parallel_loop3A_262 = arith.constant 20 : i32
      %parallel_loop3A_263 = vector.broadcast %parallel_loop3A_262 : i32 to vector<16xi32>
      %parallel_loop3A_264 = arith.addi %parallel_loop3A_41, %parallel_loop3A_263 : vector<16xi32>
      %parallel_loop3A_265 = tpu.vector_load_idx %arg6[%parallel_loop3A_264] : memref<33792xf32, #tpu.memory_space<vmem>>[vector<16xi32>], vector<16xf32>,
      %parallel_loop3A_266 = arith.constant 16 : i32
      %parallel_loop3A_267 = arith.muli %parallel_loop3A_31, %parallel_loop3A_266 : i32
      %parallel_loop3A_268 = tpu.assume_multiple %parallel_loop3A_267, 16 : i32
      %parallel_loop3A_269 = arith.constant 20 : i32
      %parallel_loop3A_270 = arith.index_cast %parallel_loop3A_269 : i32 to index
      %parallel_loop3A_271 = arith.index_cast %parallel_loop3A_268 : i32 to index
      %parallel_loop3A_272 = tpu.vector_load %arg11[%parallel_loop3A_270, %parallel_loop3A_271] {strides = array<i32>} : memref<32x1024xf32, #tpu.memory_space<vmem>>, vector<16xf32>,
      tpu.vector_store %arg11[%parallel_loop3A_270, %parallel_loop3A_271], %parallel_loop3A_265 {strides = array<i32>} : memref<32x1024xf32, #tpu.memory_space<vmem>>, vector<16xf32>,
      %parallel_loop3A_273 = arith.constant 21 : i32
      %parallel_loop3A_274 = vector.broadcast %parallel_loop3A_273 : i32 to vector<16xi32>
      %parallel_loop3A_275 = arith.addi %parallel_loop3A_41, %parallel_loop3A_274 : vector<16xi32>
      %parallel_loop3A_276 = tpu.vector_load_idx %arg6[%parallel_loop3A_275] : memref<33792xf32, #tpu.memory_space<vmem>>[vector<16xi32>], vector<16xf32>,
      %parallel_loop3A_277 = arith.constant 16 : i32
      %parallel_loop3A_278 = arith.muli %parallel_loop3A_31, %parallel_loop3A_277 : i32
      %parallel_loop3A_279 = tpu.assume_multiple %parallel_loop3A_278, 16 : i32
      %parallel_loop3A_280 = arith.constant 21 : i32
      %parallel_loop3A_281 = arith.index_cast %parallel_loop3A_280 : i32 to index
      %parallel_loop3A_282 = arith.index_cast %parallel_loop3A_279 : i32 to index
      %parallel_loop3A_283 = tpu.vector_load %arg11[%parallel_loop3A_281, %parallel_loop3A_282] {strides = array<i32>} : memref<32x1024xf32, #tpu.memory_space<vmem>>, vector<16xf32>,
      tpu.vector_store %arg11[%parallel_loop3A_281, %parallel_loop3A_282], %parallel_loop3A_276 {strides = array<i32>} : memref<32x1024xf32, #tpu.memory_space<vmem>>, vector<16xf32>,
      %parallel_loop3A_284 = arith.constant 22 : i32
      %parallel_loop3A_285 = vector.broadcast %parallel_loop3A_284 : i32 to vector<16xi32>
      %parallel_loop3A_286 = arith.addi %parallel_loop3A_41, %parallel_loop3A_285 : vector<16xi32>
      %parallel_loop3A_287 = tpu.vector_load_idx %arg6[%parallel_loop3A_286] : memref<33792xf32, #tpu.memory_space<vmem>>[vector<16xi32>], vector<16xf32>,
      %parallel_loop3A_288 = arith.constant 16 : i32
      %parallel_loop3A_289 = arith.muli %parallel_loop3A_31, %parallel_loop3A_288 : i32
      %parallel_loop3A_290 = tpu.assume_multiple %parallel_loop3A_289, 16 : i32
      %parallel_loop3A_291 = arith.constant 22 : i32
      %parallel_loop3A_292 = arith.index_cast %parallel_loop3A_291 : i32 to index
      %parallel_loop3A_293 = arith.index_cast %parallel_loop3A_290 : i32 to index
      %parallel_loop3A_294 = tpu.vector_load %arg11[%parallel_loop3A_292, %parallel_loop3A_293] {strides = array<i32>} : memref<32x1024xf32, #tpu.memory_space<vmem>>, vector<16xf32>,
      tpu.vector_store %arg11[%parallel_loop3A_292, %parallel_loop3A_293], %parallel_loop3A_287 {strides = array<i32>} : memref<32x1024xf32, #tpu.memory_space<vmem>>, vector<16xf32>,
      %parallel_loop3A_295 = arith.constant 23 : i32
      %parallel_loop3A_296 = vector.broadcast %parallel_loop3A_295 : i32 to vector<16xi32>
      %parallel_loop3A_297 = arith.addi %parallel_loop3A_41, %parallel_loop3A_296 : vector<16xi32>
      %parallel_loop3A_298 = tpu.vector_load_idx %arg6[%parallel_loop3A_297] : memref<33792xf32, #tpu.memory_space<vmem>>[vector<16xi32>], vector<16xf32>,
      %parallel_loop3A_299 = arith.constant 16 : i32
      %parallel_loop3A_300 = arith.muli %parallel_loop3A_31, %parallel_loop3A_299 : i32
      %parallel_loop3A_301 = tpu.assume_multiple %parallel_loop3A_300, 16 : i32
      %parallel_loop3A_302 = arith.constant 23 : i32
      %parallel_loop3A_303 = arith.index_cast %parallel_loop3A_302 : i32 to index
      %parallel_loop3A_304 = arith.index_cast %parallel_loop3A_301 : i32 to index
      %parallel_loop3A_305 = tpu.vector_load %arg11[%parallel_loop3A_303, %parallel_loop3A_304] {strides = array<i32>} : memref<32x1024xf32, #tpu.memory_space<vmem>>, vector<16xf32>,
      tpu.vector_store %arg11[%parallel_loop3A_303, %parallel_loop3A_304], %parallel_loop3A_298 {strides = array<i32>} : memref<32x1024xf32, #tpu.memory_space<vmem>>, vector<16xf32>,
      %parallel_loop3A_306 = arith.constant 24 : i32
      %parallel_loop3A_307 = vector.broadcast %parallel_loop3A_306 : i32 to vector<16xi32>
      %parallel_loop3A_308 = arith.addi %parallel_loop3A_41, %parallel_loop3A_307 : vector<16xi32>
      %parallel_loop3A_309 = tpu.vector_load_idx %arg6[%parallel_loop3A_308] : memref<33792xf32, #tpu.memory_space<vmem>>[vector<16xi32>], vector<16xf32>,
      %parallel_loop3A_310 = arith.constant 16 : i32
      %parallel_loop3A_311 = arith.muli %parallel_loop3A_31, %parallel_loop3A_310 : i32
      %parallel_loop3A_312 = tpu.assume_multiple %parallel_loop3A_311, 16 : i32
      %parallel_loop3A_313 = arith.constant 24 : i32
      %parallel_loop3A_314 = arith.index_cast %parallel_loop3A_313 : i32 to index
      %parallel_loop3A_315 = arith.index_cast %parallel_loop3A_312 : i32 to index
      %parallel_loop3A_316 = tpu.vector_load %arg11[%parallel_loop3A_314, %parallel_loop3A_315] {strides = array<i32>} : memref<32x1024xf32, #tpu.memory_space<vmem>>, vector<16xf32>,
      tpu.vector_store %arg11[%parallel_loop3A_314, %parallel_loop3A_315], %parallel_loop3A_309 {strides = array<i32>} : memref<32x1024xf32, #tpu.memory_space<vmem>>, vector<16xf32>,
      %parallel_loop3A_317 = arith.constant 25 : i32
      %parallel_loop3A_318 = vector.broadcast %parallel_loop3A_317 : i32 to vector<16xi32>
      %parallel_loop3A_319 = arith.addi %parallel_loop3A_41, %parallel_loop3A_318 : vector<16xi32>
      %parallel_loop3A_320 = tpu.vector_load_idx %arg6[%parallel_loop3A_319] : memref<33792xf32, #tpu.memory_space<vmem>>[vector<16xi32>], vector<16xf32>,
      %parallel_loop3A_321 = arith.constant 16 : i32
      %parallel_loop3A_322 = arith.muli %parallel_loop3A_31, %parallel_loop3A_321 : i32
      %parallel_loop3A_323 = tpu.assume_multiple %parallel_loop3A_322, 16 : i32
      %parallel_loop3A_324 = arith.constant 25 : i32
      %parallel_loop3A_325 = arith.index_cast %parallel_loop3A_324 : i32 to index
      %parallel_loop3A_326 = arith.index_cast %parallel_loop3A_323 : i32 to index
      %parallel_loop3A_327 = tpu.vector_load %arg11[%parallel_loop3A_325, %parallel_loop3A_326] {strides = array<i32>} : memref<32x1024xf32, #tpu.memory_space<vmem>>, vector<16xf32>,
      tpu.vector_store %arg11[%parallel_loop3A_325, %parallel_loop3A_326], %parallel_loop3A_320 {strides = array<i32>} : memref<32x1024xf32, #tpu.memory_space<vmem>>, vector<16xf32>,
      %parallel_loop3A_328 = arith.constant 26 : i32
      %parallel_loop3A_329 = vector.broadcast %parallel_loop3A_328 : i32 to vector<16xi32>
      %parallel_loop3A_330 = arith.addi %parallel_loop3A_41, %parallel_loop3A_329 : vector<16xi32>
      %parallel_loop3A_331 = tpu.vector_load_idx %arg6[%parallel_loop3A_330] : memref<33792xf32, #tpu.memory_space<vmem>>[vector<16xi32>], vector<16xf32>,
      %parallel_loop3A_332 = arith.constant 16 : i32
      %parallel_loop3A_333 = arith.muli %parallel_loop3A_31, %parallel_loop3A_332 : i32
      %parallel_loop3A_334 = tpu.assume_multiple %parallel_loop3A_333, 16 : i32
      %parallel_loop3A_335 = arith.constant 26 : i32
      %parallel_loop3A_336 = arith.index_cast %parallel_loop3A_335 : i32 to index
      %parallel_loop3A_337 = arith.index_cast %parallel_loop3A_334 : i32 to index
      %parallel_loop3A_338 = tpu.vector_load %arg11[%parallel_loop3A_336, %parallel_loop3A_337] {strides = array<i32>} : memref<32x1024xf32, #tpu.memory_space<vmem>>, vector<16xf32>,
      tpu.vector_store %arg11[%parallel_loop3A_336, %parallel_loop3A_337], %parallel_loop3A_331 {strides = array<i32>} : memref<32x1024xf32, #tpu.memory_space<vmem>>, vector<16xf32>,
      %parallel_loop3A_339 = arith.constant 27 : i32
      %parallel_loop3A_340 = vector.broadcast %parallel_loop3A_339 : i32 to vector<16xi32>
      %parallel_loop3A_341 = arith.addi %parallel_loop3A_41, %parallel_loop3A_340 : vector<16xi32>
      %parallel_loop3A_342 = tpu.vector_load_idx %arg6[%parallel_loop3A_341] : memref<33792xf32, #tpu.memory_space<vmem>>[vector<16xi32>], vector<16xf32>,
      %parallel_loop3A_343 = arith.constant 16 : i32
      %parallel_loop3A_344 = arith.muli %parallel_loop3A_31, %parallel_loop3A_343 : i32
      %parallel_loop3A_345 = tpu.assume_multiple %parallel_loop3A_344, 16 : i32
      %parallel_loop3A_346 = arith.constant 27 : i32
      %parallel_loop3A_347 = arith.index_cast %parallel_loop3A_346 : i32 to index
      %parallel_loop3A_348 = arith.index_cast %parallel_loop3A_345 : i32 to index
      %parallel_loop3A_349 = tpu.vector_load %arg11[%parallel_loop3A_347, %parallel_loop3A_348] {strides = array<i32>} : memref<32x1024xf32, #tpu.memory_space<vmem>>, vector<16xf32>,
      tpu.vector_store %arg11[%parallel_loop3A_347, %parallel_loop3A_348], %parallel_loop3A_342 {strides = array<i32>} : memref<32x1024xf32, #tpu.memory_space<vmem>>, vector<16xf32>,
      %parallel_loop3A_350 = arith.constant 28 : i32
      %parallel_loop3A_351 = vector.broadcast %parallel_loop3A_350 : i32 to vector<16xi32>
      %parallel_loop3A_352 = arith.addi %parallel_loop3A_41, %parallel_loop3A_351 : vector<16xi32>
      %parallel_loop3A_353 = tpu.vector_load_idx %arg6[%parallel_loop3A_352] : memref<33792xf32, #tpu.memory_space<vmem>>[vector<16xi32>], vector<16xf32>,
      %parallel_loop3A_354 = arith.constant 16 : i32
      %parallel_loop3A_355 = arith.muli %parallel_loop3A_31, %parallel_loop3A_354 : i32
      %parallel_loop3A_356 = tpu.assume_multiple %parallel_loop3A_355, 16 : i32
      %parallel_loop3A_357 = arith.constant 28 : i32
      %parallel_loop3A_358 = arith.index_cast %parallel_loop3A_357 : i32 to index
      %parallel_loop3A_359 = arith.index_cast %parallel_loop3A_356 : i32 to index
      %parallel_loop3A_360 = tpu.vector_load %arg11[%parallel_loop3A_358, %parallel_loop3A_359] {strides = array<i32>} : memref<32x1024xf32, #tpu.memory_space<vmem>>, vector<16xf32>,
      tpu.vector_store %arg11[%parallel_loop3A_358, %parallel_loop3A_359], %parallel_loop3A_353 {strides = array<i32>} : memref<32x1024xf32, #tpu.memory_space<vmem>>, vector<16xf32>,
      %parallel_loop3A_361 = arith.constant 29 : i32
      %parallel_loop3A_362 = vector.broadcast %parallel_loop3A_361 : i32 to vector<16xi32>
      %parallel_loop3A_363 = arith.addi %parallel_loop3A_41, %parallel_loop3A_362 : vector<16xi32>
      %parallel_loop3A_364 = tpu.vector_load_idx %arg6[%parallel_loop3A_363] : memref<33792xf32, #tpu.memory_space<vmem>>[vector<16xi32>], vector<16xf32>,
      %parallel_loop3A_365 = arith.constant 16 : i32
      %parallel_loop3A_366 = arith.muli %parallel_loop3A_31, %parallel_loop3A_365 : i32
      %parallel_loop3A_367 = tpu.assume_multiple %parallel_loop3A_366, 16 : i32
      %parallel_loop3A_368 = arith.constant 29 : i32
      %parallel_loop3A_369 = arith.index_cast %parallel_loop3A_368 : i32 to index
      %parallel_loop3A_370 = arith.index_cast %parallel_loop3A_367 : i32 to index
      %parallel_loop3A_371 = tpu.vector_load %arg11[%parallel_loop3A_369, %parallel_loop3A_370] {strides = array<i32>} : memref<32x1024xf32, #tpu.memory_space<vmem>>, vector<16xf32>,
      tpu.vector_store %arg11[%parallel_loop3A_369, %parallel_loop3A_370], %parallel_loop3A_364 {strides = array<i32>} : memref<32x1024xf32, #tpu.memory_space<vmem>>, vector<16xf32>,
      %parallel_loop3A_372 = arith.constant 30 : i32
      %parallel_loop3A_373 = vector.broadcast %parallel_loop3A_372 : i32 to vector<16xi32>
      %parallel_loop3A_374 = arith.addi %parallel_loop3A_41, %parallel_loop3A_373 : vector<16xi32>
      %parallel_loop3A_375 = tpu.vector_load_idx %arg6[%parallel_loop3A_374] : memref<33792xf32, #tpu.memory_space<vmem>>[vector<16xi32>], vector<16xf32>,
      %parallel_loop3A_376 = arith.constant 16 : i32
      %parallel_loop3A_377 = arith.muli %parallel_loop3A_31, %parallel_loop3A_376 : i32
      %parallel_loop3A_378 = tpu.assume_multiple %parallel_loop3A_377, 16 : i32
      %parallel_loop3A_379 = arith.constant 30 : i32
      %parallel_loop3A_380 = arith.index_cast %parallel_loop3A_379 : i32 to index
      %parallel_loop3A_381 = arith.index_cast %parallel_loop3A_378 : i32 to index
      %parallel_loop3A_382 = tpu.vector_load %arg11[%parallel_loop3A_380, %parallel_loop3A_381] {strides = array<i32>} : memref<32x1024xf32, #tpu.memory_space<vmem>>, vector<16xf32>,
      tpu.vector_store %arg11[%parallel_loop3A_380, %parallel_loop3A_381], %parallel_loop3A_375 {strides = array<i32>} : memref<32x1024xf32, #tpu.memory_space<vmem>>, vector<16xf32>,
      %parallel_loop3A_383 = arith.constant 31 : i32
      %parallel_loop3A_384 = vector.broadcast %parallel_loop3A_383 : i32 to vector<16xi32>
      %parallel_loop3A_385 = arith.addi %parallel_loop3A_41, %parallel_loop3A_384 : vector<16xi32>
      %parallel_loop3A_386 = tpu.vector_load_idx %arg6[%parallel_loop3A_385] : memref<33792xf32, #tpu.memory_space<vmem>>[vector<16xi32>], vector<16xf32>,
      %parallel_loop3A_387 = arith.constant 16 : i32
      %parallel_loop3A_388 = arith.muli %parallel_loop3A_31, %parallel_loop3A_387 : i32
      %parallel_loop3A_389 = tpu.assume_multiple %parallel_loop3A_388, 16 : i32
      %parallel_loop3A_390 = arith.constant 31 : i32
      %parallel_loop3A_391 = arith.index_cast %parallel_loop3A_390 : i32 to index
      %parallel_loop3A_392 = arith.index_cast %parallel_loop3A_389 : i32 to index
      %parallel_loop3A_393 = tpu.vector_load %arg11[%parallel_loop3A_391, %parallel_loop3A_392] {strides = array<i32>} : memref<32x1024xf32, #tpu.memory_space<vmem>>, vector<16xf32>,
      tpu.vector_store %arg11[%parallel_loop3A_391, %parallel_loop3A_392], %parallel_loop3A_386 {strides = array<i32>} : memref<32x1024xf32, #tpu.memory_space<vmem>>, vector<16xf32>,
    } {sc.loop_unroll_factor = 4 : i64, sc.parallel_access}
    %mul3A_19 = arith.constant 2 : i32
    %mul3A_20 = arith.muli %add3A, %mul3A_19 : i32
    %add3A_21 = arith.constant 1 : i32
    %add3A_22 = arith.addi %mul3A_20, %add3A_21 : i32
    "tpu.region"() ({
      %run_scoped3A = tpu.sem_alloc : memref<!tpu.dma_semaphore, #tpu.memory_space<semaphore_mem>>
      %dma_start3A = arith.constant 0 : i32
      %dma_start3A_31 = arith.constant 0 : i32
      %dma_start3A_32 = tpu.memref_slice %arg4[%add3A_22, %dma_start3A, %dma_start3A_31] : memref<64x32x1024xf32, #tpu.memory_space<hbm>> -> memref<1x32x1024xf32, #tpu.memory_space<hbm>>
      %dma_start3A_33 = tpu.memref_squeeze %dma_start3A_32 : memref<1x32x1024xf32, #tpu.memory_space<hbm>> -> memref<32x1024xf32, #tpu.memory_space<hbm>>
      %dma_start3A_34 = arith.constant 0 : i32
      %dma_start3A_35 = arith.constant 0 : i32
      %dma_start3A_36 = tpu.memref_slice %arg4[%add3A_22, %dma_start3A_34, %dma_start3A_35] : memref<64x32x1024xf32, #tpu.memory_space<hbm>> -> memref<1x32x1024xf32, #tpu.memory_space<hbm>>
      %dma_start3A_37 = tpu.memref_squeeze %dma_start3A_36 : memref<1x32x1024xf32, #tpu.memory_space<hbm>> -> memref<32x1024xf32, #tpu.memory_space<hbm>>
      tpu.enqueue_dma source(%arg11 : memref<32x1024xf32, #tpu.memory_space<vmem>>) target(%dma_start3A_37 : memref<32x1024xf32, #tpu.memory_space<hbm>>) target_semaphore(%run_scoped3A : memref<!tpu.dma_semaphore, #tpu.memory_space<semaphore_mem>>)
      %dma_wait3A = arith.constant 0 : i32
      %dma_wait3A_38 = arith.constant 0 : i32
      %dma_wait3A_39 = tpu.memref_slice %arg4[%add3A_22, %dma_wait3A, %dma_wait3A_38] : memref<64x32x1024xf32, #tpu.memory_space<hbm>> -> memref<1x32x1024xf32, #tpu.memory_space<hbm>>
      %dma_wait3A_40 = tpu.memref_squeeze %dma_wait3A_39 : memref<1x32x1024xf32, #tpu.memory_space<hbm>> -> memref<32x1024xf32, #tpu.memory_space<hbm>>
      %dma_wait3A_41 = arith.constant 0 : i32
      %dma_wait3A_42 = arith.constant 0 : i32
      %dma_wait3A_43 = tpu.memref_slice %arg4[%add3A_22, %dma_wait3A_41, %dma_wait3A_42] : memref<64x32x1024xf32, #tpu.memory_space<hbm>> -> memref<1x32x1024xf32, #tpu.memory_space<hbm>>
      %dma_wait3A_44 = tpu.memref_squeeze %dma_wait3A_43 : memref<1x32x1024xf32, #tpu.memory_space<hbm>> -> memref<32x1024xf32, #tpu.memory_space<hbm>>
      tpu.wait_dma2 semaphore(%run_scoped3A : memref<!tpu.dma_semaphore, #tpu.memory_space<semaphore_mem>>) src(%arg11 : memref<32x1024xf32, #tpu.memory_space<vmem>>) dst(%dma_wait3A_44 : memref<32x1024xf32, #tpu.memory_space<hbm>>)
      tpu.yield
    }) : () -> ()
    %barrier3A_23 = arith.constant 0 : index
    tpu.barrier barrier_id(%barrier3A_23)
    %eq3A_24 = arith.constant 0 : i32
    %eq3A_25 = arith.cmpi eq, %arg1, %eq3A_24 : i32
    %eq3A_26 = arith.constant 0 : i32
    %eq3A_27 = arith.cmpi eq, %arg0, %eq3A_26 : i32
    %and3A = arith.andi %eq3A_25, %eq3A_27 : i1
    %convert_element_type3A_28 = arith.extui %and3A : i1 to i32
    %cond3A_29 = arith.constant 0 : i32
    %cond3A_30 = arith.cmpi ne, %convert_element_type3A_28, %cond3A_29 : i32
    scf.if %cond3A_30 {
      "tpu.region"() ({
        %run_scoped3A = tpu.sem_alloc : memref<!tpu.dma_semaphore, #tpu.memory_space<semaphore_mem>>
        tpu.enqueue_dma source(%arg14 : memref<1024xf32, #tpu.memory_space<vmem_shared>>) target(%arg12 : memref<1024xf32, #tpu.memory_space<vmem>>) target_semaphore(%run_scoped3A : memref<!tpu.dma_semaphore, #tpu.memory_space<semaphore_mem>>)
        tpu.wait_dma2 semaphore(%run_scoped3A : memref<!tpu.dma_semaphore, #tpu.memory_space<semaphore_mem>>) src(%arg14 : memref<1024xf32, #tpu.memory_space<vmem_shared>>) dst(%arg12 : memref<1024xf32, #tpu.memory_space<vmem>>)
        tpu.yield
      }) : () -> ()
      %broadcast_in_dim3A = arith.constant 0.000000e+00 : f32
      %broadcast_in_dim3A_31 = vector.broadcast %broadcast_in_dim3A : f32 to vector<16xf32>
      %scan3A = arith.constant 0 : i32
      %scan3A_32 = arith.constant 64 : i32
      %scan3A_33 = arith.addi %scan3A, %scan3A_32 : i32
      %scan3A_34 = arith.constant 1 : i32
      %scan3A_35 = scf.for %scan3A_43 = %scan3A to %scan3A_33 step %scan3A_34 iter_args(%scan3A_44 = %broadcast_in_dim3A_31) -> (vector<16xf32>)  : i32 {
        %mul3A_45 = arith.constant 16 : i32
        %mul3A_46 = arith.muli %scan3A_43, %mul3A_45 : i32
        %multiple_of3A = tpu.assume_multiple %mul3A_46, 16 : i32
        %get3A = arith.index_cast %multiple_of3A : i32 to index
        %get3A_47 = tpu.vector_load %arg12[%get3A] {strides = array<i32>} : memref<1024xf32, #tpu.memory_space<vmem>>, vector<16xf32>,
        %gt3A = arith.constant 0.000000e+00 : f32
        %gt3A_48 = vector.broadcast %gt3A : f32 to vector<16xf32>
        %gt3A_49 = arith.cmpf ogt, %get3A_47, %gt3A_48 : vector<16xf32>
        %jit3A = arith.constant 1.000000e+00 : f32
        %jit3A_50 = arith.constant 0.000000e+00 : f32
        %broadcast_in_dim3A_51 = vector.broadcast %jit3A : f32 to vector<16xf32>
        %broadcast_in_dim3A_52 = vector.broadcast %jit3A_50 : f32 to vector<16xf32>
        %select_n3A = arith.select %gt3A_49, %broadcast_in_dim3A_51, %broadcast_in_dim3A_52 : vector<16xi1>, vector<16xf32>
        %add3A_53 = arith.addf %scan3A_44, %select_n3A : vector<16xf32>
        scf.yield %add3A_53 : vector<16xf32>
      }
      %scan3A_36 = arith.constant 64 : i32
      %reduce_sum3A = arith.constant true
      %reduce_sum3A_37 = vector.broadcast %reduce_sum3A : i1 to vector<16xi1>
      %reduce_sum3A_38 = tpu.scan <sum>, %scan3A_35 masked %reduce_sum3A_37 : vector<16xf32>, vector<16xi1> -> vector<16xf32>
      %reduce_sum3A_39 = vector.extract %reduce_sum3A_38[15] : f32 from vector<16xf32>
      %convert_element_type3A_40 = arith.fptosi %reduce_sum3A_39 : f32 to i32
      %broadcast_in_dim3A_41 = vector.broadcast %convert_element_type3A_40 : i32 to vector<16xi32>
      %swap3A = arith.constant 0 : index
      %swap3A_42 = tpu.vector_load %arg13[%swap3A] {strides = array<i32>} : memref<16xi32, #tpu.memory_space<vmem>>, vector<16xi32>,
      tpu.vector_store %arg13[%swap3A], %broadcast_in_dim3A_41 {strides = array<i32>} : memref<16xi32, #tpu.memory_space<vmem>>, vector<16xi32>,
      "tpu.region"() ({
        %run_scoped3A = tpu.sem_alloc : memref<!tpu.dma_semaphore, #tpu.memory_space<semaphore_mem>>
        tpu.enqueue_dma source(%arg13 : memref<16xi32, #tpu.memory_space<vmem>>) target(%arg5 : memref<16xi32, #tpu.memory_space<hbm>>) target_semaphore(%run_scoped3A : memref<!tpu.dma_semaphore, #tpu.memory_space<semaphore_mem>>)
        tpu.wait_dma2 semaphore(%run_scoped3A : memref<!tpu.dma_semaphore, #tpu.memory_space<semaphore_mem>>) src(%arg13 : memref<16xi32, #tpu.memory_space<vmem>>) dst(%arg5 : memref<16xi32, #tpu.memory_space<hbm>>)
        tpu.yield
      }) : () -> ()
    } else {
    }
    return
  }
}

module attributes {stable_mosaic.version = 14 : i64} {
  func.func @_tc_body(%arg0: i32, %arg1: memref<8x32x1024xf32, #tpu.memory_space<vmem>>, %arg2: memref<1024x32xf32, #tpu.memory_space<vmem>>, %arg3: memref<8x1x1024xi32, #tpu.memory_space<vmem>>, %arg4: memref<1x1xf32, #tpu.memory_space<smem>>, %arg5: memref<1x1xf32, #tpu.memory_space<smem>>) attributes {dimension_semantics = [#tpu.dimension_semantics<arbitrary>], iteration_bounds = array<i64: 8>, scalar_prefetch = 0 : i64, scratch_operands = 1 : i64, tpu.core_type = #tpu.core_type<tc>, window_params = [{transform_indices = @transform_0, window_bounds = array<i64: 8, 32, 1024>}, {pipeline_mode = #tpu.pipeline_mode<synchronous>, transform_indices = @transform_1, window_bounds = array<i64: 1024, 32>}, {transform_indices = @transform_2, window_bounds = array<i64: 8, 1, 1024>}, {transform_indices = @transform_3, window_bounds = array<i64: 1, 1>}]} {
    %get3A = arith.constant 0 : index
    %get3A_0 = arith.constant 0 : index
    %get3A_1 = vector.load %arg2[%get3A, %get3A_0] : memref<1024x32xf32, #tpu.memory_space<vmem>>, vector<1024x32xf32>
    %mul3A = arith.mulf %get3A_1, %get3A_1 : vector<1024x32xf32>
    %reduce_sum3A = arith.constant dense<0.000000e+00> : vector<1024xf32>
    %reduce_sum3A_2 = vector.multi_reduction <add>, %mul3A, %reduce_sum3A [1] : vector<1024x32xf32> to vector<1024xf32>
    %broadcast_in_dim3A = vector.shape_cast %reduce_sum3A_2 : vector<1024xf32> to vector<1024x1xf32>
    %get3A_3 = arith.constant 0 : index
    %get3A_4 = arith.constant 0 : index
    %get3A_5 = arith.constant 0 : index
    %get3A_6 = vector.load %arg1[%get3A_3, %get3A_4, %get3A_5] : memref<8x32x1024xf32, #tpu.memory_space<vmem>>, vector<1x32x1024xf32>
    %get3A_7 = vector.shape_cast %get3A_6 : vector<1x32x1024xf32> to vector<32x1024xf32>
    %dot_general3A = arith.constant dense<0.000000e+00> : vector<1024x1024xf32>
    %dot_general3A_8 = tpu.matmul %get3A_1, %get3A_7, %dot_general3A {dimension_numbers = #tpu.dot_dimension_numbers<[1], [0], [0], [1], [0, 0, 1, 1], [], []>, transpose_lhs_hint = false} : vector<1024x32xf32>, vector<32x1024xf32>, vector<1024x1024xf32> -> vector<1024x1024xf32>
    %mul3A_9 = arith.constant 5.000000e-01 : f32
    %mul3A_10 = vector.broadcast %mul3A_9 : f32 to vector<1024x1xf32>
    %mul3A_11 = arith.mulf %mul3A_10, %broadcast_in_dim3A : vector<1024x1xf32>
    %sub3A = vector.broadcast %mul3A_11 : vector<1024x1xf32> to vector<1024x1024xf32>
    %sub3A_12 = arith.subf %dot_general3A_8, %sub3A : vector<1024x1024xf32>
    %reduce_max3A = arith.constant dense<0xFF800000> : vector<1024xf32>
    %reduce_max3A_13 = vector.multi_reduction <maximumf>, %sub3A_12, %reduce_max3A [0] : vector<1024x1024xf32> to vector<1024xf32>
    %argmax3A = tpu.reduce_index %sub3A_12 {axis = 0 : i32, kind = #tpu.reduction_kind<arg_max>} : vector<1024x1024xf32> -> vector<1024xi32>
    %swap3A = arith.constant 0 : index
    %swap3A_14 = arith.constant 0 : index
    %swap3A_15 = arith.constant 0 : index
    %swap3A_16 = vector.load %arg3[%swap3A, %swap3A_14, %swap3A_15] : memref<8x1x1024xi32, #tpu.memory_space<vmem>>, vector<1x1x1024xi32>
    %swap3A_17 = vector.shape_cast %swap3A_16 : vector<1x1x1024xi32> to vector<1024xi32>
    %swap3A_18 = vector.shape_cast %argmax3A : vector<1024xi32> to vector<1x1x1024xi32>
    tpu.vector_store %arg3[%swap3A, %swap3A_14, %swap3A_15], %swap3A_18 {strides = array<i32>} : memref<8x1x1024xi32, #tpu.memory_space<vmem>>, vector<1x1x1024xi32>,
    %mul3A_19 = arith.mulf %get3A_7, %get3A_7 : vector<32x1024xf32>
    %reduce_sum3A_20 = vector.shape_cast %mul3A_19 : vector<32x1024xf32> to vector<1x32x1024xf32>
    %reduce_sum3A_21 = arith.constant dense<0.000000e+00> : vector<1xf32>
    %reduce_sum3A_22 = vector.multi_reduction <add>, %reduce_sum3A_20, %reduce_sum3A_21 [1, 2] : vector<1x32x1024xf32> to vector<1xf32>
    %reduce_sum3A_23 = vector.shape_cast %reduce_sum3A_22 : vector<1xf32> to vector<1x1x1xf32>
    %reduce_sum3A_24 = vector.extract %reduce_sum3A_23[0, 0, 0] : f32 from vector<1x1x1xf32>
    %reduce_sum3A_25 = vector.shape_cast %reduce_max3A_13 : vector<1024xf32> to vector<1x1024xf32>
    %reduce_sum3A_26 = arith.constant dense<0.000000e+00> : vector<1xf32>
    %reduce_sum3A_27 = vector.multi_reduction <add>, %reduce_sum3A_25, %reduce_sum3A_26 [1] : vector<1x1024xf32> to vector<1xf32>
    %reduce_sum3A_28 = vector.shape_cast %reduce_sum3A_27 : vector<1xf32> to vector<1x1xf32>
    %reduce_sum3A_29 = vector.extract %reduce_sum3A_28[0, 0] : f32 from vector<1x1xf32>
    %mul3A_30 = arith.constant 2.000000e+00 : f32
    %mul3A_31 = arith.mulf %mul3A_30, %reduce_sum3A_29 : f32
    %sub3A_32 = arith.subf %reduce_sum3A_24, %mul3A_31 : f32
    %add3A = arith.constant 0.000000e+00 : f32
    %add3A_33 = arith.addf %add3A, %sub3A_32 : f32
    %get3A_34 = arith.constant 1 : index
    %get3A_35 = arith.constant 0 : index
    %get3A_36 = arith.constant 0 : index
    %get3A_37 = vector.load %arg1[%get3A_34, %get3A_35, %get3A_36] : memref<8x32x1024xf32, #tpu.memory_space<vmem>>, vector<1x32x1024xf32>
    %get3A_38 = vector.shape_cast %get3A_37 : vector<1x32x1024xf32> to vector<32x1024xf32>
    %dot_general3A_39 = arith.constant dense<0.000000e+00> : vector<1024x1024xf32>
    %dot_general3A_40 = tpu.matmul %get3A_1, %get3A_38, %dot_general3A_39 {dimension_numbers = #tpu.dot_dimension_numbers<[1], [0], [0], [1], [0, 0, 1, 1], [], []>, transpose_lhs_hint = false} : vector<1024x32xf32>, vector<32x1024xf32>, vector<1024x1024xf32> -> vector<1024x1024xf32>
    %mul3A_41 = arith.constant 5.000000e-01 : f32
    %mul3A_42 = vector.broadcast %mul3A_41 : f32 to vector<1024x1xf32>
    %mul3A_43 = arith.mulf %mul3A_42, %broadcast_in_dim3A : vector<1024x1xf32>
    %sub3A_44 = vector.broadcast %mul3A_43 : vector<1024x1xf32> to vector<1024x1024xf32>
    %sub3A_45 = arith.subf %dot_general3A_40, %sub3A_44 : vector<1024x1024xf32>
    %reduce_max3A_46 = arith.constant dense<0xFF800000> : vector<1024xf32>
    %reduce_max3A_47 = vector.multi_reduction <maximumf>, %sub3A_45, %reduce_max3A_46 [0] : vector<1024x1024xf32> to vector<1024xf32>
    %argmax3A_48 = tpu.reduce_index %sub3A_45 {axis = 0 : i32, kind = #tpu.reduction_kind<arg_max>} : vector<1024x1024xf32> -> vector<1024xi32>
    %swap3A_49 = arith.constant 1 : index
    %swap3A_50 = arith.constant 0 : index
    %swap3A_51 = arith.constant 0 : index
    %swap3A_52 = vector.load %arg3[%swap3A_49, %swap3A_50, %swap3A_51] : memref<8x1x1024xi32, #tpu.memory_space<vmem>>, vector<1x1x1024xi32>
    %swap3A_53 = vector.shape_cast %swap3A_52 : vector<1x1x1024xi32> to vector<1024xi32>
    %swap3A_54 = vector.shape_cast %argmax3A_48 : vector<1024xi32> to vector<1x1x1024xi32>
    tpu.vector_store %arg3[%swap3A_49, %swap3A_50, %swap3A_51], %swap3A_54 {strides = array<i32>} : memref<8x1x1024xi32, #tpu.memory_space<vmem>>, vector<1x1x1024xi32>,
    %mul3A_55 = arith.mulf %get3A_38, %get3A_38 : vector<32x1024xf32>
    %reduce_sum3A_56 = vector.shape_cast %mul3A_55 : vector<32x1024xf32> to vector<1x32x1024xf32>
    %reduce_sum3A_57 = arith.constant dense<0.000000e+00> : vector<1xf32>
    %reduce_sum3A_58 = vector.multi_reduction <add>, %reduce_sum3A_56, %reduce_sum3A_57 [1, 2] : vector<1x32x1024xf32> to vector<1xf32>
    %reduce_sum3A_59 = vector.shape_cast %reduce_sum3A_58 : vector<1xf32> to vector<1x1x1xf32>
    %reduce_sum3A_60 = vector.extract %reduce_sum3A_59[0, 0, 0] : f32 from vector<1x1x1xf32>
    %reduce_sum3A_61 = vector.shape_cast %reduce_max3A_47 : vector<1024xf32> to vector<1x1024xf32>
    %reduce_sum3A_62 = arith.constant dense<0.000000e+00> : vector<1xf32>
    %reduce_sum3A_63 = vector.multi_reduction <add>, %reduce_sum3A_61, %reduce_sum3A_62 [1] : vector<1x1024xf32> to vector<1xf32>
    %reduce_sum3A_64 = vector.shape_cast %reduce_sum3A_63 : vector<1xf32> to vector<1x1xf32>
    %reduce_sum3A_65 = vector.extract %reduce_sum3A_64[0, 0] : f32 from vector<1x1xf32>
    %mul3A_66 = arith.constant 2.000000e+00 : f32
    %mul3A_67 = arith.mulf %mul3A_66, %reduce_sum3A_65 : f32
    %sub3A_68 = arith.subf %reduce_sum3A_60, %mul3A_67 : f32
    %add3A_69 = arith.addf %add3A_33, %sub3A_68 : f32
    %get3A_70 = arith.constant 2 : index
    %get3A_71 = arith.constant 0 : index
    %get3A_72 = arith.constant 0 : index
    %get3A_73 = vector.load %arg1[%get3A_70, %get3A_71, %get3A_72] : memref<8x32x1024xf32, #tpu.memory_space<vmem>>, vector<1x32x1024xf32>
    %get3A_74 = vector.shape_cast %get3A_73 : vector<1x32x1024xf32> to vector<32x1024xf32>
    %dot_general3A_75 = arith.constant dense<0.000000e+00> : vector<1024x1024xf32>
    %dot_general3A_76 = tpu.matmul %get3A_1, %get3A_74, %dot_general3A_75 {dimension_numbers = #tpu.dot_dimension_numbers<[1], [0], [0], [1], [0, 0, 1, 1], [], []>, transpose_lhs_hint = false} : vector<1024x32xf32>, vector<32x1024xf32>, vector<1024x1024xf32> -> vector<1024x1024xf32>
    %mul3A_77 = arith.constant 5.000000e-01 : f32
    %mul3A_78 = vector.broadcast %mul3A_77 : f32 to vector<1024x1xf32>
    %mul3A_79 = arith.mulf %mul3A_78, %broadcast_in_dim3A : vector<1024x1xf32>
    %sub3A_80 = vector.broadcast %mul3A_79 : vector<1024x1xf32> to vector<1024x1024xf32>
    %sub3A_81 = arith.subf %dot_general3A_76, %sub3A_80 : vector<1024x1024xf32>
    %reduce_max3A_82 = arith.constant dense<0xFF800000> : vector<1024xf32>
    %reduce_max3A_83 = vector.multi_reduction <maximumf>, %sub3A_81, %reduce_max3A_82 [0] : vector<1024x1024xf32> to vector<1024xf32>
    %argmax3A_84 = tpu.reduce_index %sub3A_81 {axis = 0 : i32, kind = #tpu.reduction_kind<arg_max>} : vector<1024x1024xf32> -> vector<1024xi32>
    %swap3A_85 = arith.constant 2 : index
    %swap3A_86 = arith.constant 0 : index
    %swap3A_87 = arith.constant 0 : index
    %swap3A_88 = vector.load %arg3[%swap3A_85, %swap3A_86, %swap3A_87] : memref<8x1x1024xi32, #tpu.memory_space<vmem>>, vector<1x1x1024xi32>
    %swap3A_89 = vector.shape_cast %swap3A_88 : vector<1x1x1024xi32> to vector<1024xi32>
    %swap3A_90 = vector.shape_cast %argmax3A_84 : vector<1024xi32> to vector<1x1x1024xi32>
    tpu.vector_store %arg3[%swap3A_85, %swap3A_86, %swap3A_87], %swap3A_90 {strides = array<i32>} : memref<8x1x1024xi32, #tpu.memory_space<vmem>>, vector<1x1x1024xi32>,
    %mul3A_91 = arith.mulf %get3A_74, %get3A_74 : vector<32x1024xf32>
    %reduce_sum3A_92 = vector.shape_cast %mul3A_91 : vector<32x1024xf32> to vector<1x32x1024xf32>
    %reduce_sum3A_93 = arith.constant dense<0.000000e+00> : vector<1xf32>
    %reduce_sum3A_94 = vector.multi_reduction <add>, %reduce_sum3A_92, %reduce_sum3A_93 [1, 2] : vector<1x32x1024xf32> to vector<1xf32>
    %reduce_sum3A_95 = vector.shape_cast %reduce_sum3A_94 : vector<1xf32> to vector<1x1x1xf32>
    %reduce_sum3A_96 = vector.extract %reduce_sum3A_95[0, 0, 0] : f32 from vector<1x1x1xf32>
    %reduce_sum3A_97 = vector.shape_cast %reduce_max3A_83 : vector<1024xf32> to vector<1x1024xf32>
    %reduce_sum3A_98 = arith.constant dense<0.000000e+00> : vector<1xf32>
    %reduce_sum3A_99 = vector.multi_reduction <add>, %reduce_sum3A_97, %reduce_sum3A_98 [1] : vector<1x1024xf32> to vector<1xf32>
    %reduce_sum3A_100 = vector.shape_cast %reduce_sum3A_99 : vector<1xf32> to vector<1x1xf32>
    %reduce_sum3A_101 = vector.extract %reduce_sum3A_100[0, 0] : f32 from vector<1x1xf32>
    %mul3A_102 = arith.constant 2.000000e+00 : f32
    %mul3A_103 = arith.mulf %mul3A_102, %reduce_sum3A_101 : f32
    %sub3A_104 = arith.subf %reduce_sum3A_96, %mul3A_103 : f32
    %add3A_105 = arith.addf %add3A_69, %sub3A_104 : f32
    %get3A_106 = arith.constant 3 : index
    %get3A_107 = arith.constant 0 : index
    %get3A_108 = arith.constant 0 : index
    %get3A_109 = vector.load %arg1[%get3A_106, %get3A_107, %get3A_108] : memref<8x32x1024xf32, #tpu.memory_space<vmem>>, vector<1x32x1024xf32>
    %get3A_110 = vector.shape_cast %get3A_109 : vector<1x32x1024xf32> to vector<32x1024xf32>
    %dot_general3A_111 = arith.constant dense<0.000000e+00> : vector<1024x1024xf32>
    %dot_general3A_112 = tpu.matmul %get3A_1, %get3A_110, %dot_general3A_111 {dimension_numbers = #tpu.dot_dimension_numbers<[1], [0], [0], [1], [0, 0, 1, 1], [], []>, transpose_lhs_hint = false} : vector<1024x32xf32>, vector<32x1024xf32>, vector<1024x1024xf32> -> vector<1024x1024xf32>
    %mul3A_113 = arith.constant 5.000000e-01 : f32
    %mul3A_114 = vector.broadcast %mul3A_113 : f32 to vector<1024x1xf32>
    %mul3A_115 = arith.mulf %mul3A_114, %broadcast_in_dim3A : vector<1024x1xf32>
    %sub3A_116 = vector.broadcast %mul3A_115 : vector<1024x1xf32> to vector<1024x1024xf32>
    %sub3A_117 = arith.subf %dot_general3A_112, %sub3A_116 : vector<1024x1024xf32>
    %reduce_max3A_118 = arith.constant dense<0xFF800000> : vector<1024xf32>
    %reduce_max3A_119 = vector.multi_reduction <maximumf>, %sub3A_117, %reduce_max3A_118 [0] : vector<1024x1024xf32> to vector<1024xf32>
    %argmax3A_120 = tpu.reduce_index %sub3A_117 {axis = 0 : i32, kind = #tpu.reduction_kind<arg_max>} : vector<1024x1024xf32> -> vector<1024xi32>
    %swap3A_121 = arith.constant 3 : index
    %swap3A_122 = arith.constant 0 : index
    %swap3A_123 = arith.constant 0 : index
    %swap3A_124 = vector.load %arg3[%swap3A_121, %swap3A_122, %swap3A_123] : memref<8x1x1024xi32, #tpu.memory_space<vmem>>, vector<1x1x1024xi32>
    %swap3A_125 = vector.shape_cast %swap3A_124 : vector<1x1x1024xi32> to vector<1024xi32>
    %swap3A_126 = vector.shape_cast %argmax3A_120 : vector<1024xi32> to vector<1x1x1024xi32>
    tpu.vector_store %arg3[%swap3A_121, %swap3A_122, %swap3A_123], %swap3A_126 {strides = array<i32>} : memref<8x1x1024xi32, #tpu.memory_space<vmem>>, vector<1x1x1024xi32>,
    %mul3A_127 = arith.mulf %get3A_110, %get3A_110 : vector<32x1024xf32>
    %reduce_sum3A_128 = vector.shape_cast %mul3A_127 : vector<32x1024xf32> to vector<1x32x1024xf32>
    %reduce_sum3A_129 = arith.constant dense<0.000000e+00> : vector<1xf32>
    %reduce_sum3A_130 = vector.multi_reduction <add>, %reduce_sum3A_128, %reduce_sum3A_129 [1, 2] : vector<1x32x1024xf32> to vector<1xf32>
    %reduce_sum3A_131 = vector.shape_cast %reduce_sum3A_130 : vector<1xf32> to vector<1x1x1xf32>
    %reduce_sum3A_132 = vector.extract %reduce_sum3A_131[0, 0, 0] : f32 from vector<1x1x1xf32>
    %reduce_sum3A_133 = vector.shape_cast %reduce_max3A_119 : vector<1024xf32> to vector<1x1024xf32>
    %reduce_sum3A_134 = arith.constant dense<0.000000e+00> : vector<1xf32>
    %reduce_sum3A_135 = vector.multi_reduction <add>, %reduce_sum3A_133, %reduce_sum3A_134 [1] : vector<1x1024xf32> to vector<1xf32>
    %reduce_sum3A_136 = vector.shape_cast %reduce_sum3A_135 : vector<1xf32> to vector<1x1xf32>
    %reduce_sum3A_137 = vector.extract %reduce_sum3A_136[0, 0] : f32 from vector<1x1xf32>
    %mul3A_138 = arith.constant 2.000000e+00 : f32
    %mul3A_139 = arith.mulf %mul3A_138, %reduce_sum3A_137 : f32
    %sub3A_140 = arith.subf %reduce_sum3A_132, %mul3A_139 : f32
    %add3A_141 = arith.addf %add3A_105, %sub3A_140 : f32
    %get3A_142 = arith.constant 4 : index
    %get3A_143 = arith.constant 0 : index
    %get3A_144 = arith.constant 0 : index
    %get3A_145 = vector.load %arg1[%get3A_142, %get3A_143, %get3A_144] : memref<8x32x1024xf32, #tpu.memory_space<vmem>>, vector<1x32x1024xf32>
    %get3A_146 = vector.shape_cast %get3A_145 : vector<1x32x1024xf32> to vector<32x1024xf32>
    %dot_general3A_147 = arith.constant dense<0.000000e+00> : vector<1024x1024xf32>
    %dot_general3A_148 = tpu.matmul %get3A_1, %get3A_146, %dot_general3A_147 {dimension_numbers = #tpu.dot_dimension_numbers<[1], [0], [0], [1], [0, 0, 1, 1], [], []>, transpose_lhs_hint = false} : vector<1024x32xf32>, vector<32x1024xf32>, vector<1024x1024xf32> -> vector<1024x1024xf32>
    %mul3A_149 = arith.constant 5.000000e-01 : f32
    %mul3A_150 = vector.broadcast %mul3A_149 : f32 to vector<1024x1xf32>
    %mul3A_151 = arith.mulf %mul3A_150, %broadcast_in_dim3A : vector<1024x1xf32>
    %sub3A_152 = vector.broadcast %mul3A_151 : vector<1024x1xf32> to vector<1024x1024xf32>
    %sub3A_153 = arith.subf %dot_general3A_148, %sub3A_152 : vector<1024x1024xf32>
    %reduce_max3A_154 = arith.constant dense<0xFF800000> : vector<1024xf32>
    %reduce_max3A_155 = vector.multi_reduction <maximumf>, %sub3A_153, %reduce_max3A_154 [0] : vector<1024x1024xf32> to vector<1024xf32>
    %argmax3A_156 = tpu.reduce_index %sub3A_153 {axis = 0 : i32, kind = #tpu.reduction_kind<arg_max>} : vector<1024x1024xf32> -> vector<1024xi32>
    %swap3A_157 = arith.constant 4 : index
    %swap3A_158 = arith.constant 0 : index
    %swap3A_159 = arith.constant 0 : index
    %swap3A_160 = vector.load %arg3[%swap3A_157, %swap3A_158, %swap3A_159] : memref<8x1x1024xi32, #tpu.memory_space<vmem>>, vector<1x1x1024xi32>
    %swap3A_161 = vector.shape_cast %swap3A_160 : vector<1x1x1024xi32> to vector<1024xi32>
    %swap3A_162 = vector.shape_cast %argmax3A_156 : vector<1024xi32> to vector<1x1x1024xi32>
    tpu.vector_store %arg3[%swap3A_157, %swap3A_158, %swap3A_159], %swap3A_162 {strides = array<i32>} : memref<8x1x1024xi32, #tpu.memory_space<vmem>>, vector<1x1x1024xi32>,
    %mul3A_163 = arith.mulf %get3A_146, %get3A_146 : vector<32x1024xf32>
    %reduce_sum3A_164 = vector.shape_cast %mul3A_163 : vector<32x1024xf32> to vector<1x32x1024xf32>
    %reduce_sum3A_165 = arith.constant dense<0.000000e+00> : vector<1xf32>
    %reduce_sum3A_166 = vector.multi_reduction <add>, %reduce_sum3A_164, %reduce_sum3A_165 [1, 2] : vector<1x32x1024xf32> to vector<1xf32>
    %reduce_sum3A_167 = vector.shape_cast %reduce_sum3A_166 : vector<1xf32> to vector<1x1x1xf32>
    %reduce_sum3A_168 = vector.extract %reduce_sum3A_167[0, 0, 0] : f32 from vector<1x1x1xf32>
    %reduce_sum3A_169 = vector.shape_cast %reduce_max3A_155 : vector<1024xf32> to vector<1x1024xf32>
    %reduce_sum3A_170 = arith.constant dense<0.000000e+00> : vector<1xf32>
    %reduce_sum3A_171 = vector.multi_reduction <add>, %reduce_sum3A_169, %reduce_sum3A_170 [1] : vector<1x1024xf32> to vector<1xf32>
    %reduce_sum3A_172 = vector.shape_cast %reduce_sum3A_171 : vector<1xf32> to vector<1x1xf32>
    %reduce_sum3A_173 = vector.extract %reduce_sum3A_172[0, 0] : f32 from vector<1x1xf32>
    %mul3A_174 = arith.constant 2.000000e+00 : f32
    %mul3A_175 = arith.mulf %mul3A_174, %reduce_sum3A_173 : f32
    %sub3A_176 = arith.subf %reduce_sum3A_168, %mul3A_175 : f32
    %add3A_177 = arith.addf %add3A_141, %sub3A_176 : f32
    %get3A_178 = arith.constant 5 : index
    %get3A_179 = arith.constant 0 : index
    %get3A_180 = arith.constant 0 : index
    %get3A_181 = vector.load %arg1[%get3A_178, %get3A_179, %get3A_180] : memref<8x32x1024xf32, #tpu.memory_space<vmem>>, vector<1x32x1024xf32>
    %get3A_182 = vector.shape_cast %get3A_181 : vector<1x32x1024xf32> to vector<32x1024xf32>
    %dot_general3A_183 = arith.constant dense<0.000000e+00> : vector<1024x1024xf32>
    %dot_general3A_184 = tpu.matmul %get3A_1, %get3A_182, %dot_general3A_183 {dimension_numbers = #tpu.dot_dimension_numbers<[1], [0], [0], [1], [0, 0, 1, 1], [], []>, transpose_lhs_hint = false} : vector<1024x32xf32>, vector<32x1024xf32>, vector<1024x1024xf32> -> vector<1024x1024xf32>
    %mul3A_185 = arith.constant 5.000000e-01 : f32
    %mul3A_186 = vector.broadcast %mul3A_185 : f32 to vector<1024x1xf32>
    %mul3A_187 = arith.mulf %mul3A_186, %broadcast_in_dim3A : vector<1024x1xf32>
    %sub3A_188 = vector.broadcast %mul3A_187 : vector<1024x1xf32> to vector<1024x1024xf32>
    %sub3A_189 = arith.subf %dot_general3A_184, %sub3A_188 : vector<1024x1024xf32>
    %reduce_max3A_190 = arith.constant dense<0xFF800000> : vector<1024xf32>
    %reduce_max3A_191 = vector.multi_reduction <maximumf>, %sub3A_189, %reduce_max3A_190 [0] : vector<1024x1024xf32> to vector<1024xf32>
    %argmax3A_192 = tpu.reduce_index %sub3A_189 {axis = 0 : i32, kind = #tpu.reduction_kind<arg_max>} : vector<1024x1024xf32> -> vector<1024xi32>
    %swap3A_193 = arith.constant 5 : index
    %swap3A_194 = arith.constant 0 : index
    %swap3A_195 = arith.constant 0 : index
    %swap3A_196 = vector.load %arg3[%swap3A_193, %swap3A_194, %swap3A_195] : memref<8x1x1024xi32, #tpu.memory_space<vmem>>, vector<1x1x1024xi32>
    %swap3A_197 = vector.shape_cast %swap3A_196 : vector<1x1x1024xi32> to vector<1024xi32>
    %swap3A_198 = vector.shape_cast %argmax3A_192 : vector<1024xi32> to vector<1x1x1024xi32>
    tpu.vector_store %arg3[%swap3A_193, %swap3A_194, %swap3A_195], %swap3A_198 {strides = array<i32>} : memref<8x1x1024xi32, #tpu.memory_space<vmem>>, vector<1x1x1024xi32>,
    %mul3A_199 = arith.mulf %get3A_182, %get3A_182 : vector<32x1024xf32>
    %reduce_sum3A_200 = vector.shape_cast %mul3A_199 : vector<32x1024xf32> to vector<1x32x1024xf32>
    %reduce_sum3A_201 = arith.constant dense<0.000000e+00> : vector<1xf32>
    %reduce_sum3A_202 = vector.multi_reduction <add>, %reduce_sum3A_200, %reduce_sum3A_201 [1, 2] : vector<1x32x1024xf32> to vector<1xf32>
    %reduce_sum3A_203 = vector.shape_cast %reduce_sum3A_202 : vector<1xf32> to vector<1x1x1xf32>
    %reduce_sum3A_204 = vector.extract %reduce_sum3A_203[0, 0, 0] : f32 from vector<1x1x1xf32>
    %reduce_sum3A_205 = vector.shape_cast %reduce_max3A_191 : vector<1024xf32> to vector<1x1024xf32>
    %reduce_sum3A_206 = arith.constant dense<0.000000e+00> : vector<1xf32>
    %reduce_sum3A_207 = vector.multi_reduction <add>, %reduce_sum3A_205, %reduce_sum3A_206 [1] : vector<1x1024xf32> to vector<1xf32>
    %reduce_sum3A_208 = vector.shape_cast %reduce_sum3A_207 : vector<1xf32> to vector<1x1xf32>
    %reduce_sum3A_209 = vector.extract %reduce_sum3A_208[0, 0] : f32 from vector<1x1xf32>
    %mul3A_210 = arith.constant 2.000000e+00 : f32
    %mul3A_211 = arith.mulf %mul3A_210, %reduce_sum3A_209 : f32
    %sub3A_212 = arith.subf %reduce_sum3A_204, %mul3A_211 : f32
    %add3A_213 = arith.addf %add3A_177, %sub3A_212 : f32
    %get3A_214 = arith.constant 6 : index
    %get3A_215 = arith.constant 0 : index
    %get3A_216 = arith.constant 0 : index
    %get3A_217 = vector.load %arg1[%get3A_214, %get3A_215, %get3A_216] : memref<8x32x1024xf32, #tpu.memory_space<vmem>>, vector<1x32x1024xf32>
    %get3A_218 = vector.shape_cast %get3A_217 : vector<1x32x1024xf32> to vector<32x1024xf32>
    %dot_general3A_219 = arith.constant dense<0.000000e+00> : vector<1024x1024xf32>
    %dot_general3A_220 = tpu.matmul %get3A_1, %get3A_218, %dot_general3A_219 {dimension_numbers = #tpu.dot_dimension_numbers<[1], [0], [0], [1], [0, 0, 1, 1], [], []>, transpose_lhs_hint = false} : vector<1024x32xf32>, vector<32x1024xf32>, vector<1024x1024xf32> -> vector<1024x1024xf32>
    %mul3A_221 = arith.constant 5.000000e-01 : f32
    %mul3A_222 = vector.broadcast %mul3A_221 : f32 to vector<1024x1xf32>
    %mul3A_223 = arith.mulf %mul3A_222, %broadcast_in_dim3A : vector<1024x1xf32>
    %sub3A_224 = vector.broadcast %mul3A_223 : vector<1024x1xf32> to vector<1024x1024xf32>
    %sub3A_225 = arith.subf %dot_general3A_220, %sub3A_224 : vector<1024x1024xf32>
    %reduce_max3A_226 = arith.constant dense<0xFF800000> : vector<1024xf32>
    %reduce_max3A_227 = vector.multi_reduction <maximumf>, %sub3A_225, %reduce_max3A_226 [0] : vector<1024x1024xf32> to vector<1024xf32>
    %argmax3A_228 = tpu.reduce_index %sub3A_225 {axis = 0 : i32, kind = #tpu.reduction_kind<arg_max>} : vector<1024x1024xf32> -> vector<1024xi32>
    %swap3A_229 = arith.constant 6 : index
    %swap3A_230 = arith.constant 0 : index
    %swap3A_231 = arith.constant 0 : index
    %swap3A_232 = vector.load %arg3[%swap3A_229, %swap3A_230, %swap3A_231] : memref<8x1x1024xi32, #tpu.memory_space<vmem>>, vector<1x1x1024xi32>
    %swap3A_233 = vector.shape_cast %swap3A_232 : vector<1x1x1024xi32> to vector<1024xi32>
    %swap3A_234 = vector.shape_cast %argmax3A_228 : vector<1024xi32> to vector<1x1x1024xi32>
    tpu.vector_store %arg3[%swap3A_229, %swap3A_230, %swap3A_231], %swap3A_234 {strides = array<i32>} : memref<8x1x1024xi32, #tpu.memory_space<vmem>>, vector<1x1x1024xi32>,
    %mul3A_235 = arith.mulf %get3A_218, %get3A_218 : vector<32x1024xf32>
    %reduce_sum3A_236 = vector.shape_cast %mul3A_235 : vector<32x1024xf32> to vector<1x32x1024xf32>
    %reduce_sum3A_237 = arith.constant dense<0.000000e+00> : vector<1xf32>
    %reduce_sum3A_238 = vector.multi_reduction <add>, %reduce_sum3A_236, %reduce_sum3A_237 [1, 2] : vector<1x32x1024xf32> to vector<1xf32>
    %reduce_sum3A_239 = vector.shape_cast %reduce_sum3A_238 : vector<1xf32> to vector<1x1x1xf32>
    %reduce_sum3A_240 = vector.extract %reduce_sum3A_239[0, 0, 0] : f32 from vector<1x1x1xf32>
    %reduce_sum3A_241 = vector.shape_cast %reduce_max3A_227 : vector<1024xf32> to vector<1x1024xf32>
    %reduce_sum3A_242 = arith.constant dense<0.000000e+00> : vector<1xf32>
    %reduce_sum3A_243 = vector.multi_reduction <add>, %reduce_sum3A_241, %reduce_sum3A_242 [1] : vector<1x1024xf32> to vector<1xf32>
    %reduce_sum3A_244 = vector.shape_cast %reduce_sum3A_243 : vector<1xf32> to vector<1x1xf32>
    %reduce_sum3A_245 = vector.extract %reduce_sum3A_244[0, 0] : f32 from vector<1x1xf32>
    %mul3A_246 = arith.constant 2.000000e+00 : f32
    %mul3A_247 = arith.mulf %mul3A_246, %reduce_sum3A_245 : f32
    %sub3A_248 = arith.subf %reduce_sum3A_240, %mul3A_247 : f32
    %add3A_249 = arith.addf %add3A_213, %sub3A_248 : f32
    %get3A_250 = arith.constant 7 : index
    %get3A_251 = arith.constant 0 : index
    %get3A_252 = arith.constant 0 : index
    %get3A_253 = vector.load %arg1[%get3A_250, %get3A_251, %get3A_252] : memref<8x32x1024xf32, #tpu.memory_space<vmem>>, vector<1x32x1024xf32>
    %get3A_254 = vector.shape_cast %get3A_253 : vector<1x32x1024xf32> to vector<32x1024xf32>
    %dot_general3A_255 = arith.constant dense<0.000000e+00> : vector<1024x1024xf32>
    %dot_general3A_256 = tpu.matmul %get3A_1, %get3A_254, %dot_general3A_255 {dimension_numbers = #tpu.dot_dimension_numbers<[1], [0], [0], [1], [0, 0, 1, 1], [], []>, transpose_lhs_hint = false} : vector<1024x32xf32>, vector<32x1024xf32>, vector<1024x1024xf32> -> vector<1024x1024xf32>
    %mul3A_257 = arith.constant 5.000000e-01 : f32
    %mul3A_258 = vector.broadcast %mul3A_257 : f32 to vector<1024x1xf32>
    %mul3A_259 = arith.mulf %mul3A_258, %broadcast_in_dim3A : vector<1024x1xf32>
    %sub3A_260 = vector.broadcast %mul3A_259 : vector<1024x1xf32> to vector<1024x1024xf32>
    %sub3A_261 = arith.subf %dot_general3A_256, %sub3A_260 : vector<1024x1024xf32>
    %reduce_max3A_262 = arith.constant dense<0xFF800000> : vector<1024xf32>
    %reduce_max3A_263 = vector.multi_reduction <maximumf>, %sub3A_261, %reduce_max3A_262 [0] : vector<1024x1024xf32> to vector<1024xf32>
    %argmax3A_264 = tpu.reduce_index %sub3A_261 {axis = 0 : i32, kind = #tpu.reduction_kind<arg_max>} : vector<1024x1024xf32> -> vector<1024xi32>
    %swap3A_265 = arith.constant 7 : index
    %swap3A_266 = arith.constant 0 : index
    %swap3A_267 = arith.constant 0 : index
    %swap3A_268 = vector.load %arg3[%swap3A_265, %swap3A_266, %swap3A_267] : memref<8x1x1024xi32, #tpu.memory_space<vmem>>, vector<1x1x1024xi32>
    %swap3A_269 = vector.shape_cast %swap3A_268 : vector<1x1x1024xi32> to vector<1024xi32>
    %swap3A_270 = vector.shape_cast %argmax3A_264 : vector<1024xi32> to vector<1x1x1024xi32>
    tpu.vector_store %arg3[%swap3A_265, %swap3A_266, %swap3A_267], %swap3A_270 {strides = array<i32>} : memref<8x1x1024xi32, #tpu.memory_space<vmem>>, vector<1x1x1024xi32>,
    %mul3A_271 = arith.mulf %get3A_254, %get3A_254 : vector<32x1024xf32>
    %reduce_sum3A_272 = vector.shape_cast %mul3A_271 : vector<32x1024xf32> to vector<1x32x1024xf32>
    %reduce_sum3A_273 = arith.constant dense<0.000000e+00> : vector<1xf32>
    %reduce_sum3A_274 = vector.multi_reduction <add>, %reduce_sum3A_272, %reduce_sum3A_273 [1, 2] : vector<1x32x1024xf32> to vector<1xf32>
    %reduce_sum3A_275 = vector.shape_cast %reduce_sum3A_274 : vector<1xf32> to vector<1x1x1xf32>
    %reduce_sum3A_276 = vector.extract %reduce_sum3A_275[0, 0, 0] : f32 from vector<1x1x1xf32>
    %reduce_sum3A_277 = vector.shape_cast %reduce_max3A_263 : vector<1024xf32> to vector<1x1024xf32>
    %reduce_sum3A_278 = arith.constant dense<0.000000e+00> : vector<1xf32>
    %reduce_sum3A_279 = vector.multi_reduction <add>, %reduce_sum3A_277, %reduce_sum3A_278 [1] : vector<1x1024xf32> to vector<1xf32>
    %reduce_sum3A_280 = vector.shape_cast %reduce_sum3A_279 : vector<1xf32> to vector<1x1xf32>
    %reduce_sum3A_281 = vector.extract %reduce_sum3A_280[0, 0] : f32 from vector<1x1xf32>
    %mul3A_282 = arith.constant 2.000000e+00 : f32
    %mul3A_283 = arith.mulf %mul3A_282, %reduce_sum3A_281 : f32
    %sub3A_284 = arith.subf %reduce_sum3A_276, %mul3A_283 : f32
    %add3A_285 = arith.addf %add3A_249, %sub3A_284 : f32
    %eq3A = arith.constant 0 : i32
    %eq3A_286 = arith.cmpi eq, %arg0, %eq3A : i32
    %convert_element_type3A = arith.extui %eq3A_286 : i1 to i32
    %cond3A = arith.constant 0 : i32
    %cond3A_287 = arith.cmpi ne, %convert_element_type3A, %cond3A : i32
    scf.if %cond3A_287 {
      %swap3A_300 = arith.constant 0.000000e+00 : f32
      %swap3A_301 = arith.constant 0 : index
      %swap3A_302 = arith.constant 0 : index
      %swap3A_303 = memref.load %arg5[%swap3A_301, %swap3A_302] : memref<1x1xf32, #tpu.memory_space<smem>>
      memref.store %swap3A_300, %arg5[%swap3A_301, %swap3A_302] : memref<1x1xf32, #tpu.memory_space<smem>>
    } else {
    }
    %get3A_288 = arith.constant 0 : index
    %get3A_289 = arith.constant 0 : index
    %get3A_290 = memref.load %arg5[%get3A_288, %get3A_289] : memref<1x1xf32, #tpu.memory_space<smem>>
    %add3A_291 = arith.addf %get3A_290, %add3A_285 : f32
    %swap3A_292 = arith.constant 0 : index
    %swap3A_293 = arith.constant 0 : index
    %swap3A_294 = memref.load %arg5[%swap3A_292, %swap3A_293] : memref<1x1xf32, #tpu.memory_space<smem>>
    memref.store %add3A_291, %arg5[%swap3A_292, %swap3A_293] : memref<1x1xf32, #tpu.memory_space<smem>>
    %eq3A_295 = arith.constant 7 : i32
    %eq3A_296 = arith.cmpi eq, %arg0, %eq3A_295 : i32
    %convert_element_type3A_297 = arith.extui %eq3A_296 : i1 to i32
    %cond3A_298 = arith.constant 0 : i32
    %cond3A_299 = arith.cmpi ne, %convert_element_type3A_297, %cond3A_298 : i32
    scf.if %cond3A_299 {
      %get3A_300 = arith.constant 0 : index
      %get3A_301 = arith.constant 0 : index
      %get3A_302 = memref.load %arg5[%get3A_300, %get3A_301] : memref<1x1xf32, #tpu.memory_space<smem>>
      %mul3A_303 = arith.constant 5.24520874E-6 : f32
      %mul3A_304 = arith.mulf %get3A_302, %mul3A_303 : f32
      %swap3A_305 = arith.constant 0 : index
      %swap3A_306 = arith.constant 0 : index
      %swap3A_307 = memref.load %arg4[%swap3A_305, %swap3A_306] : memref<1x1xf32, #tpu.memory_space<smem>>
      memref.store %mul3A_304, %arg4[%swap3A_305, %swap3A_306] : memref<1x1xf32, #tpu.memory_space<smem>>
    } else {
    }
    return
  }
  func.func @transform_0(%arg0: i32) -> (i32, i32, i32) {
    %c0_i32 = arith.constant 0 : i32
    %c0_i32_0 = arith.constant 0 : i32
    %c0_i32_1 = arith.constant 0 : i32
    return %arg0, %c0_i32, %c0_i32_0 : i32, i32, i32
  }
  func.func @transform_1(%arg0: i32) -> (i32, i32) {
    %c0_i32 = arith.constant 0 : i32
    %c0_i32_0 = arith.constant 0 : i32
    %c0_i32_1 = arith.constant 0 : i32
    return %c0_i32, %c0_i32_0 : i32, i32
  }
  func.func @transform_2(%arg0: i32) -> (i32, i32, i32) {
    %c0_i32 = arith.constant 0 : i32
    %c0_i32_0 = arith.constant 0 : i32
    %c0_i32_1 = arith.constant 0 : i32
    return %arg0, %c0_i32, %c0_i32_0 : i32, i32, i32
  }
  func.func @transform_3(%arg0: i32) -> (i32, i32) {
    %c0_i32 = arith.constant 0 : i32
    %c0_i32_0 = arith.constant 0 : i32
    %c0_i32_1 = arith.constant 0 : i32
    return %c0_i32, %c0_i32_0 : i32, i32
  }
}

</mosaic_0001>

<sc_bundles>
// kernel: kernel.4.cloned.1.call-start
scs
__scs_entry_jumppad:
0x0: {  	(pc) =	sbr.rel $0x88, $3  }
0x1: {  	(tag) =	ssettag $0x0;
	lr =	simm.s32 $0x1  }
0x2: {  	[smem:$0x3F9F] =	sst lr;
	_ =	strace $0xD0000000  }
0x3: {  	_ = 	snop  }
0x4: {  	_ = 	snop  }
0x5: {  	_ = 	snop  }
0x6: {  	_ = 	snop  }
0x7: {  	_ = 	snop  }
__scs_overlays_trampoline_lowered:
0x8: {  	[smem:$0x3FAE] =	sst s0  }
0x9: {  	[smem:$0x3FAF] =	sst s1  }
0xa: {  	[smem:$0x3FB0] =	sst s2  }
0xb: {  	[smem:$0x3FB1] =	sst s3  }
0xc: {  	[smem:$0x3FB2] =	sst s4  }
0xd: {  	[smem:$0x3FB3] =	sst s5  }
0xe: {  	[smem:$0x3FB4] =	sst s6  }
0xf: {  	[smem:$0x3FB5] =	sst s7  }
0x10: {  	[smem:$0x3FB6] =	sst s8  }
0x11: {  	[smem:$0x3FB7] =	sst s9;
	s0 =	simm.s32 @!p0 $0x0  }
0x12: {  	s1 =	sld [smem:$0x3F9D];
	s0 =	simm.s32 @p0 $0x1  }
0x13: {  	[smem:$0x3FB8] =	sst s0;
	s0 =	simm.s32 @!p1 $0x0  }
0x14: {  	s2 =	sld [smem:$0x3F9C];
	s0 =	simm.s32 @p1 $0x1  }
0x15: {  	[smem:$0x3FB9] =	sst s0;
	s0 =	simm.s32 @!p2 $0x0  }
0x16: {  	s3 =	sld [smem:$0x3FDB];
	s0 =	simm.s32 @p2 $0x1  }
0x17: {  	s4 =	simm.s32 $0x1BF5;
	[smem:$0x3FBB] =	sst s0  }
0x18: {  	s0 =	sld [smem:$0x3F9E];
	_ =	swait.ge [sflag:s4], $0x0  }
0x19: {  	s7 =	sld [smem:$0x3F9F]  }
0x1a: {  	s8 =	sadd.s32 $0xFFFFE003, lr  }
0x1b: {  	s9 =	sadd.s32 $0xFFFFFEF7, lr;
	s5 =	simm.s32 $0xFFFFFFFF;
	p2 =	slt.u32 s8, $0xFFFFF086  }
0x1c: {  	p1 =	slt.u32 s9, $0xF7A;
	s5 =	simm.s32 @!p2 $0x0  }
0x1d: {  	s5 =	simm.s32 @p1 $0x1;
	p0 =	seq.s32 s7, s2  }
0x1e: {  	s7 =	smul.u32 @!p0 $0xF7A, s2;
	p2 =	seq.s32 @!p0 s5, $0x0  }
0x1f: {  	s9 =	smul.u32 $0xF7A, s1;
	s8 =	simm.s32 @!p0 $0x1BF5;
	p2 =	por !p2, p0  }
0x20: {  	[sflag:s8] =	ssyncset.s32 @!p0 $0xFFFFF086;
	s6 =	sadd.s32 @!p0 s3, s7;
	s7 =	simm.s32 @!p0 $0x108  }
0x21: {  	s3 =	sadd.s32 s3, s9;
	s6 =	sadd.s32 @!p0 $0x88, s6;
	s7 =	simm.s32 @p2 $0x1082  }
0x22: {  	[simem:s7], [sflag:s8] =	dma.local @!p0 [hbm:s6], $0xF7A  }
0x23: {  	s9 =	sor.u32 $0xD0000000, s2;
	s6 =	simm.s32 $0x108;
	_ =	swait.ge @!p0 [sflag:s8], $0x0  }
0x24: {  	s3 =	sadd.s32 $0x88, s3;
	s6 =	simm.s32 @!p1 $0x1082;
	[sflag:s4] =	ssyncset.s32 $0xFFFFF086  }
0x25: {  	[simem:s6], [sflag:s4] =	dma.local [hbm:s3], $0xF7A  }
0x26: {  	[smem:$0x3F9F] =	sst s1;
	(tag) =	ssettag s2;
	_ =	strace s9  }
0x27: {  	s1 =	sld [smem:$0x3FAF]  }
0x28: {  	s2 =	sld [smem:$0x3FB0]  }
0x29: {  	s4 =	sld [smem:$0x3FB2]  }
0x2a: {  	p0 =	seq.s32 s5, $0x0;
	s5 =	sld [smem:$0x3FB3]  }
0x2b: {  	s6 =	sld [smem:$0x3FB4]  }
0x2c: {  	s7 =	sld [smem:$0x3FB5]  }
0x2d: {  	s3 =	simm.s32 $0x108;
	s8 =	sld [smem:$0x3FB6]  }
0x2e: {  	s3 =	simm.s32 @!p0 $0x1082;
	s9 =	sld [smem:$0x3FB7]  }
0x2f: {  	lr =	sadd.s32 s0, s3;
	s0 =	sld [smem:$0x3FAE]  }
0x30: {  	s3 =	sld [smem:$0x3FB1]  }
0x31: {  	[smem:$0x3FBA] =	sst s10  }
0x32: {  	s10 =	sld [smem:$0x3FB8];
	_ =	sdelay $0x3  }
0x33: {  	p0 =	seq.s32 s10, $0x1;
	s10 =	sld [smem:$0x3FBA];
	_ =	sdelay $0x3  }
0x34: {  	[smem:$0x3FBA] =	sst s10  }
0x35: {  	s10 =	sld [smem:$0x3FB9];
	_ =	sdelay $0x3  }
0x36: {  	p1 =	seq.s32 s10, $0x1;
	s10 =	sld [smem:$0x3FBA];
	_ =	sdelay $0x3  }
0x37: {  	[smem:$0x3FBA] =	sst s10  }
0x38: {  	s10 =	sld [smem:$0x3FBB]  }
0x39: {  	_ = 	snop;
	(pc) =	sbr.ind lr, $3  }
0x3a: {  	_ = 	snop  }
0x3b: {  	_ = 	snop  }
0x3c: {  	p2 =	seq.s32 s10, $0x1;
	s10 =	sld [smem:$0x3FBA]  }
0x3d: {  	_ =	shalt  }
0x3e: {  	_ =	shalt  }
0x3f: {  	_ =	shalt  }
0x40: {  	_ =	shalt  }
0x41: {  	_ =	shalt  }
0x42: {  	_ =	shalt  }
0x43: {  	_ =	shalt  }
0x44: {  	_ =	shalt  }
0x45: {  	_ =	shalt  }
0x46: {  	_ =	shalt  }
0x47: {  	_ =	shalt  }
0x48: {  	_ =	shalt  }
0x49: {  	_ =	shalt  }
0x4a: {  	_ =	shalt  }
0x4b: {  	_ =	shalt  }
0x4c: {  	_ =	shalt  }
0x4d: {  	_ =	shalt  }
0x4e: {  	_ =	shalt  }
0x4f: {  	_ =	shalt  }
0x50: {  	_ =	shalt  }
0x51: {  	_ =	shalt  }
0x52: {  	_ =	shalt  }
0x53: {  	_ =	shalt  }
0x54: {  	_ =	shalt  }
0x55: {  	_ =	shalt  }
0x56: {  	_ =	shalt  }
0x57: {  	_ =	shalt  }
0x58: {  	_ =	shalt  }
0x59: {  	_ =	shalt  }
0x5a: {  	_ =	shalt  }
0x5b: {  	_ =	shalt  }
0x5c: {  	_ =	shalt  }
0x5d: {  	_ =	shalt  }
0x5e: {  	_ =	shalt  }
0x5f: {  	_ =	shalt  }
0x60: {  	_ =	shalt  }
0x61: {  	_ =	shalt  }
0x62: {  	_ =	shalt  }
0x63: {  	_ =	shalt  }
0x64: {  	_ =	shalt  }
0x65: {  	_ =	shalt  }
0x66: {  	_ =	shalt  }
0x67: {  	_ =	shalt  }
0x68: {  	_ =	shalt  }
0x69: {  	_ =	shalt  }
0x6a: {  	_ =	shalt  }
0x6b: {  	_ =	shalt  }
0x6c: {  	_ =	shalt  }
0x6d: {  	_ =	shalt  }
0x6e: {  	_ =	shalt  }
0x6f: {  	_ =	shalt  }
0x70: {  	_ =	shalt  }
0x71: {  	_ =	shalt  }
0x72: {  	_ =	shalt  }
0x73: {  	_ =	shalt  }
0x74: {  	_ =	shalt  }
0x75: {  	_ =	shalt  }
0x76: {  	_ =	shalt  }
0x77: {  	_ =	shalt  }
0x78: {  	_ =	shalt  }
0x79: {  	_ =	shalt  }
0x7a: {  	_ =	shalt  }
0x7b: {  	_ =	shalt  }
0x7c: {  	_ =	shalt  }
0x7d: {  	_ =	shalt  }
0x7e: {  	_ =	shalt  }
0x7f: {  	_ =	shalt  }
0x80: {  	_ =	shalt  }
0x81: {  	_ =	shalt  }
0x82: {  	_ =	shalt  }
0x83: {  	_ =	shalt  }
0x84: {  	_ =	shalt  }
0x85: {  	_ =	shalt  }
0x86: {  	_ =	shalt  }
0x87: {  	_ =	shalt  }
.Lfunc_end0:
.L_simem_size_0:
called_computation_lowered:
.L_overlay_start_0:
0x88: {  	s2 =	sld [smem:$0x3FD9]  }
0x89: {  	s3 =	sld [smem:$0x3FFE];
	_ =	sdelay $0x1  }
0x8a: {  	s1 =	srdreg.scid  }
0x8b: {  	s0 =	sand.u32 $0x1, s1  }
0x8c: {  	s14 =	sshll.u32 s0, $0xA;
	s2 =	sadd.s32 s3, s2  }
0x8d: {  	s2 =	sadd.s32 s2, s14  }
0x8e: {  	[smem:$0x3FC6] =	sst s2  }
0x8f: {  	_ = 	snop  }
0x90: {  	s2 =	sld [smem:$0x3FD0];
	_ =	sdelay $0x2  }
0x91: {  	s15 =	simm.s32 $0xA;
	s4 =	simm.s32 $0x10  }
0x92: {  	[smem:s4], [sflag:s15] =	dma.local [hbm:s2], $0x1  }
0x93: {  	_ =	swait.eq [sflag:s15], $0x1  }
0x94: {  	s16 =	sld [smem:$0x10];
	[sflag:s15] =	ssyncset.done $0x0  }
0x95: {  	s17 =	sld [smem:$0x12];
	[sflag:s15] =	ssyncadd.s32 $0xFFFFFFFF  }
0x96: {  	s18 =	sld [smem:$0x13];
	(tm) =	ssettm $0x1  }
0x97: {  	s5 =	sld [smem:$0x3FFB];
	_ =	sdelay $0x3  }
0x98: {  	_ =	strace s5  }
0x99: {  	s5 =	sld [smem:$0x3FFC];
	_ =	sdelay $0x3  }
0x9a: {  	_ =	strace s5  }
0x9b: {  	s5 =	sld [smem:$0x3FFD];
	_ =	sdelay $0x3  }
0x9c: {  	_ =	strace s5  }
0x9d: {  	_ =	strace $0x8FFFFFFF  }
0x9e: {  	s19 =	sld [smem:$0x3FDB];
	_ =	sdelay $0x1  }
0x9f: {  	s6 =	simm.s32 $_scs_section_size  }
0xa0: {  	s7 =	simm.s32 $_size__tile_overlayer_lowered;
	s8 =	simm.s32 $_tile_overlayer_lowered  }
0xa1: {  	s22 =	simm.s32 $0x1BFF;
	s21 =	sshll.u32 s8, $0x1;
	s5 =	sadd.s32 s6, s19  }
0xa2: {  	s9 =	simm.s32 $0x0;
	s20 =	sshll.u32 s7, $0x1;
	s7 =	sadd.s32 s21, s5  }
0xa3: {  	[timem:s9], [sflag:s22] =	dma.local [hbm:s7], s20  }
0xa4: {  	_ =	swait.ge [sflag:s22], s20  }
0xa5: {  	s6 =	ssub.s32 $0x0, s20;
	[sflag:s22] =	ssyncset.done $0x0  }
0xa6: {  	[sflag:s22] =	ssyncadd.s32 s6;
	_ =	sdelay $0x1  }
0xa7: {  	s23 =	simm.s32 $0x1B8B  }
0xa8: {  	_ =	swait.ge [sflag:s23], $0x1  }
0xa9: {  	[sflag:s23] =	ssyncset.done $0x0  }
0xaa: {  	s25 =	simm.s32 $0x1B8E;
	s24 =	sld [smem:$0x3FFE];
	[sflag:s23] =	ssyncadd.s32 $0xFFFFFFFF  }
0xab: {  	s26 =	simm.s32 $execute0_lowered;
	[smem:$0x3FD2] =	sst s25  }
0xac: {  	s7 =	sshll.u32 s26, $0x1;
	_ =	strace $0x80000046;
	[dreg:$0x1] =	wrdreg $0xFFFFFFFF  }
0xad: {  	s28 =	simm.s32 $_size_execute0_lowered;
	s5 =	sadd.s32 s5, s7;
	[dreg:$0x0] =	wrdreg $0x0  }
0xae: {  	s7 =	sshll.u32 s28, $0x1;
	[dreg:$0x2] =	wrdreg s5  }
0xaf: {  	[dreg:$0x3] =	wrdreg s7  }
0xb0: {  	[dreg:$0x4] =	wrdreg $0xC0  }
0xb1: {  	_ =	task [dreg:s9], $0x5FFFF  }
0xb2: {  	[dreg:$0x1] =	wrdreg $0xFFFFFFFF  }
0xb3: {  	[dreg:$0x0] =	wrdreg $0x60  }
0xb4: {  	[dreg:$0x2] =	wrdreg s24  }
0xb5: {  	[dreg:$0x3] =	wrdreg s18  }
0xb6: {  	[dreg:$0x4] =	wrdreg s16  }
0xb7: {  	[dreg:$0x5] =	wrdreg s17  }
0xb8: {  	[dreg:$0x6] =	wrdreg $0x134800  }
0xb9: {  	[dreg:$0x7] =	wrdreg $0x9  }
0xba: {  	_ =	task.clear_ibuf [dreg:s9], $0x8FFFF;
	_ =	strace $0x90000046  }
0xbb: {  	s29 =	simm.s32 $0x9;
	_ =	strace $0x80000048  }
0xbc: {  	_ =	swait.ge [sflag:s29], $0x1  }
0xbd: {  	[sflag:s29] =	ssyncadd.s32 $0xFFFFFFFF  }
0xbe: {  	_ =	strace $0x90000048  }
0xbf: {  	_ =	sfence  }
0xc0: {  	s30 =	sld [smem:$0x0];
	_ =	sdelay $0x2  }
0xc1: {  	s31 =	sshll.u32 s1, $0xD;
	s1 =	sshrl.u32 s1, $0x2  }
0xc2: {  	s3 =	sand.u32 $0x4000, s31;
	s1 =	sadd.s32 s1, s30  }
0xc3: {  	s0 =	sor.u32 s3, s0;
	s1 =	sshll.u32 s1, $0x11  }
0xc4: {  	s0 =	sor.u32 s1, s0  }
0xc5: {  	s0 =	sadd.s32 $0x8F2B, s0  }
0xc6: {  	[sflag:s0] =	ssyncadd.remote.s32 $0x1  }
0xc7: {  	_ =	sfence.sel $0xFFFF  }
0xc8: {  	[dreg:$0x0] =	wrdreg $0xFFFFFFFF;
	(pc) =	sbr.abs _section_cstart, $3  }
0xc9: {  	[dreg:$0x1] =	wrdreg $0xFFFFFFFF  }
0xca: {  	_ =	task.clear_ibuf [dreg:s9], $0x2FFFF;
	_ =	strace $0x9FFFFFFF  }
0xcb: {  	(tm) =	ssettm $0x7FFFFFFF  }
tec
execute0_lowered:
.L_overlay_start_1:
0x0: {  	(tag) =	ssettag $0x1  }
0x1: {  	s0 =	rddreg [dreg:$0x0]  }
0x2: {  	s1 =	rddreg [dreg:$0x1]  }
0x3: {  	s2 =	rddreg [dreg:$0x2]  }
0x4: {  	s3 =	simm.s32 $0x0;
	s4 =	srdreg.scid;
	s6 =	stileid.u32  }
0x5: {  	[smem:$0x7FF] =	sst s3;
	s4 =	sand.u32 $0x1, s4;
	s0 =	sadd.s32 $0xC00, s0  }
0x6: {  	s29 =	sshll.u32 s6, $0x9;
	p0 =	sne.s32 s6, $0x0;
	s8 =	sshll.u32 s4, $0x4  }
0x7: {  	_ =	strace $0x80000047;
	s5 =	ssub.s32 $0x2, s4;
	s26 =	sor.u32 s6, s8  }
0x8: {  	[dreg:$0x15] =	wrdreg s0;
	s7 =	sshrl.u32 s5, $0x1;
	s28 =	sshll.u32 s26, $0x8  }
0x9: {  	s25 =	ssub.s32 s5, s7;
	s5 =	sshll.u32 s26, $0xD;
	s7 =	sadd.s32 s1, s28  }
.Ltmp0:
0xa: {  	s1 =	sadd.s32 s1, s29;
	[dreg:$0x16] =	wrdreg s7;
	(pc) =	sbr.rel .LBB2_1-.Ltmp0, $4  }
0xb: {  	s31 =	sor.u32 s4, s6;
	s30 =	sadd.s32 s2, s5;
	[dreg:$0x17] =	wrdreg s1  }
0xc: {  	s4 =	simm.s32 $0x8C00;
	s0 =	smax.u32 s25, $0x1;
	[dreg:$0x18] =	wrdreg s30  }
0xd: {  	p1 =	sne.s32 s31, $0x0;
	s1 =	sadd.s32 $0x1000, s30;
	[dreg:$0x1a] =	wrdreg s0  }
0xe: {  	v3 =	vimm.f32 $0.0e+00;
	v0 =	vimm.f32 $1.000000000e+00;
	s2 =	simm.s32 $0x1;
	[dreg:$0x19] =	wrdreg s1;
	s1 =	simm.s32 $0x0  }
.LBB2_14:
0xf: {  	vm0 =	vgt.f32 v1, $0.0e+00  }
0x10: {  	v1 =	vsel vm0, $0x3F800000, v3  }
0x11: {  	v0 =	vadd.f32 v1, v0;
	_ =	sdelay $0x1  }
0x12: {  	(xrf2) =	vadd.scan.msk.f32 $0xffff, v0;
	_ =	sdelay $0x9  }
0x13: {  	v0, _, _ =	vpop (xrf2)  }
0x14: {  	(v2sf) =	vpush v0, $0xF;
	_ =	sdelay $0xe  }
0x15: {  	s0 =	spop (v2sf)  }
0x16: {  	s0 =	scvt.f32.s32 s0;
	_ =	sdelay $0x1  }
0x17: {  	v0 =	vmov s0  }
0x18: {  	s31 =	rddreg [dreg:$0x3];
	s1 =	simm.s32 $0x13400;
	[tilespmem:$0x13400] =	vst v0  }
0x19: {  	[hbm4b:s31+s3] =	stream.linear.scatter [tilespmem:s1], [sflag:$0x1], $0x80, $0x38;
	[tilespmem:$0x134C0] =	vst v63  }
0x1a: {  	_ =	swait.ge [sflag:s2], $0x80  }
0x1b: {  	[sflag:s2] =	ssyncset.done $0x0  }
0x1c: {  	s1 =	rddreg [dreg:$0x1b];
	[sflag:s2] =	ssyncadd.s32 $0xFFFFFF80  }
.LBB2_15:
0x1d: {  	s1 =	sadd.s32 $0x1, s1;
	s0 =	rddreg [dreg:$0x1a]  }
0x1e: {  	p2 =	sne.s32 s1, s0  }
.Ltmp1:
0x1f: {  	_ = 	snop;
	(pc) =	sbr.rel @!p2 .LBB2_16-.Ltmp1, $2  }
0x20: {  	_ =	sdelay $0x2  }
0x21: {  	v0 =	vimm.f32 $1.000000000e+00  }
.LBB2_1:
0x22: {  	[dreg:$0x1b] =	wrdreg s1  }
0x23: {  	s0 =	rddreg [dreg:$0x15]  }
0x24: {  	[tilespmem:s3], [sflag:$0x1] =	stream.linear.gather [hbm4b:s0+s3], $0x8400, $0x38;
	[tilespmem:$0x134C0] =	vst v63  }
0x25: {  	_ =	swait.ge [sflag:s2], $0x8400  }
0x26: {  	[sflag:s2] =	ssyncset.done $0x0  }
0x27: {  	s30 =	simm.s32 $0x8400;
	s29 =	rddreg [dreg:$0x16];
	[sflag:s2] =	ssyncadd.s32 $0xFFFF7C00  }
0x28: {  	[tilespmem:s30], [sflag:$0x1] =	stream.linear.gather [hbm4b:s29+s3], $0x800, $0x38;
	[tilespmem:$0x134C0] =	vst v63  }
0x29: {  	_ =	swait.ge [sflag:s2], $0x800  }
0x2a: {  	[sflag:s2] =	ssyncset.done $0x0  }
.Ltmp2:
0x2b: {  	s31 =	rddreg [dreg:$0x17];
	[sflag:s2] =	ssyncadd.s32 $0xFFFFF800;
	(pc) =	sbr.rel @p0 .LBB2_5-.Ltmp2, $4  }
0x2c: {  	[tilespmem:s4], [sflag:$0x1] =	stream.linear.gather [hbm4b:s31+s3], $0x1000, $0x38;
	[tilespmem:$0x134C0] =	vst v63  }
0x2d: {  	_ =	swait.ge [sflag:s2], $0x1000  }
0x2e: {  	[sflag:s2] =	ssyncset.done $0x0  }
0x2f: {  	[sflag:s2] =	ssyncadd.s32 $0xFFFFF000  }
0x30: {  	s0 =	simm.s32 $0xAC20  }
0x31: {  	[tilespmem:s0+$0xFFFFFFE0] =	vst v3  }
0x32: {  	[tilespmem:s0+$0x10] =	vst v3  }
0x33: {  	s1 =	simm.s32 $0x0;
	[tilespmem:s0+$0x0] =	vst v3  }
.LBB2_3:
0x34: {  	s1 =	sadd.s32 $0x4, s1  }
0x35: {  	[tilespmem:s0+$0xFFFFFFF0] =	vst v3;
	s0 =	sadd.s32 $0x40, s0;
	p2 =	slt.u32 s1, $0x3C  }
.Ltmp3:
0x36: {  	[tilespmem:s0+$0xFFFFFFE0] =	vst v3;
	(pc) =	sbr.rel @p2 .LBB2_3-.Ltmp3, $3  }
0x37: {  	_ =	sdelay $0x1  }
0x38: {  	[tilespmem:s0+$0x10] =	vst v3  }
0x39: {  	[tilespmem:s0+$0x0] =	vst v3  }
0x3a: {  	[tilespmem:s0+$0xFFFFFFF0] =	vst v3;
	s31 =	rddreg [dreg:$0x4];
	s1 =	simm.s32 $0xAC00  }
0x3b: {  	[spmem:s31] =	stream.linear.scatter [tilespmem:s1], [sflag:$0x1], $0x400, $0x38;
	[tilespmem:$0x134C0] =	vst v63  }
0x3c: {  	_ =	swait.ge [sflag:s2], $0x400  }
0x3d: {  	[sflag:s2] =	ssyncset.done $0x0  }
0x3e: {  	[sflag:s2] =	ssyncadd.s32 $0xFFFFFC00  }
.LBB2_5:
0x3f: {  	s0 =	simm.s32 $0x9C20  }
0x40: {  	[tilespmem:s0+$0xFFFFFFE0] =	vst v0  }
0x41: {  	[tilespmem:s0+$0x10] =	vst v0  }
0x42: {  	s1 =	simm.s32 $0x0;
	[tilespmem:s0+$0x0] =	vst v0  }
.LBB2_6:
0x43: {  	s1 =	sadd.s32 $0x4, s1  }
0x44: {  	[tilespmem:s0+$0xFFFFFFF0] =	vst v0;
	s0 =	sadd.s32 $0x40, s0;
	p2 =	slt.u32 s1, $0xFC  }
.Ltmp4:
0x45: {  	[tilespmem:s0+$0xFFFFFFE0] =	vst v0;
	(pc) =	sbr.rel @p2 .LBB2_6-.Ltmp4, $3  }
0x46: {  	_ =	sdelay $0x1  }
0x47: {  	[tilespmem:s0+$0x10] =	vst v0  }
0x48: {  	[tilespmem:s0+$0x0] =	vst v0  }
0x49: {  	[tilespmem:s0+$0xFFFFFFF0] =	vst v0  }
0x4a: {  	[bflag:$0x0] =	sbarrier.arrive $0xFFFF  }
0x4b: {  	s1 =	simm.s32 $0x1000;
	s5 =	simm.s32 $0x9C00;
	s11 =	rddreg [dreg:$0x4]  }
0x4c: {  	[spmem:s11] =	stream.indirect.scatter.add.f32 [tilespmem:s5], [sflag:$0x1], $0x1, s4, s1, $0xb8;
	[tilespmem:$0x134C0] =	vst v63  }
0x4d: {  	s1 =	simm.s32 $0x0  }
0x4e: {  	_ =	swait.ge [sflag:s2], $0x1000;
	s28 =	sand.u32 $0x40, s1;
	s12 =	sand.u32 $0x380, s1  }
0x4f: {  	[sflag:s2] =	ssyncset.done $0x0;
	s0 =	sor.u32 $0x8400, s12;
	s31 =	sor.u32 $0x30, s28  }
0x50: {  	[sflag:s2] =	ssyncadd.s32 $0xFFFFF000;
	s13 =	sor.u32 s31, s0  }
0x51: {  	v0 =	vld [tilespmem:s13+$0x0];
	_ =	sdelay $0x1  }
0x52: {  	s30 =	sor.u32 $0x10, s28  }
0x53: {  	s29 =	sor.u32 $0x20, s28;
	s14 =	sor.u32 s30, s0  }
0x54: {  	s0 =	sor.u32 s29, s0;
	v1 =	vld [tilespmem:s14+$0x0]  }
0x55: {  	v2 =	vld [tilespmem:s0+$0x0];
	v5 =	vmul.u32 $0x21, v0;
	_ =	sdelay $0x1  }
0x56: {  	s15 =	simm.s32 $0x8400  }
0x57: {  	v0 =	vld [tilespmem:s15+$0x0]  }
0x58: {  	v7 =	vmul.u32 $0x21, v1  }
0x59: {  	v6 =	vmul.u32 $0x21, v2  }
0x5a: {  	v1 =	vld.idx.msk [tilespmem:v5+s3+$0x0], $0xffff  }
0x5b: {  	v3 =	vadd.s32 $0x1, v5  }
0x5c: {  	s0 =	sand.u32 $0x1C00, s1;
	v62 =	vmul.u32 $0x21, v0  }
0x5d: {  	s16 =	sadd.s32 $0xB000, s0  }
0x5e: {  	s17 =	sor.u32 s31, s16;
	v0 =	vld.idx.msk [tilespmem:v7+s3+$0x0], $0xffff  }
0x5f: {  	v4 =	vadd.s32 $0x1, v7;
	v8 =	vld.idx.msk [tilespmem:v6+s3+$0x0], $0xffff;
	[tilespmem:s17+$0x0] =	vst v1  }
0x60: {  	v1 =	vadd.s32 $0x1, v6;
	v3 =	vld.idx.msk [tilespmem:v3+s3+$0x0], $0xffff  }
0x61: {  	v9 =	vadd.s32 $0x2, v5  }
0x62: {  	s18 =	sor.u32 s30, s16;
	v10 =	vld.idx.msk [tilespmem:v62+s3+$0x0], $0xffff  }
0x63: {  	s6 =	sor.u32 s29, s16;
	v11 =	vadd.s32 $0x1, v62;
	[tilespmem:s18+$0x0] =	vst v0  }
0x64: {  	[tilespmem:s6+$0x0] =	vst v8;
	v0 =	vld.idx.msk [tilespmem:v4+s3+$0x0], $0xffff  }
0x65: {  	v4 =	vadd.s32 $0x2, v7;
	v1 =	vld.idx.msk [tilespmem:v1+s3+$0x0], $0xffff;
	[tilespmem:s17+$0x80] =	vst v3  }
0x66: {  	s2 =	sor.u32 s28, s16;
	v3 =	vadd.s32 $0x2, v6;
	v8 =	vld.idx.msk [tilespmem:v9+s3+$0x0], $0xffff  }
0x67: {  	[tilespmem:s2+$0x0] =	vst v10;
	v9 =	vadd.s32 $0x3, v5  }
0x68: {  	v10 =	vld.idx.msk [tilespmem:v11+s3+$0x0], $0xffff  }
0x69: {  	v11 =	vadd.s32 $0x2, v62;
	[tilespmem:s18+$0x80] =	vst v0  }
0x6a: {  	v0 =	vld.idx.msk [tilespmem:v4+s3+$0x0], $0xffff;
	[tilespmem:s6+$0x80] =	vst v1  }
0x6b: {  	v1 =	vadd.s32 $0x3, v7;
	v3 =	vld.idx.msk [tilespmem:v3+s3+$0x0], $0xffff;
	[tilespmem:s17+$0x100] =	vst v8  }
0x6c: {  	v4 =	vadd.s32 $0x3, v6;
	v8 =	vld.idx.msk [tilespmem:v9+s3+$0x0], $0xffff  }
0x6d: {  	[tilespmem:s2+$0x80] =	vst v10;
	v9 =	vadd.s32 $0x4, v5  }
0x6e: {  	v10 =	vld.idx.msk [tilespmem:v11+s3+$0x0], $0xffff  }
0x6f: {  	v11 =	vadd.s32 $0x3, v62;
	[tilespmem:s18+$0x100] =	vst v0  }
0x70: {  	v0 =	vld.idx.msk [tilespmem:v1+s3+$0x0], $0xffff;
	[tilespmem:s6+$0x100] =	vst v3  }
0x71: {  	p2 =	por $0x0, $0x0;
	s4 =	simm.s32 $0x1;
	v1 =	vadd.s32 $0x4, v7;
	v3 =	vld.idx.msk [tilespmem:v4+s3+$0x0], $0xffff;
	[tilespmem:s17+$0x180] =	vst v8  }
0x72: {  	s4 =	simm.s32 @!p2 $0x0;
	v4 =	vadd.s32 $0x4, v6;
	v8 =	vld.idx.msk [tilespmem:v9+s3+$0x0], $0xffff  }
0x73: {  	s4 =	sshll.u32 s4, $0x6;
	[tilespmem:s2+$0x100] =	vst v10;
	v9 =	vadd.s32 $0x5, v5  }
0x74: {  	s4 =	sadd.s32 $0x0, s4;
	v10 =	vld.idx.msk [tilespmem:v11+s3+$0x0], $0xffff  }
0x75: {  	s19 =	sadd.s32 $0x30, s4;
	v11 =	vadd.s32 $0x4, v62;
	[tilespmem:s18+$0x180] =	vst v0  }
0x76: {  	s20 =	sor.u32 $0x200, s19;
	v0 =	vld.idx.msk [tilespmem:v1+s3+$0x0], $0xffff;
	[tilespmem:s6+$0x180] =	vst v3  }
0x77: {  	v1 =	vadd.s32 $0x5, v7;
	v3 =	vld.idx.msk [tilespmem:v4+s3+$0x0], $0xffff;
	[tilespmem:s20+$0xB000] =	vst v8  }
0x78: {  	v4 =	vadd.s32 $0x5, v6;
	v8 =	vld.idx.msk [tilespmem:v9+s3+$0x0], $0xffff  }
0x79: {  	s21 =	sadd.s32 $0x10, s4;
	[tilespmem:s2+$0x180] =	vst v10;
	v9 =	vadd.s32 $0x6, v5  }
0x7a: {  	s22 =	sadd.s32 $0x20, s4;
	s7 =	sor.u32 $0x200, s21;
	v10 =	vld.idx.msk [tilespmem:v11+s3+$0x0], $0xffff  }
0x7b: {  	s8 =	sor.u32 $0x200, s22;
	v11 =	vadd.s32 $0x5, v62;
	[tilespmem:s7+$0xB000] =	vst v0  }
0x7c: {  	s23 =	sor.u32 $0x280, s19;
	v0 =	vld.idx.msk [tilespmem:v1+s3+$0x0], $0xffff;
	[tilespmem:s8+$0xB000] =	vst v3  }
0x7d: {  	v1 =	vadd.s32 $0x6, v7;
	v3 =	vld.idx.msk [tilespmem:v4+s3+$0x0], $0xffff;
	[tilespmem:s23+$0xB000] =	vst v8  }
0x7e: {  	s24 =	sor.u32 $0x200, s4;
	v4 =	vadd.s32 $0x6, v6;
	v8 =	vld.idx.msk [tilespmem:v9+s3+$0x0], $0xffff  }
0x7f: {  	[tilespmem:s24+$0xB000] =	vst v10;
	v9 =	vadd.s32 $0x7, v5  }
0x80: {  	s25 =	sor.u32 $0x280, s21;
	v10 =	vld.idx.msk [tilespmem:v11+s3+$0x0], $0xffff  }
0x81: {  	s26 =	sor.u32 $0x280, s22;
	v11 =	vadd.s32 $0x6, v62;
	[tilespmem:s25+$0xB000] =	vst v0  }
0x82: {  	s9 =	sor.u32 $0x300, s19;
	v0 =	vld.idx.msk [tilespmem:v1+s3+$0x0], $0xffff;
	[tilespmem:s26+$0xB000] =	vst v3  }
0x83: {  	v1 =	vadd.s32 $0x7, v7;
	v3 =	vld.idx.msk [tilespmem:v4+s3+$0x0], $0xffff;
	[tilespmem:s9+$0xB000] =	vst v8  }
0x84: {  	s10 =	sor.u32 $0x280, s4;
	v4 =	vadd.s32 $0x7, v6;
	v8 =	vld.idx.msk [tilespmem:v9+s3+$0x0], $0xffff  }
0x85: {  	[tilespmem:s10+$0xB000] =	vst v10;
	v9 =	vadd.s32 $0x8, v5  }
0x86: {  	s11 =	sor.u32 $0x300, s21;
	v10 =	vld.idx.msk [tilespmem:v11+s3+$0x0], $0xffff  }
0x87: {  	s12 =	sor.u32 $0x300, s22;
	v11 =	vadd.s32 $0x7, v62;
	[tilespmem:s11+$0xB000] =	vst v0  }
0x88: {  	s5 =	sor.u32 $0x380, s19;
	v0 =	vld.idx.msk [tilespmem:v1+s3+$0x0], $0xffff;
	[tilespmem:s12+$0xB000] =	vst v3  }
0x89: {  	v1 =	vadd.s32 $0x8, v7;
	v3 =	vld.idx.msk [tilespmem:v4+s3+$0x0], $0xffff;
	[tilespmem:s5+$0xB000] =	vst v8  }
0x8a: {  	s4 =	sor.u32 $0x300, s4;
	v4 =	vadd.s32 $0x8, v6;
	v8 =	vld.idx.msk [tilespmem:v9+s3+$0x0], $0xffff  }
0x8b: {  	[tilespmem:s4+$0xB000] =	vst v10;
	v9 =	vadd.s32 $0x9, v5  }
0x8c: {  	s2 =	sor.u32 $0x380, s21;
	v10 =	vld.idx.msk [tilespmem:v11+s3+$0x0], $0xffff  }
0x8d: {  	s13 =	sor.u32 $0x380, s22;
	s14 =	sadd.s32 $0xD000, s0;
	v11 =	vadd.s32 $0x8, v62;
	[tilespmem:s2+$0xB000] =	vst v0  }
0x8e: {  	s15 =	sor.u32 s31, s14;
	v0 =	vld.idx.msk [tilespmem:v1+s3+$0x0], $0xffff;
	[tilespmem:s13+$0xB000] =	vst v3  }
0x8f: {  	s1 =	sor.u32 s1, s1;
	v1 =	vadd.s32 $0x9, v7;
	v3 =	vld.idx.msk [tilespmem:v4+s3+$0x0], $0xffff;
	[tilespmem:s15+$0x0] =	vst v8  }
0x90: {  	s1 =	sor.u32 $0x380, s1;
	v4 =	vadd.s32 $0x9, v6;
	v8 =	vld.idx.msk [tilespmem:v9+s3+$0x0], $0xffff  }
0x91: {  	[tilespmem:s1+$0xB000] =	vst v10;
	v9 =	vadd.s32 $0xA, v5  }
0x92: {  	s16 =	sor.u32 s30, s14;
	v10 =	vld.idx.msk [tilespmem:v11+s3+$0x0], $0xffff  }
0x93: {  	s17 =	sor.u32 s29, s14;
	s18 =	sadd.s32 $0xD080, s0;
	v11 =	vadd.s32 $0x9, v62;
	[tilespmem:s16+$0x0] =	vst v0  }
0x94: {  	s19 =	sor.u32 s31, s18;
	v0 =	vld.idx.msk [tilespmem:v1+s3+$0x0], $0xffff;
	[tilespmem:s17+$0x0] =	vst v3  }
0x95: {  	v1 =	vadd.s32 $0xA, v7;
	v3 =	vld.idx.msk [tilespmem:v4+s3+$0x0], $0xffff;
	[tilespmem:s19+$0x0] =	vst v8  }
0x96: {  	s2 =	sor.u32 s28, s14;
	v4 =	vadd.s32 $0xA, v6;
	v8 =	vld.idx.msk [tilespmem:v9+s3+$0x0], $0xffff  }
0x97: {  	[tilespmem:s2+$0x0] =	vst v10;
	v9 =	vadd.s32 $0xB, v5  }
0x98: {  	s20 =	sor.u32 s30, s18;
	v10 =	vld.idx.msk [tilespmem:v11+s3+$0x0], $0xffff  }
0x99: {  	s22 =	sadd.s32 $0xD100, s0;
	s21 =	sor.u32 s29, s18;
	v11 =	vadd.s32 $0xA, v62;
	[tilespmem:s20+$0x0] =	vst v0  }
0x9a: {  	s23 =	sor.u32 s31, s22;
	v0 =	vld.idx.msk [tilespmem:v1+s3+$0x0], $0xffff;
	[tilespmem:s21+$0x0] =	vst v3  }
0x9b: {  	v1 =	vadd.s32 $0xB, v7;
	v3 =	vld.idx.msk [tilespmem:v4+s3+$0x0], $0xffff;
	[tilespmem:s23+$0x0] =	vst v8  }
0x9c: {  	s1 =	sor.u32 s28, s18;
	v4 =	vadd.s32 $0xB, v6;
	v8 =	vld.idx.msk [tilespmem:v9+s3+$0x0], $0xffff  }
0x9d: {  	[tilespmem:s1+$0x0] =	vst v10;
	v9 =	vadd.s32 $0xC, v5  }
0x9e: {  	s24 =	sor.u32 s30, s22;
	v10 =	vld.idx.msk [tilespmem:v11+s3+$0x0], $0xffff  }
0x9f: {  	s25 =	sor.u32 s29, s22;
	s26 =	sadd.s32 $0xD180, s0;
	v11 =	vadd.s32 $0xB, v62;
	[tilespmem:s24+$0x0] =	vst v0  }
0xa0: {  	s5 =	sor.u32 s31, s26;
	v0 =	vld.idx.msk [tilespmem:v1+s3+$0x0], $0xffff;
	[tilespmem:s25+$0x0] =	vst v3  }
0xa1: {  	v1 =	vadd.s32 $0xC, v7;
	v3 =	vld.idx.msk [tilespmem:v4+s3+$0x0], $0xffff;
	[tilespmem:s5+$0x0] =	vst v8  }
0xa2: {  	s2 =	sor.u32 s28, s22;
	v4 =	vadd.s32 $0xC, v6;
	v8 =	vld.idx.msk [tilespmem:v9+s3+$0x0], $0xffff  }
0xa3: {  	[tilespmem:s2+$0x0] =	vst v10;
	v9 =	vadd.s32 $0xD, v5  }
0xa4: {  	s6 =	sor.u32 s30, s26;
	v10 =	vld.idx.msk [tilespmem:v11+s3+$0x0], $0xffff  }
0xa5: {  	s8 =	sadd.s32 $0xD200, s0;
	s7 =	sor.u32 s29, s26;
	v11 =	vadd.s32 $0xC, v62;
	[tilespmem:s6+$0x0] =	vst v0  }
0xa6: {  	s9 =	sor.u32 s31, s8;
	v0 =	vld.idx.msk [tilespmem:v1+s3+$0x0], $0xffff;
	[tilespmem:s7+$0x0] =	vst v3  }
0xa7: {  	v1 =	vadd.s32 $0xD, v7;
	v3 =	vld.idx.msk [tilespmem:v4+s3+$0x0], $0xffff;
	[tilespmem:s9+$0x0] =	vst v8  }
0xa8: {  	s1 =	sor.u32 s28, s26;
	v4 =	vadd.s32 $0xD, v6;
	v8 =	vld.idx.msk [tilespmem:v9+s3+$0x0], $0xffff  }
0xa9: {  	[tilespmem:s1+$0x0] =	vst v10;
	v9 =	vadd.s32 $0xE, v5  }
0xaa: {  	s10 =	sor.u32 s30, s8;
	v10 =	vld.idx.msk [tilespmem:v11+s3+$0x0], $0xffff  }
0xab: {  	s11 =	sor.u32 s29, s8;
	s12 =	sadd.s32 $0xD280, s0;
	v11 =	vadd.s32 $0xD, v62;
	[tilespmem:s10+$0x0] =	vst v0  }
0xac: {  	s13 =	sor.u32 s31, s12;
	v0 =	vld.idx.msk [tilespmem:v1+s3+$0x0], $0xffff;
	[tilespmem:s11+$0x0] =	vst v3  }
0xad: {  	v1 =	vadd.s32 $0xE, v7;
	v3 =	vld.idx.msk [tilespmem:v4+s3+$0x0], $0xffff;
	[tilespmem:s13+$0x0] =	vst v8  }
0xae: {  	s2 =	sor.u32 s28, s8;
	v4 =	vadd.s32 $0xE, v6;
	v8 =	vld.idx.msk [tilespmem:v9+s3+$0x0], $0xffff  }
0xaf: {  	[tilespmem:s2+$0x0] =	vst v10;
	v9 =	vadd.s32 $0xF, v5  }
0xb0: {  	s14 =	sor.u32 s30, s12;
	v10 =	vld.idx.msk [tilespmem:v11+s3+$0x0], $0xffff  }
0xb1: {  	s15 =	sor.u32 s29, s12;
	s16 =	sadd.s32 $0xD300, s0;
	v11 =	vadd.s32 $0xE, v62;
	[tilespmem:s14+$0x0] =	vst v0  }
0xb2: {  	s17 =	sor.u32 s31, s16;
	v0 =	vld.idx.msk [tilespmem:v1+s3+$0x0], $0xffff;
	[tilespmem:s15+$0x0] =	vst v3  }
0xb3: {  	v1 =	vadd.s32 $0xF, v7;
	v3 =	vld.idx.msk [tilespmem:v4+s3+$0x0], $0xffff;
	[tilespmem:s17+$0x0] =	vst v8  }
0xb4: {  	s1 =	sor.u32 s28, s12;
	v4 =	vadd.s32 $0xF, v6;
	v8 =	vld.idx.msk [tilespmem:v9+s3+$0x0], $0xffff  }
0xb5: {  	[tilespmem:s1+$0x0] =	vst v10;
	v9 =	vadd.s32 $0x10, v5  }
0xb6: {  	s18 =	sor.u32 s30, s16;
	s19 =	sor.u32 s29, s16;
	s20 =	sadd.s32 $0xD380, s0;
	v10 =	vld.idx.msk [tilespmem:v11+s3+$0x0], $0xffff  }
0xb7: {  	s21 =	sor.u32 s31, s20;
	s23 =	sor.u32 s30, s20;
	s12 =	simm.s32 $0x40;
	v11 =	vadd.s32 $0xF, v62;
	[tilespmem:s18+$0x0] =	vst v0  }
0xb8: {  	s24 =	sor.u32 s29, s20;
	s26 =	sand.u32 $0x40, s12;
	s7 =	sand.u32 $0x380, s12;
	v0 =	vld.idx.msk [tilespmem:v1+s3+$0x0], $0xffff;
	[tilespmem:s19+$0x0] =	vst v3  }
0xb9: {  	s8 =	sor.u32 $0x8400, s7;
	s1 =	sor.u32 s28, s20;
	s20 =	sor.u32 $0x10, s26;
	v1 =	vadd.s32 $0x10, v7;
	v3 =	vld.idx.msk [tilespmem:v4+s3+$0x0], $0xffff;
	[tilespmem:s21+$0x0] =	vst v8  }
0xba: {  	s2 =	sor.u32 s28, s16;
	s9 =	sor.u32 s20, s8;
	v4 =	vadd.s32 $0x10, v6;
	v8 =	vld.idx.msk [tilespmem:v9+s3+$0x0], $0xffff  }
0xbb: {  	v14 =	vld [tilespmem:s9+$0x0];
	[tilespmem:s2+$0x0] =	vst v10;
	v9 =	vadd.s32 $0x11, v5  }
0xbc: {  	s22 =	simm.s32 $0x8440;
	v10 =	vld.idx.msk [tilespmem:v11+s3+$0x0], $0xffff  }
0xbd: {  	v12 =	vadd.s32 $0x10, v62;
	s25 =	sadd.s32 $0xF000, s0;
	v11 =	vld [tilespmem:s22+$0x0];
	[tilespmem:s23+$0x0] =	vst v0  }
0xbe: {  	s6 =	sor.u32 s31, s25;
	v0 =	vld.idx.msk [tilespmem:v1+s3+$0x0], $0xffff;
	[tilespmem:s24+$0x0] =	vst v3  }
0xbf: {  	s21 =	sor.u32 $0x30, s26;
	v1 =	vld.idx.msk [tilespmem:v4+s3+$0x0], $0xffff;
	[tilespmem:s6+$0x0] =	vst v8  }
0xc0: {  	s5 =	sor.u32 s21, s8;
	v4 =	vadd.s32 $0x11, v7;
	v8 =	vld.idx.msk [tilespmem:v9+s3+$0x0], $0xffff  }
0xc1: {  	v13 =	vadd.s32 $0x11, v6;
	[tilespmem:s1+$0x0] =	vst v10;
	v9 =	vld [tilespmem:s5+$0x0]  }
0xc2: {  	s18 =	sor.u32 $0x20, s26;
	v10 =	vld.idx.msk [tilespmem:v12+s3+$0x0], $0xffff;
	v12 =	vadd.s32 $0x12, v5  }
0xc3: {  	v15 =	vadd.s32 $0x11, v62;
	s10 =	sor.u32 s30, s25;
	s2 =	sor.u32 s18, s8;
	v32 =	vmul.u32 $0x21, v14  }
0xc4: {  	s11 =	sadd.s32 $0xF080, s0;
	s15 =	sor.u32 s29, s25;
	v3 =	vmul.u32 $0x21, v11;
	[tilespmem:s10+$0x0] =	vst v0;
	v0 =	vld [tilespmem:s2+$0x0]  }
0xc5: {  	s14 =	sor.u32 s31, s11;
	v11 =	vld.idx.msk [tilespmem:v4+s3+$0x0], $0xffff;
	[tilespmem:s15+$0x0] =	vst v1  }
0xc6: {  	v16 =	vadd.s32 $0x12, v7;
	s16 =	sor.u32 s28, s25;
	[tilespmem:s14+$0x0] =	vst v8;
	v4 =	vmul.u32 $0x21, v9;
	v8 =	vld.idx.msk [tilespmem:v13+s3+$0x0], $0xffff  }
0xc7: {  	[tilespmem:s16+$0x0] =	vst v10;
	v1 =	vld.idx.msk [tilespmem:v12+s3+$0x0], $0xffff  }
0xc8: {  	v9 =	vadd.s32 $0x13, v5;
	v10 =	vld.idx.msk [tilespmem:v15+s3+$0x0], $0xffff  }
0xc9: {  	s17 =	sor.u32 s30, s11;
	v13 =	vadd.s32 $0x12, v62;
	v15 =	vld.idx.msk [tilespmem:v32+s3+$0x0], $0xffff;
	v52 =	vmul.u32 $0x21, v0  }
0xca: {  	s19 =	sadd.s32 $0xF100, s0;
	v0 =	vld.idx.msk [tilespmem:v3+s3+$0x0], $0xffff;
	[tilespmem:s17+$0x0] =	vst v11  }
0xcb: {  	s13 =	simm.s32 $0x200;
	s23 =	sor.u32 s31, s19;
	v11 =	vadd.s32 $0x12, v6;
	v12 =	vld.idx.msk [tilespmem:v16+s3+$0x0], $0xffff  }
0xcc: {  	s22 =	sand.u32 $0x1C00, s13;
	s1 =	sor.u32 s28, s11;
	v14 =	vld.idx.msk [tilespmem:v4+s3+$0x0], $0xffff;
	[tilespmem:s23+$0x0] =	vst v1;
	v1 =	vadd.s32 $0x13, v7  }
0xcd: {  	s4 =	sadd.s32 $0xB000, s22;
	s24 =	sor.u32 s29, s11;
	v16 =	vadd.s32 $0x1, v4;
	[tilespmem:s1+$0x0] =	vst v10;
	v9 =	vld.idx.msk [tilespmem:v9+s3+$0x0], $0xffff  }
0xce: {  	v17 =	vadd.s32 $0x14, v5;
	s11 =	sor.u32 s20, s4;
	[tilespmem:s24+$0x0] =	vst v8;
	v13 =	vld.idx.msk [tilespmem:v13+s3+$0x0], $0xffff  }
0xcf: {  	s25 =	sor.u32 s30, s19;
	v18 =	vadd.s32 $0x1, v32;
	[tilespmem:s11+$0x0] =	vst v15;
	v8 =	vld.idx.msk [tilespmem:v52+s3+$0x0], $0xffff  }
0xd0: {  	s7 =	sadd.s32 $0xF180, s0;
	s5 =	sor.u32 s21, s4;
	v10 =	vld.idx.msk [tilespmem:v11+s3+$0x0], $0xffff;
	v11 =	vadd.s32 $0x1, v52;
	[tilespmem:s25+$0x0] =	vst v12  }
0xd1: {  	s10 =	sor.u32 s31, s7;
	v12 =	vadd.s32 $0x1, v3;
	[tilespmem:s5+$0x0] =	vst v14;
	v1 =	vld.idx.msk [tilespmem:v1+s3+$0x0], $0xffff  }
0xd2: {  	s15 =	sor.u32 s26, s4;
	v14 =	vadd.s32 $0x13, v6;
	v16 =	vld.idx.msk [tilespmem:v16+s3+$0x0], $0xffff;
	[tilespmem:s10+$0x0] =	vst v9  }
0xd3: {  	s14 =	sor.u32 s18, s4;
	[tilespmem:s15+$0x0] =	vst v0;
	v9 =	vadd.s32 $0x13, v62;
	v15 =	vld.idx.msk [tilespmem:v17+s3+$0x0], $0xffff  }
0xd4: {  	s8 =	sor.u32 s28, s19;
	[tilespmem:s14+$0x0] =	vst v8;
	v8 =	vadd.s32 $0x2, v4;
	v17 =	vld.idx.msk [tilespmem:v18+s3+$0x0], $0xffff  }
0xd5: {  	s16 =	sor.u32 s29, s19;
	[tilespmem:s8+$0x0] =	vst v13;
	v0 =	vld.idx.msk [tilespmem:v11+s3+$0x0], $0xffff;
	v11 =	vadd.s32 $0x15, v5  }
0xd6: {  	s23 =	sor.u32 s30, s7;
	v18 =	vadd.s32 $0x2, v32;
	[tilespmem:s16+$0x0] =	vst v10;
	v12 =	vld.idx.msk [tilespmem:v12+s3+$0x0], $0xffff  }
0xd7: {  	s17 =	sadd.s32 $0xF200, s0;
	v10 =	vadd.s32 $0x2, v52;
	v13 =	vld.idx.msk [tilespmem:v14+s3+$0x0], $0xffff;
	[tilespmem:s23+$0x0] =	vst v1  }
0xd8: {  	s19 =	sor.u32 s31, s17;
	v14 =	vadd.s32 $0x2, v3;
	[tilespmem:s5+$0x80] =	vst v16;
	v9 =	vld.idx.msk [tilespmem:v9+s3+$0x0], $0xffff  }
0xd9: {  	v16 =	vadd.s32 $0x14, v7;
	v8 =	vld.idx.msk [tilespmem:v8+s3+$0x0], $0xffff;
	[tilespmem:s19+$0x0] =	vst v15  }
0xda: {  	v15 =	vadd.s32 $0x14, v6;
	[tilespmem:s11+$0x80] =	vst v17;
	v11 =	vld.idx.msk [tilespmem:v11+s3+$0x0], $0xffff  }
0xdb: {  	[tilespmem:s14+$0x80] =	vst v0;
	v0 =	vadd.s32 $0x3, v4;
	v17 =	vld.idx.msk [tilespmem:v18+s3+$0x0], $0xffff  }
0xdc: {  	s9 =	sor.u32 s29, s7;
	[tilespmem:s15+$0x80] =	vst v12;
	v10 =	vld.idx.msk [tilespmem:v10+s3+$0x0], $0xffff;
	v12 =	vadd.s32 $0x16, v5  }
0xdd: {  	s4 =	sor.u32 s28, s7;
	v18 =	vadd.s32 $0x3, v32;
	v14 =	vld.idx.msk [tilespmem:v14+s3+$0x0], $0xffff;
	[tilespmem:s9+$0x0] =	vst v13  }
0xde: {  	s1 =	sadd.s32 $0xF280, s0;
	v1 =	vadd.s32 $0x3, v52;
	v16 =	vld.idx.msk [tilespmem:v16+s3+$0x0], $0xffff;
	[tilespmem:s4+$0x0] =	vst v9  }
0xdf: {  	s24 =	sor.u32 s31, s1;
	v13 =	vadd.s32 $0x3, v3;
	[tilespmem:s5+$0x100] =	vst v8;
	v8 =	vld.idx.msk [tilespmem:v15+s3+$0x0], $0xffff  }
0xe0: {  	v15 =	vadd.s32 $0x14, v62;
	v0 =	vld.idx.msk [tilespmem:v0+s3+$0x0], $0xffff;
	[tilespmem:s24+$0x0] =	vst v11  }
0xe1: {  	v11 =	vadd.s32 $0x15, v7;
	[tilespmem:s11+$0x100] =	vst v17;
	v12 =	vld.idx.msk [tilespmem:v12+s3+$0x0], $0xffff  }
0xe2: {  	[tilespmem:s14+$0x100] =	vst v10;
	v10 =	vadd.s32 $0x4, v4;
	v17 =	vld.idx.msk [tilespmem:v18+s3+$0x0], $0xffff  }
0xe3: {  	s25 =	sor.u32 s30, s17;
	v1 =	vld.idx.msk [tilespmem:v1+s3+$0x0], $0xffff;
	[tilespmem:s15+$0x100] =	vst v14;
	v14 =	vadd.s32 $0x17, v5  }
0xe4: {  	s10 =	sor.u32 s29, s17;
	v18 =	vadd.s32 $0x4, v32;
	v13 =	vld.idx.msk [tilespmem:v13+s3+$0x0], $0xffff;
	[tilespmem:s25+$0x0] =	vst v16  }
0xe5: {  	v9 =	vadd.s32 $0x4, v52;
	s4 =	sadd.s32 $0xF300, s0;
	v15 =	vld.idx.msk [tilespmem:v15+s3+$0x0], $0xffff;
	[tilespmem:s10+$0x0] =	vst v8  }
0xe6: {  	s9 =	sor.u32 s31, s4;
	v16 =	vadd.s32 $0x4, v3;
	[tilespmem:s5+$0x180] =	vst v0;
	v0 =	vld.idx.msk [tilespmem:v11+s3+$0x0], $0xffff  }
0xe7: {  	p2 =	por !p2, !p2;
	s6 =	simm.s32 $0x1;
	v11 =	vadd.s32 $0x15, v6;
	v10 =	vld.idx.msk [tilespmem:v10+s3+$0x0], $0xffff;
	[tilespmem:s9+$0x0] =	vst v12  }
0xe8: {  	s6 =	simm.s32 @!p2 $0x0;
	[tilespmem:s11+$0x180] =	vst v17;
	v12 =	vadd.s32 $0x15, v62;
	v14 =	vld.idx.msk [tilespmem:v14+s3+$0x0], $0xffff  }
0xe9: {  	s6 =	sshll.u32 s6, $0x6;
	[tilespmem:s14+$0x180] =	vst v1;
	v1 =	vadd.s32 $0x5, v4;
	v17 =	vld.idx.msk [tilespmem:v18+s3+$0x0], $0xffff  }
0xea: {  	s9 =	sadd.s32 $0x200, s6;
	s11 =	sor.u32 s28, s17;
	v9 =	vld.idx.msk [tilespmem:v9+s3+$0x0], $0xffff;
	[tilespmem:s15+$0x180] =	vst v13;
	v13 =	vadd.s32 $0x18, v5  }
0xeb: {  	s19 =	sor.u32 s30, s1;
	v18 =	vadd.s32 $0x5, v32;
	s8 =	sadd.s32 $0x30, s9;
	v16 =	vld.idx.msk [tilespmem:v16+s3+$0x0], $0xffff;
	[tilespmem:s11+$0x0] =	vst v15  }
0xec: {  	v8 =	vadd.s32 $0x5, v52;
	s5 =	sadd.s32 $0xF380, s0;
	s14 =	sor.u32 $0x200, s8;
	v11 =	vld.idx.msk [tilespmem:v11+s3+$0x0], $0xffff;
	[tilespmem:s19+$0x0] =	vst v0  }
0xed: {  	s6 =	sadd.s32 $0x10, s9;
	s15 =	sor.u32 s31, s5;
	v15 =	vadd.s32 $0x5, v3;
	[tilespmem:s14+$0xB000] =	vst v10;
	v10 =	vld.idx.msk [tilespmem:v12+s3+$0x0], $0xffff  }
0xee: {  	s7 =	sadd.s32 $0x20, s9;
	s10 =	sor.u32 $0x200, s6;
	v12 =	vadd.s32 $0x16, v7;
	v1 =	vld.idx.msk [tilespmem:v1+s3+$0x0], $0xffff;
	[tilespmem:s15+$0x0] =	vst v14  }
0xef: {  	s16 =	sor.u32 $0x200, s7;
	v14 =	vadd.s32 $0x16, v6;
	[tilespmem:s10+$0xB000] =	vst v17;
	v13 =	vld.idx.msk [tilespmem:v13+s3+$0x0], $0xffff  }
0xf0: {  	s17 =	sor.u32 $0x200, s9;
	[tilespmem:s16+$0xB000] =	vst v9;
	v9 =	vadd.s32 $0x6, v4;
	v17 =	vld.idx.msk [tilespmem:v18+s3+$0x0], $0xffff  }
0xf1: {  	s23 =	sor.u32 s29, s1;
	v8 =	vld.idx.msk [tilespmem:v8+s3+$0x0], $0xffff;
	[tilespmem:s17+$0xB000] =	vst v16;
	v16 =	vadd.s32 $0x19, v5  }
0xf2: {  	s1 =	sor.u32 s28, s1;
	v18 =	vadd.s32 $0x6, v32;
	v15 =	vld.idx.msk [tilespmem:v15+s3+$0x0], $0xffff;
	[tilespmem:s23+$0x0] =	vst v11  }
0xf3: {  	s2 =	sadd.s32 $0x11000, s0;
	s11 =	sor.u32 $0x280, s8;
	v0 =	vadd.s32 $0x6, v52;
	v12 =	vld.idx.msk [tilespmem:v12+s3+$0x0], $0xffff;
	[tilespmem:s1+$0x0] =	vst v10  }
0xf4: {  	s24 =	sor.u32 s31, s2;
	v11 =	vadd.s32 $0x6, v3;
	[tilespmem:s11+$0xB000] =	vst v1;
	v1 =	vld.idx.msk [tilespmem:v14+s3+$0x0], $0xffff  }
0xf5: {  	s25 =	sor.u32 $0x280, s6;
	v14 =	vadd.s32 $0x16, v62;
	v9 =	vld.idx.msk [tilespmem:v9+s3+$0x0], $0xffff;
	[tilespmem:s24+$0x0] =	vst v13  }
0xf6: {  	s14 =	sor.u32 $0x280, s7;
	v13 =	vadd.s32 $0x17, v7;
	[tilespmem:s25+$0xB000] =	vst v17;
	v16 =	vld.idx.msk [tilespmem:v16+s3+$0x0], $0xffff  }
0xf7: {  	s15 =	sor.u32 $0x280, s9;
	[tilespmem:s14+$0xB000] =	vst v8;
	v8 =	vadd.s32 $0x7, v4;
	v17 =	vld.idx.msk [tilespmem:v18+s3+$0x0], $0xffff  }
0xf8: {  	s16 =	sor.u32 s30, s4;
	v0 =	vld.idx.msk [tilespmem:v0+s3+$0x0], $0xffff;
	[tilespmem:s15+$0xB000] =	vst v15;
	v15 =	vadd.s32 $0x1A, v5  }
0xf9: {  	s25 =	sor.u32 s29, s4;
	v18 =	vadd.s32 $0x7, v32;
	v11 =	vld.idx.msk [tilespmem:v11+s3+$0x0], $0xffff;
	[tilespmem:s16+$0x0] =	vst v12  }
0xfa: {  	s17 =	sor.u32 $0x300, s8;
	v10 =	vadd.s32 $0x7, v52;
	s1 =	sadd.s32 $0x11080, s0;
	v14 =	vld.idx.msk [tilespmem:v14+s3+$0x0], $0xffff;
	[tilespmem:s25+$0x0] =	vst v1  }
0xfb: {  	s19 =	sor.u32 s31, s1;
	v12 =	vadd.s32 $0x7, v3;
	[tilespmem:s17+$0xB000] =	vst v9;
	v9 =	vld.idx.msk [tilespmem:v13+s3+$0x0], $0xffff  }
0xfc: {  	s23 =	sor.u32 $0x300, s6;
	v13 =	vadd.s32 $0x17, v6;
	v8 =	vld.idx.msk [tilespmem:v8+s3+$0x0], $0xffff;
	[tilespmem:s19+$0x0] =	vst v16  }
0xfd: {  	s24 =	sor.u32 $0x300, s7;
	[tilespmem:s23+$0xB000] =	vst v17;
	v16 =	vadd.s32 $0x17, v62;
	v15 =	vld.idx.msk [tilespmem:v15+s3+$0x0], $0xffff  }
0xfe: {  	s9 =	sor.u32 $0x300, s9;
	[tilespmem:s24+$0xB000] =	vst v0;
	v0 =	vadd.s32 $0x8, v4;
	v17 =	vld.idx.msk [tilespmem:v18+s3+$0x0], $0xffff  }
0xff: {  	s4 =	sor.u32 s28, s4;
	v10 =	vld.idx.msk [tilespmem:v10+s3+$0x0], $0xffff;
	[tilespmem:s9+$0xB000] =	vst v11  }
0x100: {  	s8 =	sor.u32 $0x380, s8;
	v12 =	vld.idx.msk [tilespmem:v12+s3+$0x0], $0xffff;
	[tilespmem:s4+$0x0] =	vst v14;
	s4 =	sadd.s32 $0x11100, s0  }
0x101: {  	v11 =	vadd.s32 $0x1B, v5;
	v13 =	vld.idx.msk [tilespmem:v13+s3+$0x0], $0xffff;
	s9 =	sor.u32 s31, s4;
	[tilespmem:s8+$0xB000] =	vst v8  }
0x102: {  	s10 =	simm.s32 $0x40;
	v18 =	vadd.s32 $0x8, v32;
	v8 =	vld.idx.msk [tilespmem:v16+s3+$0x0], $0xffff;
	[tilespmem:s9+$0x0] =	vst v15  }
0x103: {  	s11 =	simm.s32 $0x200;
	v1 =	vadd.s32 $0x8, v52;
	v0 =	vld.idx.msk [tilespmem:v0+s3+$0x0], $0xffff;
	[dreg:$0x6] =	wrdreg s10  }
0x104: {  	s6 =	sor.u32 $0x380, s6;
	v14 =	vadd.s32 $0x8, v3;
	[dreg:$0x7] =	wrdreg s11  }
0x105: {  	s13 =	sor.u32 s13, s12;
	s7 =	sor.u32 $0x380, s7;
	v16 =	vadd.s32 $0x18, v7;
	[tilespmem:s6+$0xB000] =	vst v17  }
0x106: {  	s14 =	sor.u32 $0x380, s13;
	v15 =	vadd.s32 $0x18, v6;
	v11 =	vld.idx.msk [tilespmem:v11+s3+$0x0], $0xffff;
	[tilespmem:s7+$0xB000] =	vst v10  }
0x107: {  	s15 =	sor.u32 s30, s5;
	v10 =	vadd.s32 $0x9, v4;
	[tilespmem:s14+$0xB000] =	vst v12;
	v17 =	vld.idx.msk [tilespmem:v18+s3+$0x0], $0xffff  }
0x108: {  	s16 =	sor.u32 s29, s5;
	v12 =	vadd.s32 $0x1C, v5;
	[tilespmem:s15+$0x0] =	vst v9;
	v1 =	vld.idx.msk [tilespmem:v1+s3+$0x0], $0xffff  }
0x109: {  	s5 =	sor.u32 s28, s5;
	s17 =	sadd.s32 $0xD000, s22;
	v18 =	vadd.s32 $0x9, v32;
	v14 =	vld.idx.msk [tilespmem:v14+s3+$0x0], $0xffff;
	[tilespmem:s16+$0x0] =	vst v13  }
0x10a: {  	s19 =	sor.u32 s21, s17;
	v9 =	vadd.s32 $0x9, v52;
	s6 =	sadd.s32 $0x11180, s0;
	v16 =	vld.idx.msk [tilespmem:v16+s3+$0x0], $0xffff;
	[tilespmem:s5+$0x0] =	vst v8  }
0x10b: {  	v13 =	vadd.s32 $0x9, v3;
	s23 =	sor.u32 s31, s6;
	[tilespmem:s19+$0x0] =	vst v0;
	v15 =	vld.idx.msk [tilespmem:v15+s3+$0x0], $0xffff  }
0x10c: {  	s24 =	sor.u32 s20, s17;
	v0 =	vld.idx.msk [tilespmem:v10+s3+$0x0], $0xffff;
	v10 =	vadd.s32 $0x18, v62;
	[tilespmem:s23+$0x0] =	vst v11  }
0x10d: {  	s25 =	sor.u32 s18, s17;
	v11 =	vadd.s32 $0x19, v7;
	[tilespmem:s24+$0x0] =	vst v17;
	v12 =	vld.idx.msk [tilespmem:v12+s3+$0x0], $0xffff  }
0x10e: {  	s9 =	sor.u32 s26, s17;
	[tilespmem:s25+$0x0] =	vst v1;
	v1 =	vadd.s32 $0xA, v4;
	v17 =	vld.idx.msk [tilespmem:v18+s3+$0x0], $0xffff  }
0x10f: {  	s10 =	sor.u32 s30, s2;
	[tilespmem:s9+$0x0] =	vst v14;
	v14 =	vadd.s32 $0x1D, v5;
	v9 =	vld.idx.msk [tilespmem:v9+s3+$0x0], $0xffff  }
0x110: {  	s11 =	sadd.s32 $0xD080, s22;
	s16 =	sor.u32 s29, s2;
	v18 =	vadd.s32 $0xA, v32;
	v13 =	vld.idx.msk [tilespmem:v13+s3+$0x0], $0xffff;
	[tilespmem:s10+$0x0] =	vst v16  }
0x111: {  	s12 =	sor.u32 s21, s11;
	v8 =	vadd.s32 $0xA, v52;
	s5 =	sadd.s32 $0x11200, s0;
	[tilespmem:s16+$0x0] =	vst v15;
	v10 =	vld.idx.msk [tilespmem:v10+s3+$0x0], $0xffff  }
0x112: {  	s13 =	sor.u32 s31, s5;
	v16 =	vadd.s32 $0xA, v3;
	[tilespmem:s12+$0x0] =	vst v0;
	v11 =	vld.idx.msk [tilespmem:v11+s3+$0x0], $0xffff  }
0x113: {  	v19 =	vadd.s32 $0x19, v6;
	s14 =	sor.u32 s20, s11;
	v1 =	vld.idx.msk [tilespmem:v1+s3+$0x0], $0xffff;
	[tilespmem:s13+$0x0] =	vst v12  }
0x114: {  	s15 =	sor.u32 s18, s11;
	[tilespmem:s14+$0x0] =	vst v17;
	v17 =	vadd.s32 $0x19, v62;
	v14 =	vld.idx.msk [tilespmem:v14+s3+$0x0], $0xffff  }
0x115: {  	s8 =	sor.u32 s26, s11;
	[tilespmem:s15+$0x0] =	vst v9;
	v9 =	vadd.s32 $0xB, v4;
	v18 =	vld.idx.msk [tilespmem:v18+s3+$0x0], $0xffff  }
0x116: {  	v20 =	vadd.s32 $0x1A, v7;
	v41 =	vadd.s32 $0x1C, v7;
	s2 =	sor.u32 s28, s2;
	[tilespmem:s8+$0x0] =	vst v13;
	v13 =	vadd.s32 $0x1E, v5;
	v8 =	vld.idx.msk [tilespmem:v8+s3+$0x0], $0xffff  }
0x117: {  	v36 =	vadd.s32 $0x1D, v7;
	v33 =	vadd.s32 $0x1E, v7;
	v21 =	vadd.s32 $0xB, v32;
	s17 =	sadd.s32 $0xD100, s22;
	s10 =	sor.u32 s30, s1;
	v16 =	vld.idx.msk [tilespmem:v16+s3+$0x0], $0xffff;
	[tilespmem:s2+$0x0] =	vst v10  }
0x118: {  	v23 =	vadd.s32 $0x1F, v7;
	s19 =	sor.u32 s21, s17;
	v0 =	vadd.s32 $0x1B, v7;
	v7 =	vadd.s32 $0xB, v52;
	s2 =	sadd.s32 $0x11280, s0;
	v10 =	vld.idx.msk [tilespmem:v19+s3+$0x0], $0xffff;
	[tilespmem:s10+$0x0] =	vst v11  }
0x119: {  	v15 =	vadd.s32 $0xB, v3;
	[tilespmem:s19+$0x0] =	vst v1;
	s23 =	sor.u32 s31, s2;
	v17 =	vld.idx.msk [tilespmem:v17+s3+$0x0], $0xffff  }
0x11a: {  	s24 =	sor.u32 s20, s17;
	v1 =	vld.idx.msk [tilespmem:v9+s3+$0x0], $0xffff;
	[tilespmem:s23+$0x0] =	vst v14  }
0x11b: {  	v46 =	vadd.s32 $0x1B, v6;
	s25 =	sor.u32 s18, s17;
	[tilespmem:s24+$0x0] =	vst v18;
	v9 =	vld.idx.msk [tilespmem:v13+s3+$0x0], $0xffff  }
0x11c: {  	v40 =	vadd.s32 $0x1C, v6;
	v38 =	vadd.s32 $0x1D, v6;
	v31 =	vadd.s32 $0x1E, v6;
	s8 =	sor.u32 s26, s17;
	[tilespmem:s25+$0x0] =	vst v8;
	v13 =	vld.idx.msk [tilespmem:v21+s3+$0x0], $0xffff  }
0x11d: {  	v22 =	vadd.s32 $0x1F, v6;
	v12 =	vadd.s32 $0x1A, v6;
	v11 =	vadd.s32 $0x14, v32;
	[tilespmem:s8+$0x0] =	vst v16;
	v7 =	vld.idx.msk [tilespmem:v7+s3+$0x0], $0xffff  }
0x11e: {  	v60 =	vadd.s32 $0xD, v32;
	v51 =	vadd.s32 $0xE, v32;
	v59 =	vadd.s32 $0xF, v32;
	s13 =	sor.u32 s28, s1;
	s1 =	sor.u32 s29, s1;
	v14 =	vld.idx.msk [tilespmem:v15+s3+$0x0], $0xffff;
	[tilespmem:$0x1FFE0] =	vst v11  }
0x11f: {  	v49 =	vadd.s32 $0x10, v32;
	s7 =	sor.u32 s29, s4;
	s11 =	sadd.s32 $0xD180, s22;
	s9 =	sor.u32 s29, s6;
	v8 =	vadd.s32 $0xC, v4;
	[tilespmem:s1+$0x0] =	vst v10;
	v10 =	vadd.s32 $0x14, v52  }
0x120: {  	v35 =	vadd.s32 $0x11, v32;
	v47 =	vadd.s32 $0x12, v32;
	s16 =	sor.u32 s28, s4;
	s12 =	sor.u32 s30, s5;
	v5 =	vadd.s32 $0x1F, v5;
	s15 =	sor.u32 s21, s11;
	v11 =	vld.idx.msk [tilespmem:v20+s3+$0x0], $0xffff;
	[tilespmem:$0x1FFF0] =	vst v10  }
0x121: {  	v63 =	vadd.s32 $0x13, v32;
	v53 =	vadd.s32 $0x15, v32;
	v6 =	vadd.s32 $0xC, v32;
	s17 =	sor.u32 s30, s4;
	s14 =	sadd.s32 $0x11300, s0;
	s23 =	sor.u32 s28, s5;
	[tilespmem:s15+$0x0] =	vst v1  }
0x122: {  	v28 =	vadd.s32 $0x16, v32;
	v26 =	vadd.s32 $0x17, v32;
	s4 =	sor.u32 s28, s6;
	v19 =	vadd.s32 $0xC, v52;
	s19 =	sor.u32 s31, s14;
	v1 =	vld.idx.msk [tilespmem:v12+s3+$0x0], $0xffff;
	[dreg:$0xf] =	wrdreg s23  }
0x123: {  	v43 =	vadd.s32 $0x1C, v32;
	v37 =	vadd.s32 $0x1D, v32;
	v48 =	vadd.s32 $0x1E, v32;
	s0 =	sadd.s32 $0x11380, s0;
	s10 =	sor.u32 s28, s14;
	s24 =	sor.u32 s20, s11;
	[tilespmem:s19+$0x0] =	vst v9  }
0x124: {  	v34 =	vadd.s32 $0x1F, v32;
	v2 =	vadd.s32 $0xD, v52;
	s25 =	sor.u32 s30, s6;
	s6 =	sor.u32 s29, s5;
	s5 =	sor.u32 s18, s11;
	v10 =	vadd.s32 $0xC, v3;
	v9 =	vld.idx.msk [tilespmem:v8+s3+$0x0], $0xffff;
	[tilespmem:s24+$0x0] =	vst v13  }
0x125: {  	v50 =	vadd.s32 $0xE, v52;
	v58 =	vadd.s32 $0xF, v52;
	s8 =	sor.u32 s26, s11;
	s11 =	smov.u32 s18;
	s1 =	sor.u32 s31, s0;
	v12 =	vadd.s32 $0x1A, v62;
	[tilespmem:s5+$0x0] =	vst v7;
	v13 =	vld.idx.msk [tilespmem:v5+s3+$0x0], $0xffff  }
0x126: {  	v57 =	vadd.s32 $0x10, v52;
	v56 =	vadd.s32 $0x11, v52;
	v54 =	vadd.s32 $0x12, v52;
	s31 =	simm.s32 $0x4;
	s15 =	sor.u32 s28, s2;
	s23 =	smov.u32 s26;
	[tilespmem:s8+$0x0] =	vst v14;
	v5 =	vld.idx.msk [tilespmem:v6+s3+$0x0], $0xffff  }
0x127: {  	v55 =	vadd.s32 $0x13, v52;
	v61 =	vadd.s32 $0x15, v52;
	v15 =	vadd.s32 $0xD, v4;
	s19 =	sor.u32 s30, s2;
	s5 =	sor.u32 s29, s2;
	v6 =	vld.idx.msk [tilespmem:v19+s3+$0x0], $0xffff;
	[dreg:$0xe] =	wrdreg s10  }
0x128: {  	v29 =	vadd.s32 $0x16, v52;
	v27 =	vadd.s32 $0x17, v52;
	v25 =	vadd.s32 $0x18, v52;
	s8 =	sor.u32 s30, s14;
	s14 =	sor.u32 s29, s14;
	[tilespmem:s13+$0x0] =	vst v17;
	s13 =	sadd.s32 $0xD200, s22  }
0x129: {  	v45 =	vadd.s32 $0x1B, v52;
	v42 =	vadd.s32 $0x1C, v52;
	v39 =	vadd.s32 $0x1D, v52;
	s2 =	sor.u32 s30, s0;
	s24 =	sor.u32 s29, s0;
	v8 =	vld.idx.msk [tilespmem:v10+s3+$0x0], $0xffff;
	[tilespmem:s17+$0x0] =	vst v11;
	s30 =	sor.u32 s21, s13  }
0x12a: {  	v24 =	vadd.s32 $0x1F, v52;
	v18 =	vadd.s32 $0x19, v32;
	v16 =	vadd.s32 $0x1A, v32;
	s10 =	smov.u32 s21;
	s17 =	sor.u32 s28, s0;
	s0 =	smov.u32 s20;
	v7 =	vld.idx.msk [tilespmem:v12+s3+$0x0], $0xffff;
	[tilespmem:s30+$0x0] =	vst v9  }
0x12b: {  	v21 =	vadd.s32 $0x18, v32;
	v20 =	vadd.s32 $0x19, v52;
	v14 =	vadd.s32 $0x1B, v32;
	s28 =	smov.u32 s11;
	s21 =	sor.u32 s26, s13;
	s26 =	sor.u32 s20, s13;
	v9 =	vld.idx.msk [tilespmem:v0+s3+$0x0], $0xffff;
	[tilespmem:s1+$0x0] =	vst v13  }
0x12c: {  	v19 =	vadd.s32 $0x1E, v52;
	v17 =	vadd.s32 $0x1A, v52;
	v10 =	vadd.s32 $0xD, v3;
	s13 =	sor.u32 s11, s13;
	s11 =	simm.s32 $0x8480;
	v11 =	vld.idx.msk [tilespmem:v15+s3+$0x0], $0xffff;
	[dreg:$0x9] =	wrdreg s31  }
.LBB2_8:
0x12d: {  	[tilespmem:$0x1FEA0] =	vst v21  }
0x12e: {  	[tilespmem:$0x1FF00] =	vst v18  }
0x12f: {  	[tilespmem:$0x1FF30] =	vst v20  }
0x130: {  	[tilespmem:$0x1FF60] =	vst v16  }
0x131: {  	[tilespmem:$0x1FF80] =	vst v17  }
0x132: {  	[tilespmem:$0x1FFC0] =	vst v14  }
0x133: {  	[tilespmem:s26+$0x0] =	vst v5  }
0x134: {  	v0 =	vld [tilespmem:s11+$0x0];
	[tilespmem:s21+$0x0] =	vst v8  }
0x135: {  	v5 =	vadd.s32 $0x1B, v62;
	v12 =	vld.idx.msk [tilespmem:v60+s3+$0x0], $0xffff;
	[tilespmem:s25+$0x0] =	vst v9  }
0x136: {  	[tilespmem:s13+$0x0] =	vst v6  }
0x137: {  	v10 =	vld.idx.msk [tilespmem:v10+s3+$0x0], $0xffff;
	s13 =	smov.u32 s22;
	[tilespmem:s16+$0x0] =	vst v7  }
0x138: {  	s31 =	smov.u32 s10;
	v8 =	vld.idx.msk [tilespmem:v2+s3+$0x0], $0xffff;
	s20 =	sadd.s32 $0xD280, s13;
	[tilespmem:s7+$0x0] =	vst v1;
	v2 =	vmov v45  }
0x139: {  	[dreg:$0xc] =	wrdreg s11;
	s30 =	smov.u32 s0;
	v6 =	vadd.s32 $0xE, v4;
	s11 =	sor.u32 s31, s20;
	[tilespmem:$0x1FE00] =	vst v2  }
0x13a: {  	s29 =	smov.u32 s23;
	v7 =	vadd.s32 $0xE, v3;
	v5 =	vld.idx.msk [tilespmem:v5+s3+$0x0], $0xffff;
	s10 =	sor.u32 s30, s20;
	[tilespmem:s11+$0x0] =	vst v11  }
0x13b: {  	s1 =	sor.u32 s29, s20;
	v1 =	vld.idx.msk [tilespmem:v46+s3+$0x0], $0xffff;
	[tilespmem:s10+$0x0] =	vst v12  }
0x13c: {  	s18 =	smov.u32 s28;
	[tilespmem:s1+$0x0] =	vst v10;
	v11 =	vld.idx.msk [tilespmem:v41+s3+$0x0], $0xffff;
	v2 =	vmov v43  }
0x13d: {  	s23 =	sor.u32 s18, s20;
	v12 =	vld.idx.msk [tilespmem:v51+s3+$0x0], $0xffff;
	[tilespmem:$0x1FE60] =	vst v2  }
0x13e: {  	v6 =	vld.idx.msk [tilespmem:v6+s3+$0x0], $0xffff;
	[tilespmem:s23+$0x0] =	vst v8  }
0x13f: {  	v9 =	vadd.s32 $0x1C, v62;
	v7 =	vld.idx.msk [tilespmem:v7+s3+$0x0], $0xffff;
	[tilespmem:s4+$0x0] =	vst v5  }
0x140: {  	v8 =	vadd.s32 $0xF, v4;
	v10 =	vld.idx.msk [tilespmem:v50+s3+$0x0], $0xffff;
	[tilespmem:s9+$0x0] =	vst v1;
	v2 =	vmov v42  }
0x141: {  	s25 =	sadd.s32 $0xD300, s13;
	[tilespmem:$0x1FF70] =	vst v2  }
0x142: {  	s1 =	sor.u32 s31, s25;
	[tilespmem:s12+$0x0] =	vst v11  }
0x143: {  	s0 =	sor.u32 s30, s25;
	v1 =	vld.idx.msk [tilespmem:v40+s3+$0x0], $0xffff;
	[tilespmem:s1+$0x0] =	vst v6  }
0x144: {  	s26 =	sor.u32 s29, s25;
	v5 =	vadd.s32 $0xF, v3;
	v6 =	vld.idx.msk [tilespmem:v9+s3+$0x0], $0xffff;
	[tilespmem:s0+$0x0] =	vst v12  }
0x145: {  	v2 =	vmov v37;
	[tilespmem:s26+$0x0] =	vst v7;
	v8 =	vld.idx.msk [tilespmem:v8+s3+$0x0], $0xffff  }
0x146: {  	s7 =	sor.u32 s18, s25;
	v11 =	vld.idx.msk [tilespmem:v36+s3+$0x0], $0xffff;
	[tilespmem:$0x1FE30] =	vst v2  }
0x147: {  	v9 =	vadd.s32 $0x1D, v62;
	v12 =	vld.idx.msk [tilespmem:v59+s3+$0x0], $0xffff;
	[tilespmem:s7+$0x0] =	vst v10  }
0x148: {  	v10 =	vadd.s32 $0x10, v4;
	v7 =	vld.idx.msk [tilespmem:v58+s3+$0x0], $0xffff;
	[tilespmem:s6+$0x0] =	vst v1;
	v2 =	vmov v39  }
0x149: {  	s20 =	rddreg [dreg:$0xf];
	s10 =	sadd.s32 $0xD380, s13;
	v5 =	vld.idx.msk [tilespmem:v5+s3+$0x0], $0xffff;
	[tilespmem:$0x1FED0] =	vst v2  }
0x14a: {  	s16 =	sor.u32 s31, s10;
	[tilespmem:s20+$0x0] =	vst v6  }
0x14b: {  	v1 =	vld.idx.msk [tilespmem:v38+s3+$0x0], $0xffff;
	[tilespmem:s16+$0x0] =	vst v8  }
0x14c: {  	s12 =	sor.u32 s30, s10;
	v6 =	vadd.s32 $0x10, v3;
	v8 =	vld.idx.msk [tilespmem:v9+s3+$0x0], $0xffff;
	[tilespmem:s19+$0x0] =	vst v11  }
0x14d: {  	s11 =	sor.u32 s29, s10;
	v9 =	vld.idx.msk [tilespmem:v10+s3+$0x0], $0xffff;
	[tilespmem:s12+$0x0] =	vst v12  }
0x14e: {  	s4 =	sor.u32 s18, s10;
	[tilespmem:s11+$0x0] =	vst v5;
	v10 =	vadd.s32 $0x1E, v62;
	v11 =	vld.idx.msk [tilespmem:v33+s3+$0x0], $0xffff  }
0x14f: {  	v2 =	vmov v48;
	v12 =	vld.idx.msk [tilespmem:v49+s3+$0x0], $0xffff;
	[tilespmem:s4+$0x0] =	vst v7;
	v7 =	vadd.s32 $0x11, v4  }
0x150: {  	s1 =	rddreg [dreg:$0x6];
	[tilespmem:$0x1FE10] =	vst v2;
	v5 =	vld.idx.msk [tilespmem:v57+s3+$0x0], $0xffff  }
0x151: {  	s21 =	sadd.s32 $0xF000, s13;
	s1 =	sadd.s32 $0x40, s1;
	[tilespmem:s5+$0x0] =	vst v1;
	v6 =	vld.idx.msk [tilespmem:v6+s3+$0x0], $0xffff  }
0x152: {  	s23 =	sor.u32 s31, s21;
	s0 =	sand.u32 $0x40, s1;
	s25 =	sand.u32 $0x380, s1;
	v2 =	vmov v34;
	v1 =	vld.idx.msk [tilespmem:v31+s3+$0x0], $0xffff;
	[tilespmem:s15+$0x0] =	vst v8  }
0x153: {  	s10 =	sor.u32 $0x8400, s25;
	s11 =	sor.u32 $0x30, s0;
	[tilespmem:s23+$0x0] =	vst v9;
	v8 =	vld.idx.msk [tilespmem:v10+s3+$0x0], $0xffff  }
0x154: {  	s7 =	sor.u32 s11, s10;
	[tilespmem:$0x1FE20] =	vst v2;
	v7 =	vld.idx.msk [tilespmem:v7+s3+$0x0], $0xffff  }
0x155: {  	s12 =	sor.u32 $0x10, s0;
	v2 =	vmov v24;
	[tilespmem:s8+$0x0] =	vst v11;
	v10 =	vld [tilespmem:s7+$0x0]  }
0x156: {  	v14 =	vadd.s32 $0x11, v3;
	s28 =	sor.u32 $0x20, s0;
	s16 =	sor.u32 s30, s21;
	s15 =	sor.u32 s12, s10;
	[tilespmem:$0x1FE50] =	vst v2;
	v9 =	vld.idx.msk [tilespmem:v23+s3+$0x0], $0xffff  }
0x157: {  	s6 =	sor.u32 s28, s10;
	s4 =	sor.u32 s18, s21;
	v13 =	vld [tilespmem:s15+$0x0];
	[tilespmem:s16+$0x0] =	vst v12  }
0x158: {  	s22 =	sor.u32 s29, s21;
	v12 =	vld [tilespmem:s6+$0x0];
	[tilespmem:s4+$0x0] =	vst v5  }
0x159: {  	[tilespmem:s22+$0x0] =	vst v6;
	v6 =	vld.idx.msk [tilespmem:v35+s3+$0x0], $0xffff  }
0x15a: {  	v15 =	vadd.s32 $0x1F, v62;
	s19 =	sadd.s32 $0xF080, s13;
	v62 =	vmov v3;
	v3 =	vmul.u32 $0x21, v0;
	s23 =	rddreg [dreg:$0xe];
	v0 =	vld.idx.msk [tilespmem:v56+s3+$0x0], $0xffff;
	[tilespmem:s14+$0x0] =	vst v1  }
0x15b: {  	s22 =	sor.u32 s31, s19;
	v1 =	vld.idx.msk [tilespmem:v14+s3+$0x0], $0xffff;
	[tilespmem:s23+$0x0] =	vst v8  }
0x15c: {  	v11 =	vadd.s32 $0x12, v4;
	v18 =	vld.idx.msk [tilespmem:v22+s3+$0x0], $0xffff;
	[tilespmem:s22+$0x0] =	vst v7  }
0x15d: {  	s21 =	sor.u32 s30, s19;
	[tilespmem:s2+$0x0] =	vst v9  }
0x15e: {  	s6 =	sor.u32 s18, s19;
	[tilespmem:s21+$0x0] =	vst v6  }
0x15f: {  	s20 =	sor.u32 s29, s19;
	v15 =	vld.idx.msk [tilespmem:v15+s3+$0x0], $0xffff;
	v34 =	vmul.u32 $0x21, v13;
	[tilespmem:s6+$0x0] =	vst v0  }
0x160: {  	v52 =	vmul.u32 $0x21, v10;
	v22 =	vld.idx.msk [tilespmem:v3+s3+$0x0], $0xffff;
	v23 =	vmul.u32 $0x21, v12;
	[tilespmem:s20+$0x0] =	vst v1  }
0x161: {  	v7 =	vld.idx.msk [tilespmem:v11+s3+$0x0], $0xffff;
	v0 =	vadd.s32 $0x7, v34;
	[tilespmem:s24+$0x0] =	vst v18  }
0x162: {  	v56 =	vadd.s32 $0x1A, v23;
	[tilespmem:$0x1FE40] =	vst v0  }
0x163: {  	s15 =	rddreg [dreg:$0x7];
	v11 =	vadd.s32 $0x12, v62;
	v0 =	vadd.s32 $0x8, v34;
	[tilespmem:$0x1FF90] =	vst v56  }
0x164: {  	s25 =	sadd.s32 $0xF100, s13;
	s19 =	sadd.s32 $0x200, s15;
	[tilespmem:$0x1FE80] =	vst v0  }
0x165: {  	s10 =	sor.u32 s31, s25;
	s16 =	sand.u32 $0x1C00, s19;
	v59 =	vld.idx.msk [tilespmem:v47+s3+$0x0], $0xffff;
	[tilespmem:s17+$0x0] =	vst v15  }
0x166: {  	s21 =	sadd.s32 $0xB000, s16;
	v0 =	vadd.s32 $0x7, v23;
	v45 =	vld.idx.msk [tilespmem:v52+s3+$0x0], $0xffff;
	[tilespmem:s10+$0x0] =	vst v7  }
0x167: {  	s4 =	sor.u32 s0, s21;
	[tilespmem:$0x1FE70] =	vst v0  }
0x168: {  	s26 =	rddreg [dreg:$0x9];
	v12 =	vadd.s32 $0x13, v4;
	v0 =	vadd.s32 $0x9, v34;
	v11 =	vld.idx.msk [tilespmem:v11+s3+$0x0], $0xffff;
	[tilespmem:s4+$0x0] =	vst v22  }
0x169: {  	s9 =	sadd.s32 $0x4, s26;
	[tilespmem:$0x1FEE0] =	vst v0;
	v0 =	vadd.s32 $0x8, v23  }
0x16a: {  	[dreg:$0x9] =	wrdreg s9;
	p3 =	slt.u32 s9, $0x3C;
	s9 =	sor.u32 s30, s25;
	[tilespmem:$0x1FE90] =	vst v0  }
0x16b: {  	v8 =	vadd.s32 $0x1, v3;
	v46 =	vld.idx.msk [tilespmem:v34+s3+$0x0], $0xffff;
	v0 =	vadd.s32 $0xA, v34;
	[tilespmem:s9+$0x0] =	vst v59  }
0x16c: {  	[tilespmem:$0x1FF10] =	vst v0;
	v0 =	vadd.s32 $0x9, v23  }
0x16d: {  	v47 =	vadd.s32 $0x1, v52;
	v12 =	vld.idx.msk [tilespmem:v12+s3+$0x0], $0xffff;
	[tilespmem:$0x1FEF0] =	vst v0;
	v0 =	vadd.s32 $0xB, v34  }
0x16e: {  	s7 =	sor.u32 s11, s21;
	[tilespmem:$0x1FF40] =	vst v0  }
0x16f: {  	s26 =	sor.u32 s29, s25;
	v5 =	vadd.s32 $0x13, v62;
	v18 =	vld.idx.msk [tilespmem:v23+s3+$0x0], $0xffff;
	[tilespmem:s7+$0x0] =	vst v45  }
0x170: {  	v60 =	vadd.s32 $0x14, v4;
	v36 =	vmov v26;
	s22 =	sadd.s32 $0xF180, s13;
	v26 =	vld.idx.msk [tilespmem:v8+s3+$0x0], $0xffff;
	v0 =	vadd.s32 $0xA, v23;
	[tilespmem:s26+$0x0] =	vst v11  }
0x171: {  	s23 =	sor.u32 s31, s22;
	v21 =	vadd.s32 $0x1, v34;
	v15 =	vld.idx.msk [tilespmem:v54+s3+$0x0], $0xffff;
	[tilespmem:$0x1FF20] =	vst v0  }
0x172: {  	v39 =	vadd.s32 $0x1, v23;
	s6 =	sor.u32 s12, s21;
	v40 =	vld.idx.msk [tilespmem:v47+s3+$0x0], $0xffff;
	[tilespmem:s23+$0x0] =	vst v12  }
0x173: {  	s5 =	sor.u32 s28, s21;
	v24 =	vld.idx.msk [tilespmem:v63+s3+$0x0], $0xffff;
	[tilespmem:s6+$0x0] =	vst v46  }
0x174: {  	v38 =	vmov v25;
	v25 =	vadd.s32 $0x15, v4;
	[tilespmem:s5+$0x0] =	vst v18;
	v30 =	vld.idx.msk [tilespmem:v5+s3+$0x0], $0xffff  }
0x175: {  	v35 =	vadd.s32 $0x2, v3;
	v48 =	vadd.s32 $0x2, v52;
	v0 =	vadd.s32 $0xB, v23;
	[tilespmem:s4+$0x80] =	vst v26;
	v42 =	vld.idx.msk [tilespmem:v60+s3+$0x0], $0xffff  }
0x176: {  	s14 =	sor.u32 s18, s25;
	v37 =	vadd.s32 $0x2, v34;
	v32 =	vadd.s32 $0x2, v23;
	v20 =	vadd.s32 $0x3, v23;
	[tilespmem:$0x1FF50] =	vst v0;
	v33 =	vld.idx.msk [tilespmem:v21+s3+$0x0], $0xffff  }
0x177: {  	v16 =	vadd.s32 $0x4, v23;
	v14 =	vadd.s32 $0x5, v23;
	v0 =	vadd.s32 $0xC, v34;
	v39 =	vld.idx.msk [tilespmem:v39+s3+$0x0], $0xffff;
	[tilespmem:s14+$0x0] =	vst v15  }
0x178: {  	v9 =	vadd.s32 $0x6, v23;
	v2 =	vadd.s32 $0xD, v23;
	[tilespmem:$0x1FFA0] =	vst v0;
	v0 =	vadd.s32 $0xC, v23  }
0x179: {  	v57 =	vmovc v28;
	v51 =	vadd.s32 $0xE, v23;
	v49 =	vadd.s32 $0x11, v23;
	v28 =	vadd.s32 $0x15, v23;
	s26 =	sadd.s32 $0xF200, s13;
	[tilespmem:$0x1FFB0] =	vst v0  }
0x17a: {  	v44 =	vmovc v29;
	[dreg:$0x13] =	wrdreg s12;
	v54 =	vadd.s32 $0x14, v23;
	v7 =	vadd.s32 $0x10, v23;
	v45 =	vadd.s32 $0x1B, v23;
	s12 =	sor.u32 s31, s26;
	v29 =	vld.idx.msk [tilespmem:v55+s3+$0x0], $0xffff;
	[tilespmem:s7+$0x80] =	vst v40  }
0x17b: {  	v47 =	vadd.s32 $0x12, v23;
	v12 =	vadd.s32 $0x13, v23;
	v5 =	vadd.s32 $0x19, v23;
	v31 =	vld.idx.msk [tilespmem:v48+s3+$0x0], $0xffff;
	[tilespmem:s12+$0x0] =	vst v42  }
0x17c: {  	v21 =	vadd.s32 $0x16, v23;
	v46 =	vmovc v12;
	v15 =	vadd.s32 $0x17, v23;
	v12 =	vadd.s32 $0x18, v23;
	v56 =	vld.idx.msk [tilespmem:v35+s3+$0x0], $0xffff;
	[tilespmem:s6+$0x80] =	vst v33  }
0x17d: {  	s25 =	sor.u32 s30, s22;
	s20 =	sor.u32 s19, s1;
	v35 =	vadd.s32 $0x1E, v23;
	v55 =	vadd.s32 $0x1B, v34;
	v0 =	vadd.s32 $0xF, v23;
	[tilespmem:s5+$0x80] =	vst v39;
	v33 =	vld.idx.msk [tilespmem:v37+s3+$0x0], $0xffff  }
0x17e: {  	[dreg:$0x6] =	wrdreg s1;
	s1 =	sor.u32 $0x380, s20;
	v42 =	vadd.s32 $0x1C, v23;
	v39 =	vadd.s32 $0x1D, v23;
	[tilespmem:s25+$0x0] =	vst v24;
	v24 =	vadd.s32 $0x1F, v23;
	v23 =	vld [tilespmem:$0x1FFE0]  }
0x17f: {  	[dreg:$0x11] =	wrdreg s1;
	s1 =	smov.u32 s11;
	s11 =	sor.u32 s18, s22;
	v60 =	vmov v53;
	v53 =	vadd.s32 $0x14, v34;
	[tilespmem:$0x1FFD0] =	vst v55;
	v55 =	vadd.s32 $0x3, v52;
	v25 =	vld.idx.msk [tilespmem:v25+s3+$0x0], $0xffff  }
0x180: {  	v26 =	vld.idx.msk [tilespmem:v32+s3+$0x0], $0xffff;
	v32 =	vadd.s32 $0x16, v4;
	[tilespmem:s11+$0x0] =	vst v29  }
0x181: {  	v29 =	vmov v53;
	[tilespmem:s7+$0x100] =	vst v31;
	v31 =	vld [tilespmem:$0x1FFF0]  }
0x182: {  	v41 =	vmov v19;
	v19 =	vadd.s32 $0x3, v34;
	s20 =	sadd.s32 $0xF280, s13;
	v53 =	vmov v54;
	[tilespmem:$0x1FFE0] =	vst v29  }
0x183: {  	s21 =	sor.u32 s31, s20;
	v29 =	vadd.s32 $0x3, v3;
	[tilespmem:$0x1FFF0] =	vst v53  }
0x184: {  	v53 =	vld.idx.msk [tilespmem:v55+s3+$0x0], $0xffff;
	[tilespmem:s21+$0x0] =	vst v25  }
0x185: {  	[tilespmem:$0x1FEC0] =	vst v0;
	v25 =	vld.idx.msk [tilespmem:v32+s3+$0x0], $0xffff  }
0x186: {  	v54 =	vadd.s32 $0x14, v62;
	v23 =	vld.idx.msk [tilespmem:v23+s3+$0x0], $0xffff;
	[tilespmem:s6+$0x100] =	vst v33  }
0x187: {  	s24 =	sor.u32 s29, s22;
	[tilespmem:s4+$0x100] =	vst v56;
	v19 =	vld.idx.msk [tilespmem:v19+s3+$0x0], $0xffff  }
0x188: {  	v17 =	vadd.s32 $0x4, v34;
	v29 =	vld.idx.msk [tilespmem:v29+s3+$0x0], $0xffff;
	[tilespmem:s24+$0x0] =	vst v30  }
0x189: {  	v31 =	vld.idx.msk [tilespmem:v31+s3+$0x0], $0xffff;
	[tilespmem:s5+$0x100] =	vst v26;
	v26 =	vadd.s32 $0x4, v52  }
0x18a: {  	s2 =	sor.u32 s30, s26;
	v32 =	vadd.s32 $0x17, v4;
	[tilespmem:s7+$0x180] =	vst v53;
	v20 =	vld.idx.msk [tilespmem:v20+s3+$0x0], $0xffff  }
0x18b: {  	v30 =	vld.idx.msk [tilespmem:v54+s3+$0x0], $0xffff;
	[tilespmem:s2+$0x0] =	vst v23;
	v23 =	vadd.s32 $0x4, v3  }
0x18c: {  	p2 =	por !p2, !p2;
	s15 =	simm.s32 $0x1;
	s22 =	sadd.s32 $0xF300, s13;
	v33 =	vld.idx.msk [tilespmem:v60+s3+$0x0], $0xffff;
	[tilespmem:s6+$0x180] =	vst v19  }
0x18d: {  	s15 =	simm.s32 @!p2 $0x0;
	s23 =	sor.u32 s31, s22;
	[tilespmem:s4+$0x180] =	vst v29;
	v19 =	vadd.s32 $0x15, v62;
	v17 =	vld.idx.msk [tilespmem:v17+s3+$0x0], $0xffff  }
0x18e: {  	v13 =	vadd.s32 $0x5, v34;
	s24 =	sshll.u32 s15, $0x6;
	v26 =	vld.idx.msk [tilespmem:v26+s3+$0x0], $0xffff;
	[tilespmem:s23+$0x0] =	vst v25  }
0x18f: {  	s10 =	sor.u32 s29, s26;
	s25 =	sadd.s32 s24, s19;
	v25 =	vld.idx.msk [tilespmem:v32+s3+$0x0], $0xffff;
	[tilespmem:s5+$0x180] =	vst v20  }
0x190: {  	s17 =	sor.u32 s18, s26;
	s6 =	sadd.s32 $0x10, s25;
	v20 =	vadd.s32 $0x5, v52;
	v23 =	vld.idx.msk [tilespmem:v23+s3+$0x0], $0xffff;
	[tilespmem:s10+$0x0] =	vst v30  }
0x191: {  	[dreg:$0x10] =	wrdreg s16;
	v59 =	vmov v27;
	v27 =	vadd.s32 $0x15, v34;
	s26 =	sor.u32 $0x200, s6;
	v16 =	vld.idx.msk [tilespmem:v16+s3+$0x0], $0xffff;
	[tilespmem:s17+$0x0] =	vst v31  }
0x192: {  	s8 =	sor.u32 s29, s20;
	s14 =	sor.u32 s30, s20;
	v53 =	vmov v27;
	v27 =	vadd.s32 $0x18, v4;
	s4 =	sadd.s32 $0x30, s25;
	v19 =	vld.idx.msk [tilespmem:v19+s3+$0x0], $0xffff;
	[tilespmem:s26+$0xB000] =	vst v17  }
0x193: {  	s16 =	sor.u32 s18, s20;
	s20 =	sor.u32 $0x200, s4;
	s10 =	sadd.s32 $0xF380, s13;
	v13 =	vld.idx.msk [tilespmem:v13+s3+$0x0], $0xffff;
	[tilespmem:s14+$0x0] =	vst v33  }
0x194: {  	s15 =	sadd.s32 $0x20, s25;
	s21 =	sor.u32 s31, s10;
	v29 =	vld.idx.msk [tilespmem:v61+s3+$0x0], $0xffff;
	v61 =	vmov v28;
	v28 =	vadd.s32 $0x5, v3;
	[tilespmem:s20+$0xB000] =	vst v26  }
0x195: {  	[dreg:$0x7] =	wrdreg s19;
	s19 =	sor.u32 $0x200, s15;
	v20 =	vld.idx.msk [tilespmem:v20+s3+$0x0], $0xffff;
	[tilespmem:s21+$0x0] =	vst v25  }
0x196: {  	s9 =	sor.u32 s18, s22;
	v0 =	vadd.s32 $0x11, v34;
	s11 =	sor.u32 s30, s22;
	v26 =	vld.idx.msk [tilespmem:v57+s3+$0x0], $0xffff;
	[tilespmem:s19+$0xB000] =	vst v16;
	v16 =	vadd.s32 $0x6, v52  }
0x197: {  	v10 =	vadd.s32 $0x6, v34;
	[tilespmem:$0x1FEB0] =	vst v0;
	s7 =	sor.u32 s29, s22;
	s22 =	sor.u32 $0x200, s25;
	s2 =	sor.u32 $0x300, s25;
	v17 =	vld.idx.msk [tilespmem:v27+s3+$0x0], $0xffff  }
0x198: {  	s24 =	sor.u32 $0x280, s6;
	s23 =	sor.u32 $0x280, s25;
	s25 =	sor.u32 $0x380, s6;
	[tilespmem:s22+$0xB000] =	vst v23;
	v14 =	vld.idx.msk [tilespmem:v14+s3+$0x0], $0xffff  }
0x199: {  	v22 =	vadd.s32 $0x16, v34;
	v0 =	vadd.s32 $0x12, v34;
	s12 =	sor.u32 s18, s10;
	s26 =	sor.u32 $0x300, s15;
	v23 =	vadd.s32 $0x19, v4;
	s22 =	sor.u32 $0x280, s4;
	v25 =	vld.idx.msk [tilespmem:v28+s3+$0x0], $0xffff;
	[tilespmem:s16+$0x0] =	vst v29  }
0x19a: {  	v54 =	vmovc v47;
	v47 =	vmov v0;
	v0 =	vld [tilespmem:$0x1FE40];
	s20 =	sor.u32 $0x280, s15;
	s21 =	sor.u32 $0x300, s6;
	s6 =	sor.u32 s29, s10;
	v28 =	vmov v22;
	v22 =	vadd.s32 $0x6, v3;
	[tilespmem:s22+$0xB000] =	vst v20  }
0x19b: {  	s19 =	sor.u32 $0x380, s15;
	s15 =	sor.u32 s30, s10;
	s10 =	sadd.s32 $0x11000, s13;
	v29 =	vmov v21;
	v21 =	vadd.s32 $0x16, v62;
	[tilespmem:s24+$0xB000] =	vst v13;
	v16 =	vld.idx.msk [tilespmem:v16+s3+$0x0], $0xffff  }
0x19c: {  	s17 =	sor.u32 s31, s10;
	v10 =	vld.idx.msk [tilespmem:v10+s3+$0x0], $0xffff;
	[tilespmem:s11+$0x0] =	vst v26  }
0x19d: {  	v20 =	vld.idx.msk [tilespmem:v44+s3+$0x0], $0xffff;
	[tilespmem:s17+$0x0] =	vst v17  }
0x19e: {  	v13 =	vld.idx.msk [tilespmem:v23+s3+$0x0], $0xffff;
	[tilespmem:s23+$0xB000] =	vst v25  }
0x19f: {  	s23 =	sor.u32 $0x300, s4;
	v22 =	vld.idx.msk [tilespmem:v22+s3+$0x0], $0xffff;
	[tilespmem:s8+$0x0] =	vst v19  }
0x1a0: {  	v19 =	vld.idx.msk [tilespmem:v21+s3+$0x0], $0xffff;
	[tilespmem:s23+$0xB000] =	vst v16  }
0x1a1: {  	v16 =	vld.idx.msk [tilespmem:v36+s3+$0x0], $0xffff;
	[tilespmem:s21+$0xB000] =	vst v10  }
0x1a2: {  	v57 =	vmov v7;
	v21 =	vadd.s32 $0x7, v3;
	v7 =	vld.idx.msk [tilespmem:v0+s3+$0x0], $0xffff  }
0x1a3: {  	[tilespmem:s20+$0xB000] =	vst v14;
	v14 =	vadd.s32 $0x7, v52;
	v0 =	vld [tilespmem:$0x1FE70]  }
0x1a4: {  	v17 =	vadd.s32 $0x1A, v4  }
0x1a5: {  	v1 =	vadd.s32 $0x10, v34;
	v9 =	vld.idx.msk [tilespmem:v9+s3+$0x0], $0xffff;
	v10 =	vadd.s32 $0x17, v62  }
0x1a6: {  	v18 =	vadd.s32 $0x17, v34;
	v56 =	vmov v49;
	v49 =	vmov v1;
	v1 =	vld [tilespmem:$0x1FE90];
	s5 =	sor.u32 s29, s10;
	s24 =	sadd.s32 $0x11080, s13;
	[tilespmem:s2+$0xB000] =	vst v22  }
0x1a7: {  	s14 =	sor.u32 s18, s10;
	v26 =	vmov v18;
	s22 =	sor.u32 s30, s10;
	s10 =	sor.u32 s31, s24;
	v18 =	vld.idx.msk [tilespmem:v21+s3+$0x0], $0xffff  }
0x1a8: {  	v27 =	vmov v15;
	v15 =	vadd.s32 $0x8, v3;
	v14 =	vld.idx.msk [tilespmem:v14+s3+$0x0], $0xffff;
	[tilespmem:s10+$0x0] =	vst v13  }
0x1a9: {  	v13 =	vld.idx.msk [tilespmem:v17+s3+$0x0], $0xffff;
	[tilespmem:s7+$0x0] =	vst v19  }
0x1aa: {  	v6 =	vadd.s32 $0xD, v34;
	[tilespmem:s26+$0xB000] =	vst v9;
	v10 =	vld.idx.msk [tilespmem:v10+s3+$0x0], $0xffff  }
0x1ab: {  	v60 =	vmov v6;
	s16 =	rddreg [dreg:$0x11];
	v9 =	vadd.s32 $0x8, v52;
	v6 =	vld.idx.msk [tilespmem:v0+s3+$0x0], $0xffff  }
0x1ac: {  	s4 =	sor.u32 $0x380, s4;
	[tilespmem:s16+$0xB000] =	vst v18;
	v0 =	vld [tilespmem:$0x1FE80]  }
0x1ad: {  	s11 =	sor.u32 s30, s24;
	[tilespmem:s4+$0xB000] =	vst v14;
	v14 =	vld.idx.msk [tilespmem:v15+s3+$0x0], $0xffff  }
0x1ae: {  	s8 =	sor.u32 s18, s24;
	s23 =	sor.u32 s29, s24;
	s24 =	sadd.s32 $0x11100, s13;
	v17 =	vadd.s32 $0x1B, v4;
	v15 =	vld [tilespmem:$0x1FEA0]  }
0x1af: {  	s10 =	sor.u32 s31, s24  }
0x1b0: {  	v9 =	vld.idx.msk [tilespmem:v9+s3+$0x0], $0xffff;
	[tilespmem:s10+$0x0] =	vst v13  }
0x1b1: {  	[tilespmem:s9+$0x0] =	vst v20  }
0x1b2: {  	v19 =	vld.idx.msk [tilespmem:v59+s3+$0x0], $0xffff;
	[tilespmem:s19+$0xB000] =	vst v6;
	v6 =	vadd.s32 $0x9, v52  }
0x1b3: {  	[tilespmem:s25+$0xB000] =	vst v7;
	v7 =	vld.idx.msk [tilespmem:v17+s3+$0x0], $0xffff;
	s16 =	rddreg [dreg:$0x10]  }
0x1b4: {  	v13 =	vadd.s32 $0x1C, v4;
	s19 =	sadd.s32 $0xD000, s16;
	v0 =	vld.idx.msk [tilespmem:v0+s3+$0x0], $0xffff  }
0x1b5: {  	v11 =	vadd.s32 $0x18, v34;
	v1 =	vld.idx.msk [tilespmem:v1+s3+$0x0], $0xffff;
	s20 =	sor.u32 s1, s19;
	[tilespmem:s15+$0x0] =	vst v16  }
0x1b6: {  	s17 =	smov.u32 s0;
	s21 =	sadd.s32 $0x11180, s13;
	v21 =	vmov v11;
	v11 =	vadd.s32 $0x9, v3;
	[tilespmem:s20+$0x0] =	vst v9;
	v15 =	vld.idx.msk [tilespmem:v15+s3+$0x0], $0xffff  }
0x1b7: {  	s0 =	rddreg [dreg:$0x13];
	s26 =	sor.u32 s30, s24;
	s10 =	sor.u32 s31, s21;
	v6 =	vld.idx.msk [tilespmem:v6+s3+$0x0], $0xffff  }
0x1b8: {  	s7 =	sor.u32 s18, s24;
	s9 =	sor.u32 s29, s24;
	s24 =	sor.u32 s0, s19;
	[tilespmem:s10+$0x0] =	vst v7;
	v7 =	vld [tilespmem:$0x1FEE0]  }
0x1b9: {  	s15 =	sor.u32 s17, s19;
	[tilespmem:s24+$0x0] =	vst v0;
	v0 =	vld.idx.msk [tilespmem:v13+s3+$0x0], $0xffff  }
0x1ba: {  	v25 =	vmov v12;
	v12 =	vadd.s32 $0x18, v62;
	[tilespmem:s15+$0x0] =	vst v14;
	v13 =	vld [tilespmem:$0x1FEF0]  }
0x1bb: {  	v8 =	vadd.s32 $0x19, v34;
	v11 =	vld.idx.msk [tilespmem:v11+s3+$0x0], $0xffff  }
0x1bc: {  	v18 =	vmov v8;
	v8 =	vld [tilespmem:$0x1FF10];
	[tilespmem:s12+$0x0] =	vst v19;
	s2 =	sor.u32 s28, s19;
	s19 =	sadd.s32 $0xD080, s16  }
0x1bd: {  	v9 =	vld.idx.msk [tilespmem:v38+s3+$0x0], $0xffff;
	s20 =	sor.u32 s1, s19;
	[tilespmem:s6+$0x0] =	vst v10  }
0x1be: {  	[tilespmem:s20+$0x0] =	vst v6;
	v6 =	vld [tilespmem:$0x1FF00]  }
0x1bf: {  	s15 =	sor.u32 s17, s19;
	[tilespmem:s2+$0x0] =	vst v1;
	v1 =	vadd.s32 $0xA, v52;
	v10 =	vld.idx.msk [tilespmem:v12+s3+$0x0], $0xffff  }
0x1c0: {  	v12 =	vadd.s32 $0xA, v3;
	[tilespmem:s15+$0x0] =	vst v11;
	v11 =	vld [tilespmem:$0x1FF20]  }
0x1c1: {  	v7 =	vld.idx.msk [tilespmem:v7+s3+$0x0], $0xffff  }
0x1c2: {  	s4 =	sor.u32 s29, s21;
	s25 =	sor.u32 s30, s21;
	v13 =	vld.idx.msk [tilespmem:v13+s3+$0x0], $0xffff  }
0x1c3: {  	[dreg:$0x14] =	wrdreg s9;
	s9 =	sor.u32 s18, s21;
	s21 =	sadd.s32 $0x11200, s13  }
0x1c4: {  	s10 =	sor.u32 s31, s21;
	v1 =	vld.idx.msk [tilespmem:v1+s3+$0x0], $0xffff;
	[tilespmem:s22+$0x0] =	vst v15  }
0x1c5: {  	s24 =	sor.u32 s0, s19;
	v12 =	vld.idx.msk [tilespmem:v12+s3+$0x0], $0xffff;
	[tilespmem:s10+$0x0] =	vst v0  }
0x1c6: {  	v14 =	vadd.s32 $0x1D, v4;
	s2 =	sor.u32 s28, s19;
	v6 =	vld.idx.msk [tilespmem:v6+s3+$0x0], $0xffff;
	[tilespmem:s24+$0x0] =	vst v7  }
0x1c7: {  	v0 =	vadd.s32 $0x19, v62;
	v8 =	vld.idx.msk [tilespmem:v8+s3+$0x0], $0xffff;
	[tilespmem:s2+$0x0] =	vst v13  }
0x1c8: {  	v11 =	vld.idx.msk [tilespmem:v11+s3+$0x0], $0xffff  }
0x1c9: {  	s12 =	sor.u32 s29, s21;
	v13 =	vadd.s32 $0xB, v52;
	[tilespmem:s14+$0x0] =	vst v9;
	v9 =	vld [tilespmem:$0x1FF30]  }
0x1ca: {  	v55 =	vmov v46;
	v46 =	vld [tilespmem:$0x1FE00];
	v20 =	vmov v5;
	v5 =	vadd.s32 $0xB, v3;
	[dreg:$0xf] =	wrdreg s12;
	s20 =	sadd.s32 $0xD100, s16  }
0x1cb: {  	s12 =	sor.u32 s30, s21;
	s6 =	sor.u32 s18, s21;
	s21 =	sor.u32 s1, s20;
	[tilespmem:s5+$0x0] =	vst v10;
	v7 =	vld.idx.msk [tilespmem:v14+s3+$0x0], $0xffff  }
0x1cc: {  	s24 =	sor.u32 s0, s20;
	[tilespmem:s21+$0x0] =	vst v1;
	v0 =	vld.idx.msk [tilespmem:v0+s3+$0x0], $0xffff  }
0x1cd: {  	s14 =	sor.u32 s17, s20;
	[tilespmem:s24+$0x0] =	vst v8;
	v8 =	vld [tilespmem:$0x1FF40]  }
0x1ce: {  	[tilespmem:s14+$0x0] =	vst v12;
	v1 =	vld.idx.msk [tilespmem:v13+s3+$0x0], $0xffff  }
0x1cf: {  	v13 =	vld.idx.msk [tilespmem:v5+s3+$0x0], $0xffff  }
0x1d0: {  	v5 =	vld [tilespmem:$0x1FF60]  }
0x1d1: {  	v14 =	vadd.s32 $0x1E, v4;
	s2 =	sor.u32 s28, s20;
	v9 =	vld.idx.msk [tilespmem:v9+s3+$0x0], $0xffff  }
0x1d2: {  	[tilespmem:s2+$0x0] =	vst v11;
	v11 =	vld [tilespmem:$0x1FF50]  }
0x1d3: {  	v31 =	vmov v41;
	v41 =	vld [tilespmem:$0x1FE60];
	s22 =	sadd.s32 $0x11280, s13  }
0x1d4: {  	v33 =	vld [tilespmem:$0x1FE10];
	s10 =	sor.u32 s31, s22  }
0x1d5: {  	v23 =	vld [tilespmem:$0x1FE20];
	[tilespmem:s10+$0x0] =	vst v7  }
0x1d6: {  	v7 =	vld.idx.msk [tilespmem:v14+s3+$0x0], $0xffff  }
0x1d7: {  	v8 =	vld.idx.msk [tilespmem:v8+s3+$0x0], $0xffff;
	[tilespmem:s11+$0x0] =	vst v6  }
0x1d8: {  	v14 =	vld.idx.msk [tilespmem:v5+s3+$0x0], $0xffff  }
0x1d9: {  	v5 =	vld [tilespmem:$0x1FF90]  }
0x1da: {  	v11 =	vld.idx.msk [tilespmem:v11+s3+$0x0], $0xffff;
	[tilespmem:s8+$0x0] =	vst v9;
	v9 =	vadd.s32 $0xC, v3  }
0x1db: {  	v36 =	vld [tilespmem:$0x1FE30];
	s14 =	sadd.s32 $0xD180, s16  }
0x1dc: {  	v22 =	vld [tilespmem:$0x1FE50];
	s21 =	sor.u32 s1, s14  }
0x1dd: {  	s20 =	sor.u32 s17, s14;
	[tilespmem:s21+$0x0] =	vst v1;
	v1 =	vld [tilespmem:$0x1FF80]  }
0x1de: {  	v50 =	vadd.s32 $0xF, v34;
	v10 =	vadd.s32 $0xC, v52;
	s24 =	sor.u32 s0, s14;
	[tilespmem:s20+$0x0] =	vst v13;
	v17 =	vmov v5;
	v5 =	vld [tilespmem:$0x1FFA0]  }
0x1df: {  	[tilespmem:s24+$0x0] =	vst v8;
	v8 =	vld.idx.msk [tilespmem:v9+s3+$0x0], $0xffff  }
0x1e0: {  	v58 =	vadd.s32 $0xE, v34;
	v12 =	vadd.s32 $0x1F, v4;
	[tilespmem:s23+$0x0] =	vst v0;
	v0 =	vld [tilespmem:$0x1FFC0]  }
0x1e1: {  	v59 =	vmov v50;
	v50 =	vmov v51;
	v51 =	vmov v58;
	v58 =	vld [tilespmem:$0x1FEC0];
	s15 =	sor.u32 s29, s22  }
0x1e2: {  	v19 =	vmov v35;
	v35 =	vld [tilespmem:$0x1FEB0];
	s19 =	sor.u32 s30, s22;
	s5 =	sor.u32 s18, s22;
	s22 =	sadd.s32 $0x11300, s13  }
0x1e3: {  	s10 =	sor.u32 s31, s22;
	v15 =	vld.idx.msk [tilespmem:v10+s3+$0x0], $0xffff  }
0x1e4: {  	[tilespmem:s10+$0x0] =	vst v7;
	v6 =	vld [tilespmem:$0x1FFB0]  }
0x1e5: {  	v12 =	vld.idx.msk [tilespmem:v12+s3+$0x0], $0xffff  }
0x1e6: {  	v1 =	vld.idx.msk [tilespmem:v1+s3+$0x0], $0xffff  }
0x1e7: {  	s2 =	sor.u32 s28, s14;
	v5 =	vld.idx.msk [tilespmem:v5+s3+$0x0], $0xffff;
	[tilespmem:s26+$0x0] =	vst v14  }
0x1e8: {  	v4 =	vmov v52;
	s14 =	sor.u32 s18, s22;
	s21 =	rddreg [dreg:$0xc];
	v10 =	vadd.s32 $0x1A, v62;
	s11 =	sor.u32 s29, s22;
	v9 =	vld.idx.msk [tilespmem:v0+s3+$0x0], $0xffff  }
0x1e9: {  	s20 =	sadd.s32 $0xD200, s16;
	s10 =	smov.u32 s1;
	[dreg:$0xe] =	wrdreg s11;
	[tilespmem:s2+$0x0] =	vst v11;
	v11 =	vadd.s32 $0xD, v4;
	v0 =	vld [tilespmem:$0x1FFD0]  }
.Ltmp5:
0x1ea: {  	v40 =	vadd.s32 $0x1A, v34;
	v38 =	vld [tilespmem:$0x1FED0];
	s11 =	sadd.s32 $0x40, s21;
	s21 =	sor.u32 s17, s20;
	(pc) =	sbr.rel @p3 .LBB2_8-.Ltmp5, $4  }
0x1eb: {  	v16 =	vmov v40;
	v40 =	vld [tilespmem:$0x1FF70];
	s24 =	sadd.s32 $0x11380, s13;
	s8 =	sor.u32 s30, s22;
	s22 =	sor.u32 s1, s20  }
0x1ec: {  	s13 =	sor.u32 s28, s20;
	s31 =	sor.u32 s31, s24;
	[tilespmem:s22+$0x0] =	vst v15;
	s22 =	smov.u32 s16;
	v6 =	vld.idx.msk [tilespmem:v6+s3+$0x0], $0xffff  }
0x1ed: {  	v43 =	vadd.s32 $0x1C, v34;
	v63 =	vadd.s32 $0x13, v34;
	v48 =	vadd.s32 $0x1E, v34;
	s16 =	rddreg [dreg:$0x14];
	s23 =	smov.u32 s17;
	s17 =	sor.u32 s29, s24;
	v7 =	vld.idx.msk [tilespmem:v10+s3+$0x0], $0xffff  }
0x1ee: {  	v37 =	vadd.s32 $0x1D, v34;
	v34 =	vadd.s32 $0x1F, v34;
	s2 =	sor.u32 s30, s24;
	s24 =	sor.u32 s18, s24;
	v10 =	vadd.s32 $0xD, v3;
	s26 =	sor.u32 s0, s20;
	v11 =	vld.idx.msk [tilespmem:v11+s3+$0x0], $0xffff;
	[tilespmem:s31+$0x0] =	vst v12;
	v14 =	vmovc v0  }
0x1ef: {  	v0 =	vadd.s32 $0xE, v4;
	_ =	sdelay $0x1  }
0x1f0: {  	s31 =	sadd.s32 $0xD280, s22  }
0x1f1: {  	s1 =	sor.u32 s10, s31  }
0x1f2: {  	[tilespmem:s1+$0x0] =	vst v11  }
0x1f3: {  	v0 =	vld.idx.msk [tilespmem:v0+s3+$0x0], $0xffff  }
0x1f4: {  	[tilespmem:s26+$0x0] =	vst v5;
	v5 =	vadd.s32 $0xF, v4  }
0x1f5: {  	[tilespmem:s21+$0x0] =	vst v8  }
0x1f6: {  	s11 =	sadd.s32 $0xD300, s22;
	[tilespmem:s13+$0x0] =	vst v6;
	v6 =	vadd.s32 $0x1B, v62;
	v11 =	vld.idx.msk [tilespmem:v60+s3+$0x0], $0xffff  }
0x1f7: {  	[tilespmem:s7+$0x0] =	vst v1;
	s13 =	sor.u32 s10, s11;
	v8 =	vld.idx.msk [tilespmem:v2+s3+$0x0], $0xffff  }
0x1f8: {  	[tilespmem:s13+$0x0] =	vst v0;
	v0 =	vld.idx.msk [tilespmem:v10+s3+$0x0], $0xffff  }
0x1f9: {  	s20 =	smov.u32 s0;
	[tilespmem:s25+$0x0] =	vst v9;
	v1 =	vld.idx.msk [tilespmem:v5+s3+$0x0], $0xffff  }
0x1fa: {  	v9 =	vadd.s32 $0xE, v3;
	s18 =	sor.u32 s20, s31;
	[tilespmem:s16+$0x0] =	vst v7;
	v5 =	vld.idx.msk [tilespmem:v46+s3+$0x0], $0xffff  }
0x1fb: {  	s21 =	sor.u32 s28, s31;
	v7 =	vadd.s32 $0x10, v4;
	v6 =	vld.idx.msk [tilespmem:v6+s3+$0x0], $0xffff;
	[tilespmem:s18+$0x0] =	vst v11  }
0x1fc: {  	s25 =	sadd.s32 $0xD380, s22;
	s0 =	sor.u32 s23, s31;
	[tilespmem:s21+$0x0] =	vst v8;
	v11 =	vld.idx.msk [tilespmem:v51+s3+$0x0], $0xffff  }
0x1fd: {  	s26 =	sor.u32 s10, s25;
	v10 =	vld.idx.msk [tilespmem:v41+s3+$0x0], $0xffff;
	[tilespmem:s0+$0x0] =	vst v0  }
0x1fe: {  	v8 =	vadd.s32 $0x1C, v62;
	v0 =	vld.idx.msk [tilespmem:v50+s3+$0x0], $0xffff;
	[tilespmem:s26+$0x0] =	vst v1  }
0x1ff: {  	[tilespmem:s9+$0x0] =	vst v5;
	v5 =	vld.idx.msk [tilespmem:v9+s3+$0x0], $0xffff  }
0x200: {  	s29 =	sor.u32 s20, s11;
	[tilespmem:s4+$0x0] =	vst v6;
	v1 =	vld.idx.msk [tilespmem:v7+s3+$0x0], $0xffff  }
0x201: {  	[tilespmem:s29+$0x0] =	vst v11;
	v9 =	vadd.s32 $0xF, v3;
	v7 =	vld.idx.msk [tilespmem:v40+s3+$0x0], $0xffff  }
0x202: {  	s30 =	sor.u32 s28, s11;
	v6 =	vadd.s32 $0x11, v4;
	[tilespmem:s12+$0x0] =	vst v10;
	v10 =	vld.idx.msk [tilespmem:v59+s3+$0x0], $0xffff  }
0x203: {  	s31 =	sadd.s32 $0xF000, s22;
	s1 =	sor.u32 s23, s11;
	v8 =	vld.idx.msk [tilespmem:v8+s3+$0x0], $0xffff;
	[tilespmem:s30+$0x0] =	vst v0  }
0x204: {  	s9 =	sor.u32 s10, s31;
	v0 =	vld.idx.msk [tilespmem:v58+s3+$0x0], $0xffff;
	[tilespmem:s1+$0x0] =	vst v5  }
0x205: {  	v5 =	vld.idx.msk [tilespmem:v36+s3+$0x0], $0xffff;
	[tilespmem:s9+$0x0] =	vst v1  }
0x206: {  	s11 =	sor.u32 s20, s25;
	[tilespmem:s6+$0x0] =	vst v7;
	v7 =	vadd.s32 $0x1D, v62;
	v9 =	vld.idx.msk [tilespmem:v9+s3+$0x0], $0xffff  }
0x207: {  	v11 =	vadd.s32 $0x10, v3;
	v1 =	vld.idx.msk [tilespmem:v6+s3+$0x0], $0xffff;
	s4 =	rddreg [dreg:$0xf];
	[tilespmem:s11+$0x0] =	vst v10  }
0x208: {  	s12 =	sor.u32 s28, s25;
	v6 =	vadd.s32 $0x12, v4;
	[tilespmem:s4+$0x0] =	vst v8;
	v8 =	vld.idx.msk [tilespmem:v38+s3+$0x0], $0xffff  }
0x209: {  	v10 =	vld.idx.msk [tilespmem:v49+s3+$0x0], $0xffff;
	[tilespmem:s12+$0x0] =	vst v0  }
0x20a: {  	s18 =	sor.u32 s23, s25;
	s13 =	sadd.s32 $0xF080, s22;
	[tilespmem:s19+$0x0] =	vst v5;
	v0 =	vld.idx.msk [tilespmem:v57+s3+$0x0], $0xffff  }
0x20b: {  	s16 =	sor.u32 s10, s13;
	v5 =	vld.idx.msk [tilespmem:v7+s3+$0x0], $0xffff;
	[tilespmem:s18+$0x0] =	vst v9  }
0x20c: {  	[tilespmem:s16+$0x0] =	vst v1;
	v7 =	vld.idx.msk [tilespmem:v11+s3+$0x0], $0xffff  }
0x20d: {  	s19 =	sor.u32 s20, s31;
	v9 =	vadd.s32 $0x11, v3;
	v1 =	vld.idx.msk [tilespmem:v6+s3+$0x0], $0xffff;
	[tilespmem:s5+$0x0] =	vst v8  }
0x20e: {  	s21 =	sor.u32 s28, s31;
	v6 =	vadd.s32 $0x13, v4;
	v8 =	vld.idx.msk [tilespmem:v33+s3+$0x0], $0xffff;
	[tilespmem:s19+$0x0] =	vst v10  }
0x20f: {  	[tilespmem:s21+$0x0] =	vst v0;
	v0 =	vld.idx.msk [tilespmem:v35+s3+$0x0], $0xffff  }
0x210: {  	s25 =	sadd.s32 $0xF100, s22;
	s0 =	sor.u32 s23, s31;
	v10 =	vadd.s32 $0x1E, v62;
	[tilespmem:s15+$0x0] =	vst v5;
	v5 =	vld.idx.msk [tilespmem:v31+s3+$0x0], $0xffff  }
0x211: {  	s26 =	sor.u32 s10, s25;
	v11 =	vld.idx.msk [tilespmem:v56+s3+$0x0], $0xffff;
	[tilespmem:s0+$0x0] =	vst v7  }
0x212: {  	[tilespmem:s26+$0x0] =	vst v1;
	v7 =	vld.idx.msk [tilespmem:v9+s3+$0x0], $0xffff  }
0x213: {  	s29 =	sor.u32 s20, s13;
	[tilespmem:s8+$0x0] =	vst v8;
	v1 =	vld.idx.msk [tilespmem:v6+s3+$0x0], $0xffff  }
0x214: {  	v9 =	vadd.s32 $0x12, v3;
	[tilespmem:s29+$0x0] =	vst v0  }
0x215: {  	s30 =	sor.u32 s28, s13;
	v8 =	vld.idx.msk [tilespmem:v10+s3+$0x0], $0xffff;
	[tilespmem:s14+$0x0] =	vst v5  }
0x216: {  	s1 =	sor.u32 s23, s13;
	s31 =	sadd.s32 $0xF180, s22;
	v6 =	vadd.s32 $0x14, v4;
	v0 =	vld.idx.msk [tilespmem:v47+s3+$0x0], $0xffff;
	[tilespmem:s30+$0x0] =	vst v11  }
0x217: {  	s6 =	sor.u32 s10, s31;
	v5 =	vld.idx.msk [tilespmem:v23+s3+$0x0], $0xffff;
	[tilespmem:s1+$0x0] =	vst v7  }
0x218: {  	v10 =	vld.idx.msk [tilespmem:v54+s3+$0x0], $0xffff;
	[tilespmem:s6+$0x0] =	vst v1  }
0x219: {  	v7 =	vld.idx.msk [tilespmem:v9+s3+$0x0], $0xffff;
	s1 =	rddreg [dreg:$0xe]  }
0x21a: {  	s7 =	sor.u32 s20, s25;
	v9 =	vld.idx.msk [tilespmem:v22+s3+$0x0], $0xffff;
	[tilespmem:s1+$0x0] =	vst v8  }
0x21b: {  	v1 =	vld.idx.msk [tilespmem:v6+s3+$0x0], $0xffff;
	[tilespmem:s7+$0x0] =	vst v0  }
0x21c: {  	s8 =	sor.u32 s28, s25;
	v6 =	vadd.s32 $0x15, v4;
	[tilespmem:s2+$0x0] =	vst v5;
	v0 =	vld.idx.msk [tilespmem:v63+s3+$0x0], $0xffff  }
0x21d: {  	s12 =	sor.u32 s23, s25;
	[tilespmem:s8+$0x0] =	vst v10  }
0x21e: {  	s9 =	sadd.s32 $0xF200, s22;
	v8 =	vadd.s32 $0x13, v3;
	v10 =	vld.idx.msk [tilespmem:v55+s3+$0x0], $0xffff;
	[tilespmem:s12+$0x0] =	vst v7  }
0x21f: {  	s11 =	sor.u32 s10, s9;
	[tilespmem:s24+$0x0] =	vst v9  }
0x220: {  	s13 =	sor.u32 s20, s31;
	[tilespmem:s11+$0x0] =	vst v1  }
0x221: {  	v1 =	vld.idx.msk [tilespmem:v6+s3+$0x0], $0xffff;
	[tilespmem:s13+$0x0] =	vst v0  }
0x222: {  	v2 =	vadd.s32 $0x1F, v62;
	s14 =	sor.u32 s28, s31;
	v7 =	vld [tilespmem:$0x1FFE0]  }
0x223: {  	v6 =	vld.idx.msk [tilespmem:v8+s3+$0x0], $0xffff;
	[tilespmem:s14+$0x0] =	vst v10  }
0x224: {  	v8 =	vld [tilespmem:$0x1FFF0];
	_ =	sdelay $0x1  }
0x225: {  	v0 =	vadd.s32 $0x14, v3  }
0x226: {  	v2 =	vld.idx.msk [tilespmem:v2+s3+$0x0], $0xffff;
	_ =	sdelay $0x1  }
0x227: {  	s0 =	sor.u32 s23, s31  }
0x228: {  	v5 =	vadd.s32 $0x16, v4;
	[tilespmem:s0+$0x0] =	vst v6;
	v7 =	vld.idx.msk [tilespmem:v7+s3+$0x0], $0xffff  }
0x229: {  	v0 =	vld.idx.msk [tilespmem:v0+s3+$0x0], $0xffff  }
0x22a: {  	s15 =	sadd.s32 $0xF280, s22;
	[tilespmem:s17+$0x0] =	vst v2;
	v2 =	vadd.s32 $0x15, v3;
	v8 =	vld.idx.msk [tilespmem:v8+s3+$0x0], $0xffff  }
0x22b: {  	s16 =	sor.u32 s10, s15  }
0x22c: {  	s17 =	sor.u32 s20, s9;
	[tilespmem:s16+$0x0] =	vst v1  }
0x22d: {  	s19 =	sor.u32 s23, s9;
	v1 =	vld.idx.msk [tilespmem:v5+s3+$0x0], $0xffff;
	[tilespmem:s17+$0x0] =	vst v7  }
0x22e: {  	s18 =	sor.u32 s28, s9;
	[tilespmem:s19+$0x0] =	vst v0;
	v5 =	vld.idx.msk [tilespmem:v53+s3+$0x0], $0xffff  }
0x22f: {  	[tilespmem:s18+$0x0] =	vst v8;
	v2 =	vld.idx.msk [tilespmem:v2+s3+$0x0], $0xffff  }
0x230: {  	v6 =	vadd.s32 $0x16, v3;
	v0 =	vld.idx.msk [tilespmem:v61+s3+$0x0], $0xffff;
	_ =	sdelay $0x1  }
0x231: {  	s21 =	sor.u32 s20, s15  }
0x232: {  	s25 =	sor.u32 s23, s15;
	[tilespmem:s21+$0x0] =	vst v5  }
0x233: {  	s24 =	sor.u32 s28, s15;
	v5 =	vadd.s32 $0x17, v4;
	[tilespmem:s25+$0x0] =	vst v2;
	v7 =	vld.idx.msk [tilespmem:v28+s3+$0x0], $0xffff  }
0x234: {  	[tilespmem:s24+$0x0] =	vst v0;
	v2 =	vld.idx.msk [tilespmem:v6+s3+$0x0], $0xffff  }
0x235: {  	s26 =	sadd.s32 $0xF300, s22;
	v6 =	vadd.s32 $0x17, v3;
	v0 =	vld.idx.msk [tilespmem:v29+s3+$0x0], $0xffff  }
0x236: {  	s29 =	sor.u32 s10, s26  }
0x237: {  	s30 =	sor.u32 s20, s26;
	[tilespmem:s29+$0x0] =	vst v1  }
0x238: {  	s0 =	sor.u32 s23, s26;
	v1 =	vld.idx.msk [tilespmem:v5+s3+$0x0], $0xffff;
	[tilespmem:s30+$0x0] =	vst v7  }
0x239: {  	s31 =	sor.u32 s28, s26;
	v5 =	vadd.s32 $0x18, v4;
	[tilespmem:s0+$0x0] =	vst v2;
	v7 =	vld.idx.msk [tilespmem:v26+s3+$0x0], $0xffff  }
0x23a: {  	[tilespmem:s31+$0x0] =	vst v0;
	v2 =	vld.idx.msk [tilespmem:v6+s3+$0x0], $0xffff  }
0x23b: {  	s2 =	sadd.s32 $0xF380, s22;
	v6 =	vadd.s32 $0x18, v3;
	v0 =	vld.idx.msk [tilespmem:v27+s3+$0x0], $0xffff  }
0x23c: {  	s4 =	sor.u32 s10, s2  }
0x23d: {  	s5 =	sor.u32 s20, s2;
	[tilespmem:s4+$0x0] =	vst v1  }
0x23e: {  	s0 =	sor.u32 s23, s2;
	v1 =	vld.idx.msk [tilespmem:v5+s3+$0x0], $0xffff;
	[tilespmem:s5+$0x0] =	vst v7  }
0x23f: {  	s6 =	sor.u32 s28, s2;
	v5 =	vadd.s32 $0x19, v4;
	[tilespmem:s0+$0x0] =	vst v2;
	v7 =	vld.idx.msk [tilespmem:v21+s3+$0x0], $0xffff  }
0x240: {  	[tilespmem:s6+$0x0] =	vst v0;
	v2 =	vld.idx.msk [tilespmem:v6+s3+$0x0], $0xffff  }
0x241: {  	s7 =	sadd.s32 $0x11000, s22;
	v6 =	vadd.s32 $0x19, v3;
	v0 =	vld.idx.msk [tilespmem:v25+s3+$0x0], $0xffff  }
0x242: {  	s8 =	sor.u32 s10, s7  }
0x243: {  	s9 =	sor.u32 s20, s7;
	[tilespmem:s8+$0x0] =	vst v1  }
0x244: {  	s0 =	sor.u32 s23, s7;
	v1 =	vld.idx.msk [tilespmem:v5+s3+$0x0], $0xffff;
	[tilespmem:s9+$0x0] =	vst v7  }
0x245: {  	s11 =	sor.u32 s28, s7;
	v5 =	vadd.s32 $0x1A, v4;
	[tilespmem:s0+$0x0] =	vst v2;
	v7 =	vld.idx.msk [tilespmem:v18+s3+$0x0], $0xffff  }
0x246: {  	[tilespmem:s11+$0x0] =	vst v0;
	v2 =	vld.idx.msk [tilespmem:v6+s3+$0x0], $0xffff  }
0x247: {  	s12 =	sadd.s32 $0x11080, s22;
	v6 =	vadd.s32 $0x1A, v3;
	v0 =	vld.idx.msk [tilespmem:v20+s3+$0x0], $0xffff  }
0x248: {  	s13 =	sor.u32 s10, s12  }
0x249: {  	s14 =	sor.u32 s20, s12;
	[tilespmem:s13+$0x0] =	vst v1  }
0x24a: {  	s0 =	sor.u32 s23, s12;
	v1 =	vld.idx.msk [tilespmem:v5+s3+$0x0], $0xffff;
	[tilespmem:s14+$0x0] =	vst v7  }
0x24b: {  	s15 =	sor.u32 s28, s12;
	v5 =	vadd.s32 $0x1B, v4;
	[tilespmem:s0+$0x0] =	vst v2;
	v7 =	vld.idx.msk [tilespmem:v16+s3+$0x0], $0xffff  }
0x24c: {  	[tilespmem:s15+$0x0] =	vst v0;
	v2 =	vld.idx.msk [tilespmem:v6+s3+$0x0], $0xffff  }
0x24d: {  	s16 =	sadd.s32 $0x11100, s22;
	v6 =	vadd.s32 $0x1B, v3;
	v0 =	vld.idx.msk [tilespmem:v17+s3+$0x0], $0xffff  }
0x24e: {  	s17 =	sor.u32 s10, s16  }
0x24f: {  	s18 =	sor.u32 s20, s16;
	[tilespmem:s17+$0x0] =	vst v1  }
0x250: {  	s0 =	sor.u32 s23, s16;
	v1 =	vld.idx.msk [tilespmem:v5+s3+$0x0], $0xffff;
	[tilespmem:s18+$0x0] =	vst v7  }
0x251: {  	s19 =	sor.u32 s28, s16;
	v5 =	vadd.s32 $0x1C, v4;
	[tilespmem:s0+$0x0] =	vst v2;
	v7 =	vld.idx.msk [tilespmem:v14+s3+$0x0], $0xffff  }
0x252: {  	[tilespmem:s19+$0x0] =	vst v0;
	v2 =	vld.idx.msk [tilespmem:v6+s3+$0x0], $0xffff  }
0x253: {  	s21 =	sadd.s32 $0x11180, s22;
	v6 =	vadd.s32 $0x1C, v3;
	v0 =	vld.idx.msk [tilespmem:v45+s3+$0x0], $0xffff  }
0x254: {  	s24 =	sor.u32 s10, s21  }
0x255: {  	s25 =	sor.u32 s20, s21;
	[tilespmem:s24+$0x0] =	vst v1  }
0x256: {  	s0 =	sor.u32 s23, s21;
	v1 =	vld.idx.msk [tilespmem:v5+s3+$0x0], $0xffff;
	[tilespmem:s25+$0x0] =	vst v7  }
0x257: {  	s26 =	sor.u32 s28, s21;
	v5 =	vadd.s32 $0x1D, v4;
	[tilespmem:s0+$0x0] =	vst v2;
	v7 =	vld.idx.msk [tilespmem:v43+s3+$0x0], $0xffff  }
0x258: {  	[tilespmem:s26+$0x0] =	vst v0;
	v2 =	vld.idx.msk [tilespmem:v6+s3+$0x0], $0xffff  }
0x259: {  	s29 =	sadd.s32 $0x11200, s22;
	v6 =	vadd.s32 $0x1D, v3;
	v0 =	vld.idx.msk [tilespmem:v42+s3+$0x0], $0xffff  }
0x25a: {  	s30 =	sor.u32 s10, s29  }
0x25b: {  	s31 =	sor.u32 s20, s29;
	[tilespmem:s30+$0x0] =	vst v1  }
0x25c: {  	s0 =	sor.u32 s23, s29;
	v1 =	vld.idx.msk [tilespmem:v5+s3+$0x0], $0xffff;
	[tilespmem:s31+$0x0] =	vst v7  }
0x25d: {  	s4 =	sor.u32 s28, s29;
	v5 =	vadd.s32 $0x1E, v4;
	[tilespmem:s0+$0x0] =	vst v2;
	v7 =	vld.idx.msk [tilespmem:v37+s3+$0x0], $0xffff  }
0x25e: {  	[tilespmem:s4+$0x0] =	vst v0;
	v2 =	vld.idx.msk [tilespmem:v6+s3+$0x0], $0xffff  }
0x25f: {  	s5 =	sadd.s32 $0x11280, s22;
	v6 =	vadd.s32 $0x1E, v3;
	v0 =	vld.idx.msk [tilespmem:v39+s3+$0x0], $0xffff  }
0x260: {  	s6 =	sor.u32 s10, s5  }
0x261: {  	s7 =	sor.u32 s20, s5;
	[tilespmem:s6+$0x0] =	vst v1  }
0x262: {  	s0 =	sor.u32 s23, s5;
	v1 =	vld.idx.msk [tilespmem:v5+s3+$0x0], $0xffff;
	[tilespmem:s7+$0x0] =	vst v7  }
0x263: {  	s8 =	sor.u32 s28, s5;
	v4 =	vadd.s32 $0x1F, v4;
	[tilespmem:s0+$0x0] =	vst v2;
	v5 =	vld.idx.msk [tilespmem:v48+s3+$0x0], $0xffff  }
0x264: {  	[tilespmem:s8+$0x0] =	vst v0;
	v2 =	vld.idx.msk [tilespmem:v6+s3+$0x0], $0xffff  }
0x265: {  	s9 =	sadd.s32 $0x11300, s22;
	v3 =	vadd.s32 $0x1F, v3;
	v0 =	vld.idx.msk [tilespmem:v19+s3+$0x0], $0xffff  }
0x266: {  	s11 =	sor.u32 s10, s9  }
0x267: {  	s12 =	sor.u32 s20, s9;
	[tilespmem:s11+$0x0] =	vst v1  }
0x268: {  	s0 =	sor.u32 s23, s9;
	v1 =	vld.idx.msk [tilespmem:v4+s3+$0x0], $0xffff;
	[tilespmem:s12+$0x0] =	vst v5  }
0x269: {  	s13 =	sor.u32 s28, s9;
	[tilespmem:s0+$0x0] =	vst v2;
	v4 =	vld.idx.msk [tilespmem:v34+s3+$0x0], $0xffff  }
0x26a: {  	[tilespmem:s13+$0x0] =	vst v0;
	v2 =	vld.idx.msk [tilespmem:v3+s3+$0x0], $0xffff  }
0x26b: {  	s14 =	sadd.s32 $0x11380, s22;
	v0 =	vld.idx.msk [tilespmem:v24+s3+$0x0], $0xffff  }
0x26c: {  	s15 =	sor.u32 s10, s14  }
0x26d: {  	s16 =	sor.u32 s20, s14;
	[tilespmem:s15+$0x0] =	vst v1  }
0x26e: {  	s0 =	sor.u32 s23, s14;
	[tilespmem:s16+$0x0] =	vst v4  }
0x26f: {  	s17 =	sor.u32 s28, s14;
	[tilespmem:s0+$0x0] =	vst v2  }
0x270: {  	s2 =	simm.s32 $0x0;
	[tilespmem:s17+$0x0] =	vst v0  }
0x271: {  	s18 =	simm.s32 $0xB000;
	s19 =	simm.s32 $0x1;
	s0 =	rddreg [dreg:$0x18]  }
0x272: {  	[hbm4b:s0+s2] =	stream.linear.scatter [tilespmem:s18], [sflag:$0x1], $0x8000, $0x38;
	[tilespmem:$0x134C0] =	vst v63  }
0x273: {  	_ =	swait.ge [sflag:s19], $0x8000  }
0x274: {  	[sflag:s19] =	ssyncset.done $0x0  }
0x275: {  	s20 =	sand.u32 $0x3C0, s2;
	[sflag:s19] =	ssyncadd.s32 $0xFFFF8000  }
0x276: {  	s21 =	simm.s32 $0x8830;
	v0 =	vld [tilespmem:s20+$0x8800]  }
0x277: {  	v2 =	vld [tilespmem:s21+$0xFFFFFFF0]  }
0x278: {  	v1 =	vld [tilespmem:s21+$0xFFFFFFE0];
	_ =	sdelay $0x1  }
0x279: {  	v3 =	vld [tilespmem:s21+$0x0]  }
0x27a: {  	v10 =	vmul.u32 $0x21, v0  }
0x27b: {  	v8 =	vmul.u32 $0x21, v2  }
0x27c: {  	v9 =	vmul.u32 $0x21, v1;
	_ =	sdelay $0x1  }
0x27d: {  	v6 =	vmul.u32 $0x21, v3;
	_ =	sdelay $0x1  }
0x27e: {  	v0 =	vld.idx.msk [tilespmem:v10+s3+$0x0], $0xffff  }
0x27f: {  	v1 =	vadd.s32 $0x1, v10;
	v3 =	vld.idx.msk [tilespmem:v8+s3+$0x0], $0xffff  }
0x280: {  	s1 =	sand.u32 $0x1C00, s2;
	v7 =	vadd.s32 $0x1, v8;
	v2 =	vld.idx.msk [tilespmem:v9+s3+$0x0], $0xffff  }
0x281: {  	s22 =	sadd.s32 $0xB000, s1;
	s0 =	sand.u32 $0x40, s2;
	v4 =	vadd.s32 $0x1, v9  }
0x282: {  	s23 =	sor.u32 s0, s22;
	s29 =	sor.u32 $0x20, s0;
	v5 =	vld.idx.msk [tilespmem:v6+s3+$0x0], $0xffff  }
0x283: {  	s28 =	sor.u32 $0x10, s0;
	s25 =	sor.u32 s29, s22;
	[tilespmem:s23+$0x0] =	vst v0;
	v0 =	vadd.s32 $0x1, v6  }
0x284: {  	s24 =	sor.u32 s28, s22;
	[tilespmem:s25+$0x0] =	vst v3;
	v1 =	vld.idx.msk [tilespmem:v1+s3+$0x0], $0xffff  }
0x285: {  	s30 =	sor.u32 $0x30, s0;
	[tilespmem:s24+$0x0] =	vst v2;
	v2 =	vadd.s32 $0x2, v10;
	v3 =	vld.idx.msk [tilespmem:v7+s3+$0x0], $0xffff  }
0x286: {  	s4 =	sor.u32 s30, s22;
	v4 =	vld.idx.msk [tilespmem:v4+s3+$0x0], $0xffff;
	v7 =	vadd.s32 $0x2, v8  }
0x287: {  	[tilespmem:s4+$0x0] =	vst v5;
	v5 =	vadd.s32 $0x2, v9  }
0x288: {  	v0 =	vld.idx.msk [tilespmem:v0+s3+$0x0], $0xffff  }
0x289: {  	[tilespmem:s23+$0x80] =	vst v1;
	v1 =	vadd.s32 $0x2, v6  }
0x28a: {  	[tilespmem:s25+$0x80] =	vst v3;
	v2 =	vld.idx.msk [tilespmem:v2+s3+$0x0], $0xffff  }
0x28b: {  	[tilespmem:s24+$0x80] =	vst v4;
	v4 =	vadd.s32 $0x3, v10;
	v3 =	vld.idx.msk [tilespmem:v7+s3+$0x0], $0xffff  }
0x28c: {  	v5 =	vld.idx.msk [tilespmem:v5+s3+$0x0], $0xffff;
	v7 =	vadd.s32 $0x3, v8  }
0x28d: {  	[tilespmem:s4+$0x80] =	vst v0;
	v0 =	vadd.s32 $0x3, v9  }
0x28e: {  	v1 =	vld.idx.msk [tilespmem:v1+s3+$0x0], $0xffff  }
0x28f: {  	[tilespmem:s23+$0x100] =	vst v2;
	v2 =	vadd.s32 $0x3, v6  }
0x290: {  	[tilespmem:s25+$0x100] =	vst v3;
	v4 =	vld.idx.msk [tilespmem:v4+s3+$0x0], $0xffff  }
0x291: {  	[tilespmem:s24+$0x100] =	vst v5;
	v5 =	vadd.s32 $0x4, v10;
	v3 =	vld.idx.msk [tilespmem:v7+s3+$0x0], $0xffff  }
0x292: {  	v7 =	vadd.s32 $0x4, v8;
	v0 =	vld.idx.msk [tilespmem:v0+s3+$0x0], $0xffff  }
0x293: {  	[tilespmem:s4+$0x100] =	vst v1;
	v1 =	vadd.s32 $0x4, v9  }
0x294: {  	v2 =	vld.idx.msk [tilespmem:v2+s3+$0x0], $0xffff  }
0x295: {  	[tilespmem:s23+$0x180] =	vst v4;
	v4 =	vadd.s32 $0x4, v6  }
0x296: {  	p2 =	por $0x0, $0x0;
	s5 =	simm.s32 $0x1;
	[tilespmem:s25+$0x180] =	vst v3;
	v5 =	vld.idx.msk [tilespmem:v5+s3+$0x0], $0xffff  }
0x297: {  	s5 =	simm.s32 @!p2 $0x0;
	v3 =	vld.idx.msk [tilespmem:v7+s3+$0x0], $0xffff;
	[tilespmem:s24+$0x180] =	vst v0;
	v0 =	vadd.s32 $0x5, v10  }
0x298: {  	s5 =	sshll.u32 s5, $0x6;
	v7 =	vadd.s32 $0x5, v8;
	v1 =	vld.idx.msk [tilespmem:v1+s3+$0x0], $0xffff  }
0x299: {  	s26 =	sadd.s32 $0x0, s5;
	[tilespmem:s4+$0x180] =	vst v2;
	v2 =	vadd.s32 $0x5, v9  }
0x29a: {  	s5 =	sor.u32 $0x200, s26;
	s8 =	sadd.s32 $0x20, s26;
	v4 =	vld.idx.msk [tilespmem:v4+s3+$0x0], $0xffff  }
0x29b: {  	s31 =	sadd.s32 $0x10, s26;
	s12 =	sor.u32 $0x200, s8;
	[tilespmem:s5+$0xB000] =	vst v5;
	v5 =	vadd.s32 $0x5, v6  }
0x29c: {  	s10 =	sor.u32 $0x200, s31;
	[tilespmem:s12+$0xB000] =	vst v3;
	v0 =	vld.idx.msk [tilespmem:v0+s3+$0x0], $0xffff  }
0x29d: {  	s11 =	sadd.s32 $0x30, s26;
	v3 =	vld.idx.msk [tilespmem:v7+s3+$0x0], $0xffff;
	[tilespmem:s10+$0xB000] =	vst v1;
	v1 =	vadd.s32 $0x6, v10  }
0x29e: {  	s13 =	sor.u32 $0x200, s11;
	v7 =	vadd.s32 $0x6, v8;
	v2 =	vld.idx.msk [tilespmem:v2+s3+$0x0], $0xffff  }
0x29f: {  	[tilespmem:s13+$0xB000] =	vst v4;
	v4 =	vadd.s32 $0x6, v9  }
0x2a0: {  	s14 =	sor.u32 $0x280, s26;
	v5 =	vld.idx.msk [tilespmem:v5+s3+$0x0], $0xffff  }
0x2a1: {  	s16 =	sor.u32 $0x280, s8;
	[tilespmem:s14+$0xB000] =	vst v0;
	v0 =	vadd.s32 $0x6, v6  }
0x2a2: {  	s15 =	sor.u32 $0x280, s31;
	[tilespmem:s16+$0xB000] =	vst v3;
	v1 =	vld.idx.msk [tilespmem:v1+s3+$0x0], $0xffff  }
0x2a3: {  	v3 =	vld.idx.msk [tilespmem:v7+s3+$0x0], $0xffff;
	[tilespmem:s15+$0xB000] =	vst v2;
	v2 =	vadd.s32 $0x7, v10  }
0x2a4: {  	s17 =	sor.u32 $0x280, s11;
	v7 =	vadd.s32 $0x7, v8;
	v4 =	vld.idx.msk [tilespmem:v4+s3+$0x0], $0xffff  }
0x2a5: {  	[tilespmem:s17+$0xB000] =	vst v5;
	v5 =	vadd.s32 $0x7, v9  }
0x2a6: {  	s4 =	sor.u32 $0x300, s26;
	v0 =	vld.idx.msk [tilespmem:v0+s3+$0x0], $0xffff  }
0x2a7: {  	s19 =	sor.u32 $0x300, s8;
	[tilespmem:s4+$0xB000] =	vst v1;
	v1 =	vadd.s32 $0x7, v6  }
0x2a8: {  	s18 =	sor.u32 $0x300, s31;
	[tilespmem:s19+$0xB000] =	vst v3;
	v2 =	vld.idx.msk [tilespmem:v2+s3+$0x0], $0xffff  }
0x2a9: {  	v3 =	vld.idx.msk [tilespmem:v7+s3+$0x0], $0xffff;
	[tilespmem:s18+$0xB000] =	vst v4;
	v4 =	vadd.s32 $0x8, v10  }
0x2aa: {  	s20 =	sor.u32 $0x300, s11;
	v7 =	vadd.s32 $0x8, v8;
	v5 =	vld.idx.msk [tilespmem:v5+s3+$0x0], $0xffff  }
0x2ab: {  	s2 =	sor.u32 s2, s2;
	[tilespmem:s20+$0xB000] =	vst v0;
	v0 =	vadd.s32 $0x8, v9  }
0x2ac: {  	s2 =	sor.u32 $0x380, s2;
	v1 =	vld.idx.msk [tilespmem:v1+s3+$0x0], $0xffff  }
0x2ad: {  	s22 =	sor.u32 $0x380, s8;
	[tilespmem:s2+$0xB000] =	vst v2;
	v2 =	vadd.s32 $0x8, v6  }
0x2ae: {  	s21 =	sor.u32 $0x380, s31;
	[tilespmem:s22+$0xB000] =	vst v3;
	v4 =	vld.idx.msk [tilespmem:v4+s3+$0x0], $0xffff  }
0x2af: {  	v3 =	vld.idx.msk [tilespmem:v7+s3+$0x0], $0xffff;
	[tilespmem:s21+$0xB000] =	vst v5;
	v5 =	vadd.s32 $0x9, v10  }
0x2b0: {  	s23 =	sor.u32 $0x380, s11;
	v7 =	vadd.s32 $0x9, v8;
	v0 =	vld.idx.msk [tilespmem:v0+s3+$0x0], $0xffff  }
0x2b1: {  	s24 =	sadd.s32 $0xD000, s1;
	[tilespmem:s23+$0xB000] =	vst v1;
	v1 =	vadd.s32 $0x9, v9  }
0x2b2: {  	s25 =	sor.u32 s0, s24;
	v2 =	vld.idx.msk [tilespmem:v2+s3+$0x0], $0xffff  }
0x2b3: {  	s31 =	sor.u32 s29, s24;
	[tilespmem:s25+$0x0] =	vst v4;
	v4 =	vadd.s32 $0x9, v6  }
0x2b4: {  	s26 =	sor.u32 s28, s24;
	[tilespmem:s31+$0x0] =	vst v3;
	v5 =	vld.idx.msk [tilespmem:v5+s3+$0x0], $0xffff  }
0x2b5: {  	v3 =	vld.idx.msk [tilespmem:v7+s3+$0x0], $0xffff;
	[tilespmem:s26+$0x0] =	vst v0;
	v0 =	vadd.s32 $0xA, v10  }
0x2b6: {  	s2 =	sor.u32 s30, s24;
	v7 =	vadd.s32 $0xA, v8;
	v1 =	vld.idx.msk [tilespmem:v1+s3+$0x0], $0xffff  }
0x2b7: {  	s6 =	sadd.s32 $0xD080, s1;
	[tilespmem:s2+$0x0] =	vst v2;
	v2 =	vadd.s32 $0xA, v9  }
0x2b8: {  	s7 =	sor.u32 s0, s6;
	v4 =	vld.idx.msk [tilespmem:v4+s3+$0x0], $0xffff  }
0x2b9: {  	s9 =	sor.u32 s29, s6;
	[tilespmem:s7+$0x0] =	vst v5;
	v5 =	vadd.s32 $0xA, v6  }
0x2ba: {  	s8 =	sor.u32 s28, s6;
	[tilespmem:s9+$0x0] =	vst v3;
	v0 =	vld.idx.msk [tilespmem:v0+s3+$0x0], $0xffff  }
0x2bb: {  	v3 =	vld.idx.msk [tilespmem:v7+s3+$0x0], $0xffff;
	[tilespmem:s8+$0x0] =	vst v1;
	v1 =	vadd.s32 $0xB, v10  }
0x2bc: {  	s2 =	sor.u32 s30, s6;
	v7 =	vadd.s32 $0xB, v8;
	v2 =	vld.idx.msk [tilespmem:v2+s3+$0x0], $0xffff  }
0x2bd: {  	s10 =	sadd.s32 $0xD100, s1;
	[tilespmem:s2+$0x0] =	vst v4;
	v4 =	vadd.s32 $0xB, v9  }
0x2be: {  	s11 =	sor.u32 s0, s10;
	v5 =	vld.idx.msk [tilespmem:v5+s3+$0x0], $0xffff  }
0x2bf: {  	s13 =	sor.u32 s29, s10;
	[tilespmem:s11+$0x0] =	vst v0;
	v0 =	vadd.s32 $0xB, v6  }
0x2c0: {  	s12 =	sor.u32 s28, s10;
	[tilespmem:s13+$0x0] =	vst v3;
	v1 =	vld.idx.msk [tilespmem:v1+s3+$0x0], $0xffff  }
0x2c1: {  	v3 =	vld.idx.msk [tilespmem:v7+s3+$0x0], $0xffff;
	[tilespmem:s12+$0x0] =	vst v2;
	v2 =	vadd.s32 $0xC, v10  }
0x2c2: {  	s2 =	sor.u32 s30, s10;
	v7 =	vadd.s32 $0xC, v8;
	v4 =	vld.idx.msk [tilespmem:v4+s3+$0x0], $0xffff  }
0x2c3: {  	s14 =	sadd.s32 $0xD180, s1;
	[tilespmem:s2+$0x0] =	vst v5;
	v5 =	vadd.s32 $0xC, v9  }
0x2c4: {  	s15 =	sor.u32 s0, s14;
	v0 =	vld.idx.msk [tilespmem:v0+s3+$0x0], $0xffff  }
0x2c5: {  	s17 =	sor.u32 s29, s14;
	[tilespmem:s15+$0x0] =	vst v1;
	v1 =	vadd.s32 $0xC, v6  }
0x2c6: {  	s16 =	sor.u32 s28, s14;
	[tilespmem:s17+$0x0] =	vst v3;
	v2 =	vld.idx.msk [tilespmem:v2+s3+$0x0], $0xffff  }
0x2c7: {  	v3 =	vld.idx.msk [tilespmem:v7+s3+$0x0], $0xffff;
	[tilespmem:s16+$0x0] =	vst v4;
	v4 =	vadd.s32 $0xD, v10  }
0x2c8: {  	s2 =	sor.u32 s30, s14;
	v7 =	vadd.s32 $0xD, v8;
	v5 =	vld.idx.msk [tilespmem:v5+s3+$0x0], $0xffff  }
0x2c9: {  	s18 =	sadd.s32 $0xD200, s1;
	[tilespmem:s2+$0x0] =	vst v0;
	v0 =	vadd.s32 $0xD, v9  }
0x2ca: {  	s19 =	sor.u32 s0, s18;
	v1 =	vld.idx.msk [tilespmem:v1+s3+$0x0], $0xffff  }
0x2cb: {  	s21 =	sor.u32 s29, s18;
	[tilespmem:s19+$0x0] =	vst v2;
	v2 =	vadd.s32 $0xD, v6  }
0x2cc: {  	s20 =	sor.u32 s28, s18;
	[tilespmem:s21+$0x0] =	vst v3;
	v4 =	vld.idx.msk [tilespmem:v4+s3+$0x0], $0xffff  }
0x2cd: {  	v3 =	vld.idx.msk [tilespmem:v7+s3+$0x0], $0xffff;
	[tilespmem:s20+$0x0] =	vst v5;
	v5 =	vadd.s32 $0xE, v10  }
0x2ce: {  	s2 =	sor.u32 s30, s18;
	v7 =	vadd.s32 $0xE, v8;
	v0 =	vld.idx.msk [tilespmem:v0+s3+$0x0], $0xffff  }
0x2cf: {  	s22 =	sadd.s32 $0xD280, s1;
	[tilespmem:s2+$0x0] =	vst v1;
	v1 =	vadd.s32 $0xE, v9  }
0x2d0: {  	s23 =	sor.u32 s0, s22;
	v2 =	vld.idx.msk [tilespmem:v2+s3+$0x0], $0xffff  }
0x2d1: {  	s25 =	sor.u32 s29, s22;
	[tilespmem:s23+$0x0] =	vst v4;
	v4 =	vadd.s32 $0xE, v6  }
0x2d2: {  	s24 =	sor.u32 s28, s22;
	[tilespmem:s25+$0x0] =	vst v3;
	v5 =	vld.idx.msk [tilespmem:v5+s3+$0x0], $0xffff  }
0x2d3: {  	v3 =	vld.idx.msk [tilespmem:v7+s3+$0x0], $0xffff;
	[tilespmem:s24+$0x0] =	vst v0;
	v0 =	vadd.s32 $0xF, v10  }
0x2d4: {  	s2 =	sor.u32 s30, s22;
	v7 =	vadd.s32 $0xF, v8;
	v1 =	vld.idx.msk [tilespmem:v1+s3+$0x0], $0xffff  }
0x2d5: {  	s26 =	sadd.s32 $0xD300, s1;
	[tilespmem:s2+$0x0] =	vst v2;
	v2 =	vadd.s32 $0xF, v9  }
0x2d6: {  	s31 =	sor.u32 s0, s26;
	v4 =	vld.idx.msk [tilespmem:v4+s3+$0x0], $0xffff  }
0x2d7: {  	s6 =	sor.u32 s29, s26;
	[tilespmem:s31+$0x0] =	vst v5;
	v5 =	vadd.s32 $0xF, v6  }
0x2d8: {  	s5 =	sor.u32 s28, s26;
	[tilespmem:s6+$0x0] =	vst v3;
	v0 =	vld.idx.msk [tilespmem:v0+s3+$0x0], $0xffff  }
0x2d9: {  	v3 =	vld.idx.msk [tilespmem:v7+s3+$0x0], $0xffff;
	[tilespmem:s5+$0x0] =	vst v1;
	v1 =	vadd.s32 $0x10, v10  }
0x2da: {  	s2 =	sor.u32 s30, s26;
	v7 =	vadd.s32 $0x10, v8;
	v2 =	vld.idx.msk [tilespmem:v2+s3+$0x0], $0xffff  }
0x2db: {  	s7 =	sadd.s32 $0xD380, s1;
	[tilespmem:s2+$0x0] =	vst v4;
	v4 =	vadd.s32 $0x10, v9  }
0x2dc: {  	s9 =	sor.u32 s0, s7;
	s8 =	simm.s32 $0x8870;
	v5 =	vld.idx.msk [tilespmem:v5+s3+$0x0], $0xffff  }
0x2dd: {  	v12 =	vld [tilespmem:s8+$0xFFFFFFF0];
	s11 =	sor.u32 s29, s7;
	[tilespmem:s9+$0x0] =	vst v0;
	v0 =	vadd.s32 $0x10, v6  }
0x2de: {  	s10 =	sor.u32 s28, s7;
	[tilespmem:s11+$0x0] =	vst v3;
	v1 =	vld.idx.msk [tilespmem:v1+s3+$0x0], $0xffff  }
0x2df: {  	v3 =	vld.idx.msk [tilespmem:v7+s3+$0x0], $0xffff;
	[tilespmem:s10+$0x0] =	vst v2;
	v2 =	vadd.s32 $0x11, v10  }
0x2e0: {  	s2 =	sor.u32 s30, s7;
	v4 =	vld.idx.msk [tilespmem:v4+s3+$0x0], $0xffff  }
0x2e1: {  	v11 =	vld [tilespmem:s8+$0xFFFFFFE0];
	s12 =	sadd.s32 $0xF000, s1;
	[tilespmem:s2+$0x0] =	vst v5;
	v5 =	vadd.s32 $0x11, v9;
	s2 =	simm.s32 $0x40  }
0x2e2: {  	s13 =	sor.u32 s0, s12;
	v7 =	vadd.s32 $0x11, v8;
	v0 =	vld.idx.msk [tilespmem:v0+s3+$0x0], $0xffff;
	s15 =	sand.u32 $0x3C0, s2  }
0x2e3: {  	s16 =	sor.u32 s29, s12;
	[tilespmem:s13+$0x0] =	vst v1;
	v14 =	vld [tilespmem:s15+$0x8800]  }
0x2e4: {  	s14 =	sor.u32 s28, s12;
	v1 =	vadd.s32 $0x11, v6;
	[tilespmem:s16+$0x0] =	vst v3;
	v2 =	vld.idx.msk [tilespmem:v2+s3+$0x0], $0xffff  }
0x2e5: {  	v15 =	vadd.s32 $0x12, v10;
	v13 =	vld [tilespmem:s8+$0x0];
	v3 =	vmul.u32 $0x21, v12;
	[tilespmem:s14+$0x0] =	vst v4  }
0x2e6: {  	s17 =	sor.u32 s30, s12;
	v16 =	vld.idx.msk [tilespmem:v5+s3+$0x0], $0xffff  }
0x2e7: {  	v17 =	vadd.s32 $0x12, v9;
	s18 =	sadd.s32 $0xF080, s1;
	s13 =	simm.s32 $0x88B0;
	[tilespmem:s17+$0x0] =	vst v0;
	v0 =	vld.idx.msk [tilespmem:v7+s3+$0x0], $0xffff  }
0x2e8: {  	v18 =	vadd.s32 $0x12, v8;
	s19 =	sor.u32 s0, s18;
	v4 =	vmul.u32 $0x21, v11;
	v11 =	vld [tilespmem:s13+$0xFFFFFFE0];
	v5 =	vmul.u32 $0x21, v14  }
0x2e9: {  	v1 =	vld.idx.msk [tilespmem:v1+s3+$0x0], $0xffff;
	[tilespmem:s19+$0x0] =	vst v2  }
0x2ea: {  	s20 =	sor.u32 s28, s18;
	v14 =	vld.idx.msk [tilespmem:v15+s3+$0x0], $0xffff;
	v15 =	vadd.s32 $0x12, v6  }
0x2eb: {  	s21 =	sor.u32 s29, s18;
	v2 =	vmul.u32 $0x21, v13;
	v25 =	vld.idx.msk [tilespmem:v3+s3+$0x0], $0xffff;
	[tilespmem:s20+$0x0] =	vst v16  }
0x2ec: {  	v13 =	vld.idx.msk [tilespmem:v17+s3+$0x0], $0xffff;
	[tilespmem:s21+$0x0] =	vst v0  }
0x2ed: {  	s4 =	sor.u32 s30, s18;
	s22 =	sadd.s32 $0xF100, s1;
	v12 =	vadd.s32 $0x13, v10;
	v0 =	vld.idx.msk [tilespmem:v18+s3+$0x0], $0xffff  }
0x2ee: {  	s23 =	sor.u32 s0, s22;
	[tilespmem:s4+$0x0] =	vst v1;
	v1 =	vadd.s32 $0x13, v9;
	v16 =	vld.idx.msk [tilespmem:v5+s3+$0x0], $0xffff  }
0x2ef: {  	s14 =	simm.s32 $0x200;
	v15 =	vld.idx.msk [tilespmem:v15+s3+$0x0], $0xffff;
	[tilespmem:s23+$0x0] =	vst v14;
	v14 =	vadd.s32 $0x13, v8  }
0x2f0: {  	s24 =	sor.u32 s28, s22;
	v19 =	vld.idx.msk [tilespmem:v4+s3+$0x0], $0xffff;
	v17 =	vadd.s32 $0x13, v6;
	s23 =	sand.u32 $0x1C00, s14  }
0x2f1: {  	s25 =	sor.u32 s29, s22;
	v18 =	vadd.s32 $0x1, v5;
	v26 =	vld.idx.msk [tilespmem:v2+s3+$0x0], $0xffff;
	s26 =	sadd.s32 $0xB000, s23;
	[tilespmem:s24+$0x0] =	vst v13;
	s24 =	sand.u32 $0x40, s2  }
0x2f2: {  	v12 =	vld.idx.msk [tilespmem:v12+s3+$0x0], $0xffff;
	[tilespmem:s25+$0x0] =	vst v0;
	s4 =	sor.u32 s24, s26  }
0x2f3: {  	v27 =	vadd.s32 $0x14, v10;
	s5 =	sor.u32 s30, s22;
	v1 =	vld.idx.msk [tilespmem:v1+s3+$0x0], $0xffff;
	s21 =	sor.u32 $0x10, s24;
	[tilespmem:s4+$0x0] =	vst v16  }
0x2f4: {  	v13 =	vadd.s32 $0x1, v4;
	s19 =	sor.u32 $0x20, s24;
	s8 =	sor.u32 s21, s26;
	v14 =	vld.idx.msk [tilespmem:v14+s3+$0x0], $0xffff;
	[tilespmem:s5+$0x0] =	vst v15  }
0x2f5: {  	s31 =	sadd.s32 $0xF180, s1;
	v0 =	vadd.s32 $0x1, v3;
	s12 =	sor.u32 s19, s26;
	[tilespmem:s8+$0x0] =	vst v19;
	v16 =	vld.idx.msk [tilespmem:v17+s3+$0x0], $0xffff  }
0x2f6: {  	s11 =	sor.u32 s0, s31;
	s20 =	sor.u32 $0x30, s24;
	v15 =	vadd.s32 $0x1, v2;
	[tilespmem:s12+$0x0] =	vst v25;
	v17 =	vld.idx.msk [tilespmem:v18+s3+$0x0], $0xffff  }
0x2f7: {  	v7 =	vld [tilespmem:s13+$0xFFFFFFF0];
	s7 =	sor.u32 s20, s26;
	[tilespmem:s11+$0x0] =	vst v12;
	v12 =	vadd.s32 $0x14, v9  }
0x2f8: {  	s15 =	sor.u32 s28, s31;
	v19 =	vadd.s32 $0x14, v8;
	[tilespmem:s7+$0x0] =	vst v26;
	v18 =	vld.idx.msk [tilespmem:v27+s3+$0x0], $0xffff  }
0x2f9: {  	s16 =	sor.u32 s29, s31;
	v28 =	vadd.s32 $0x2, v5;
	v13 =	vld.idx.msk [tilespmem:v13+s3+$0x0], $0xffff;
	[tilespmem:s15+$0x0] =	vst v1  }
0x2fa: {  	v29 =	vadd.s32 $0x15, v10;
	v0 =	vld.idx.msk [tilespmem:v0+s3+$0x0], $0xffff;
	[tilespmem:s16+$0x0] =	vst v14  }
0x2fb: {  	s6 =	sor.u32 s30, s31;
	v30 =	vadd.s32 $0x2, v4;
	s17 =	sadd.s32 $0xF200, s1;
	v15 =	vld.idx.msk [tilespmem:v15+s3+$0x0], $0xffff;
	[tilespmem:s4+$0x80] =	vst v17  }
0x2fc: {  	s18 =	sor.u32 s0, s17;
	v1 =	vadd.s32 $0x2, v3;
	v12 =	vld.idx.msk [tilespmem:v12+s3+$0x0], $0xffff;
	[tilespmem:s6+$0x0] =	vst v16  }
0x2fd: {  	v14 =	vadd.s32 $0x2, v2;
	v17 =	vld.idx.msk [tilespmem:v19+s3+$0x0], $0xffff;
	[tilespmem:s18+$0x0] =	vst v18  }
0x2fe: {  	v19 =	vld.idx.msk [tilespmem:v28+s3+$0x0], $0xffff;
	v18 =	vadd.s32 $0x14, v6;
	[tilespmem:s8+$0x80] =	vst v13  }
0x2ff: {  	v32 =	vadd.s32 $0x3, v5;
	v13 =	vld.idx.msk [tilespmem:v29+s3+$0x0], $0xffff;
	[tilespmem:s12+$0x80] =	vst v0  }
0x300: {  	v31 =	vadd.s32 $0x15, v9;
	s22 =	sor.u32 s28, s17;
	v21 =	vld.idx.msk [tilespmem:v30+s3+$0x0], $0xffff;
	[tilespmem:s7+$0x80] =	vst v15  }
0x301: {  	s26 =	sor.u32 s29, s17;
	v0 =	vld.idx.msk [tilespmem:v1+s3+$0x0], $0xffff;
	v1 =	vadd.s32 $0x16, v10;
	[tilespmem:s22+$0x0] =	vst v12  }
0x302: {  	s11 =	sadd.s32 $0xF280, s1;
	v15 =	vadd.s32 $0x3, v4;
	v14 =	vld.idx.msk [tilespmem:v14+s3+$0x0], $0xffff;
	[tilespmem:s26+$0x0] =	vst v17  }
0x303: {  	s25 =	sor.u32 s0, s11;
	v16 =	vadd.s32 $0x3, v3;
	v12 =	vld.idx.msk [tilespmem:v18+s3+$0x0], $0xffff;
	[tilespmem:s4+$0x100] =	vst v19  }
0x304: {  	v18 =	vadd.s32 $0x3, v2;
	v33 =	vld.idx.msk [tilespmem:v32+s3+$0x0], $0xffff;
	[tilespmem:s25+$0x0] =	vst v13  }
0x305: {  	v19 =	vld.idx.msk [tilespmem:v31+s3+$0x0], $0xffff;
	v13 =	vadd.s32 $0x15, v8;
	[tilespmem:s8+$0x100] =	vst v21  }
0x306: {  	v34 =	vadd.s32 $0x15, v6;
	v1 =	vld.idx.msk [tilespmem:v1+s3+$0x0], $0xffff;
	[tilespmem:s12+$0x100] =	vst v0  }
0x307: {  	s9 =	sor.u32 s30, s17;
	v35 =	vadd.s32 $0x4, v5;
	v15 =	vld.idx.msk [tilespmem:v15+s3+$0x0], $0xffff;
	[tilespmem:s7+$0x100] =	vst v14  }
0x308: {  	v0 =	vld.idx.msk [tilespmem:v16+s3+$0x0], $0xffff;
	v14 =	vadd.s32 $0x17, v10;
	[tilespmem:s9+$0x0] =	vst v12  }
0x309: {  	s6 =	sadd.s32 $0xF300, s1;
	v16 =	vadd.s32 $0x4, v4;
	v18 =	vld.idx.msk [tilespmem:v18+s3+$0x0], $0xffff;
	s9 =	sor.u32 s28, s11;
	[tilespmem:s4+$0x180] =	vst v33  }
0x30a: {  	s31 =	sor.u32 s0, s6;
	v17 =	vadd.s32 $0x4, v3;
	v13 =	vld.idx.msk [tilespmem:v13+s3+$0x0], $0xffff;
	[tilespmem:s9+$0x0] =	vst v19  }
0x30b: {  	v12 =	vadd.s32 $0x4, v2;
	v36 =	vld.idx.msk [tilespmem:v34+s3+$0x0], $0xffff;
	[tilespmem:s31+$0x0] =	vst v1  }
0x30c: {  	p2 =	por !p2, !p2;
	s4 =	simm.s32 $0x1;
	v37 =	vld.idx.msk [tilespmem:v35+s3+$0x0], $0xffff;
	v1 =	vadd.s32 $0x16, v9;
	[tilespmem:s8+$0x180] =	vst v15  }
0x30d: {  	v38 =	vadd.s32 $0x5, v5;
	s4 =	simm.s32 @!p2 $0x0;
	[tilespmem:s12+$0x180] =	vst v0;
	v14 =	vld.idx.msk [tilespmem:v14+s3+$0x0], $0xffff  }
0x30e: {  	s10 =	sor.u32 s29, s11;
	v15 =	vadd.s32 $0x16, v8;
	s4 =	sshll.u32 s4, $0x6;
	v16 =	vld.idx.msk [tilespmem:v16+s3+$0x0], $0xffff;
	[tilespmem:s7+$0x180] =	vst v18  }
0x30f: {  	s11 =	sor.u32 s30, s11;
	v0 =	vld.idx.msk [tilespmem:v17+s3+$0x0], $0xffff;
	v17 =	vadd.s32 $0x18, v10;
	s7 =	sadd.s32 $0x200, s4;
	[tilespmem:s10+$0x0] =	vst v13  }
0x310: {  	s5 =	sadd.s32 $0xF380, s1;
	v18 =	vadd.s32 $0x5, v4;
	v12 =	vld.idx.msk [tilespmem:v12+s3+$0x0], $0xffff;
	s4 =	sor.u32 $0x200, s7;
	[tilespmem:s11+$0x0] =	vst v36  }
0x311: {  	v19 =	vadd.s32 $0x5, v3;
	s12 =	sor.u32 s0, s5;
	s8 =	sadd.s32 $0x10, s7;
	v1 =	vld.idx.msk [tilespmem:v1+s3+$0x0], $0xffff;
	[tilespmem:s4+$0xB000] =	vst v37  }
0x312: {  	v13 =	vadd.s32 $0x5, v2;
	s9 =	sadd.s32 $0x20, s7;
	s15 =	sor.u32 $0x200, s8;
	v21 =	vld.idx.msk [tilespmem:v38+s3+$0x0], $0xffff;
	[tilespmem:s12+$0x0] =	vst v14  }
0x313: {  	s10 =	sadd.s32 $0x30, s7;
	s16 =	sor.u32 $0x200, s9;
	v15 =	vld.idx.msk [tilespmem:v15+s3+$0x0], $0xffff;
	v14 =	vadd.s32 $0x16, v6;
	[tilespmem:s15+$0xB000] =	vst v16  }
0x314: {  	s17 =	sor.u32 $0x200, s10;
	[tilespmem:s16+$0xB000] =	vst v0;
	v0 =	vadd.s32 $0x6, v5;
	v16 =	vld.idx.msk [tilespmem:v17+s3+$0x0], $0xffff  }
0x315: {  	s18 =	sor.u32 s28, s6;
	v17 =	vadd.s32 $0x17, v9;
	v18 =	vld.idx.msk [tilespmem:v18+s3+$0x0], $0xffff;
	[tilespmem:s17+$0xB000] =	vst v12  }
0x316: {  	s22 =	sor.u32 $0x280, s7;
	v19 =	vld.idx.msk [tilespmem:v19+s3+$0x0], $0xffff;
	v12 =	vadd.s32 $0x19, v10;
	[tilespmem:s18+$0x0] =	vst v1  }
0x317: {  	v39 =	vadd.s32 $0x6, v4;
	s4 =	sadd.s32 $0x11000, s1;
	s15 =	sor.u32 s29, s6;
	v13 =	vld.idx.msk [tilespmem:v13+s3+$0x0], $0xffff;
	[tilespmem:s22+$0xB000] =	vst v21  }
0x318: {  	v40 =	vadd.s32 $0x6, v3;
	s25 =	sor.u32 s0, s4;
	[tilespmem:s15+$0x0] =	vst v15;
	v1 =	vld.idx.msk [tilespmem:v14+s3+$0x0], $0xffff  }
0x319: {  	s26 =	sor.u32 $0x280, s8;
	v14 =	vadd.s32 $0x6, v2;
	v0 =	vld.idx.msk [tilespmem:v0+s3+$0x0], $0xffff;
	[tilespmem:s25+$0x0] =	vst v16  }
0x31a: {  	s31 =	sor.u32 $0x280, s9;
	v17 =	vld.idx.msk [tilespmem:v17+s3+$0x0], $0xffff;
	v16 =	vadd.s32 $0x17, v8;
	[tilespmem:s26+$0xB000] =	vst v18  }
0x31b: {  	s12 =	sor.u32 $0x280, s10;
	v18 =	vadd.s32 $0x17, v6;
	[tilespmem:s31+$0xB000] =	vst v19;
	v12 =	vld.idx.msk [tilespmem:v12+s3+$0x0], $0xffff  }
0x31c: {  	s6 =	sor.u32 s30, s6;
	v19 =	vadd.s32 $0x7, v5;
	v41 =	vld.idx.msk [tilespmem:v39+s3+$0x0], $0xffff;
	[tilespmem:s12+$0xB000] =	vst v13  }
0x31d: {  	v42 =	vadd.s32 $0x1A, v10;
	s7 =	sor.u32 $0x300, s7;
	v13 =	vld.idx.msk [tilespmem:v40+s3+$0x0], $0xffff;
	[tilespmem:s6+$0x0] =	vst v1  }
0x31e: {  	v15 =	vadd.s32 $0x7, v4;
	s25 =	sor.u32 s28, s5;
	v14 =	vld.idx.msk [tilespmem:v14+s3+$0x0], $0xffff;
	s6 =	sadd.s32 $0x11080, s1;
	[tilespmem:s7+$0xB000] =	vst v0  }
0x31f: {  	v43 =	vadd.s32 $0x7, v3;
	v1 =	vld.idx.msk [tilespmem:v16+s3+$0x0], $0xffff;
	s16 =	sor.u32 s0, s6;
	[tilespmem:s25+$0x0] =	vst v17  }
0x320: {  	s17 =	sor.u32 $0x300, s8;
	v0 =	vadd.s32 $0x7, v2;
	v16 =	vld.idx.msk [tilespmem:v18+s3+$0x0], $0xffff;
	[tilespmem:s16+$0x0] =	vst v12  }
0x321: {  	s18 =	sor.u32 $0x300, s9;
	v18 =	vadd.s32 $0x18, v9;
	v12 =	vld.idx.msk [tilespmem:v19+s3+$0x0], $0xffff;
	[tilespmem:s17+$0xB000] =	vst v41  }
0x322: {  	v44 =	vadd.s32 $0x18, v8;
	s22 =	sor.u32 $0x300, s10;
	v19 =	vld.idx.msk [tilespmem:v42+s3+$0x0], $0xffff;
	[tilespmem:s18+$0xB000] =	vst v13  }
0x323: {  	s31 =	simm.s32 $0x200;
	v13 =	vadd.s32 $0x8, v5;
	v15 =	vld.idx.msk [tilespmem:v15+s3+$0x0], $0xffff;
	[tilespmem:s22+$0xB000] =	vst v14  }
0x324: {  	v45 =	vadd.s32 $0x1B, v10;
	s2 =	sor.u32 s14, s2;
	s26 =	sor.u32 s29, s5;
	v14 =	vld.idx.msk [tilespmem:v43+s3+$0x0], $0xffff;
	[dreg:$0xd] =	wrdreg s31  }
0x325: {  	s2 =	sor.u32 $0x380, s2;
	v17 =	vadd.s32 $0x8, v4;
	v0 =	vld.idx.msk [tilespmem:v0+s3+$0x0], $0xffff;
	[tilespmem:s26+$0x0] =	vst v1  }
0x326: {  	v46 =	vadd.s32 $0x8, v3;
	s5 =	sor.u32 s30, s5;
	s7 =	sadd.s32 $0x11100, s1;
	v1 =	vld.idx.msk [tilespmem:v18+s3+$0x0], $0xffff;
	[tilespmem:s2+$0xB000] =	vst v12  }
0x327: {  	s11 =	sor.u32 s0, s7;
	v12 =	vadd.s32 $0x8, v2;
	[tilespmem:s5+$0x0] =	vst v16;
	v18 =	vld.idx.msk [tilespmem:v44+s3+$0x0], $0xffff  }
0x328: {  	s12 =	sor.u32 $0x380, s8;
	[tilespmem:s11+$0x0] =	vst v19;
	v13 =	vld.idx.msk [tilespmem:v13+s3+$0x0], $0xffff;
	v19 =	vadd.s32 $0x18, v6  }
0x329: {  	v47 =	vadd.s32 $0x19, v9;
	s14 =	sor.u32 $0x380, s9;
	[tilespmem:s12+$0xB000] =	vst v15;
	v15 =	vld.idx.msk [tilespmem:v45+s3+$0x0], $0xffff  }
0x32a: {  	v48 =	vadd.s32 $0x9, v5;
	s15 =	sor.u32 $0x380, s10;
	v17 =	vld.idx.msk [tilespmem:v17+s3+$0x0], $0xffff;
	[tilespmem:s14+$0xB000] =	vst v14  }
0x32b: {  	v49 =	vadd.s32 $0x9, v4;
	s16 =	sor.u32 s28, s4;
	s17 =	sadd.s32 $0xD000, s23;
	v14 =	vld.idx.msk [tilespmem:v46+s3+$0x0], $0xffff;
	[tilespmem:s15+$0xB000] =	vst v0  }
0x32c: {  	s18 =	sor.u32 s24, s17;
	s2 =	sadd.s32 $0x11180, s1;
	v0 =	vadd.s32 $0x1C, v10;
	[tilespmem:s16+$0x0] =	vst v1;
	v12 =	vld.idx.msk [tilespmem:v12+s3+$0x0], $0xffff  }
0x32d: {  	v16 =	vadd.s32 $0x9, v3;
	s22 =	sor.u32 s0, s2;
	v1 =	vld.idx.msk [tilespmem:v19+s3+$0x0], $0xffff;
	[tilespmem:s18+$0x0] =	vst v13  }
0x32e: {  	s25 =	sor.u32 s21, s17;
	v13 =	vadd.s32 $0x9, v2;
	v19 =	vld.idx.msk [tilespmem:v47+s3+$0x0], $0xffff;
	[tilespmem:s22+$0x0] =	vst v15  }
0x32f: {  	s9 =	sor.u32 s29, s4;
	v50 =	vld.idx.msk [tilespmem:v48+s3+$0x0], $0xffff;
	v15 =	vadd.s32 $0x19, v8;
	[tilespmem:s25+$0x0] =	vst v17  }
0x330: {  	s26 =	sor.u32 s19, s17;
	[tilespmem:s9+$0x0] =	vst v18;
	v17 =	vadd.s32 $0x19, v6;
	v22 =	vld.idx.msk [tilespmem:v49+s3+$0x0], $0xffff  }
0x331: {  	v51 =	vadd.s32 $0xA, v5;
	s31 =	sor.u32 s20, s17;
	[tilespmem:s26+$0x0] =	vst v14;
	v0 =	vld.idx.msk [tilespmem:v0+s3+$0x0], $0xffff  }
0x332: {  	s10 =	sor.u32 s30, s4;
	v14 =	vld.idx.msk [tilespmem:v16+s3+$0x0], $0xffff;
	v16 =	vadd.s32 $0xA, v4;
	[tilespmem:s31+$0x0] =	vst v12  }
0x333: {  	s11 =	sadd.s32 $0xD080, s23;
	s18 =	sor.u32 s28, s6;
	v12 =	vadd.s32 $0x1D, v10;
	[tilespmem:s10+$0x0] =	vst v1;
	v13 =	vld.idx.msk [tilespmem:v13+s3+$0x0], $0xffff  }
0x334: {  	s12 =	sor.u32 s24, s11;
	v18 =	vadd.s32 $0xA, v3;
	[tilespmem:s18+$0x0] =	vst v19;
	v15 =	vld.idx.msk [tilespmem:v15+s3+$0x0], $0xffff  }
0x335: {  	s4 =	sadd.s32 $0x11200, s1;
	s15 =	sor.u32 s21, s11;
	v1 =	vadd.s32 $0xA, v2;
	[tilespmem:s12+$0x0] =	vst v50;
	v17 =	vld.idx.msk [tilespmem:v17+s3+$0x0], $0xffff  }
0x336: {  	v52 =	vadd.s32 $0x1A, v8;
	s14 =	sor.u32 s0, s4;
	v20 =	vld.idx.msk [tilespmem:v51+s3+$0x0], $0xffff;
	[tilespmem:s15+$0x0] =	vst v22  }
0x337: {  	s16 =	sor.u32 s19, s11;
	[tilespmem:s14+$0x0] =	vst v0;
	v0 =	vadd.s32 $0x1A, v9;
	v16 =	vld.idx.msk [tilespmem:v16+s3+$0x0], $0xffff  }
0x338: {  	v53 =	vadd.s32 $0xB, v5;
	s17 =	sor.u32 s20, s11;
	[tilespmem:s16+$0x0] =	vst v14;
	v12 =	vld.idx.msk [tilespmem:v12+s3+$0x0], $0xffff  }
0x339: {  	s22 =	sor.u32 s29, s6;
	s25 =	sadd.s32 $0xD100, s23;
	v14 =	vld.idx.msk [tilespmem:v18+s3+$0x0], $0xffff;
	v18 =	vadd.s32 $0xB, v4;
	[tilespmem:s17+$0x0] =	vst v13  }
0x33a: {  	s26 =	sor.u32 s24, s25;
	v13 =	vadd.s32 $0x1E, v10;
	[tilespmem:s22+$0x0] =	vst v15;
	v1 =	vld.idx.msk [tilespmem:v1+s3+$0x0], $0xffff  }
0x33b: {  	s5 =	sadd.s32 $0x11280, s1;
	v19 =	vadd.s32 $0xB, v3;
	s10 =	sor.u32 s21, s25;
	[tilespmem:s26+$0x0] =	vst v20;
	v54 =	vld.idx.msk [tilespmem:v52+s3+$0x0], $0xffff  }
0x33c: {  	s31 =	sor.u32 s0, s5;
	v15 =	vadd.s32 $0xB, v2;
	v0 =	vld.idx.msk [tilespmem:v0+s3+$0x0], $0xffff;
	[tilespmem:s10+$0x0] =	vst v16  }
0x33d: {  	v55 =	vadd.s32 $0x1A, v6;
	s6 =	sor.u32 s30, s6;
	[tilespmem:s31+$0x0] =	vst v12;
	v12 =	vld.idx.msk [tilespmem:v53+s3+$0x0], $0xffff  }
0x33e: {  	s11 =	sor.u32 s19, s25;
	[tilespmem:s6+$0x0] =	vst v17;
	v16 =	vadd.s32 $0x1B, v9;
	v18 =	vld.idx.msk [tilespmem:v18+s3+$0x0], $0xffff  }
0x33f: {  	v56 =	vadd.s32 $0xC, v5;
	s9 =	sor.u32 s20, s25;
	[tilespmem:s11+$0x0] =	vst v14;
	v13 =	vld.idx.msk [tilespmem:v13+s3+$0x0], $0xffff  }
0x340: {  	s25 =	sor.u32 s29, s7;
	v14 =	vld.idx.msk [tilespmem:v19+s3+$0x0], $0xffff;
	[tilespmem:s9+$0x0] =	vst v1;
	v1 =	vadd.s32 $0x1F, v10  }
0x341: {  	s12 =	sor.u32 s28, s7;
	s14 =	sadd.s32 $0xD180, s23;
	v10 =	vadd.s32 $0xC, v4;
	[tilespmem:s25+$0x0] =	vst v54;
	v15 =	vld.idx.msk [tilespmem:v15+s3+$0x0], $0xffff  }
0x342: {  	s15 =	sor.u32 s24, s14;
	v17 =	vadd.s32 $0xC, v3;
	s6 =	sadd.s32 $0x11300, s1;
	[tilespmem:s12+$0x0] =	vst v0;
	v0 =	vld.idx.msk [tilespmem:v55+s3+$0x0], $0xffff  }
0x343: {  	s16 =	sor.u32 s0, s6;
	[tilespmem:s15+$0x0] =	vst v12;
	v12 =	vadd.s32 $0xC, v2;
	v16 =	vld.idx.msk [tilespmem:v16+s3+$0x0], $0xffff  }
0x344: {  	s17 =	sor.u32 s21, s14;
	[tilespmem:s16+$0x0] =	vst v13;
	v13 =	vld.idx.msk [tilespmem:v56+s3+$0x0], $0xffff  }
0x345: {  	s18 =	sor.u32 s19, s14;
	[tilespmem:s17+$0x0] =	vst v18;
	v18 =	vadd.s32 $0x1B, v8;
	v1 =	vld.idx.msk [tilespmem:v1+s3+$0x0], $0xffff  }
0x346: {  	s22 =	sor.u32 s20, s14;
	[tilespmem:s18+$0x0] =	vst v14;
	v14 =	vadd.s32 $0x1B, v6;
	v10 =	vld.idx.msk [tilespmem:v10+s3+$0x0], $0xffff  }
0x347: {  	s7 =	sor.u32 s30, s7;
	v17 =	vld.idx.msk [tilespmem:v17+s3+$0x0], $0xffff;
	[tilespmem:s22+$0x0] =	vst v15;
	v15 =	vadd.s32 $0xD, v5  }
0x348: {  	s26 =	sadd.s32 $0xD200, s23;
	s11 =	sor.u32 s28, s2;
	v19 =	vadd.s32 $0xD, v4;
	[tilespmem:s7+$0x0] =	vst v0;
	v57 =	vld.idx.msk [tilespmem:v12+s3+$0x0], $0xffff  }
0x349: {  	s1 =	sadd.s32 $0x11380, s1;
	s31 =	sor.u32 s24, s26;
	v0 =	vadd.s32 $0xD, v3;
	v12 =	vld [tilespmem:s13+$0x0];
	[tilespmem:s11+$0x0] =	vst v16  }
0x34a: {  	s0 =	sor.u32 s0, s1;
	[tilespmem:s31+$0x0] =	vst v13;
	v13 =	vld.idx.msk [tilespmem:v18+s3+$0x0], $0xffff;
	v18 =	vadd.s32 $0xD, v2  }
0x34b: {  	s7 =	sor.u32 s21, s26;
	[tilespmem:s0+$0x0] =	vst v1;
	v1 =	vld.idx.msk [tilespmem:v14+s3+$0x0], $0xffff;
	v14 =	vadd.s32 $0x1C, v9  }
0x34c: {  	s9 =	sor.u32 s19, s26;
	[tilespmem:s7+$0x0] =	vst v10;
	v10 =	vld.idx.msk [tilespmem:v15+s3+$0x0], $0xffff;
	v15 =	vadd.s32 $0x1C, v8  }
0x34d: {  	s10 =	sor.u32 s20, s26;
	[tilespmem:s9+$0x0] =	vst v17;
	v17 =	vadd.s32 $0x1C, v6;
	v19 =	vld.idx.msk [tilespmem:v19+s3+$0x0], $0xffff  }
0x34e: {  	v58 =	vadd.s32 $0xE, v5;
	s12 =	sor.u32 s29, s2;
	v0 =	vld.idx.msk [tilespmem:v0+s3+$0x0], $0xffff;
	[tilespmem:s10+$0x0] =	vst v57  }
0x34f: {  	s2 =	sor.u32 s30, s2;
	s13 =	sadd.s32 $0xD280, s23;
	v16 =	vadd.s32 $0xE, v4;
	v18 =	vld.idx.msk [tilespmem:v18+s3+$0x0], $0xffff;
	[tilespmem:s12+$0x0] =	vst v13  }
0x350: {  	s14 =	sor.u32 s24, s13;
	v13 =	vadd.s32 $0xE, v3;
	v14 =	vld.idx.msk [tilespmem:v14+s3+$0x0], $0xffff;
	[tilespmem:s2+$0x0] =	vst v1  }
0x351: {  	[tilespmem:s14+$0x0] =	vst v10;
	v10 =	vadd.s32 $0xE, v2;
	v15 =	vld.idx.msk [tilespmem:v15+s3+$0x0], $0xffff  }
0x352: {  	v59 =	vadd.s32 $0x1D, v9;
	s15 =	sor.u32 s21, s13;
	v17 =	vld.idx.msk [tilespmem:v17+s3+$0x0], $0xffff  }
0x353: {  	s16 =	sor.u32 s19, s13;
	[tilespmem:s15+$0x0] =	vst v19;
	v19 =	vadd.s32 $0x1D, v8;
	v1 =	vld.idx.msk [tilespmem:v58+s3+$0x0], $0xffff  }
0x354: {  	v60 =	vadd.s32 $0xF, v5;
	s0 =	sor.u32 s20, s13;
	v16 =	vld.idx.msk [tilespmem:v16+s3+$0x0], $0xffff;
	[tilespmem:s16+$0x0] =	vst v0  }
0x355: {  	s17 =	sor.u32 s28, s4;
	v0 =	vld.idx.msk [tilespmem:v13+s3+$0x0], $0xffff;
	[tilespmem:s0+$0x0] =	vst v18;
	v13 =	vadd.s32 $0x1D, v6  }
0x356: {  	s18 =	sor.u32 s29, s4;
	s22 =	sadd.s32 $0xD300, s23;
	[tilespmem:s17+$0x0] =	vst v14;
	v14 =	vadd.s32 $0xF, v4;
	v10 =	vld.idx.msk [tilespmem:v10+s3+$0x0], $0xffff  }
0x357: {  	s25 =	sor.u32 s24, s22;
	[tilespmem:s18+$0x0] =	vst v15;
	v15 =	vadd.s32 $0xF, v3;
	v18 =	vld.idx.msk [tilespmem:v59+s3+$0x0], $0xffff  }
0x358: {  	s26 =	sor.u32 s30, s4;
	[tilespmem:s25+$0x0] =	vst v1;
	v1 =	vadd.s32 $0xF, v2;
	v19 =	vld.idx.msk [tilespmem:v19+s3+$0x0], $0xffff  }
0x359: {  	v61 =	vadd.s32 $0x1E, v9;
	s31 =	sor.u32 s21, s22;
	[tilespmem:s26+$0x0] =	vst v17;
	v17 =	vld.idx.msk [tilespmem:v60+s3+$0x0], $0xffff  }
0x35a: {  	s4 =	sor.u32 s19, s22;
	[tilespmem:s31+$0x0] =	vst v16;
	v16 =	vadd.s32 $0x1E, v8;
	v13 =	vld.idx.msk [tilespmem:v13+s3+$0x0], $0xffff  }
0x35b: {  	v62 =	vadd.s32 $0x10, v5;
	s2 =	sor.u32 s20, s22;
	[tilespmem:s4+$0x0] =	vst v0;
	v14 =	vld.idx.msk [tilespmem:v14+s3+$0x0], $0xffff  }
0x35c: {  	s7 =	sor.u32 s28, s5;
	v0 =	vld.idx.msk [tilespmem:v15+s3+$0x0], $0xffff;
	[tilespmem:s2+$0x0] =	vst v10;
	v10 =	vadd.s32 $0x1E, v6  }
0x35d: {  	s8 =	sor.u32 s29, s5;
	s9 =	sadd.s32 $0xD380, s23;
	[tilespmem:s7+$0x0] =	vst v18;
	v15 =	vadd.s32 $0x10, v4;
	v1 =	vld.idx.msk [tilespmem:v1+s3+$0x0], $0xffff  }
0x35e: {  	s10 =	sor.u32 s24, s9;
	v18 =	vadd.s32 $0x10, v3;
	[tilespmem:s8+$0x0] =	vst v19;
	v19 =	vld.idx.msk [tilespmem:v61+s3+$0x0], $0xffff  }
0x35f: {  	s11 =	sor.u32 s30, s5;
	[tilespmem:s10+$0x0] =	vst v17;
	v17 =	vadd.s32 $0x10, v2;
	v16 =	vld.idx.msk [tilespmem:v16+s3+$0x0], $0xffff  }
0x360: {  	v9 =	vadd.s32 $0x1F, v9;
	s12 =	sor.u32 s21, s9;
	v63 =	vld.idx.msk [tilespmem:v62+s3+$0x0], $0xffff;
	[tilespmem:s11+$0x0] =	vst v13  }
0x361: {  	s13 =	sor.u32 s19, s9;
	[tilespmem:s12+$0x0] =	vst v14;
	v10 =	vld.idx.msk [tilespmem:v10+s3+$0x0], $0xffff  }
0x362: {  	s0 =	sor.u32 s20, s9;
	v8 =	vadd.s32 $0x1F, v8;
	v14 =	vld.idx.msk [tilespmem:v15+s3+$0x0], $0xffff;
	[tilespmem:s13+$0x0] =	vst v0  }
0x363: {  	s14 =	sor.u32 s28, s6;
	v13 =	vadd.s32 $0x11, v5;
	v0 =	vld.idx.msk [tilespmem:v18+s3+$0x0], $0xffff;
	[tilespmem:s0+$0x0] =	vst v1  }
0x364: {  	s15 =	sor.u32 s29, s6;
	s16 =	sadd.s32 $0xF000, s23;
	s12 =	simm.s32 $0x80;
	v1 =	vadd.s32 $0x1F, v6;
	[tilespmem:s14+$0x0] =	vst v19;
	v6 =	vld.idx.msk [tilespmem:v17+s3+$0x0], $0xffff  }
0x365: {  	s17 =	sor.u32 s24, s16;
	v15 =	vadd.s32 $0x11, v4;
	s26 =	sand.u32 $0x3C0, s12;
	v17 =	vld.idx.msk [tilespmem:v9+s3+$0x0], $0xffff;
	[tilespmem:s15+$0x0] =	vst v16  }
0x366: {  	s18 =	sor.u32 s30, s6;
	v16 =	vadd.s32 $0x11, v3;
	v9 =	vld [tilespmem:s26+$0x8800];
	[tilespmem:s17+$0x0] =	vst v63  }
0x367: {  	s22 =	sor.u32 s21, s16;
	v18 =	vadd.s32 $0x11, v2;
	v8 =	vld.idx.msk [tilespmem:v8+s3+$0x0], $0xffff;
	[tilespmem:s18+$0x0] =	vst v10  }
0x368: {  	s25 =	sor.u32 s19, s16;
	v13 =	vld.idx.msk [tilespmem:v13+s3+$0x0], $0xffff;
	[tilespmem:s22+$0x0] =	vst v14  }
0x369: {  	s4 =	sor.u32 s20, s16;
	v1 =	vld.idx.msk [tilespmem:v1+s3+$0x0], $0xffff;
	[tilespmem:s25+$0x0] =	vst v0  }
0x36a: {  	s28 =	sor.u32 s28, s1;
	s31 =	sor.u32 s29, s1;
	s2 =	sor.u32 s30, s1;
	v15 =	vld.idx.msk [tilespmem:v15+s3+$0x0], $0xffff;
	[tilespmem:s4+$0x0] =	vst v6  }
0x36b: {  	s8 =	simm.s32 $0x8;
	s0 =	simm.s32 $0x88F0;
	s4 =	sadd.s32 $0xF080, s23;
	v0 =	vld.idx.msk [tilespmem:v16+s3+$0x0], $0xffff;
	[tilespmem:s28+$0x0] =	vst v17  }
0x36c: {  	v10 =	vadd.s32 $0x12, v5;
	v14 =	vadd.s32 $0x12, v4;
	v6 =	vmul.u32 $0x21, v11;
	s6 =	sor.u32 s24, s4;
	s5 =	sor.u32 s21, s4;
	[tilespmem:s31+$0x0] =	vst v8;
	s1 =	sor.u32 s19, s4;
	v16 =	vld.idx.msk [tilespmem:v18+s3+$0x0], $0xffff  }
.LBB2_10:
0x36d: {  	_ =	sdelay $0x3  }
0x36e: {  	v8 =	vld [tilespmem:s0+$0xFFFFFFE0];
	v18 =	vadd.s32 $0x12, v2  }
0x36f: {  	v19 =	vld.idx.msk [tilespmem:v6+s3+$0x0], $0xffff;
	[tilespmem:s6+$0x0] =	vst v13;
	v13 =	vadd.s32 $0x12, v3;
	v11 =	vmul.u32 $0x21, v9  }
0x370: {  	[tilespmem:s2+$0x0] =	vst v1;
	v1 =	vld [tilespmem:s0+$0xFFFFFFF0];
	v9 =	vmul.u32 $0x21, v12  }
0x371: {  	s4 =	sor.u32 s20, s4;
	[tilespmem:s5+$0x0] =	vst v15;
	v17 =	vld.idx.msk [tilespmem:v10+s3+$0x0], $0xffff  }
0x372: {  	v20 =	vadd.s32 $0x13, v5;
	[tilespmem:s4+$0x0] =	vst v16;
	v10 =	vmul.u32 $0x21, v7;
	v12 =	vld.idx.msk [tilespmem:v14+s3+$0x0], $0xffff  }
0x373: {  	[tilespmem:s1+$0x0] =	vst v0;
	v14 =	vld.idx.msk [tilespmem:v18+s3+$0x0], $0xffff  }
0x374: {  	s15 =	sadd.s32 $0xF100, s23;
	v0 =	vld.idx.msk [tilespmem:v13+s3+$0x0], $0xffff;
	v13 =	vadd.s32 $0x13, v4  }
0x375: {  	s25 =	rddreg [dreg:$0xd];
	s16 =	sor.u32 s24, s15;
	v16 =	vadd.s32 $0x13, v3;
	v15 =	vld.idx.msk [tilespmem:v11+s3+$0x0], $0xffff  }
0x376: {  	s17 =	sor.u32 s21, s15;
	s1 =	sadd.s32 $0x200, s25;
	[tilespmem:s16+$0x0] =	vst v17;
	v17 =	vadd.s32 $0x13, v2;
	v21 =	vld.idx.msk [tilespmem:v9+s3+$0x0], $0xffff  }
0x377: {  	s13 =	sand.u32 $0x40, s12;
	s22 =	sor.u32 s20, s15;
	s26 =	sand.u32 $0x1C00, s1;
	v18 =	vadd.s32 $0x1, v11;
	v7 =	vmov v1;
	[tilespmem:s17+$0x0] =	vst v12;
	v1 =	vld.idx.msk [tilespmem:v20+s3+$0x0], $0xffff  }
0x378: {  	s18 =	sor.u32 s19, s15;
	s29 =	sor.u32 $0x10, s13;
	s28 =	sadd.s32 $0xB000, s26;
	v12 =	vadd.s32 $0x1, v6;
	[tilespmem:s22+$0x0] =	vst v14;
	v33 =	vld.idx.msk [tilespmem:v10+s3+$0x0], $0xffff  }
0x379: {  	s4 =	sor.u32 s29, s28;
	v14 =	vadd.s32 $0x1, v9;
	v13 =	vld.idx.msk [tilespmem:v13+s3+$0x0], $0xffff;
	[tilespmem:s18+$0x0] =	vst v0  }
0x37a: {  	[dreg:$0xb] =	wrdreg s0;
	v22 =	vadd.s32 $0x14, v5;
	s7 =	sadd.s32 $0xF180, s23;
	s0 =	sor.u32 s13, s28;
	[tilespmem:s4+$0x0] =	vst v19;
	v16 =	vld.idx.msk [tilespmem:v16+s3+$0x0], $0xffff  }
0x37b: {  	s31 =	sor.u32 $0x30, s13;
	s9 =	sor.u32 s24, s7;
	v0 =	vadd.s32 $0x1, v10;
	[tilespmem:s0+$0x0] =	vst v15;
	v15 =	vld.idx.msk [tilespmem:v17+s3+$0x0], $0xffff  }
0x37c: {  	[dreg:$0x8] =	wrdreg s12;
	s12 =	sor.u32 s31, s28;
	v17 =	vld.idx.msk [tilespmem:v18+s3+$0x0], $0xffff;
	[tilespmem:s9+$0x0] =	vst v1;
	v1 =	vadd.s32 $0x14, v4  }
0x37d: {  	s30 =	sor.u32 $0x20, s13;
	v19 =	vadd.s32 $0x14, v3;
	v12 =	vld.idx.msk [tilespmem:v12+s3+$0x0], $0xffff;
	[tilespmem:s12+$0x0] =	vst v21  }
0x37e: {  	v34 =	vadd.s32 $0x2, v11;
	s2 =	sor.u32 s30, s28;
	v14 =	vld.idx.msk [tilespmem:v14+s3+$0x0], $0xffff  }
0x37f: {  	s14 =	sor.u32 s21, s7;
	v36 =	vadd.s32 $0x2, v6;
	[tilespmem:s2+$0x0] =	vst v33;
	v18 =	vld.idx.msk [tilespmem:v22+s3+$0x0], $0xffff  }
0x380: {  	v35 =	vadd.s32 $0x15, v5;
	s15 =	sor.u32 s19, s7;
	v0 =	vld.idx.msk [tilespmem:v0+s3+$0x0], $0xffff;
	[tilespmem:s14+$0x0] =	vst v13  }
0x381: {  	v13 =	vadd.s32 $0x2, v10;
	[tilespmem:s15+$0x0] =	vst v16;
	v1 =	vld.idx.msk [tilespmem:v1+s3+$0x0], $0xffff  }
0x382: {  	s16 =	sadd.s32 $0xF200, s23;
	v16 =	vadd.s32 $0x2, v9;
	[tilespmem:s0+$0x80] =	vst v17;
	v17 =	vld.idx.msk [tilespmem:v19+s3+$0x0], $0xffff  }
0x383: {  	s17 =	sor.u32 s24, s16;
	[tilespmem:s4+$0x80] =	vst v12;
	v19 =	vld.idx.msk [tilespmem:v34+s3+$0x0], $0xffff  }
0x384: {  	[tilespmem:s17+$0x0] =	vst v18;
	v18 =	vadd.s32 $0x14, v2;
	v21 =	vld.idx.msk [tilespmem:v36+s3+$0x0], $0xffff  }
0x385: {  	v37 =	vadd.s32 $0x15, v4;
	v12 =	vld.idx.msk [tilespmem:v35+s3+$0x0], $0xffff;
	[tilespmem:s2+$0x80] =	vst v0  }
0x386: {  	s7 =	sor.u32 s20, s7;
	v38 =	vadd.s32 $0x3, v11;
	[tilespmem:s12+$0x80] =	vst v14;
	v0 =	vld.idx.msk [tilespmem:v13+s3+$0x0], $0xffff  }
0x387: {  	s10 =	sor.u32 s21, s16;
	v14 =	vadd.s32 $0x3, v6;
	v16 =	vld.idx.msk [tilespmem:v16+s3+$0x0], $0xffff;
	[tilespmem:s7+$0x0] =	vst v15  }
0x388: {  	v13 =	vadd.s32 $0x16, v5;
	[tilespmem:s10+$0x0] =	vst v1  }
0x389: {  	s18 =	sadd.s32 $0xF280, s23;
	v15 =	vadd.s32 $0x3, v10;
	v1 =	vld.idx.msk [tilespmem:v18+s3+$0x0], $0xffff;
	[tilespmem:s0+$0x100] =	vst v19  }
0x38a: {  	s22 =	sor.u32 s24, s18;
	v18 =	vadd.s32 $0x3, v9;
	v19 =	vld.idx.msk [tilespmem:v37+s3+$0x0], $0xffff;
	[tilespmem:s4+$0x100] =	vst v21  }
0x38b: {  	v39 =	vld.idx.msk [tilespmem:v38+s3+$0x0], $0xffff;
	[tilespmem:s22+$0x0] =	vst v12;
	v12 =	vadd.s32 $0x15, v3  }
0x38c: {  	v40 =	vadd.s32 $0x15, v2;
	v14 =	vld.idx.msk [tilespmem:v14+s3+$0x0], $0xffff;
	[tilespmem:s2+$0x100] =	vst v0  }
0x38d: {  	v41 =	vadd.s32 $0x4, v11;
	s11 =	sor.u32 s19, s16;
	v13 =	vld.idx.msk [tilespmem:v13+s3+$0x0], $0xffff;
	[tilespmem:s12+$0x100] =	vst v16  }
0x38e: {  	s6 =	sor.u32 s20, s16;
	v16 =	vadd.s32 $0x4, v6;
	v0 =	vld.idx.msk [tilespmem:v15+s3+$0x0], $0xffff;
	[tilespmem:s11+$0x0] =	vst v17  }
0x38f: {  	v15 =	vadd.s32 $0x17, v5;
	v18 =	vld.idx.msk [tilespmem:v18+s3+$0x0], $0xffff;
	[tilespmem:s6+$0x0] =	vst v1  }
0x390: {  	s28 =	sadd.s32 $0xF300, s23;
	v17 =	vadd.s32 $0x4, v10;
	v12 =	vld.idx.msk [tilespmem:v12+s3+$0x0], $0xffff;
	[tilespmem:s0+$0x180] =	vst v39  }
0x391: {  	[dreg:$0xa] =	wrdreg s8;
	v1 =	vadd.s32 $0x4, v9;
	s0 =	sor.u32 s24, s28;
	v42 =	vld.idx.msk [tilespmem:v40+s3+$0x0], $0xffff;
	[tilespmem:s4+$0x180] =	vst v14  }
0x392: {  	p2 =	por !p2, !p2;
	s8 =	simm.s32 $0x1;
	s25 =	sor.u32 s21, s18;
	v43 =	vld.idx.msk [tilespmem:v41+s3+$0x0], $0xffff;
	[tilespmem:s0+$0x0] =	vst v13;
	v13 =	vadd.s32 $0x16, v4  }
0x393: {  	s8 =	simm.s32 @!p2 $0x0;
	v44 =	vadd.s32 $0x5, v11;
	v16 =	vld.idx.msk [tilespmem:v16+s3+$0x0], $0xffff;
	[tilespmem:s25+$0x0] =	vst v19  }
0x394: {  	s8 =	sshll.u32 s8, $0x6;
	[dreg:$0x12] =	wrdreg s26;
	v14 =	vld.idx.msk [tilespmem:v15+s3+$0x0], $0xffff;
	v15 =	vadd.s32 $0x16, v3;
	[tilespmem:s2+$0x180] =	vst v0  }
0x395: {  	s5 =	sor.u32 s21, s28;
	s26 =	sor.u32 s19, s18;
	s2 =	sadd.s32 s8, s1;
	v0 =	vld.idx.msk [tilespmem:v17+s3+$0x0], $0xffff;
	[tilespmem:s12+$0x180] =	vst v18;
	v17 =	vadd.s32 $0x18, v5  }
0x396: {  	s9 =	sor.u32 s20, s18;
	v18 =	vadd.s32 $0x5, v6;
	s4 =	sor.u32 $0x200, s2;
	s8 =	sadd.s32 $0x10, s2;
	v1 =	vld.idx.msk [tilespmem:v1+s3+$0x0], $0xffff;
	[tilespmem:s26+$0x0] =	vst v12  }
0x397: {  	s7 =	sor.u32 s20, s28;
	s12 =	sadd.s32 $0xF380, s23;
	v12 =	vadd.s32 $0x5, v9;
	s14 =	sor.u32 $0x200, s8;
	[tilespmem:s4+$0xB000] =	vst v43;
	v13 =	vld.idx.msk [tilespmem:v13+s3+$0x0], $0xffff  }
0x398: {  	s22 =	smov.u32 s20;
	v19 =	vadd.s32 $0x5, v10;
	s10 =	sadd.s32 $0x20, s2;
	s16 =	sor.u32 s24, s12;
	v21 =	vld.idx.msk [tilespmem:v44+s3+$0x0], $0xffff;
	[tilespmem:s14+$0xB000] =	vst v16  }
0x399: {  	s6 =	sor.u32 s19, s28;
	s28 =	sadd.s32 $0x30, s2;
	s15 =	sor.u32 $0x200, s10;
	v15 =	vld.idx.msk [tilespmem:v15+s3+$0x0], $0xffff;
	[tilespmem:s16+$0x0] =	vst v14;
	v14 =	vadd.s32 $0x16, v2  }
0x39a: {  	v45 =	vadd.s32 $0x6, v11;
	s17 =	sor.u32 $0x200, s28;
	s0 =	sor.u32 $0x280, s8;
	s26 =	sor.u32 $0x280, s10;
	v16 =	vld.idx.msk [tilespmem:v17+s3+$0x0], $0xffff;
	[tilespmem:s15+$0xB000] =	vst v0  }
0x39b: {  	s20 =	sor.u32 $0x280, s28;
	s25 =	sor.u32 $0x300, s8;
	s18 =	sor.u32 $0x300, s10;
	v17 =	vadd.s32 $0x17, v4;
	v18 =	vld.idx.msk [tilespmem:v18+s3+$0x0], $0xffff;
	[tilespmem:s17+$0xB000] =	vst v1  }
0x39c: {  	s4 =	sor.u32 $0x380, s28;
	s14 =	sor.u32 s22, s12;
	s16 =	sor.u32 $0x380, s8;
	v1 =	vadd.s32 $0x19, v5;
	v12 =	vld.idx.msk [tilespmem:v12+s3+$0x0], $0xffff;
	[tilespmem:s9+$0x0] =	vst v42  }
0x39d: {  	s15 =	sor.u32 $0x300, s28;
	s28 =	smov.u32 s23;
	v0 =	vld.idx.msk [tilespmem:v19+s3+$0x0], $0xffff;
	v19 =	vadd.s32 $0x6, v6;
	s17 =	sor.u32 $0x280, s2;
	[tilespmem:s5+$0x0] =	vst v13  }
0x39e: {  	v46 =	vadd.s32 $0x6, v10;
	s8 =	sor.u32 $0x380, s10;
	s23 =	smov.u32 s19;
	s10 =	sadd.s32 $0x11000, s28;
	[tilespmem:s17+$0xB000] =	vst v21;
	v13 =	vld.idx.msk [tilespmem:v14+s3+$0x0], $0xffff  }
0x39f: {  	s19 =	sor.u32 s21, s12;
	s11 =	sor.u32 s23, s12;
	s12 =	sor.u32 s24, s10;
	v14 =	vadd.s32 $0x6, v9;
	v21 =	vld.idx.msk [tilespmem:v45+s3+$0x0], $0xffff  }
0x3a0: {  	v17 =	vld.idx.msk [tilespmem:v17+s3+$0x0], $0xffff;
	[tilespmem:s12+$0x0] =	vst v16;
	v16 =	vadd.s32 $0x17, v3  }
0x3a1: {  	[tilespmem:s0+$0xB000] =	vst v18;
	v18 =	vadd.s32 $0x17, v2;
	v1 =	vld.idx.msk [tilespmem:v1+s3+$0x0], $0xffff  }
0x3a2: {  	v47 =	vadd.s32 $0x7, v11;
	v19 =	vld.idx.msk [tilespmem:v19+s3+$0x0], $0xffff;
	[tilespmem:s26+$0xB000] =	vst v0  }
0x3a3: {  	v0 =	vld.idx.msk [tilespmem:v46+s3+$0x0], $0xffff;
	[tilespmem:s20+$0xB000] =	vst v12;
	v12 =	vadd.s32 $0x1A, v5  }
0x3a4: {  	v48 =	vadd.s32 $0x7, v6;
	s9 =	sor.u32 s23, s10;
	s17 =	sor.u32 s21, s10;
	[tilespmem:s6+$0x0] =	vst v15;
	v14 =	vld.idx.msk [tilespmem:v14+s3+$0x0], $0xffff  }
0x3a5: {  	s5 =	sor.u32 s22, s10;
	s10 =	sadd.s32 $0x11080, s28;
	s6 =	sor.u32 $0x300, s2;
	v15 =	vadd.s32 $0x7, v10;
	[tilespmem:s7+$0x0] =	vst v13;
	v16 =	vld.idx.msk [tilespmem:v16+s3+$0x0], $0xffff  }
0x3a6: {  	s20 =	sor.u32 s24, s10;
	[tilespmem:s6+$0xB000] =	vst v21;
	v13 =	vadd.s32 $0x7, v9;
	v18 =	vld.idx.msk [tilespmem:v18+s3+$0x0], $0xffff  }
0x3a7: {  	v21 =	vld.idx.msk [tilespmem:v47+s3+$0x0], $0xffff;
	[tilespmem:s20+$0x0] =	vst v1;
	v1 =	vadd.s32 $0x18, v4  }
0x3a8: {  	[tilespmem:s25+$0xB000] =	vst v19;
	v19 =	vadd.s32 $0x18, v3;
	v12 =	vld.idx.msk [tilespmem:v12+s3+$0x0], $0xffff  }
0x3a9: {  	v49 =	vadd.s32 $0x8, v11;
	v20 =	vld.idx.msk [tilespmem:v48+s3+$0x0], $0xffff;
	[tilespmem:s18+$0xB000] =	vst v0  }
0x3aa: {  	s26 =	rddreg [dreg:$0x8];
	v0 =	vld.idx.msk [tilespmem:v15+s3+$0x0], $0xffff;
	v15 =	vadd.s32 $0x8, v6;
	[tilespmem:s15+$0xB000] =	vst v14  }
0x3ab: {  	s0 =	sor.u32 s1, s26;
	[tilespmem:s19+$0x0] =	vst v17;
	v14 =	vadd.s32 $0x1B, v5;
	v13 =	vld.idx.msk [tilespmem:v13+s3+$0x0], $0xffff  }
0x3ac: {  	s0 =	sor.u32 $0x380, s0;
	v17 =	vadd.s32 $0x8, v10;
	[tilespmem:s11+$0x0] =	vst v16;
	v1 =	vld.idx.msk [tilespmem:v1+s3+$0x0], $0xffff  }
0x3ad: {  	[dreg:$0xd] =	wrdreg s1;
	s1 =	sadd.s32 $0x11100, s28;
	[tilespmem:s0+$0xB000] =	vst v21;
	v16 =	vadd.s32 $0x8, v9;
	v19 =	vld.idx.msk [tilespmem:v19+s3+$0x0], $0xffff  }
0x3ae: {  	s6 =	sor.u32 s24, s1;
	v21 =	vld.idx.msk [tilespmem:v49+s3+$0x0], $0xffff;
	[tilespmem:s16+$0xB000] =	vst v20  }
0x3af: {  	[tilespmem:s6+$0x0] =	vst v12;
	v12 =	vadd.s32 $0x18, v2;
	v15 =	vld.idx.msk [tilespmem:v15+s3+$0x0], $0xffff  }
0x3b0: {  	v50 =	vadd.s32 $0x19, v4;
	[tilespmem:s8+$0xB000] =	vst v0;
	v14 =	vld.idx.msk [tilespmem:v14+s3+$0x0], $0xffff  }
0x3b1: {  	v51 =	vadd.s32 $0x9, v11;
	s26 =	rddreg [dreg:$0x12];
	v0 =	vld.idx.msk [tilespmem:v17+s3+$0x0], $0xffff;
	[tilespmem:s4+$0xB000] =	vst v13  }
0x3b2: {  	s18 =	sadd.s32 $0xD000, s26;
	v17 =	vadd.s32 $0x9, v6;
	v16 =	vld.idx.msk [tilespmem:v16+s3+$0x0], $0xffff;
	[tilespmem:s14+$0x0] =	vst v18  }
0x3b3: {  	s19 =	sor.u32 s13, s18;
	v13 =	vadd.s32 $0x1C, v5;
	[tilespmem:s17+$0x0] =	vst v1  }
0x3b4: {  	s25 =	sadd.s32 $0x11180, s28;
	s20 =	sor.u32 s29, s18;
	v18 =	vadd.s32 $0x9, v10;
	[tilespmem:s19+$0x0] =	vst v21;
	v1 =	vld.idx.msk [tilespmem:v12+s3+$0x0], $0xffff  }
0x3b5: {  	s2 =	sor.u32 s22, s1;
	s8 =	sor.u32 s24, s25;
	v12 =	vadd.s32 $0x9, v9;
	v20 =	vld.idx.msk [tilespmem:v50+s3+$0x0], $0xffff;
	[tilespmem:s20+$0x0] =	vst v15  }
0x3b6: {  	s15 =	sor.u32 s21, s1;
	s11 =	sor.u32 s23, s1;
	s1 =	sor.u32 s30, s18;
	v21 =	vld.idx.msk [tilespmem:v51+s3+$0x0], $0xffff;
	v15 =	vadd.s32 $0x19, v2;
	[tilespmem:s8+$0x0] =	vst v14  }
0x3b7: {  	v52 =	vadd.s32 $0xA, v11;
	s0 =	sor.u32 s31, s18;
	v17 =	vld.idx.msk [tilespmem:v17+s3+$0x0], $0xffff;
	[tilespmem:s1+$0x0] =	vst v0  }
0x3b8: {  	v14 =	vadd.s32 $0x19, v3;
	v13 =	vld.idx.msk [tilespmem:v13+s3+$0x0], $0xffff;
	[tilespmem:s0+$0x0] =	vst v16  }
0x3b9: {  	s18 =	sadd.s32 $0xD080, s26;
	v0 =	vld.idx.msk [tilespmem:v18+s3+$0x0], $0xffff;
	v16 =	vadd.s32 $0x1D, v5;
	[tilespmem:s9+$0x0] =	vst v19  }
0x3ba: {  	s6 =	sor.u32 s23, s25;
	s19 =	sor.u32 s13, s18;
	v18 =	vadd.s32 $0xA, v6;
	v12 =	vld.idx.msk [tilespmem:v12+s3+$0x0], $0xffff;
	[tilespmem:s5+$0x0] =	vst v1  }
0x3bb: {  	s4 =	sor.u32 s22, s25;
	s8 =	sor.u32 s21, s25;
	s25 =	sadd.s32 $0x11200, s28;
	v19 =	vadd.s32 $0xA, v10;
	[tilespmem:s19+$0x0] =	vst v21;
	v15 =	vld.idx.msk [tilespmem:v15+s3+$0x0], $0xffff  }
0x3bc: {  	s14 =	sor.u32 s24, s25;
	v1 =	vadd.s32 $0xA, v9;
	v21 =	vld.idx.msk [tilespmem:v52+s3+$0x0], $0xffff  }
0x3bd: {  	v53 =	vadd.s32 $0xB, v11;
	s20 =	sor.u32 s29, s18;
	v14 =	vld.idx.msk [tilespmem:v14+s3+$0x0], $0xffff;
	[tilespmem:s14+$0x0] =	vst v13  }
0x3be: {  	s1 =	sor.u32 s30, s18;
	[tilespmem:s20+$0x0] =	vst v17;
	v13 =	vadd.s32 $0x1A, v4;
	v16 =	vld.idx.msk [tilespmem:v16+s3+$0x0], $0xffff  }
0x3bf: {  	s0 =	sor.u32 s31, s18;
	s18 =	sadd.s32 $0xD100, s26;
	v17 =	vadd.s32 $0x1A, v3;
	v18 =	vld.idx.msk [tilespmem:v18+s3+$0x0], $0xffff;
	[tilespmem:s1+$0x0] =	vst v0  }
0x3c0: {  	s19 =	sor.u32 s13, s18;
	v0 =	vld.idx.msk [tilespmem:v19+s3+$0x0], $0xffff;
	[tilespmem:s0+$0x0] =	vst v12;
	v12 =	vadd.s32 $0x1E, v5  }
0x3c1: {  	s12 =	sor.u32 s21, s10;
	s7 =	sor.u32 s23, s10;
	s9 =	sor.u32 s23, s25;
	v19 =	vadd.s32 $0xB, v6;
	v1 =	vld.idx.msk [tilespmem:v1+s3+$0x0], $0xffff;
	[tilespmem:s19+$0x0] =	vst v21  }
0x3c2: {  	v54 =	vadd.s32 $0xB, v10;
	s5 =	sor.u32 s22, s25;
	s14 =	sor.u32 s21, s25;
	s25 =	sadd.s32 $0x11280, s28;
	[tilespmem:s12+$0x0] =	vst v20;
	v21 =	vld.idx.msk [tilespmem:v53+s3+$0x0], $0xffff  }
0x3c3: {  	s16 =	sor.u32 s24, s25;
	[tilespmem:s7+$0x0] =	vst v14;
	v14 =	vadd.s32 $0xB, v9;
	v13 =	vld.idx.msk [tilespmem:v13+s3+$0x0], $0xffff  }
0x3c4: {  	v55 =	vadd.s32 $0xC, v11;
	s20 =	sor.u32 s29, s18;
	v17 =	vld.idx.msk [tilespmem:v17+s3+$0x0], $0xffff;
	[tilespmem:s16+$0x0] =	vst v16  }
0x3c5: {  	s1 =	sor.u32 s30, s18;
	v16 =	vadd.s32 $0x1A, v2;
	[tilespmem:s20+$0x0] =	vst v18;
	v12 =	vld.idx.msk [tilespmem:v12+s3+$0x0], $0xffff  }
0x3c6: {  	s0 =	sor.u32 s31, s18;
	s18 =	sadd.s32 $0xD180, s26;
	v18 =	vadd.s32 $0x1B, v4;
	v19 =	vld.idx.msk [tilespmem:v19+s3+$0x0], $0xffff;
	[tilespmem:s1+$0x0] =	vst v0  }
0x3c7: {  	s19 =	sor.u32 s13, s18;
	v0 =	vld.idx.msk [tilespmem:v54+s3+$0x0], $0xffff;
	[tilespmem:s0+$0x0] =	vst v1;
	v1 =	vadd.s32 $0x1F, v5  }
0x3c8: {  	s10 =	sor.u32 s22, s10;
	s12 =	sor.u32 s23, s25;
	v5 =	vmov v11;
	v11 =	vadd.s32 $0xC, v6;
	v14 =	vld.idx.msk [tilespmem:v14+s3+$0x0], $0xffff;
	[tilespmem:s19+$0x0] =	vst v21  }
0x3c9: {  	s7 =	sor.u32 s22, s25;
	s16 =	sor.u32 s21, s25;
	s25 =	sadd.s32 $0x11300, s28;
	[tilespmem:s10+$0x0] =	vst v15;
	v15 =	vadd.s32 $0xC, v10;
	v56 =	vld.idx.msk [tilespmem:v55+s3+$0x0], $0xffff  }
0x3ca: {  	s17 =	sor.u32 s24, s25;
	[tilespmem:s15+$0x0] =	vst v13;
	v13 =	vld.idx.msk [tilespmem:v16+s3+$0x0], $0xffff;
	v16 =	vadd.s32 $0xC, v9  }
0x3cb: {  	s20 =	sor.u32 s29, s18;
	v57 =	vadd.s32 $0xD, v5;
	v18 =	vld.idx.msk [tilespmem:v18+s3+$0x0], $0xffff;
	[tilespmem:s17+$0x0] =	vst v12  }
0x3cc: {  	s1 =	sor.u32 s30, s18;
	v12 =	vadd.s32 $0x1B, v3;
	[tilespmem:s20+$0x0] =	vst v19;
	v1 =	vld.idx.msk [tilespmem:v1+s3+$0x0], $0xffff  }
0x3cd: {  	s0 =	sor.u32 s31, s18;
	s10 =	sor.u32 s22, s25;
	v19 =	vadd.s32 $0x1B, v2;
	s20 =	sadd.s32 $0xD200, s26;
	v11 =	vld.idx.msk [tilespmem:v11+s3+$0x0], $0xffff;
	[tilespmem:s1+$0x0] =	vst v0  }
0x3ce: {  	s15 =	sor.u32 s23, s25;
	s17 =	sor.u32 s21, s25;
	s25 =	sor.u32 s13, s20;
	v0 =	vld.idx.msk [tilespmem:v15+s3+$0x0], $0xffff;
	[tilespmem:s0+$0x0] =	vst v14  }
0x3cf: {  	v14 =	vadd.s32 $0xD, v6;
	[tilespmem:s25+$0x0] =	vst v56;
	v15 =	vld.idx.msk [tilespmem:v16+s3+$0x0], $0xffff  }
0x3d0: {  	s1 =	sadd.s32 $0x11380, s28;
	[tilespmem:s11+$0x0] =	vst v17;
	v16 =	vadd.s32 $0xD, v10;
	v20 =	vld.idx.msk [tilespmem:v57+s3+$0x0], $0xffff  }
0x3d1: {  	s24 =	sor.u32 s24, s1;
	[tilespmem:s2+$0x0] =	vst v13;
	v13 =	vadd.s32 $0xD, v9;
	v17 =	vld.idx.msk [tilespmem:v12+s3+$0x0], $0xffff  }
0x3d2: {  	v58 =	vadd.s32 $0xE, v5;
	s19 =	sor.u32 s29, s20;
	s28 =	rddreg [dreg:$0xb];
	v19 =	vld.idx.msk [tilespmem:v19+s3+$0x0], $0xffff;
	[tilespmem:s24+$0x0] =	vst v1  }
0x3d3: {  	s11 =	sor.u32 s23, s1;
	s23 =	smov.u32 s26;
	s25 =	sor.u32 s30, s20;
	v12 =	vld [tilespmem:s28+$0x0];
	v1 =	vadd.s32 $0x1C, v4;
	[tilespmem:s19+$0x0] =	vst v11  }
0x3d4: {  	s0 =	sor.u32 s31, s20;
	v11 =	vadd.s32 $0x1C, v3;
	s24 =	smov.u32 s13;
	s13 =	sadd.s32 $0xD280, s23;
	v14 =	vld.idx.msk [tilespmem:v14+s3+$0x0], $0xffff;
	[tilespmem:s25+$0x0] =	vst v0  }
0x3d5: {  	s2 =	sor.u32 s22, s1;
	s22 =	sor.u32 s24, s13;
	v0 =	vld.idx.msk [tilespmem:v16+s3+$0x0], $0xffff;
	[tilespmem:s0+$0x0] =	vst v15;
	v15 =	vadd.s32 $0x1C, v2  }
0x3d6: {  	v16 =	vadd.s32 $0xE, v6;
	[tilespmem:s22+$0x0] =	vst v20;
	v13 =	vld.idx.msk [tilespmem:v13+s3+$0x0], $0xffff  }
0x3d7: {  	[tilespmem:s8+$0x0] =	vst v18;
	v18 =	vadd.s32 $0xE, v10;
	v20 =	vld.idx.msk [tilespmem:v58+s3+$0x0], $0xffff  }
0x3d8: {  	s18 =	sor.u32 s21, s1;
	s21 =	smov.u32 s29;
	[tilespmem:s6+$0x0] =	vst v17;
	v17 =	vadd.s32 $0xE, v9;
	v1 =	vld.idx.msk [tilespmem:v1+s3+$0x0], $0xffff  }
0x3d9: {  	s19 =	smov.u32 s30;
	s25 =	sor.u32 s21, s13;
	[tilespmem:s4+$0x0] =	vst v19;
	v19 =	vadd.s32 $0xF, v5;
	v11 =	vld.idx.msk [tilespmem:v11+s3+$0x0], $0xffff  }
0x3da: {  	v59 =	vadd.s32 $0x1D, v4;
	s20 =	smov.u32 s31;
	s26 =	sor.u32 s19, s13;
	[tilespmem:s25+$0x0] =	vst v14;
	v15 =	vld.idx.msk [tilespmem:v15+s3+$0x0], $0xffff  }
0x3db: {  	s28 =	sadd.s32 $0xD300, s23;
	s0 =	sor.u32 s20, s13;
	v14 =	vadd.s32 $0x1D, v3;
	v16 =	vld.idx.msk [tilespmem:v16+s3+$0x0], $0xffff;
	[tilespmem:s26+$0x0] =	vst v0  }
0x3dc: {  	s29 =	sor.u32 s24, s28;
	v0 =	vld.idx.msk [tilespmem:v18+s3+$0x0], $0xffff;
	[tilespmem:s0+$0x0] =	vst v13;
	v13 =	vadd.s32 $0x1D, v2  }
0x3dd: {  	v18 =	vadd.s32 $0xF, v6;
	[tilespmem:s29+$0x0] =	vst v20;
	v17 =	vld.idx.msk [tilespmem:v17+s3+$0x0], $0xffff  }
0x3de: {  	[tilespmem:s14+$0x0] =	vst v1;
	v1 =	vadd.s32 $0xF, v10;
	v19 =	vld.idx.msk [tilespmem:v19+s3+$0x0], $0xffff  }
0x3df: {  	[tilespmem:s9+$0x0] =	vst v11;
	v11 =	vadd.s32 $0xF, v9;
	v21 =	vld.idx.msk [tilespmem:v59+s3+$0x0], $0xffff  }
0x3e0: {  	v60 =	vadd.s32 $0x1E, v4;
	s30 =	sor.u32 s21, s28;
	v14 =	vld.idx.msk [tilespmem:v14+s3+$0x0], $0xffff;
	[tilespmem:s5+$0x0] =	vst v15  }
0x3e1: {  	s31 =	sor.u32 s19, s28;
	[tilespmem:s30+$0x0] =	vst v16;
	v15 =	vadd.s32 $0x1E, v3;
	v13 =	vld.idx.msk [tilespmem:v13+s3+$0x0], $0xffff  }
0x3e2: {  	s0 =	sor.u32 s20, s28;
	v16 =	vadd.s32 $0x10, v5;
	v18 =	vld.idx.msk [tilespmem:v18+s3+$0x0], $0xffff;
	[tilespmem:s31+$0x0] =	vst v0  }
0x3e3: {  	v0 =	vld.idx.msk [tilespmem:v1+s3+$0x0], $0xffff;
	[tilespmem:s0+$0x0] =	vst v17;
	v1 =	vadd.s32 $0x1E, v2  }
0x3e4: {  	s9 =	sadd.s32 $0xD380, s23;
	v17 =	vadd.s32 $0x10, v6;
	v11 =	vld.idx.msk [tilespmem:v11+s3+$0x0], $0xffff;
	[tilespmem:s16+$0x0] =	vst v21  }
0x3e5: {  	v61 =	vadd.s32 $0x10, v10;
	s13 =	sor.u32 s24, s9;
	[tilespmem:s12+$0x0] =	vst v14;
	v20 =	vld.idx.msk [tilespmem:v60+s3+$0x0], $0xffff  }
0x3e6: {  	[tilespmem:s13+$0x0] =	vst v19;
	v14 =	vadd.s32 $0x10, v9;
	v15 =	vld.idx.msk [tilespmem:v15+s3+$0x0], $0xffff  }
0x3e7: {  	s14 =	sor.u32 s21, s9;
	v19 =	vadd.s32 $0x1F, v4;
	v16 =	vld.idx.msk [tilespmem:v16+s3+$0x0], $0xffff;
	[tilespmem:s7+$0x0] =	vst v13  }
0x3e8: {  	v4 =	vmov v6;
	v6 =	vadd.s32 $0x1F, v3;
	s16 =	sor.u32 s19, s9;
	[tilespmem:s14+$0x0] =	vst v18;
	v1 =	vld.idx.msk [tilespmem:v1+s3+$0x0], $0xffff  }
0x3e9: {  	s0 =	sor.u32 s20, s9;
	v3 =	vmov v10;
	v10 =	vadd.s32 $0x11, v5;
	v17 =	vld.idx.msk [tilespmem:v17+s3+$0x0], $0xffff;
	[tilespmem:s16+$0x0] =	vst v0  }
0x3ea: {  	v0 =	vld.idx.msk [tilespmem:v61+s3+$0x0], $0xffff;
	[tilespmem:s0+$0x0] =	vst v11  }
0x3eb: {  	s8 =	rddreg [dreg:$0xa];
	s25 =	sadd.s32 $0xF000, s23;
	v11 =	vadd.s32 $0x1F, v2;
	v14 =	vld.idx.msk [tilespmem:v14+s3+$0x0], $0xffff;
	[tilespmem:s17+$0x0] =	vst v20  }
0x3ec: {  	s22 =	rddreg [dreg:$0x8];
	s26 =	sor.u32 s24, s25;
	v18 =	vadd.s32 $0x11, v4;
	v19 =	vld.idx.msk [tilespmem:v19+s3+$0x0], $0xffff;
	[tilespmem:s15+$0x0] =	vst v15  }
0x3ed: {  	s8 =	sadd.s32 $0x4, s8;
	s12 =	sadd.s32 $0x40, s22;
	v2 =	vmov v9;
	[tilespmem:s26+$0x0] =	vst v16;
	v16 =	vadd.s32 $0x11, v3;
	v62 =	vld.idx.msk [tilespmem:v6+s3+$0x0], $0xffff  }
0x3ee: {  	p3 =	slt.u32 s8, $0x3C;
	s28 =	sor.u32 s21, s25;
	s30 =	sand.u32 $0x3C0, s12;
	v63 =	vadd.s32 $0x11, v2;
	v13 =	vld.idx.msk [tilespmem:v10+s3+$0x0], $0xffff;
	[tilespmem:s10+$0x0] =	vst v1  }
.Ltmp6:
0x3ef: {  	s29 =	sor.u32 s19, s25;
	v9 =	vld [tilespmem:s30+$0x8800];
	[tilespmem:s28+$0x0] =	vst v17;
	(pc) =	sbr.rel @p3 .LBB2_10-.Ltmp6, $4  }
0x3f0: {  	s0 =	sor.u32 s20, s25;
	v1 =	vld.idx.msk [tilespmem:v11+s3+$0x0], $0xffff;
	[tilespmem:s29+$0x0] =	vst v0  }
0x3f1: {  	s4 =	sadd.s32 $0xF080, s23;
	v15 =	vld.idx.msk [tilespmem:v18+s3+$0x0], $0xffff;
	[tilespmem:s0+$0x0] =	vst v14  }
0x3f2: {  	s6 =	sor.u32 s24, s4;
	s31 =	rddreg [dreg:$0xb];
	v0 =	vld.idx.msk [tilespmem:v16+s3+$0x0], $0xffff;
	[tilespmem:s18+$0x0] =	vst v19  }
0x3f3: {  	s1 =	sor.u32 s19, s4;
	s5 =	sor.u32 s21, s4;
	v10 =	vadd.s32 $0x12, v5;
	v6 =	vmul.u32 $0x21, v8;
	s0 =	sadd.s32 $0x40, s31;
	v14 =	vadd.s32 $0x12, v4;
	v16 =	vld.idx.msk [tilespmem:v63+s3+$0x0], $0xffff;
	[tilespmem:s11+$0x0] =	vst v62  }
0x3f4: {  	v9 =	vmul.u32 $0x21, v9;
	_ =	sdelay $0x1  }
0x3f5: {  	v8 =	vmul.u32 $0x21, v7  }
0x3f6: {  	v7 =	vmul.u32 $0x21, v12;
	_ =	sdelay $0x2  }
0x3f7: {  	s0 =	rddreg [dreg:$0xd];
	v11 =	vld.idx.msk [tilespmem:v9+s3+$0x0], $0xffff  }
0x3f8: {  	v56 =	vld.idx.msk [tilespmem:v6+s3+$0x0], $0xffff;
	s0 =	sadd.s32 $0x200, s0;
	v17 =	vadd.s32 $0x1, v9  }
0x3f9: {  	v19 =	vadd.s32 $0x1, v6;
	s25 =	sand.u32 $0x1C00, s0;
	v18 =	vld.idx.msk [tilespmem:v8+s3+$0x0], $0xffff  }
0x3fa: {  	s28 =	sand.u32 $0x40, s12;
	v21 =	vadd.s32 $0x1, v8;
	s7 =	sadd.s32 $0xB000, s25;
	v20 =	vld.idx.msk [tilespmem:v7+s3+$0x0], $0xffff  }
0x3fb: {  	s29 =	sor.u32 $0x10, s28;
	v22 =	vadd.s32 $0x1, v7;
	s8 =	sor.u32 s28, s7  }
0x3fc: {  	s30 =	sor.u32 $0x20, s28;
	s9 =	sor.u32 s29, s7;
	[tilespmem:s8+$0x0] =	vst v11  }
0x3fd: {  	s31 =	sor.u32 $0x30, s28;
	s10 =	sor.u32 s30, s7;
	[tilespmem:s9+$0x0] =	vst v56;
	v11 =	vld.idx.msk [tilespmem:v17+s3+$0x0], $0xffff  }
0x3fe: {  	v57 =	vadd.s32 $0x2, v9;
	s7 =	sor.u32 s31, s7;
	v58 =	vld.idx.msk [tilespmem:v19+s3+$0x0], $0xffff;
	[tilespmem:s10+$0x0] =	vst v18  }
0x3ff: {  	v59 =	vadd.s32 $0x2, v6;
	[tilespmem:s7+$0x0] =	vst v20;
	v18 =	vld.idx.msk [tilespmem:v21+s3+$0x0], $0xffff  }
0x400: {  	v60 =	vadd.s32 $0x2, v8;
	v20 =	vld.idx.msk [tilespmem:v22+s3+$0x0], $0xffff  }
0x401: {  	[tilespmem:s6+$0x0] =	vst v13;
	v61 =	vadd.s32 $0x2, v7  }
0x402: {  	[tilespmem:s8+$0x80] =	vst v11  }
0x403: {  	[tilespmem:s9+$0x80] =	vst v58;
	v11 =	vld.idx.msk [tilespmem:v57+s3+$0x0], $0xffff  }
0x404: {  	v62 =	vadd.s32 $0x3, v9;
	v17 =	vld.idx.msk [tilespmem:v59+s3+$0x0], $0xffff;
	[tilespmem:s10+$0x80] =	vst v18  }
0x405: {  	v63 =	vadd.s32 $0x3, v6;
	[tilespmem:s7+$0x80] =	vst v20;
	v18 =	vld.idx.msk [tilespmem:v60+s3+$0x0], $0xffff  }
0x406: {  	[tilespmem:s2+$0x0] =	vst v1;
	v21 =	vadd.s32 $0x3, v8;
	v1 =	vld.idx.msk [tilespmem:v61+s3+$0x0], $0xffff  }
0x407: {  	[tilespmem:s5+$0x0] =	vst v15;
	v22 =	vadd.s32 $0x3, v7  }
0x408: {  	[tilespmem:s8+$0x100] =	vst v11  }
0x409: {  	[tilespmem:s9+$0x100] =	vst v17;
	v11 =	vld.idx.msk [tilespmem:v62+s3+$0x0], $0xffff  }
0x40a: {  	v23 =	vadd.s32 $0x4, v9;
	v17 =	vld.idx.msk [tilespmem:v63+s3+$0x0], $0xffff;
	[tilespmem:s10+$0x100] =	vst v18  }
0x40b: {  	[tilespmem:s7+$0x100] =	vst v1;
	v1 =	vadd.s32 $0x4, v6;
	v13 =	vld.idx.msk [tilespmem:v21+s3+$0x0], $0xffff  }
0x40c: {  	s22 =	sor.u32 s20, s4;
	v24 =	vadd.s32 $0x4, v8;
	[tilespmem:s1+$0x0] =	vst v0;
	v0 =	vld.idx.msk [tilespmem:v22+s3+$0x0], $0xffff  }
0x40d: {  	v10 =	vld.idx.msk [tilespmem:v10+s3+$0x0], $0xffff;
	v25 =	vadd.s32 $0x4, v7;
	[tilespmem:s22+$0x0] =	vst v16  }
0x40e: {  	v26 =	vadd.s32 $0x12, v3;
	v14 =	vld.idx.msk [tilespmem:v14+s3+$0x0], $0xffff;
	[tilespmem:s8+$0x180] =	vst v11  }
0x40f: {  	p2 =	por !p2, !p2;
	v33 =	vadd.s32 $0x13, v5;
	s1 =	simm.s32 $0x1;
	[tilespmem:s9+$0x180] =	vst v17;
	v12 =	vld.idx.msk [tilespmem:v23+s3+$0x0], $0xffff  }
0x410: {  	s26 =	sadd.s32 $0xF100, s23;
	v28 =	vadd.s32 $0x5, v9;
	s1 =	simm.s32 @!p2 $0x0;
	v1 =	vld.idx.msk [tilespmem:v1+s3+$0x0], $0xffff;
	[tilespmem:s10+$0x180] =	vst v13  }
0x411: {  	s6 =	sor.u32 s24, s26;
	s1 =	sshll.u32 s1, $0x6;
	[tilespmem:s7+$0x180] =	vst v0;
	v0 =	vadd.s32 $0x5, v6;
	v13 =	vld.idx.msk [tilespmem:v24+s3+$0x0], $0xffff  }
0x412: {  	v30 =	vadd.s32 $0x5, v8;
	[tilespmem:s6+$0x0] =	vst v10;
	s7 =	sor.u32 s21, s26;
	s8 =	sadd.s32 s1, s0;
	v29 =	vld.idx.msk [tilespmem:v25+s3+$0x0], $0xffff  }
0x413: {  	v32 =	vadd.s32 $0x5, v7;
	v31 =	vld.idx.msk [tilespmem:v26+s3+$0x0], $0xffff;
	[tilespmem:s7+$0x0] =	vst v14;
	s9 =	sor.u32 $0x200, s8;
	s1 =	sadd.s32 $0x10, s8  }
0x414: {  	v27 =	vadd.s32 $0x12, v2;
	v38 =	vld.idx.msk [tilespmem:v33+s3+$0x0], $0xffff;
	s2 =	sadd.s32 $0x20, s8;
	s10 =	sor.u32 $0x200, s1;
	[tilespmem:s9+$0xB000] =	vst v12  }
0x415: {  	v40 =	vadd.s32 $0x13, v3;
	s4 =	sadd.s32 $0x30, s8;
	s11 =	sor.u32 $0x200, s2;
	[tilespmem:s10+$0xB000] =	vst v1;
	v17 =	vld.idx.msk [tilespmem:v28+s3+$0x0], $0xffff  }
0x416: {  	s13 =	sor.u32 $0x200, s4;
	v1 =	vadd.s32 $0x6, v9;
	v0 =	vld.idx.msk [tilespmem:v0+s3+$0x0], $0xffff;
	[tilespmem:s11+$0xB000] =	vst v13  }
0x417: {  	s14 =	sor.u32 s19, s26;
	v36 =	vadd.s32 $0x6, v6;
	s7 =	sadd.s32 $0xF180, s23;
	[tilespmem:s13+$0xB000] =	vst v29;
	v35 =	vld.idx.msk [tilespmem:v30+s3+$0x0], $0xffff  }
0x418: {  	v37 =	vadd.s32 $0x6, v8;
	[tilespmem:s14+$0x0] =	vst v31;
	s22 =	sor.u32 s24, s7;
	v14 =	vld.idx.msk [tilespmem:v32+s3+$0x0], $0xffff  }
0x419: {  	v39 =	vadd.s32 $0x6, v7;
	v11 =	vld.idx.msk [tilespmem:v27+s3+$0x0], $0xffff;
	s15 =	sor.u32 $0x280, s8;
	[tilespmem:s22+$0x0] =	vst v38  }
0x41a: {  	v34 =	vadd.s32 $0x13, v4;
	v46 =	vld.idx.msk [tilespmem:v40+s3+$0x0], $0xffff;
	s16 =	sor.u32 $0x280, s1;
	[tilespmem:s15+$0xB000] =	vst v17  }
0x41b: {  	v48 =	vadd.s32 $0x13, v2;
	s17 =	sor.u32 $0x280, s2;
	[tilespmem:s16+$0xB000] =	vst v0;
	v1 =	vld.idx.msk [tilespmem:v1+s3+$0x0], $0xffff  }
0x41c: {  	s18 =	sor.u32 $0x280, s4;
	v0 =	vadd.s32 $0x7, v9;
	v42 =	vld.idx.msk [tilespmem:v36+s3+$0x0], $0xffff;
	[tilespmem:s17+$0xB000] =	vst v35  }
0x41d: {  	v44 =	vadd.s32 $0x7, v6;
	s5 =	sor.u32 s20, s26;
	[tilespmem:s18+$0xB000] =	vst v14;
	v43 =	vld.idx.msk [tilespmem:v37+s3+$0x0], $0xffff  }
0x41e: {  	v45 =	vadd.s32 $0x7, v8;
	[tilespmem:s5+$0x0] =	vst v11;
	s13 =	sor.u32 s19, s7;
	v11 =	vld.idx.msk [tilespmem:v39+s3+$0x0], $0xffff  }
0x41f: {  	v47 =	vadd.s32 $0x7, v7;
	s8 =	sor.u32 $0x300, s8;
	v12 =	vld.idx.msk [tilespmem:v34+s3+$0x0], $0xffff;
	[tilespmem:s13+$0x0] =	vst v46  }
0x420: {  	v41 =	vadd.s32 $0x14, v5;
	s9 =	sor.u32 $0x300, s1;
	v53 =	vld.idx.msk [tilespmem:v48+s3+$0x0], $0xffff;
	[tilespmem:s8+$0xB000] =	vst v1  }
0x421: {  	s10 =	sor.u32 $0x300, s2;
	[tilespmem:s9+$0xB000] =	vst v42;
	v1 =	vadd.s32 $0x14, v4;
	v0 =	vld.idx.msk [tilespmem:v0+s3+$0x0], $0xffff  }
0x422: {  	v49 =	vadd.s32 $0x8, v9;
	s11 =	sor.u32 $0x300, s4;
	v14 =	vld.idx.msk [tilespmem:v44+s3+$0x0], $0xffff;
	[tilespmem:s10+$0xB000] =	vst v43  }
0x423: {  	v51 =	vadd.s32 $0x8, v6;
	s26 =	sor.u32 s21, s7;
	[tilespmem:s11+$0xB000] =	vst v11;
	v50 =	vld.idx.msk [tilespmem:v45+s3+$0x0], $0xffff  }
0x424: {  	v52 =	vadd.s32 $0x8, v8;
	s0 =	sor.u32 s0, s12;
	[tilespmem:s26+$0x0] =	vst v12;
	s18 =	sor.u32 s20, s7;
	v12 =	vld.idx.msk [tilespmem:v47+s3+$0x0], $0xffff  }
0x425: {  	v54 =	vadd.s32 $0x8, v7;
	s0 =	sor.u32 $0x380, s0;
	v17 =	vld.idx.msk [tilespmem:v41+s3+$0x0], $0xffff;
	[tilespmem:s18+$0x0] =	vst v53  }
0x426: {  	v61 =	vadd.s32 $0x14, v2;
	s1 =	sor.u32 $0x380, s1;
	v1 =	vld.idx.msk [tilespmem:v1+s3+$0x0], $0xffff;
	[tilespmem:s0+$0xB000] =	vst v0  }
0x427: {  	s16 =	sor.u32 $0x380, s2;
	[tilespmem:s1+$0xB000] =	vst v14;
	v0 =	vadd.s32 $0x14, v3;
	v10 =	vld.idx.msk [tilespmem:v49+s3+$0x0], $0xffff  }
0x428: {  	v56 =	vadd.s32 $0x9, v9;
	s14 =	sadd.s32 $0xF200, s23;
	s17 =	sor.u32 $0x380, s4;
	v13 =	vld.idx.msk [tilespmem:v51+s3+$0x0], $0xffff;
	[tilespmem:s16+$0xB000] =	vst v50  }
0x429: {  	v57 =	vadd.s32 $0x9, v6;
	s15 =	sor.u32 s24, s14;
	[tilespmem:s17+$0xB000] =	vst v12;
	v11 =	vld.idx.msk [tilespmem:v52+s3+$0x0], $0xffff  }
0x42a: {  	v59 =	vadd.s32 $0x9, v8;
	s22 =	sor.u32 s21, s14;
	s26 =	sadd.s32 $0xD000, s25;
	[tilespmem:s15+$0x0] =	vst v17;
	v58 =	vld.idx.msk [tilespmem:v54+s3+$0x0], $0xffff  }
0x42b: {  	v23 =	vld.idx.msk [tilespmem:v61+s3+$0x0], $0xffff;
	s1 =	sor.u32 s28, s26;
	[tilespmem:s22+$0x0] =	vst v1;
	v1 =	vadd.s32 $0x9, v7  }
0x42c: {  	v55 =	vadd.s32 $0x15, v5;
	s4 =	sor.u32 s29, s26;
	v0 =	vld.idx.msk [tilespmem:v0+s3+$0x0], $0xffff;
	[tilespmem:s1+$0x0] =	vst v10  }
0x42d: {  	v24 =	vadd.s32 $0x15, v4;
	s6 =	sor.u32 s30, s26;
	[tilespmem:s4+$0x0] =	vst v13;
	v14 =	vld.idx.msk [tilespmem:v56+s3+$0x0], $0xffff  }
0x42e: {  	v63 =	vadd.s32 $0xA, v9;
	s7 =	sor.u32 s31, s26;
	v12 =	vld.idx.msk [tilespmem:v57+s3+$0x0], $0xffff;
	[tilespmem:s6+$0x0] =	vst v11  }
0x42f: {  	v21 =	vadd.s32 $0xA, v6;
	s9 =	sor.u32 s19, s14;
	s14 =	sor.u32 s20, s14;
	[tilespmem:s7+$0x0] =	vst v58;
	v11 =	vld.idx.msk [tilespmem:v59+s3+$0x0], $0xffff  }
0x430: {  	v22 =	vadd.s32 $0xA, v8;
	s10 =	sadd.s32 $0xD080, s25;
	[tilespmem:s14+$0x0] =	vst v23;
	v1 =	vld.idx.msk [tilespmem:v1+s3+$0x0], $0xffff  }
0x431: {  	v60 =	vld.idx.msk [tilespmem:v55+s3+$0x0], $0xffff;
	s11 =	sor.u32 s28, s10;
	[tilespmem:s9+$0x0] =	vst v0;
	v0 =	vadd.s32 $0xA, v7  }
0x432: {  	v62 =	vadd.s32 $0x16, v5;
	s12 =	sor.u32 s29, s10;
	v28 =	vld.idx.msk [tilespmem:v24+s3+$0x0], $0xffff;
	[tilespmem:s11+$0x0] =	vst v14  }
0x433: {  	v36 =	vadd.s32 $0x16, v4;
	s13 =	sor.u32 s30, s10;
	[tilespmem:s12+$0x0] =	vst v12;
	v13 =	vld.idx.msk [tilespmem:v63+s3+$0x0], $0xffff  }
0x434: {  	v26 =	vadd.s32 $0xB, v9;
	s2 =	sor.u32 s31, s10;
	s0 =	sadd.s32 $0xF280, s23;
	v15 =	vld.idx.msk [tilespmem:v21+s3+$0x0], $0xffff;
	[tilespmem:s13+$0x0] =	vst v11  }
0x435: {  	s8 =	sor.u32 s24, s0;
	v11 =	vld.idx.msk [tilespmem:v22+s3+$0x0], $0xffff;
	[tilespmem:s2+$0x0] =	vst v1;
	v1 =	vadd.s32 $0xB, v6  }
0x436: {  	v27 =	vadd.s32 $0xB, v8;
	s16 =	sadd.s32 $0xD100, s25;
	s26 =	sor.u32 s21, s0;
	[tilespmem:s8+$0x0] =	vst v60;
	v0 =	vld.idx.msk [tilespmem:v0+s3+$0x0], $0xffff  }
0x437: {  	v29 =	vadd.s32 $0xB, v7;
	s17 =	sor.u32 s28, s16;
	v10 =	vld.idx.msk [tilespmem:v62+s3+$0x0], $0xffff;
	[tilespmem:s26+$0x0] =	vst v28  }
0x438: {  	v25 =	vadd.s32 $0x15, v3;
	s18 =	sor.u32 s29, s16;
	v40 =	vld.idx.msk [tilespmem:v36+s3+$0x0], $0xffff;
	[tilespmem:s17+$0x0] =	vst v13  }
0x439: {  	v30 =	vadd.s32 $0x17, v5;
	s22 =	sor.u32 s30, s16;
	[tilespmem:s18+$0x0] =	vst v15;
	v12 =	vld.idx.msk [tilespmem:v26+s3+$0x0], $0xffff  }
0x43a: {  	v32 =	vadd.s32 $0xC, v9;
	s4 =	sor.u32 s31, s16;
	s1 =	sadd.s32 $0xF300, s23;
	[tilespmem:s22+$0x0] =	vst v11;
	v1 =	vld.idx.msk [tilespmem:v1+s3+$0x0], $0xffff  }
0x43b: {  	s15 =	sor.u32 s24, s1;
	v11 =	vld.idx.msk [tilespmem:v27+s3+$0x0], $0xffff;
	[tilespmem:s4+$0x0] =	vst v0;
	v0 =	vadd.s32 $0xC, v6  }
0x43c: {  	v33 =	vadd.s32 $0xC, v8;
	s6 =	sadd.s32 $0xD180, s25;
	s16 =	sor.u32 s21, s1;
	[tilespmem:s15+$0x0] =	vst v10;
	v10 =	vld.idx.msk [tilespmem:v29+s3+$0x0], $0xffff  }
0x43d: {  	v35 =	vadd.s32 $0xC, v7;
	s7 =	sor.u32 s28, s6;
	v14 =	vld.idx.msk [tilespmem:v25+s3+$0x0], $0xffff;
	[tilespmem:s16+$0x0] =	vst v40  }
0x43e: {  	v31 =	vadd.s32 $0x15, v2;
	s8 =	sor.u32 s29, s6;
	v34 =	vld.idx.msk [tilespmem:v30+s3+$0x0], $0xffff;
	[tilespmem:s7+$0x0] =	vst v12  }
0x43f: {  	v42 =	vadd.s32 $0x16, v3;
	s9 =	sor.u32 s30, s6;
	[tilespmem:s8+$0x0] =	vst v1;
	v15 =	vld.idx.msk [tilespmem:v32+s3+$0x0], $0xffff  }
0x440: {  	s10 =	sor.u32 s31, s6;
	v1 =	vadd.s32 $0xD, v9;
	[tilespmem:s9+$0x0] =	vst v11;
	v0 =	vld.idx.msk [tilespmem:v0+s3+$0x0], $0xffff  }
0x441: {  	v38 =	vadd.s32 $0xD, v6;
	s5 =	sor.u32 s19, s0;
	s2 =	sadd.s32 $0xF380, s23;
	v11 =	vld.idx.msk [tilespmem:v33+s3+$0x0], $0xffff;
	[tilespmem:s10+$0x0] =	vst v10  }
0x442: {  	v39 =	vadd.s32 $0xD, v8;
	s12 =	sadd.s32 $0xD200, s25;
	s11 =	sor.u32 s24, s2;
	[tilespmem:s5+$0x0] =	vst v14;
	v14 =	vld.idx.msk [tilespmem:v35+s3+$0x0], $0xffff  }
0x443: {  	v41 =	vadd.s32 $0xD, v7;
	s13 =	sor.u32 s28, s12;
	[tilespmem:s11+$0x0] =	vst v34;
	v13 =	vld.idx.msk [tilespmem:v31+s3+$0x0], $0xffff  }
0x444: {  	v37 =	vadd.s32 $0x18, v5;
	s14 =	sor.u32 s29, s12;
	v46 =	vld.idx.msk [tilespmem:v42+s3+$0x0], $0xffff;
	[tilespmem:s13+$0x0] =	vst v15  }
0x445: {  	v43 =	vadd.s32 $0x16, v2;
	s15 =	sor.u32 s30, s12;
	[tilespmem:s14+$0x0] =	vst v0;
	v1 =	vld.idx.msk [tilespmem:v1+s3+$0x0], $0xffff  }
0x446: {  	s4 =	sor.u32 s31, s12;
	v0 =	vadd.s32 $0xE, v9;
	[tilespmem:s15+$0x0] =	vst v11;
	v10 =	vld.idx.msk [tilespmem:v38+s3+$0x0], $0xffff  }
0x447: {  	v44 =	vadd.s32 $0xE, v6;
	s0 =	sor.u32 s20, s0;
	v11 =	vld.idx.msk [tilespmem:v39+s3+$0x0], $0xffff;
	[tilespmem:s4+$0x0] =	vst v14  }
0x448: {  	v45 =	vadd.s32 $0xE, v8;
	s18 =	sadd.s32 $0xD280, s25;
	[tilespmem:s0+$0x0] =	vst v13;
	s8 =	sor.u32 s19, s1;
	v13 =	vld.idx.msk [tilespmem:v41+s3+$0x0], $0xffff  }
0x449: {  	v47 =	vadd.s32 $0xE, v7;
	s22 =	sor.u32 s28, s18;
	v12 =	vld.idx.msk [tilespmem:v37+s3+$0x0], $0xffff;
	[tilespmem:s8+$0x0] =	vst v46  }
0x44a: {  	v48 =	vadd.s32 $0x19, v5;
	s26 =	sor.u32 s29, s18;
	v15 =	vld.idx.msk [tilespmem:v43+s3+$0x0], $0xffff;
	[tilespmem:s22+$0x0] =	vst v1  }
0x44b: {  	s7 =	sor.u32 s30, s18;
	v1 =	vadd.s32 $0x17, v4;
	[tilespmem:s26+$0x0] =	vst v10;
	v0 =	vld.idx.msk [tilespmem:v0+s3+$0x0], $0xffff  }
0x44c: {  	v49 =	vadd.s32 $0xF, v9;
	s5 =	sor.u32 s31, s18;
	s0 =	sadd.s32 $0x11000, s23;
	[tilespmem:s7+$0x0] =	vst v11;
	v14 =	vld.idx.msk [tilespmem:v44+s3+$0x0], $0xffff  }
0x44d: {  	v50 =	vadd.s32 $0xF, v6;
	s17 =	sor.u32 s24, s0;
	v11 =	vld.idx.msk [tilespmem:v45+s3+$0x0], $0xffff;
	[tilespmem:s5+$0x0] =	vst v13  }
0x44e: {  	v51 =	vadd.s32 $0xF, v8;
	s1 =	sor.u32 s20, s1;
	s9 =	sadd.s32 $0xD300, s25;
	[tilespmem:s17+$0x0] =	vst v12;
	v12 =	vld.idx.msk [tilespmem:v47+s3+$0x0], $0xffff  }
0x44f: {  	v53 =	vadd.s32 $0xF, v7;
	s10 =	sor.u32 s28, s9;
	v52 =	vld.idx.msk [tilespmem:v48+s3+$0x0], $0xffff;
	[tilespmem:s1+$0x0] =	vst v15  }
0x450: {  	v54 =	vadd.s32 $0x17, v3;
	s11 =	sor.u32 s29, s9;
	v1 =	vld.idx.msk [tilespmem:v1+s3+$0x0], $0xffff;
	[tilespmem:s10+$0x0] =	vst v0  }
0x451: {  	s12 =	sor.u32 s30, s9;
	v0 =	vadd.s32 $0x1A, v5;
	[tilespmem:s11+$0x0] =	vst v14;
	v10 =	vld.idx.msk [tilespmem:v49+s3+$0x0], $0xffff  }
0x452: {  	v55 =	vadd.s32 $0x10, v9;
	s4 =	sor.u32 s31, s9;
	s1 =	sadd.s32 $0x11080, s23;
	[tilespmem:s12+$0x0] =	vst v11;
	v13 =	vld.idx.msk [tilespmem:v50+s3+$0x0], $0xffff  }
0x453: {  	v56 =	vadd.s32 $0x10, v6;
	s13 =	sor.u32 s24, s1;
	v11 =	vld.idx.msk [tilespmem:v51+s3+$0x0], $0xffff;
	[tilespmem:s4+$0x0] =	vst v12  }
0x454: {  	v57 =	vadd.s32 $0x10, v8;
	s14 =	sor.u32 s21, s2;
	s15 =	sadd.s32 $0xD380, s25;
	[tilespmem:s13+$0x0] =	vst v52;
	v15 =	vld.idx.msk [tilespmem:v53+s3+$0x0], $0xffff  }
0x455: {  	v58 =	vld.idx.msk [tilespmem:v54+s3+$0x0], $0xffff;
	s16 =	sor.u32 s28, s15;
	[tilespmem:s14+$0x0] =	vst v1;
	v1 =	vadd.s32 $0x10, v7  }
0x456: {  	v59 =	vadd.s32 $0x17, v2;
	s17 =	sor.u32 s29, s15;
	v0 =	vld.idx.msk [tilespmem:v0+s3+$0x0], $0xffff;
	[tilespmem:s16+$0x0] =	vst v10  }
0x457: {  	v60 =	vadd.s32 $0x18, v4;
	s18 =	sor.u32 s30, s15;
	[tilespmem:s17+$0x0] =	vst v13;
	v14 =	vld.idx.msk [tilespmem:v55+s3+$0x0], $0xffff  }
0x458: {  	v61 =	vadd.s32 $0x11, v9;
	s22 =	sor.u32 s31, s15;
	[tilespmem:s18+$0x0] =	vst v11;
	v12 =	vld.idx.msk [tilespmem:v56+s3+$0x0], $0xffff  }
0x459: {  	v62 =	vadd.s32 $0x11, v6;
	s26 =	sor.u32 s19, s2;
	s5 =	sadd.s32 $0x11100, s23;
	v11 =	vld.idx.msk [tilespmem:v57+s3+$0x0], $0xffff;
	[tilespmem:s22+$0x0] =	vst v15  }
0x45a: {  	v63 =	vadd.s32 $0x11, v8;
	s8 =	sadd.s32 $0xF000, s25;
	[tilespmem:s26+$0x0] =	vst v58;
	s7 =	sor.u32 s24, s5;
	v1 =	vld.idx.msk [tilespmem:v1+s3+$0x0], $0xffff  }
0x45b: {  	s9 =	sor.u32 s28, s8;
	v21 =	vld.idx.msk [tilespmem:v59+s3+$0x0], $0xffff;
	[tilespmem:s7+$0x0] =	vst v0;
	v0 =	vadd.s32 $0x11, v7  }
0x45c: {  	v30 =	vadd.s32 $0x18, v2;
	s10 =	sor.u32 s29, s8;
	v10 =	vld.idx.msk [tilespmem:v60+s3+$0x0], $0xffff;
	[tilespmem:s9+$0x0] =	vst v14  }
0x45d: {  	v22 =	vadd.s32 $0x1B, v5;
	s11 =	sor.u32 s30, s8;
	[tilespmem:s10+$0x0] =	vst v12;
	v13 =	vld.idx.msk [tilespmem:v61+s3+$0x0], $0xffff  }
0x45e: {  	v24 =	vadd.s32 $0x12, v9;
	s6 =	sor.u32 s31, s8;
	[tilespmem:s11+$0x0] =	vst v11;
	v25 =	vld.idx.msk [tilespmem:v62+s3+$0x0], $0xffff  }
0x45f: {  	v26 =	vadd.s32 $0x12, v6;
	s2 =	sor.u32 s20, s2;
	[tilespmem:s6+$0x0] =	vst v1;
	v1 =	vld.idx.msk [tilespmem:v63+s3+$0x0], $0xffff  }
0x460: {  	v27 =	vadd.s32 $0x12, v8;
	s13 =	sadd.s32 $0xF080, s25;
	[tilespmem:s2+$0x0] =	vst v21;
	s12 =	sor.u32 s21, s0;
	v0 =	vld.idx.msk [tilespmem:v0+s3+$0x0], $0xffff  }
0x461: {  	v29 =	vadd.s32 $0x12, v7;
	v34 =	vld.idx.msk [tilespmem:v30+s3+$0x0], $0xffff;
	s14 =	sor.u32 s28, s13;
	[tilespmem:s12+$0x0] =	vst v10  }
0x462: {  	v23 =	vadd.s32 $0x18, v3;
	s15 =	sor.u32 s29, s13;
	v28 =	vld.idx.msk [tilespmem:v22+s3+$0x0], $0xffff;
	[tilespmem:s14+$0x0] =	vst v13  }
0x463: {  	v36 =	vadd.s32 $0x19, v4;
	s16 =	sor.u32 s30, s13;
	[tilespmem:s15+$0x0] =	vst v25;
	v12 =	vld.idx.msk [tilespmem:v24+s3+$0x0], $0xffff  }
0x464: {  	v32 =	vadd.s32 $0x13, v9;
	s17 =	sor.u32 s31, s13;
	v15 =	vld.idx.msk [tilespmem:v26+s3+$0x0], $0xffff;
	[tilespmem:s16+$0x0] =	vst v1  }
0x465: {  	s2 =	sadd.s32 $0x11180, s23;
	s11 =	sor.u32 s20, s0;
	v1 =	vld.idx.msk [tilespmem:v27+s3+$0x0], $0xffff;
	[tilespmem:s17+$0x0] =	vst v0;
	v0 =	vadd.s32 $0x13, v6  }
0x466: {  	v33 =	vadd.s32 $0x13, v8;
	s26 =	sadd.s32 $0xF100, s25;
	s18 =	sor.u32 s24, s2;
	[tilespmem:s11+$0x0] =	vst v34;
	v10 =	vld.idx.msk [tilespmem:v29+s3+$0x0], $0xffff  }
0x467: {  	v35 =	vadd.s32 $0x13, v7;
	s8 =	sor.u32 s28, s26;
	v14 =	vld.idx.msk [tilespmem:v23+s3+$0x0], $0xffff;
	[tilespmem:s18+$0x0] =	vst v28  }
0x468: {  	v31 =	vadd.s32 $0x1C, v5;
	s9 =	sor.u32 s29, s26;
	v41 =	vld.idx.msk [tilespmem:v36+s3+$0x0], $0xffff;
	[tilespmem:s8+$0x0] =	vst v12  }
0x469: {  	v37 =	vadd.s32 $0x19, v3;
	s10 =	sor.u32 s30, s26;
	[tilespmem:s9+$0x0] =	vst v15;
	v11 =	vld.idx.msk [tilespmem:v32+s3+$0x0], $0xffff  }
0x46a: {  	v38 =	vadd.s32 $0x14, v9;
	s6 =	sor.u32 s31, s26;
	v0 =	vld.idx.msk [tilespmem:v0+s3+$0x0], $0xffff;
	[tilespmem:s10+$0x0] =	vst v1  }
0x46b: {  	v39 =	vadd.s32 $0x14, v6;
	s22 =	sor.u32 s19, s0;
	v1 =	vld.idx.msk [tilespmem:v33+s3+$0x0], $0xffff;
	[tilespmem:s6+$0x0] =	vst v10  }
0x46c: {  	v40 =	vadd.s32 $0x14, v8;
	s13 =	sadd.s32 $0xF180, s25;
	s18 =	sor.u32 s21, s1;
	[tilespmem:s22+$0x0] =	vst v14;
	v14 =	vld.idx.msk [tilespmem:v35+s3+$0x0], $0xffff  }
0x46d: {  	v42 =	vadd.s32 $0x14, v7;
	[tilespmem:s18+$0x0] =	vst v41;
	v13 =	vld.idx.msk [tilespmem:v31+s3+$0x0], $0xffff;
	s14 =	sor.u32 s28, s13  }
0x46e: {  	v43 =	vadd.s32 $0x1D, v5;
	s15 =	sor.u32 s29, s13;
	v12 =	vld.idx.msk [tilespmem:v37+s3+$0x0], $0xffff;
	[tilespmem:s14+$0x0] =	vst v11  }
0x46f: {  	v49 =	vadd.s32 $0x1A, v4;
	s16 =	sor.u32 s30, s13;
	[tilespmem:s15+$0x0] =	vst v0;
	v15 =	vld.idx.msk [tilespmem:v38+s3+$0x0], $0xffff  }
0x470: {  	s0 =	sadd.s32 $0x11200, s23;
	s17 =	sor.u32 s31, s13;
	v0 =	vadd.s32 $0x15, v9;
	v10 =	vld.idx.msk [tilespmem:v39+s3+$0x0], $0xffff;
	[tilespmem:s16+$0x0] =	vst v1  }
0x471: {  	v45 =	vadd.s32 $0x15, v6;
	s12 =	sor.u32 s24, s0;
	v1 =	vld.idx.msk [tilespmem:v40+s3+$0x0], $0xffff;
	[tilespmem:s17+$0x0] =	vst v14  }
0x472: {  	v46 =	vadd.s32 $0x15, v8;
	s26 =	sadd.s32 $0xF200, s25;
	s22 =	sor.u32 s19, s1;
	[tilespmem:s12+$0x0] =	vst v13;
	v13 =	vld.idx.msk [tilespmem:v42+s3+$0x0], $0xffff  }
0x473: {  	v48 =	vadd.s32 $0x15, v7;
	s7 =	sor.u32 s28, s26;
	v47 =	vld.idx.msk [tilespmem:v43+s3+$0x0], $0xffff;
	[tilespmem:s22+$0x0] =	vst v12  }
0x474: {  	v44 =	vadd.s32 $0x19, v2;
	v54 =	vld.idx.msk [tilespmem:v49+s3+$0x0], $0xffff;
	s8 =	sor.u32 s29, s26;
	[tilespmem:s7+$0x0] =	vst v15  }
0x475: {  	v56 =	vadd.s32 $0x1A, v3;
	s9 =	sor.u32 s30, s26;
	[tilespmem:s8+$0x0] =	vst v10;
	v0 =	vld.idx.msk [tilespmem:v0+s3+$0x0], $0xffff  }
0x476: {  	v51 =	vadd.s32 $0x16, v9;
	s4 =	sadd.s32 $0x11280, s23;
	s6 =	sor.u32 s31, s26;
	v16 =	vld.idx.msk [tilespmem:v45+s3+$0x0], $0xffff;
	[tilespmem:s9+$0x0] =	vst v1  }
0x477: {  	v52 =	vadd.s32 $0x16, v6;
	s10 =	sor.u32 s24, s4;
	v1 =	vld.idx.msk [tilespmem:v46+s3+$0x0], $0xffff;
	[tilespmem:s6+$0x0] =	vst v13  }
0x478: {  	v53 =	vadd.s32 $0x16, v8;
	s11 =	sadd.s32 $0xF280, s25;
	[tilespmem:s10+$0x0] =	vst v47;
	s15 =	sor.u32 s21, s5;
	v12 =	vld.idx.msk [tilespmem:v48+s3+$0x0], $0xffff  }
0x479: {  	v55 =	vadd.s32 $0x16, v7;
	s12 =	sor.u32 s28, s11;
	v11 =	vld.idx.msk [tilespmem:v44+s3+$0x0], $0xffff;
	[tilespmem:s15+$0x0] =	vst v54  }
0x47a: {  	v50 =	vadd.s32 $0x1E, v5;
	s13 =	sor.u32 s29, s11;
	v60 =	vld.idx.msk [tilespmem:v56+s3+$0x0], $0xffff;
	[tilespmem:s12+$0x0] =	vst v0  }
0x47b: {  	s14 =	sor.u32 s30, s11;
	v0 =	vadd.s32 $0x1A, v2;
	[tilespmem:s13+$0x0] =	vst v16;
	v10 =	vld.idx.msk [tilespmem:v51+s3+$0x0], $0xffff  }
0x47c: {  	v57 =	vadd.s32 $0x17, v9;
	s6 =	sor.u32 s31, s11;
	v13 =	vld.idx.msk [tilespmem:v52+s3+$0x0], $0xffff;
	[tilespmem:s14+$0x0] =	vst v1  }
0x47d: {  	v58 =	vadd.s32 $0x17, v6;
	s1 =	sor.u32 s20, s1;
	v1 =	vld.idx.msk [tilespmem:v53+s3+$0x0], $0xffff;
	[tilespmem:s6+$0x0] =	vst v12  }
0x47e: {  	v59 =	vadd.s32 $0x17, v8;
	s17 =	sadd.s32 $0xF300, s25;
	[tilespmem:s1+$0x0] =	vst v11;
	s8 =	sor.u32 s19, s5;
	v11 =	vld.idx.msk [tilespmem:v55+s3+$0x0], $0xffff  }
0x47f: {  	v61 =	vadd.s32 $0x17, v7;
	s18 =	sor.u32 s28, s17;
	v15 =	vld.idx.msk [tilespmem:v50+s3+$0x0], $0xffff;
	[tilespmem:s8+$0x0] =	vst v60  }
0x480: {  	v5 =	vadd.s32 $0x1F, v5;
	s22 =	sor.u32 s29, s17;
	v0 =	vld.idx.msk [tilespmem:v0+s3+$0x0], $0xffff;
	[tilespmem:s18+$0x0] =	vst v10  }
0x481: {  	v62 =	vadd.s32 $0x1B, v4;
	s26 =	sor.u32 s30, s17;
	[tilespmem:s22+$0x0] =	vst v13;
	v63 =	vld.idx.msk [tilespmem:v57+s3+$0x0], $0xffff  }
0x482: {  	s1 =	sadd.s32 $0x11300, s23;
	s7 =	sor.u32 s31, s17;
	[tilespmem:s26+$0x0] =	vst v1;
	v1 =	vadd.s32 $0x18, v9;
	v14 =	vld.idx.msk [tilespmem:v58+s3+$0x0], $0xffff  }
0x483: {  	v21 =	vadd.s32 $0x18, v6;
	s16 =	sor.u32 s24, s1;
	[tilespmem:s7+$0x0] =	vst v11;
	v20 =	vld.idx.msk [tilespmem:v59+s3+$0x0], $0xffff  }
0x484: {  	v22 =	vadd.s32 $0x18, v8;
	s5 =	sor.u32 s20, s5;
	s9 =	sadd.s32 $0xF380, s25;
	[tilespmem:s16+$0x0] =	vst v15;
	v15 =	vld.idx.msk [tilespmem:v61+s3+$0x0], $0xffff  }
0x485: {  	s10 =	sor.u32 s28, s9;
	v5 =	vld.idx.msk [tilespmem:v5+s3+$0x0], $0xffff;
	[tilespmem:s5+$0x0] =	vst v0;
	v0 =	vadd.s32 $0x18, v7  }
0x486: {  	v23 =	vadd.s32 $0x1B, v3;
	s11 =	sor.u32 s29, s9;
	v10 =	vld.idx.msk [tilespmem:v62+s3+$0x0], $0xffff;
	[tilespmem:s10+$0x0] =	vst v63  }
0x487: {  	v24 =	vadd.s32 $0x1B, v2;
	s12 =	sor.u32 s30, s9;
	[tilespmem:s11+$0x0] =	vst v14;
	v1 =	vld.idx.msk [tilespmem:v1+s3+$0x0], $0xffff  }
0x488: {  	v25 =	vadd.s32 $0x19, v9;
	s6 =	sor.u32 s31, s9;
	s5 =	sadd.s32 $0x11380, s23;
	[tilespmem:s12+$0x0] =	vst v20;
	v12 =	vld.idx.msk [tilespmem:v21+s3+$0x0], $0xffff  }
0x489: {  	v27 =	vadd.s32 $0x19, v6;
	s13 =	sor.u32 s24, s5;
	v26 =	vld.idx.msk [tilespmem:v22+s3+$0x0], $0xffff;
	[tilespmem:s6+$0x0] =	vst v15  }
0x48a: {  	s15 =	sadd.s32 $0x11000, s25;
	s14 =	sor.u32 s21, s2;
	[tilespmem:s13+$0x0] =	vst v5;
	v5 =	vadd.s32 $0x19, v8;
	v0 =	vld.idx.msk [tilespmem:v0+s3+$0x0], $0xffff  }
0x48b: {  	v29 =	vadd.s32 $0x19, v7;
	v28 =	vld.idx.msk [tilespmem:v23+s3+$0x0], $0xffff;
	s16 =	sor.u32 s28, s15;
	[tilespmem:s14+$0x0] =	vst v10  }
0x48c: {  	v30 =	vadd.s32 $0x1C, v4;
	s17 =	sor.u32 s29, s15;
	v13 =	vld.idx.msk [tilespmem:v24+s3+$0x0], $0xffff;
	[tilespmem:s16+$0x0] =	vst v1  }
0x48d: {  	s18 =	sor.u32 s30, s15;
	v1 =	vadd.s32 $0x1C, v3;
	[tilespmem:s17+$0x0] =	vst v12;
	v11 =	vld.idx.msk [tilespmem:v25+s3+$0x0], $0xffff  }
0x48e: {  	v31 =	vadd.s32 $0x1A, v9;
	s22 =	sor.u32 s31, s15;
	[tilespmem:s18+$0x0] =	vst v26;
	v32 =	vld.idx.msk [tilespmem:v27+s3+$0x0], $0xffff  }
0x48f: {  	s23 =	sor.u32 s19, s2;
	[tilespmem:s22+$0x0] =	vst v0;
	v0 =	vld.idx.msk [tilespmem:v5+s3+$0x0], $0xffff;
	v5 =	vadd.s32 $0x1A, v6  }
0x490: {  	v33 =	vadd.s32 $0x1A, v8;
	s2 =	sor.u32 s20, s2;
	[tilespmem:s23+$0x0] =	vst v28;
	s24 =	sadd.s32 $0x11080, s25;
	v10 =	vld.idx.msk [tilespmem:v29+s3+$0x0], $0xffff  }
0x491: {  	v35 =	vadd.s32 $0x1A, v7;
	v34 =	vld.idx.msk [tilespmem:v30+s3+$0x0], $0xffff;
	s26 =	sor.u32 s28, s24;
	[tilespmem:s2+$0x0] =	vst v13  }
0x492: {  	v36 =	vadd.s32 $0x1C, v2;
	s7 =	sor.u32 s29, s24;
	v1 =	vld.idx.msk [tilespmem:v1+s3+$0x0], $0xffff;
	[tilespmem:s26+$0x0] =	vst v11  }
0x493: {  	v37 =	vadd.s32 $0x1D, v4;
	s8 =	sor.u32 s30, s24;
	[tilespmem:s7+$0x0] =	vst v32;
	v12 =	vld.idx.msk [tilespmem:v31+s3+$0x0], $0xffff  }
0x494: {  	v38 =	vadd.s32 $0x1B, v9;
	s6 =	sor.u32 s31, s24;
	v5 =	vld.idx.msk [tilespmem:v5+s3+$0x0], $0xffff;
	[tilespmem:s8+$0x0] =	vst v0  }
0x495: {  	v39 =	vadd.s32 $0x1B, v6;
	s9 =	sor.u32 s21, s0;
	v0 =	vld.idx.msk [tilespmem:v33+s3+$0x0], $0xffff;
	[tilespmem:s6+$0x0] =	vst v10  }
0x496: {  	v40 =	vadd.s32 $0x1B, v8;
	s10 =	sor.u32 s19, s0;
	s11 =	sadd.s32 $0x11100, s25;
	[tilespmem:s9+$0x0] =	vst v34;
	v10 =	vld.idx.msk [tilespmem:v35+s3+$0x0], $0xffff  }
0x497: {  	s12 =	sor.u32 s28, s11;
	v41 =	vld.idx.msk [tilespmem:v36+s3+$0x0], $0xffff;
	[tilespmem:s10+$0x0] =	vst v1;
	v1 =	vadd.s32 $0x1B, v7  }
0x498: {  	v42 =	vadd.s32 $0x1D, v3;
	s13 =	sor.u32 s29, s11;
	v11 =	vld.idx.msk [tilespmem:v37+s3+$0x0], $0xffff;
	[tilespmem:s12+$0x0] =	vst v12  }
0x499: {  	v43 =	vadd.s32 $0x1D, v2;
	s14 =	sor.u32 s30, s11;
	[tilespmem:s13+$0x0] =	vst v5;
	v5 =	vld.idx.msk [tilespmem:v38+s3+$0x0], $0xffff  }
0x49a: {  	s2 =	sor.u32 s31, s11;
	[tilespmem:s14+$0x0] =	vst v0;
	v0 =	vadd.s32 $0x1C, v9;
	v44 =	vld.idx.msk [tilespmem:v39+s3+$0x0], $0xffff  }
0x49b: {  	v45 =	vadd.s32 $0x1C, v6;
	s0 =	sor.u32 s20, s0;
	v13 =	vld.idx.msk [tilespmem:v40+s3+$0x0], $0xffff;
	[tilespmem:s2+$0x0] =	vst v10  }
0x49c: {  	v46 =	vadd.s32 $0x1C, v8;
	s15 =	sor.u32 s21, s4;
	s16 =	sadd.s32 $0x11180, s25;
	[tilespmem:s0+$0x0] =	vst v41;
	v1 =	vld.idx.msk [tilespmem:v1+s3+$0x0], $0xffff  }
0x49d: {  	v48 =	vadd.s32 $0x1C, v7;
	s17 =	sor.u32 s28, s16;
	v47 =	vld.idx.msk [tilespmem:v42+s3+$0x0], $0xffff;
	[tilespmem:s15+$0x0] =	vst v11  }
0x49e: {  	v49 =	vadd.s32 $0x1E, v4;
	s18 =	sor.u32 s29, s16;
	v12 =	vld.idx.msk [tilespmem:v43+s3+$0x0], $0xffff;
	[tilespmem:s17+$0x0] =	vst v5  }
0x49f: {  	s22 =	sor.u32 s30, s16;
	v5 =	vadd.s32 $0x1E, v3;
	[tilespmem:s18+$0x0] =	vst v44;
	v0 =	vld.idx.msk [tilespmem:v0+s3+$0x0], $0xffff  }
0x4a0: {  	v50 =	vadd.s32 $0x1D, v9;
	s0 =	sor.u32 s31, s16;
	[tilespmem:s22+$0x0] =	vst v13;
	v10 =	vld.idx.msk [tilespmem:v45+s3+$0x0], $0xffff  }
0x4a1: {  	v51 =	vadd.s32 $0x1D, v6;
	s23 =	sor.u32 s19, s4;
	[tilespmem:s0+$0x0] =	vst v1;
	v1 =	vld.idx.msk [tilespmem:v46+s3+$0x0], $0xffff  }
0x4a2: {  	v52 =	vadd.s32 $0x1D, v8;
	s24 =	sor.u32 s20, s4;
	s26 =	sadd.s32 $0x11200, s25;
	[tilespmem:s23+$0x0] =	vst v47;
	v11 =	vld.idx.msk [tilespmem:v48+s3+$0x0], $0xffff  }
0x4a3: {  	v54 =	vadd.s32 $0x1D, v7;
	s4 =	sor.u32 s28, s26;
	v53 =	vld.idx.msk [tilespmem:v49+s3+$0x0], $0xffff;
	[tilespmem:s24+$0x0] =	vst v12  }
0x4a4: {  	v55 =	vadd.s32 $0x1E, v2;
	s6 =	sor.u32 s29, s26;
	v5 =	vld.idx.msk [tilespmem:v5+s3+$0x0], $0xffff;
	[tilespmem:s4+$0x0] =	vst v0  }
0x4a5: {  	s7 =	sor.u32 s30, s26;
	v0 =	vadd.s32 $0x1F, v4;
	[tilespmem:s6+$0x0] =	vst v10;
	v4 =	vld.idx.msk [tilespmem:v50+s3+$0x0], $0xffff  }
0x4a6: {  	v56 =	vadd.s32 $0x1E, v9;
	s0 =	sor.u32 s31, s26;
	v57 =	vld.idx.msk [tilespmem:v51+s3+$0x0], $0xffff;
	[tilespmem:s7+$0x0] =	vst v1  }
0x4a7: {  	v58 =	vadd.s32 $0x1E, v6;
	s8 =	sor.u32 s21, s1;
	v1 =	vld.idx.msk [tilespmem:v52+s3+$0x0], $0xffff;
	[tilespmem:s0+$0x0] =	vst v11  }
0x4a8: {  	v59 =	vadd.s32 $0x1E, v8;
	s9 =	sor.u32 s19, s1;
	s10 =	sadd.s32 $0x11280, s25;
	[tilespmem:s8+$0x0] =	vst v53;
	v12 =	vld.idx.msk [tilespmem:v54+s3+$0x0], $0xffff  }
0x4a9: {  	s11 =	sor.u32 s28, s10;
	v60 =	vld.idx.msk [tilespmem:v55+s3+$0x0], $0xffff;
	[tilespmem:s9+$0x0] =	vst v5;
	v5 =	vadd.s32 $0x1E, v7  }
0x4aa: {  	v2 =	vadd.s32 $0x1F, v2;
	s12 =	sor.u32 s29, s10;
	v0 =	vld.idx.msk [tilespmem:v0+s3+$0x0], $0xffff;
	[tilespmem:s11+$0x0] =	vst v4  }
0x4ab: {  	s13 =	sor.u32 s30, s10;
	v3 =	vadd.s32 $0x1F, v3;
	[tilespmem:s12+$0x0] =	vst v57;
	v4 =	vld.idx.msk [tilespmem:v56+s3+$0x0], $0xffff  }
0x4ac: {  	s14 =	sor.u32 s31, s10;
	[tilespmem:s13+$0x0] =	vst v1;
	v1 =	vadd.s32 $0x1F, v9;
	v61 =	vld.idx.msk [tilespmem:v58+s3+$0x0], $0xffff  }
0x4ad: {  	v63 =	vadd.s32 $0x1F, v6;
	s15 =	sor.u32 s20, s1;
	[tilespmem:s14+$0x0] =	vst v12;
	v62 =	vld.idx.msk [tilespmem:v59+s3+$0x0], $0xffff  }
0x4ae: {  	v8 =	vadd.s32 $0x1F, v8;
	s16 =	sor.u32 s21, s5;
	s17 =	sadd.s32 $0x11300, s25;
	[tilespmem:s15+$0x0] =	vst v60;
	v5 =	vld.idx.msk [tilespmem:v5+s3+$0x0], $0xffff  }
0x4af: {  	s18 =	sor.u32 s28, s17;
	v2 =	vld.idx.msk [tilespmem:v2+s3+$0x0], $0xffff;
	[tilespmem:s16+$0x0] =	vst v0;
	v0 =	vadd.s32 $0x1F, v7  }
0x4b0: {  	s21 =	sor.u32 s29, s17;
	v3 =	vld.idx.msk [tilespmem:v3+s3+$0x0], $0xffff;
	[tilespmem:s18+$0x0] =	vst v4  }
0x4b1: {  	s22 =	sor.u32 s30, s17;
	[tilespmem:s21+$0x0] =	vst v61;
	v1 =	vld.idx.msk [tilespmem:v1+s3+$0x0], $0xffff  }
0x4b2: {  	s0 =	sor.u32 s31, s17;
	[tilespmem:s22+$0x0] =	vst v62;
	v4 =	vld.idx.msk [tilespmem:v63+s3+$0x0], $0xffff  }
0x4b3: {  	s24 =	sor.u32 s20, s5;
	[tilespmem:s0+$0x0] =	vst v5;
	v5 =	vld.idx.msk [tilespmem:v8+s3+$0x0], $0xffff  }
0x4b4: {  	s23 =	sor.u32 s19, s5;
	s26 =	sadd.s32 $0x11380, s25;
	[tilespmem:s24+$0x0] =	vst v2;
	v0 =	vld.idx.msk [tilespmem:v0+s3+$0x0], $0xffff  }
0x4b5: {  	s28 =	sor.u32 s28, s26;
	[tilespmem:s23+$0x0] =	vst v3  }
0x4b6: {  	s29 =	sor.u32 s29, s26;
	[tilespmem:s28+$0x0] =	vst v1  }
0x4b7: {  	s30 =	sor.u32 s30, s26;
	[tilespmem:s29+$0x0] =	vst v4  }
0x4b8: {  	s0 =	sor.u32 s31, s26;
	[tilespmem:s30+$0x0] =	vst v5  }
0x4b9: {  	[tilespmem:s0+$0x0] =	vst v0  }
0x4ba: {  	s2 =	simm.s32 $0x1;
	s31 =	simm.s32 $0xB000;
	s0 =	rddreg [dreg:$0x19]  }
0x4bb: {  	[hbm4b:s0+s3] =	stream.linear.scatter [tilespmem:s31], [sflag:$0x1], $0x8000, $0x38;
	[tilespmem:$0x134C0] =	vst v63  }
.Ltmp7:
0x4bc: {  	_ =	swait.ge [sflag:s2], $0x8000;
	(pc) =	sbr.rel @p1 .LBB2_15-.Ltmp7, $4  }
0x4bd: {  	[sflag:s2] =	ssyncset.done $0x0  }
0x4be: {  	[sflag:s2] =	ssyncadd.s32 $0xFFFF8000  }
0x4bf: {  	[bflag:$0x0] =	sbarrier.arrive $0xFFFF  }
0x4c0: {  	s4 =	simm.s32 $0x8C00;
	v3 =	vimm.f32 $0.0e+00;
	s1 =	rddreg [dreg:$0x1b]  }
0x4c1: {  	s0 =	rddreg [dreg:$0x4];
	s1 =	simm.s32 $0x13000  }
0x4c2: {  	[tilespmem:s1], [sflag:$0x1] =	stream.linear.gather [spmem:s0], $0x400, $0x38;
	[tilespmem:$0x134C0] =	vst v63  }
0x4c3: {  	_ =	swait.ge [sflag:s2], $0x400  }
0x4c4: {  	[sflag:s2] =	ssyncset.done $0x0  }
0x4c5: {  	s31 =	simm.s32 $0x0;
	[sflag:s2] =	ssyncadd.s32 $0xFFFFFC00  }
0x4c6: {  	v1 =	vld [tilespmem:s31+$0x13000]  }
0x4c7: {  	v0 =	vimm.f32 $0.0e+00;
	s0 =	simm.s32 $0x40  }
.LBB2_13:
0x4c8: {  	p2 =	sne.s32 s0, $0xFC0  }
.Ltmp8:
0x4c9: {  	_ = 	snop;
	(pc) =	sbr.rel @p2 .LBB2_13-.Ltmp8, $4  }
0x4ca: {  	_ = 	snop  }
0x4cb: {  	s1 =	sshra.s32 s0, $0x2;
	s0 =	sadd.s32 $0x40, s0;
	vm0 =	vgt.f32 v1, $0.0e+00  }
0x4cc: {  	v1 =	vld [tilespmem:s1+$0x13000];
	v2 =	vsel vm0, $0x3F800000, v3  }
0x4cd: {  	v0 =	vadd.f32 v2, v0  }
.Ltmp9:
0x4ce: {  	_ = 	snop;
	(pc) =	sbr.rel .LBB2_14-.Ltmp9, $1  }
0x4cf: {  	_ =	sdelay $0x3  }
.LBB2_16:
0x4d0: {  	_ =	sfence.sel $0x180000  }
0x4d1: {  	[bflag:$0x0] =	sbarrier.arrive $0xFFFF  }
0x4d2: {  	_ =	strace $0x90000047  }
0x4d3: {  	[bflag:$0x2] =	sbarrier.arrive $0xFFFF  }
0x4d4: {  	s0 =	rddreg [dreg:$0x5]  }
0x4d5: {  	s0 =	sadd.s32 @!p0 $0x100000, s0  }
0x4d6: {  	[sflag:s0] =	ssyncadd.tile.s32 @!p0 $0x1;
	_ =	shalt  }
.Lfunc_end2:
_tile_overlayer_lowered:
.L_overlay_start_2:
0x4d7: {  	(tag) =	ssettag $0x2  }
0x4d8: {  	s0 =	rddreg [dreg:$0x0];
	s2 =	stileid.u32  }
0x4d9: {  	s1 =	rddreg [dreg:$0x1];
	p0 =	sne.s32 s2, $0x0  }
0x4da: {  	s3 =	rddreg [dreg:$0x2];
	[bflag:$0x3] =	sbarrier.arrive $0xFFFF;
	s2 =	simm.s32 @!p0 $0x1C01  }
0x4db: {  	[timem:s3], [sflag:s2] =	dma.local @!p0 [hbm:s0], s1  }
0x4dc: {  	s0 =	simm.s32 @!p0 $0x1  }
0x4dd: {  	_ =	swait.ge @!p0 [sflag:s0], s1  }
0x4de: {  	s1 =	ssub.s32 @!p0 $0x0, s1;
	[sflag:s0] =	ssyncset.done @!p0 $0x0  }
0x4df: {  	[sflag:s0] =	ssyncadd.s32 @!p0 s1  }
0x4e0: {  	[bflag:$0x3] =	sbarrier.arrive $0xFFFF  }
0x4e1: {  	_ =	shalt  }

</sc_bundles>
